<compile_context>
chip_gen: v7x
topology: tpu7x:2x2x1
jax: 0.10.2.dev20260603
libtpu: 0.0.44.dev20260713+nightly
codegen_flags: <defaults>
</compile_context>

<pallas_src>
import functools

import jax
import jax.numpy as jnp
from jax import lax
from jax.experimental import pallas as pl
from jax.experimental.pallas import tpu as pltpu
from jax.experimental.pallas import tpu_sc as plsc

_N = 1000000
_PAD = 1000448
_BKT = 1024
_NSEP = 17
_L = 16
_NS = 16
_NW = 32
_CH = 10000
_NCH = _N // _CH
_S_OWN = _PAD // _NW
_CB = _S_OWN // 2
_GFULL = 123
_ROWS_PAD = _GFULL * 128
_UN = 25
_UN0 = 5


def _sc_body(hash_hbm, seps_hbm, cx_hbm, cy_hbm, cz_hbm, buf_hbm, pos_hbm,
             seps_v, a_buf, b_buf, winner, idx_v, px, py, pz,
             sem_a, sem_b, sem):
    s = lax.axis_index("s")
    c_ax = lax.axis_index("c")
    wid = c_ax * _NS + s
    iota = lax.iota(jnp.int32, _L)

    pltpu.sync_copy(seps_hbm, seps_v)
    svecs = [seps_v[j] for j in range(_NSEP)]

    nch_mine = jnp.where(s < 4, 7, 6)

    def ph0_chunk(k, _):
        c = s + _NS * k
        e0 = c * _CH
        pltpu.sync_copy(hash_hbm.at[pl.ds(e0, _CH)], a_buf)

        def vec_blk(vi, ibase):
            hs = [a_buf[pl.ds(vi * (_UN0 * _L) + u * _L, _L)]
                  for u in range(_UN0)]
            for u in range(_UN0):
                ivec = ibase + (u * _L)
                seg = jnp.zeros((_L,), jnp.int32)
                for j in range(_NSEP):
                    seg = seg + jnp.where(svecs[j] <= ivec, 1, 0)
                p = hs[u] + seg * _BKT
                p = p - jnp.where(p >= _PAD, _PAD, 0)
                b_buf[pl.ds(vi * (_UN0 * _L) + u * _L, _L)] = p
            return ibase + _UN0 * _L

        lax.fori_loop(0, _CH // _L // _UN0, vec_blk, iota + e0)
        pltpu.sync_copy(b_buf, pos_hbm.at[pl.ds(e0, _CH)])
        return 0

    lax.fori_loop(0, nch_mine, ph0_chunk, 0)

    neg1 = jnp.full((_L,), -1, jnp.int32)

    def wm(v, _):
        for u in range(8):
            winner[pl.ds(v * (8 * _L) + u * _L, _L)] = neg1
        return 0

    lax.fori_loop(0, _S_OWN // _L // 8, wm, 0)
    winner[pl.ds(_S_OWN - 2 * _L, _L)] = neg1
    winner[pl.ds(_S_OWN - _L, _L)] = neg1

    plsc.subcore_barrier()

    base = wid * _S_OWN
    size_u = jnp.uint32(_S_OWN)

    def scan_vecs(buf, e0):
        def vec_blk(vi, ibase):
            ts = [buf[pl.ds(vi * (_UN * _L) + u * _L, _L)] - base
                  for u in range(_UN)]
            for u in range(_UN):
                m = plsc.bitcast(ts[u], jnp.uint32) < size_u
                plsc.store_scatter(winner, [ts[u]], ibase + (u * _L), mask=m)
            return ibase + _UN * _L

        lax.fori_loop(0, _CH // _L // _UN, vec_blk, iota + e0)

    pltpu.async_copy(pos_hbm.at[pl.ds(0, _CH)], a_buf, sem_a)

    def scan_pair(c2, _):
        c = 2 * c2
        pltpu.async_copy(pos_hbm.at[pl.ds((c + 1) * _CH, _CH)], b_buf, sem_b)
        pltpu.make_async_copy(pos_hbm.at[pl.ds(0, _CH)], a_buf, sem_a).wait()
        scan_vecs(a_buf, c * _CH)

        @pl.when(c2 < _NCH // 2 - 1)
        def _():
            pltpu.async_copy(pos_hbm.at[pl.ds((c + 2) * _CH, _CH)], a_buf,
                             sem_a)

        pltpu.make_async_copy(pos_hbm.at[pl.ds(0, _CH)], b_buf, sem_b).wait()
        scan_vecs(b_buf, (c + 1) * _CH)
        return 0

    lax.fori_loop(0, _NCH // 2, scan_pair, 0)

    zero = jnp.zeros((_L,), jnp.float32)
    srcs = (cx_hbm, cy_hbm, cz_hbm)
    nv = _CB // _L

    for vv in range(7):
        idx_v[_GFULL - 1, pl.ds(16 + vv * _L, _L)] = iota + (16 + vv * _L)

    planes = (px, py, pz)
    sems = (sem_a, sem_b, sem)

    for half in range(2):
        off = half * _CB
        r0 = base + off

        def prep_blk(gi, kv, off=off):
            ws = [winner[pl.ds(off + gi * 128 + u * _L, _L)] for u in range(8)]
            for u in range(8):
                m = ws[u] >= 0
                sf = jnp.where(m, ws[u], kv + (u * _L))
                idx_v[gi, pl.ds(u * _L, _L)] = sf
            return kv + 128

        kv_t = lax.fori_loop(0, nv // 8, prep_blk, iota)
        wt_ = winner[pl.ds(off + (nv - 1) * _L, _L)]
        idx_v[_GFULL - 1, pl.ds(0, _L)] = jnp.where(wt_ >= 0, wt_, kv_t)

        for j in range(3):
            def fire(g, _, j=j):
                pltpu.async_copy(srcs[j].at[idx_v.at[g]],
                                 planes[j].at[pl.ds(g * 128, 128)], sems[j])
                return 0

            lax.fori_loop(0, _GFULL, fire, 0)
        for j in range(3):
            pltpu.make_async_copy(srcs[j].at[pl.ds(0, _ROWS_PAD)], planes[j],
                                  sems[j]).wait()

        def zv_blk(gi, kl, off=off):
            ws = [winner[pl.ds(off + gi * 128 + u * _L, _L)] for u in range(8)]
            for u in range(8):
                mb = ws[u] < 0
                for j in range(3):
                    plsc.store_scatter(planes[j], [kl + (u * _L)], zero,
                                       mask=mb)
            return kl + 128

        kl_t = lax.fori_loop(0, nv // 8, zv_blk, iota)
        mb_t = winner[pl.ds(off + (nv - 1) * _L, _L)] < 0
        for j in range(3):
            plsc.store_scatter(planes[j], [kl_t], zero, mask=mb_t)
            pltpu.sync_copy(planes[j].at[pl.ds(0, _CB)],
                            buf_hbm.at[pl.ds(j * _PAD + r0, _CB)])


_sc_scatter = functools.partial(
    pl.kernel,
    out_type=(jax.ShapeDtypeStruct((3 * _PAD,), jnp.float32),
              jax.ShapeDtypeStruct((_N,), jnp.int32)),
    mesh=plsc.VectorSubcoreMesh(core_axis_name="c", subcore_axis_name="s",
                                num_cores=2, num_subcores=_NS),
    scratch_types=[
        pltpu.VMEM((_NSEP, _L), jnp.int32),
        pltpu.VMEM((_CH,), jnp.int32),
        pltpu.VMEM((_CH,), jnp.int32),
        pltpu.VMEM((_S_OWN,), jnp.int32),
        pltpu.VMEM((_GFULL, 128), jnp.int32),
        pltpu.VMEM((_ROWS_PAD,), jnp.float32),
        pltpu.VMEM((_ROWS_PAD,), jnp.float32),
        pltpu.VMEM((_ROWS_PAD,), jnp.float32),
        pltpu.SemaphoreType.DMA,
        pltpu.SemaphoreType.DMA,
        pltpu.SemaphoreType.DMA,
    ],
    compiler_params=pltpu.CompilerParams(needs_layout_passes=False),
)(_sc_body)


_BR = 32768


def _tc_body(buf_ref, wt_ref, b_ref, out_ref):
    feats = buf_ref[...].astype(jnp.bfloat16)
    acc = lax.dot_general(feats, wt_ref[...],
                          dimension_numbers=(((0,), (0,)), ((), ())),
                          preferred_element_type=jnp.float32)
    out_ref[...] = acc.astype(jnp.bfloat16) + b_ref[...]


_tc_embed = pl.pallas_call(
    _tc_body,
    grid=((_PAD + _BR - 1) // _BR,),
    in_specs=[
        pl.BlockSpec((3, _BR), lambda i: (0, i)),
        pl.BlockSpec((3, 64), lambda i: (0, 0)),
        pl.BlockSpec((1, 64), lambda i: (0, 0)),
    ],
    out_specs=pl.BlockSpec((_BR, 64), lambda i: (i, 0)),
    out_shape=jax.ShapeDtypeStruct((_PAD, 64), jnp.bfloat16),
)


def kernel(coords, seps, hash_idx, W, b):
    seps_b = jnp.broadcast_to(seps.astype(jnp.int32)[:, None], (_NSEP, _L))
    cx = coords[:, 0]
    cy = coords[:, 1]
    cz = coords[:, 2]
    buf, _unused_pos = _sc_scatter(hash_idx, seps_b, cx, cy, cz)
    buf = buf.reshape(3, _PAD)
    wt = W.astype(jnp.bfloat16).T
    bb = b.astype(jnp.bfloat16)[None, :]
    return _tc_embed(buf, wt, bb)

# --- scband reference (transcript-rebuilt; emitter-appended) ---
"""Pipeline reference for scband-psh3-dcoord-embedding-12627203851178 (READ-ONLY COPY).

The authoritative reference and input builder live on the scoring server;
editing this copy changes nothing except your own understanding.
"""

import jax, jax.numpy as jnp
import numpy as np

EMB_DIM = 64
BUCKET_SIZE = 1024
ALIGNMENT = 512
N = 1000000
PAD_TO = ((N + ALIGNMENT - 1) // ALIGNMENT) * ALIGNMENT  # 1000448
B = 16


def setup_inputs(seed: int = 0) -> dict:
    key = jax.random.key(seed)
    k1, k2, k3, k4 = jax.random.split(key, 4)
    coords = jax.random.normal(k1, (N, 3), dtype=jnp.float32)
    seps = jnp.sort(jax.random.randint(k2, (B + 1,), 0, N, dtype=jnp.int32))
    hash_idx = jax.random.randint(k3, (N,), 0, PAD_TO, dtype=jnp.int32)
    W = jax.random.normal(k4, (EMB_DIM, 3), dtype=jnp.float32) * (1.0 / np.sqrt(3.0))
    b = jnp.zeros((EMB_DIM,), dtype=jnp.float32)
    return {"coords": coords, "seps": seps, "hash_idx": hash_idx, "W": W, "b": b}


def reference(coords, seps, hash_idx, W, b):
    # pad_to = cdiv(N, alignment) * alignment
    pad_to = PAD_TO
    # batch_bucket_scatter: route each coord into a hashed bucket slot within the
    # padded memory; batch segment (from seps) offsets the bucket to condition
    # placement per batch, matching spatial-hash (PSH) bucketing semantics.
    idx = jnp.arange(coords.shape[0], dtype=jnp.int32)
    seg_id = jnp.searchsorted(seps, idx, side="right").astype(jnp.int32)
    pos = (hash_idx + seg_id * BUCKET_SIZE) % pad_to
    conditioned_coords = jnp.zeros((pad_to, 3), dtype=coords.dtype).at[pos].set(coords)
    # .to(feat_dtype) then te.Linear(3, emb_dim)
    feats = conditioned_coords.astype(jnp.bfloat16)
    out = feats @ W.astype(jnp.bfloat16).T + b.astype(jnp.bfloat16)
    return out

if __name__ == "__main__":
    import jax
    _d = setup_inputs()
    print(jax.jit(kernel)(*tuple(_d.values())))

</pallas_src>

<mosaic_0001>
#map = affine_map<(d0, d1) -> (0)>
#map1 = affine_map<(d0, d1) -> (0, 0)>
module attributes {stable_mosaic.version = 14 : i64} {
  func.func @_sc_body(%arg0: i32, %arg1: i32, %arg2: memref<1000000xi32, #tpu.memory_space<hbm>>, %arg3: memref<17x16xi32, #tpu.memory_space<hbm>>, %arg4: memref<1000000xf32, #tpu.memory_space<hbm>>, %arg5: memref<1000000xf32, #tpu.memory_space<hbm>>, %arg6: memref<1000000xf32, #tpu.memory_space<hbm>>, %arg7: memref<3001344xf32, #tpu.memory_space<hbm>>, %arg8: memref<1000000xi32, #tpu.memory_space<hbm>>, %arg9: memref<17x16xi32, #tpu.memory_space<vmem>>, %arg10: memref<10000xi32, #tpu.memory_space<vmem>>, %arg11: memref<10000xi32, #tpu.memory_space<vmem>>, %arg12: memref<31264xi32, #tpu.memory_space<vmem>>, %arg13: memref<123x128xi32, #tpu.memory_space<vmem>>, %arg14: memref<15744xf32, #tpu.memory_space<vmem>>, %arg15: memref<15744xf32, #tpu.memory_space<vmem>>, %arg16: memref<15744xf32, #tpu.memory_space<vmem>>, %arg17: memref<!tpu.dma_semaphore, #tpu.memory_space<semaphore_mem>>, %arg18: memref<!tpu.dma_semaphore, #tpu.memory_space<semaphore_mem>>, %arg19: memref<!tpu.dma_semaphore, #tpu.memory_space<semaphore_mem>>) attributes {dimension_semantics = [#tpu.dimension_semantics<core_parallel>, #tpu.dimension_semantics<subcore_parallel>], iteration_bounds = array<i64: 2, 16>, scalar_prefetch = 0 : i64, scratch_operands = 11 : i64, tpu.core_type = #tpu.core_type<sc_vector_subcore>, window_params = [{transform_indices = #map}, {transform_indices = #map1}, {transform_indices = #map}, {transform_indices = #map}, {transform_indices = #map}, {transform_indices = #map}, {transform_indices = #map}]} {
    %mul3A = arith.constant 16 : i32
    %mul3A_0 = arith.muli %arg0, %mul3A : i32
    %add3A = arith.addi %mul3A_0, %arg1 : i32
    %iota3A = tpu.iota {dimensions = array<i32: 0>} : vector<16xi32>
    "tpu.region"() ({
      %run_scoped3A = tpu.sem_alloc : memref<!tpu.dma_semaphore, #tpu.memory_space<semaphore_mem>>
      tpu.enqueue_dma source(%arg3 : memref<17x16xi32, #tpu.memory_space<hbm>>) target(%arg9 : memref<17x16xi32, #tpu.memory_space<vmem>>) target_semaphore(%run_scoped3A : memref<!tpu.dma_semaphore, #tpu.memory_space<semaphore_mem>>)
      tpu.wait_dma2 semaphore(%run_scoped3A : memref<!tpu.dma_semaphore, #tpu.memory_space<semaphore_mem>>) src(%arg3 : memref<17x16xi32, #tpu.memory_space<hbm>>) dst(%arg9 : memref<17x16xi32, #tpu.memory_space<vmem>>)
      tpu.yield
    }) : () -> ()
    %get3A = arith.constant 0 : i32
    %get3A_1 = arith.index_cast %get3A : i32 to index
    %get3A_2 = arith.constant 0 : index
    %get3A_3 = tpu.vector_load %arg9[%get3A_1, %get3A_2] {strides = array<i32>} : memref<17x16xi32, #tpu.memory_space<vmem>>, vector<16xi32>,
    %get3A_4 = arith.constant 1 : i32
    %get3A_5 = arith.index_cast %get3A_4 : i32 to index
    %get3A_6 = arith.constant 0 : index
    %get3A_7 = tpu.vector_load %arg9[%get3A_5, %get3A_6] {strides = array<i32>} : memref<17x16xi32, #tpu.memory_space<vmem>>, vector<16xi32>,
    %get3A_8 = arith.constant 2 : i32
    %get3A_9 = arith.index_cast %get3A_8 : i32 to index
    %get3A_10 = arith.constant 0 : index
    %get3A_11 = tpu.vector_load %arg9[%get3A_9, %get3A_10] {strides = array<i32>} : memref<17x16xi32, #tpu.memory_space<vmem>>, vector<16xi32>,
    %get3A_12 = arith.constant 3 : i32
    %get3A_13 = arith.index_cast %get3A_12 : i32 to index
    %get3A_14 = arith.constant 0 : index
    %get3A_15 = tpu.vector_load %arg9[%get3A_13, %get3A_14] {strides = array<i32>} : memref<17x16xi32, #tpu.memory_space<vmem>>, vector<16xi32>,
    %get3A_16 = arith.constant 4 : i32
    %get3A_17 = arith.index_cast %get3A_16 : i32 to index
    %get3A_18 = arith.constant 0 : index
    %get3A_19 = tpu.vector_load %arg9[%get3A_17, %get3A_18] {strides = array<i32>} : memref<17x16xi32, #tpu.memory_space<vmem>>, vector<16xi32>,
    %get3A_20 = arith.constant 5 : i32
    %get3A_21 = arith.index_cast %get3A_20 : i32 to index
    %get3A_22 = arith.constant 0 : index
    %get3A_23 = tpu.vector_load %arg9[%get3A_21, %get3A_22] {strides = array<i32>} : memref<17x16xi32, #tpu.memory_space<vmem>>, vector<16xi32>,
    %get3A_24 = arith.constant 6 : i32
    %get3A_25 = arith.index_cast %get3A_24 : i32 to index
    %get3A_26 = arith.constant 0 : index
    %get3A_27 = tpu.vector_load %arg9[%get3A_25, %get3A_26] {strides = array<i32>} : memref<17x16xi32, #tpu.memory_space<vmem>>, vector<16xi32>,
    %get3A_28 = arith.constant 7 : i32
    %get3A_29 = arith.index_cast %get3A_28 : i32 to index
    %get3A_30 = arith.constant 0 : index
    %get3A_31 = tpu.vector_load %arg9[%get3A_29, %get3A_30] {strides = array<i32>} : memref<17x16xi32, #tpu.memory_space<vmem>>, vector<16xi32>,
    %get3A_32 = arith.constant 8 : i32
    %get3A_33 = arith.index_cast %get3A_32 : i32 to index
    %get3A_34 = arith.constant 0 : index
    %get3A_35 = tpu.vector_load %arg9[%get3A_33, %get3A_34] {strides = array<i32>} : memref<17x16xi32, #tpu.memory_space<vmem>>, vector<16xi32>,
    %get3A_36 = arith.constant 9 : i32
    %get3A_37 = arith.index_cast %get3A_36 : i32 to index
    %get3A_38 = arith.constant 0 : index
    %get3A_39 = tpu.vector_load %arg9[%get3A_37, %get3A_38] {strides = array<i32>} : memref<17x16xi32, #tpu.memory_space<vmem>>, vector<16xi32>,
    %get3A_40 = arith.constant 10 : i32
    %get3A_41 = arith.index_cast %get3A_40 : i32 to index
    %get3A_42 = arith.constant 0 : index
    %get3A_43 = tpu.vector_load %arg9[%get3A_41, %get3A_42] {strides = array<i32>} : memref<17x16xi32, #tpu.memory_space<vmem>>, vector<16xi32>,
    %get3A_44 = arith.constant 11 : i32
    %get3A_45 = arith.index_cast %get3A_44 : i32 to index
    %get3A_46 = arith.constant 0 : index
    %get3A_47 = tpu.vector_load %arg9[%get3A_45, %get3A_46] {strides = array<i32>} : memref<17x16xi32, #tpu.memory_space<vmem>>, vector<16xi32>,
    %get3A_48 = arith.constant 12 : i32
    %get3A_49 = arith.index_cast %get3A_48 : i32 to index
    %get3A_50 = arith.constant 0 : index
    %get3A_51 = tpu.vector_load %arg9[%get3A_49, %get3A_50] {strides = array<i32>} : memref<17x16xi32, #tpu.memory_space<vmem>>, vector<16xi32>,
    %get3A_52 = arith.constant 13 : i32
    %get3A_53 = arith.index_cast %get3A_52 : i32 to index
    %get3A_54 = arith.constant 0 : index
    %get3A_55 = tpu.vector_load %arg9[%get3A_53, %get3A_54] {strides = array<i32>} : memref<17x16xi32, #tpu.memory_space<vmem>>, vector<16xi32>,
    %get3A_56 = arith.constant 14 : i32
    %get3A_57 = arith.index_cast %get3A_56 : i32 to index
    %get3A_58 = arith.constant 0 : index
    %get3A_59 = tpu.vector_load %arg9[%get3A_57, %get3A_58] {strides = array<i32>} : memref<17x16xi32, #tpu.memory_space<vmem>>, vector<16xi32>,
    %get3A_60 = arith.constant 15 : i32
    %get3A_61 = arith.index_cast %get3A_60 : i32 to index
    %get3A_62 = arith.constant 0 : index
    %get3A_63 = tpu.vector_load %arg9[%get3A_61, %get3A_62] {strides = array<i32>} : memref<17x16xi32, #tpu.memory_space<vmem>>, vector<16xi32>,
    %get3A_64 = arith.constant 16 : i32
    %get3A_65 = arith.index_cast %get3A_64 : i32 to index
    %get3A_66 = arith.constant 0 : index
    %get3A_67 = tpu.vector_load %arg9[%get3A_65, %get3A_66] {strides = array<i32>} : memref<17x16xi32, #tpu.memory_space<vmem>>, vector<16xi32>,
    %lt3A = arith.constant 4 : i32
    %lt3A_68 = arith.cmpi slt, %arg1, %lt3A : i32
    %jit3A = arith.constant 7 : i32
    %jit3A_69 = arith.constant 6 : i32
    %select_n3A = arith.select %lt3A_68, %jit3A, %jit3A_69 : i32
    %while3A = arith.constant 0 : i32
    %while3A_70 = arith.constant 0 : i32
    %while3A_71 = arith.subi %select_n3A, %while3A : i32
    %while3A_72 = arith.addi %while3A, %while3A_71 : i32
    %while3A_73 = arith.constant 1 : i32
    %while3A_74 = arith.divsi %while3A_71, %while3A_73 : i32
    %while3A_75 = arith.muli %while3A_74, %while3A_73 : i32
    %while3A_76 = arith.addi %while3A, %while3A_75 : i32
    %while3A_77 = arith.constant 1 : i32
    %while3A_78 = scf.for %while3A_289 = %while3A to %while3A_76 step %while3A_77 iter_args(%while3A_290 = %while3A_70) -> (i32)  : i32 {
      %mul3A_291 = arith.constant 16 : i32
      %mul3A_292 = arith.muli %mul3A_291, %while3A_289 : i32
      %add3A_293 = arith.addi %arg1, %mul3A_292 : i32
      %mul3A_294 = arith.constant 10000 : i32
      %mul3A_295 = arith.muli %add3A_293, %mul3A_294 : i32
      "tpu.region"() ({
        %run_scoped3A = tpu.sem_alloc : memref<!tpu.dma_semaphore, #tpu.memory_space<semaphore_mem>>
        %dma_start3A_305 = tpu.memref_slice %arg2[%mul3A_295] : memref<1000000xi32, #tpu.memory_space<hbm>> -> memref<10000xi32, #tpu.memory_space<hbm>>
        %dma_start3A_306 = tpu.memref_slice %arg2[%mul3A_295] : memref<1000000xi32, #tpu.memory_space<hbm>> -> memref<10000xi32, #tpu.memory_space<hbm>>
        tpu.enqueue_dma source(%dma_start3A_306 : memref<10000xi32, #tpu.memory_space<hbm>>) target(%arg10 : memref<10000xi32, #tpu.memory_space<vmem>>) target_semaphore(%run_scoped3A : memref<!tpu.dma_semaphore, #tpu.memory_space<semaphore_mem>>)
        %dma_wait3A_307 = tpu.memref_slice %arg2[%mul3A_295] : memref<1000000xi32, #tpu.memory_space<hbm>> -> memref<10000xi32, #tpu.memory_space<hbm>>
        %dma_wait3A_308 = tpu.memref_slice %arg2[%mul3A_295] : memref<1000000xi32, #tpu.memory_space<hbm>> -> memref<10000xi32, #tpu.memory_space<hbm>>
        tpu.wait_dma2 semaphore(%run_scoped3A : memref<!tpu.dma_semaphore, #tpu.memory_space<semaphore_mem>>) src(%dma_wait3A_308 : memref<10000xi32, #tpu.memory_space<hbm>>) dst(%arg10 : memref<10000xi32, #tpu.memory_space<vmem>>)
        tpu.yield
      }) : () -> ()
      %add3A_296 = vector.broadcast %mul3A_295 : i32 to vector<16xi32>
      %add3A_297 = arith.addi %iota3A, %add3A_296 : vector<16xi32>
      %scan3A_298 = arith.constant 0 : i32
      %scan3A_299 = arith.constant 125 : i32
      %scan3A_300 = arith.addi %scan3A_298, %scan3A_299 : i32
      %scan3A_301 = arith.constant 1 : i32
      %scan3A_302 = scf.for %scan3A_305 = %scan3A_298 to %scan3A_300 step %scan3A_301 iter_args(%scan3A_306 = %add3A_297) -> (vector<16xi32>)  : i32 {
        %mul3A_307 = arith.constant 80 : i32
        %mul3A_308 = arith.muli %scan3A_305, %mul3A_307 : i32
        %add3A_309 = arith.constant 0 : i32
        %add3A_310 = arith.addi %mul3A_308, %add3A_309 : i32
        %get3A_311 = arith.index_cast %add3A_310 : i32 to index
        %get3A_312 = tpu.vector_load %arg10[%get3A_311] {strides = array<i32>} : memref<10000xi32, #tpu.memory_space<vmem>>, vector<16xi32>,
        %mul3A_313 = arith.constant 80 : i32
        %mul3A_314 = arith.muli %scan3A_305, %mul3A_313 : i32
        %add3A_315 = arith.constant 16 : i32
        %add3A_316 = arith.addi %mul3A_314, %add3A_315 : i32
        %get3A_317 = arith.index_cast %add3A_316 : i32 to index
        %get3A_318 = tpu.vector_load %arg10[%get3A_317] {strides = array<i32>} : memref<10000xi32, #tpu.memory_space<vmem>>, vector<16xi32>,
        %mul3A_319 = arith.constant 80 : i32
        %mul3A_320 = arith.muli %scan3A_305, %mul3A_319 : i32
        %add3A_321 = arith.constant 32 : i32
        %add3A_322 = arith.addi %mul3A_320, %add3A_321 : i32
        %get3A_323 = arith.index_cast %add3A_322 : i32 to index
        %get3A_324 = tpu.vector_load %arg10[%get3A_323] {strides = array<i32>} : memref<10000xi32, #tpu.memory_space<vmem>>, vector<16xi32>,
        %mul3A_325 = arith.constant 80 : i32
        %mul3A_326 = arith.muli %scan3A_305, %mul3A_325 : i32
        %add3A_327 = arith.constant 48 : i32
        %add3A_328 = arith.addi %mul3A_326, %add3A_327 : i32
        %get3A_329 = arith.index_cast %add3A_328 : i32 to index
        %get3A_330 = tpu.vector_load %arg10[%get3A_329] {strides = array<i32>} : memref<10000xi32, #tpu.memory_space<vmem>>, vector<16xi32>,
        %mul3A_331 = arith.constant 80 : i32
        %mul3A_332 = arith.muli %scan3A_305, %mul3A_331 : i32
        %add3A_333 = arith.constant 64 : i32
        %add3A_334 = arith.addi %mul3A_332, %add3A_333 : i32
        %get3A_335 = arith.index_cast %add3A_334 : i32 to index
        %get3A_336 = tpu.vector_load %arg10[%get3A_335] {strides = array<i32>} : memref<10000xi32, #tpu.memory_space<vmem>>, vector<16xi32>,
        %add3A_337 = arith.constant 0 : i32
        %add3A_338 = vector.broadcast %add3A_337 : i32 to vector<16xi32>
        %add3A_339 = arith.addi %scan3A_306, %add3A_338 : vector<16xi32>
        %broadcast_in_dim3A_340 = arith.constant 0 : i32
        %broadcast_in_dim3A_341 = vector.broadcast %broadcast_in_dim3A_340 : i32 to vector<16xi32>
        %le3A = arith.cmpi sle, %get3A_3, %add3A_339 : vector<16xi32>
        %jit3A_342 = arith.constant 1 : i32
        %jit3A_343 = arith.constant 0 : i32
        %broadcast_in_dim3A_344 = vector.broadcast %jit3A_342 : i32 to vector<16xi32>
        %broadcast_in_dim3A_345 = vector.broadcast %jit3A_343 : i32 to vector<16xi32>
        %select_n3A_346 = arith.select %le3A, %broadcast_in_dim3A_344, %broadcast_in_dim3A_345 : vector<16xi1>, vector<16xi32>
        %add3A_347 = arith.addi %broadcast_in_dim3A_341, %select_n3A_346 : vector<16xi32>
        %le3A_348 = arith.cmpi sle, %get3A_7, %add3A_339 : vector<16xi32>
        %jit3A_349 = arith.constant 1 : i32
        %jit3A_350 = arith.constant 0 : i32
        %broadcast_in_dim3A_351 = vector.broadcast %jit3A_349 : i32 to vector<16xi32>
        %broadcast_in_dim3A_352 = vector.broadcast %jit3A_350 : i32 to vector<16xi32>
        %select_n3A_353 = arith.select %le3A_348, %broadcast_in_dim3A_351, %broadcast_in_dim3A_352 : vector<16xi1>, vector<16xi32>
        %add3A_354 = arith.addi %add3A_347, %select_n3A_353 : vector<16xi32>
        %le3A_355 = arith.cmpi sle, %get3A_11, %add3A_339 : vector<16xi32>
        %jit3A_356 = arith.constant 1 : i32
        %jit3A_357 = arith.constant 0 : i32
        %broadcast_in_dim3A_358 = vector.broadcast %jit3A_356 : i32 to vector<16xi32>
        %broadcast_in_dim3A_359 = vector.broadcast %jit3A_357 : i32 to vector<16xi32>
        %select_n3A_360 = arith.select %le3A_355, %broadcast_in_dim3A_358, %broadcast_in_dim3A_359 : vector<16xi1>, vector<16xi32>
        %add3A_361 = arith.addi %add3A_354, %select_n3A_360 : vector<16xi32>
        %le3A_362 = arith.cmpi sle, %get3A_15, %add3A_339 : vector<16xi32>
        %jit3A_363 = arith.constant 1 : i32
        %jit3A_364 = arith.constant 0 : i32
        %broadcast_in_dim3A_365 = vector.broadcast %jit3A_363 : i32 to vector<16xi32>
        %broadcast_in_dim3A_366 = vector.broadcast %jit3A_364 : i32 to vector<16xi32>
        %select_n3A_367 = arith.select %le3A_362, %broadcast_in_dim3A_365, %broadcast_in_dim3A_366 : vector<16xi1>, vector<16xi32>
        %add3A_368 = arith.addi %add3A_361, %select_n3A_367 : vector<16xi32>
        %le3A_369 = arith.cmpi sle, %get3A_19, %add3A_339 : vector<16xi32>
        %jit3A_370 = arith.constant 1 : i32
        %jit3A_371 = arith.constant 0 : i32
        %broadcast_in_dim3A_372 = vector.broadcast %jit3A_370 : i32 to vector<16xi32>
        %broadcast_in_dim3A_373 = vector.broadcast %jit3A_371 : i32 to vector<16xi32>
        %select_n3A_374 = arith.select %le3A_369, %broadcast_in_dim3A_372, %broadcast_in_dim3A_373 : vector<16xi1>, vector<16xi32>
        %add3A_375 = arith.addi %add3A_368, %select_n3A_374 : vector<16xi32>
        %le3A_376 = arith.cmpi sle, %get3A_23, %add3A_339 : vector<16xi32>
        %jit3A_377 = arith.constant 1 : i32
        %jit3A_378 = arith.constant 0 : i32
        %broadcast_in_dim3A_379 = vector.broadcast %jit3A_377 : i32 to vector<16xi32>
        %broadcast_in_dim3A_380 = vector.broadcast %jit3A_378 : i32 to vector<16xi32>
        %select_n3A_381 = arith.select %le3A_376, %broadcast_in_dim3A_379, %broadcast_in_dim3A_380 : vector<16xi1>, vector<16xi32>
        %add3A_382 = arith.addi %add3A_375, %select_n3A_381 : vector<16xi32>
        %le3A_383 = arith.cmpi sle, %get3A_27, %add3A_339 : vector<16xi32>
        %jit3A_384 = arith.constant 1 : i32
        %jit3A_385 = arith.constant 0 : i32
        %broadcast_in_dim3A_386 = vector.broadcast %jit3A_384 : i32 to vector<16xi32>
        %broadcast_in_dim3A_387 = vector.broadcast %jit3A_385 : i32 to vector<16xi32>
        %select_n3A_388 = arith.select %le3A_383, %broadcast_in_dim3A_386, %broadcast_in_dim3A_387 : vector<16xi1>, vector<16xi32>
        %add3A_389 = arith.addi %add3A_382, %select_n3A_388 : vector<16xi32>
        %le3A_390 = arith.cmpi sle, %get3A_31, %add3A_339 : vector<16xi32>
        %jit3A_391 = arith.constant 1 : i32
        %jit3A_392 = arith.constant 0 : i32
        %broadcast_in_dim3A_393 = vector.broadcast %jit3A_391 : i32 to vector<16xi32>
        %broadcast_in_dim3A_394 = vector.broadcast %jit3A_392 : i32 to vector<16xi32>
        %select_n3A_395 = arith.select %le3A_390, %broadcast_in_dim3A_393, %broadcast_in_dim3A_394 : vector<16xi1>, vector<16xi32>
        %add3A_396 = arith.addi %add3A_389, %select_n3A_395 : vector<16xi32>
        %le3A_397 = arith.cmpi sle, %get3A_35, %add3A_339 : vector<16xi32>
        %jit3A_398 = arith.constant 1 : i32
        %jit3A_399 = arith.constant 0 : i32
        %broadcast_in_dim3A_400 = vector.broadcast %jit3A_398 : i32 to vector<16xi32>
        %broadcast_in_dim3A_401 = vector.broadcast %jit3A_399 : i32 to vector<16xi32>
        %select_n3A_402 = arith.select %le3A_397, %broadcast_in_dim3A_400, %broadcast_in_dim3A_401 : vector<16xi1>, vector<16xi32>
        %add3A_403 = arith.addi %add3A_396, %select_n3A_402 : vector<16xi32>
        %le3A_404 = arith.cmpi sle, %get3A_39, %add3A_339 : vector<16xi32>
        %jit3A_405 = arith.constant 1 : i32
        %jit3A_406 = arith.constant 0 : i32
        %broadcast_in_dim3A_407 = vector.broadcast %jit3A_405 : i32 to vector<16xi32>
        %broadcast_in_dim3A_408 = vector.broadcast %jit3A_406 : i32 to vector<16xi32>
        %select_n3A_409 = arith.select %le3A_404, %broadcast_in_dim3A_407, %broadcast_in_dim3A_408 : vector<16xi1>, vector<16xi32>
        %add3A_410 = arith.addi %add3A_403, %select_n3A_409 : vector<16xi32>
        %le3A_411 = arith.cmpi sle, %get3A_43, %add3A_339 : vector<16xi32>
        %jit3A_412 = arith.constant 1 : i32
        %jit3A_413 = arith.constant 0 : i32
        %broadcast_in_dim3A_414 = vector.broadcast %jit3A_412 : i32 to vector<16xi32>
        %broadcast_in_dim3A_415 = vector.broadcast %jit3A_413 : i32 to vector<16xi32>
        %select_n3A_416 = arith.select %le3A_411, %broadcast_in_dim3A_414, %broadcast_in_dim3A_415 : vector<16xi1>, vector<16xi32>
        %add3A_417 = arith.addi %add3A_410, %select_n3A_416 : vector<16xi32>
        %le3A_418 = arith.cmpi sle, %get3A_47, %add3A_339 : vector<16xi32>
        %jit3A_419 = arith.constant 1 : i32
        %jit3A_420 = arith.constant 0 : i32
        %broadcast_in_dim3A_421 = vector.broadcast %jit3A_419 : i32 to vector<16xi32>
        %broadcast_in_dim3A_422 = vector.broadcast %jit3A_420 : i32 to vector<16xi32>
        %select_n3A_423 = arith.select %le3A_418, %broadcast_in_dim3A_421, %broadcast_in_dim3A_422 : vector<16xi1>, vector<16xi32>
        %add3A_424 = arith.addi %add3A_417, %select_n3A_423 : vector<16xi32>
        %le3A_425 = arith.cmpi sle, %get3A_51, %add3A_339 : vector<16xi32>
        %jit3A_426 = arith.constant 1 : i32
        %jit3A_427 = arith.constant 0 : i32
        %broadcast_in_dim3A_428 = vector.broadcast %jit3A_426 : i32 to vector<16xi32>
        %broadcast_in_dim3A_429 = vector.broadcast %jit3A_427 : i32 to vector<16xi32>
        %select_n3A_430 = arith.select %le3A_425, %broadcast_in_dim3A_428, %broadcast_in_dim3A_429 : vector<16xi1>, vector<16xi32>
        %add3A_431 = arith.addi %add3A_424, %select_n3A_430 : vector<16xi32>
        %le3A_432 = arith.cmpi sle, %get3A_55, %add3A_339 : vector<16xi32>
        %jit3A_433 = arith.constant 1 : i32
        %jit3A_434 = arith.constant 0 : i32
        %broadcast_in_dim3A_435 = vector.broadcast %jit3A_433 : i32 to vector<16xi32>
        %broadcast_in_dim3A_436 = vector.broadcast %jit3A_434 : i32 to vector<16xi32>
        %select_n3A_437 = arith.select %le3A_432, %broadcast_in_dim3A_435, %broadcast_in_dim3A_436 : vector<16xi1>, vector<16xi32>
        %add3A_438 = arith.addi %add3A_431, %select_n3A_437 : vector<16xi32>
        %le3A_439 = arith.cmpi sle, %get3A_59, %add3A_339 : vector<16xi32>
        %jit3A_440 = arith.constant 1 : i32
        %jit3A_441 = arith.constant 0 : i32
        %broadcast_in_dim3A_442 = vector.broadcast %jit3A_440 : i32 to vector<16xi32>
        %broadcast_in_dim3A_443 = vector.broadcast %jit3A_441 : i32 to vector<16xi32>
        %select_n3A_444 = arith.select %le3A_439, %broadcast_in_dim3A_442, %broadcast_in_dim3A_443 : vector<16xi1>, vector<16xi32>
        %add3A_445 = arith.addi %add3A_438, %select_n3A_444 : vector<16xi32>
        %le3A_446 = arith.cmpi sle, %get3A_63, %add3A_339 : vector<16xi32>
        %jit3A_447 = arith.constant 1 : i32
        %jit3A_448 = arith.constant 0 : i32
        %broadcast_in_dim3A_449 = vector.broadcast %jit3A_447 : i32 to vector<16xi32>
        %broadcast_in_dim3A_450 = vector.broadcast %jit3A_448 : i32 to vector<16xi32>
        %select_n3A_451 = arith.select %le3A_446, %broadcast_in_dim3A_449, %broadcast_in_dim3A_450 : vector<16xi1>, vector<16xi32>
        %add3A_452 = arith.addi %add3A_445, %select_n3A_451 : vector<16xi32>
        %le3A_453 = arith.cmpi sle, %get3A_67, %add3A_339 : vector<16xi32>
        %jit3A_454 = arith.constant 1 : i32
        %jit3A_455 = arith.constant 0 : i32
        %broadcast_in_dim3A_456 = vector.broadcast %jit3A_454 : i32 to vector<16xi32>
        %broadcast_in_dim3A_457 = vector.broadcast %jit3A_455 : i32 to vector<16xi32>
        %select_n3A_458 = arith.select %le3A_453, %broadcast_in_dim3A_456, %broadcast_in_dim3A_457 : vector<16xi1>, vector<16xi32>
        %add3A_459 = arith.addi %add3A_452, %select_n3A_458 : vector<16xi32>
        %mul3A_460 = arith.constant 1024 : i32
        %mul3A_461 = vector.broadcast %mul3A_460 : i32 to vector<16xi32>
        %mul3A_462 = arith.muli %add3A_459, %mul3A_461 : vector<16xi32>
        %add3A_463 = arith.addi %get3A_312, %mul3A_462 : vector<16xi32>
        %ge3A_464 = arith.constant 1000448 : i32
        %ge3A_465 = vector.broadcast %ge3A_464 : i32 to vector<16xi32>
        %ge3A_466 = arith.cmpi sge, %add3A_463, %ge3A_465 : vector<16xi32>
        %jit3A_467 = arith.constant 1000448 : i32
        %jit3A_468 = arith.constant 0 : i32
        %broadcast_in_dim3A_469 = vector.broadcast %jit3A_467 : i32 to vector<16xi32>
        %broadcast_in_dim3A_470 = vector.broadcast %jit3A_468 : i32 to vector<16xi32>
        %select_n3A_471 = arith.select %ge3A_466, %broadcast_in_dim3A_469, %broadcast_in_dim3A_470 : vector<16xi1>, vector<16xi32>
        %sub3A = arith.subi %add3A_463, %select_n3A_471 : vector<16xi32>
        %mul3A_472 = arith.constant 80 : i32
        %mul3A_473 = arith.muli %scan3A_305, %mul3A_472 : i32
        %add3A_474 = arith.constant 0 : i32
        %add3A_475 = arith.addi %mul3A_473, %add3A_474 : i32
        %swap3A_476 = arith.index_cast %add3A_475 : i32 to index
        %swap3A_477 = tpu.vector_load %arg11[%swap3A_476] {strides = array<i32>} : memref<10000xi32, #tpu.memory_space<vmem>>, vector<16xi32>,
        tpu.vector_store %arg11[%swap3A_476], %sub3A {strides = array<i32>} : memref<10000xi32, #tpu.memory_space<vmem>>, vector<16xi32>,
        %add3A_478 = arith.constant 16 : i32
        %add3A_479 = vector.broadcast %add3A_478 : i32 to vector<16xi32>
        %add3A_480 = arith.addi %scan3A_306, %add3A_479 : vector<16xi32>
        %broadcast_in_dim3A_481 = arith.constant 0 : i32
        %broadcast_in_dim3A_482 = vector.broadcast %broadcast_in_dim3A_481 : i32 to vector<16xi32>
        %le3A_483 = arith.cmpi sle, %get3A_3, %add3A_480 : vector<16xi32>
        %jit3A_484 = arith.constant 1 : i32
        %jit3A_485 = arith.constant 0 : i32
        %broadcast_in_dim3A_486 = vector.broadcast %jit3A_484 : i32 to vector<16xi32>
        %broadcast_in_dim3A_487 = vector.broadcast %jit3A_485 : i32 to vector<16xi32>
        %select_n3A_488 = arith.select %le3A_483, %broadcast_in_dim3A_486, %broadcast_in_dim3A_487 : vector<16xi1>, vector<16xi32>
        %add3A_489 = arith.addi %broadcast_in_dim3A_482, %select_n3A_488 : vector<16xi32>
        %le3A_490 = arith.cmpi sle, %get3A_7, %add3A_480 : vector<16xi32>
        %jit3A_491 = arith.constant 1 : i32
        %jit3A_492 = arith.constant 0 : i32
        %broadcast_in_dim3A_493 = vector.broadcast %jit3A_491 : i32 to vector<16xi32>
        %broadcast_in_dim3A_494 = vector.broadcast %jit3A_492 : i32 to vector<16xi32>
        %select_n3A_495 = arith.select %le3A_490, %broadcast_in_dim3A_493, %broadcast_in_dim3A_494 : vector<16xi1>, vector<16xi32>
        %add3A_496 = arith.addi %add3A_489, %select_n3A_495 : vector<16xi32>
        %le3A_497 = arith.cmpi sle, %get3A_11, %add3A_480 : vector<16xi32>
        %jit3A_498 = arith.constant 1 : i32
        %jit3A_499 = arith.constant 0 : i32
        %broadcast_in_dim3A_500 = vector.broadcast %jit3A_498 : i32 to vector<16xi32>
        %broadcast_in_dim3A_501 = vector.broadcast %jit3A_499 : i32 to vector<16xi32>
        %select_n3A_502 = arith.select %le3A_497, %broadcast_in_dim3A_500, %broadcast_in_dim3A_501 : vector<16xi1>, vector<16xi32>
        %add3A_503 = arith.addi %add3A_496, %select_n3A_502 : vector<16xi32>
        %le3A_504 = arith.cmpi sle, %get3A_15, %add3A_480 : vector<16xi32>
        %jit3A_505 = arith.constant 1 : i32
        %jit3A_506 = arith.constant 0 : i32
        %broadcast_in_dim3A_507 = vector.broadcast %jit3A_505 : i32 to vector<16xi32>
        %broadcast_in_dim3A_508 = vector.broadcast %jit3A_506 : i32 to vector<16xi32>
        %select_n3A_509 = arith.select %le3A_504, %broadcast_in_dim3A_507, %broadcast_in_dim3A_508 : vector<16xi1>, vector<16xi32>
        %add3A_510 = arith.addi %add3A_503, %select_n3A_509 : vector<16xi32>
        %le3A_511 = arith.cmpi sle, %get3A_19, %add3A_480 : vector<16xi32>
        %jit3A_512 = arith.constant 1 : i32
        %jit3A_513 = arith.constant 0 : i32
        %broadcast_in_dim3A_514 = vector.broadcast %jit3A_512 : i32 to vector<16xi32>
        %broadcast_in_dim3A_515 = vector.broadcast %jit3A_513 : i32 to vector<16xi32>
        %select_n3A_516 = arith.select %le3A_511, %broadcast_in_dim3A_514, %broadcast_in_dim3A_515 : vector<16xi1>, vector<16xi32>
        %add3A_517 = arith.addi %add3A_510, %select_n3A_516 : vector<16xi32>
        %le3A_518 = arith.cmpi sle, %get3A_23, %add3A_480 : vector<16xi32>
        %jit3A_519 = arith.constant 1 : i32
        %jit3A_520 = arith.constant 0 : i32
        %broadcast_in_dim3A_521 = vector.broadcast %jit3A_519 : i32 to vector<16xi32>
        %broadcast_in_dim3A_522 = vector.broadcast %jit3A_520 : i32 to vector<16xi32>
        %select_n3A_523 = arith.select %le3A_518, %broadcast_in_dim3A_521, %broadcast_in_dim3A_522 : vector<16xi1>, vector<16xi32>
        %add3A_524 = arith.addi %add3A_517, %select_n3A_523 : vector<16xi32>
        %le3A_525 = arith.cmpi sle, %get3A_27, %add3A_480 : vector<16xi32>
        %jit3A_526 = arith.constant 1 : i32
        %jit3A_527 = arith.constant 0 : i32
        %broadcast_in_dim3A_528 = vector.broadcast %jit3A_526 : i32 to vector<16xi32>
        %broadcast_in_dim3A_529 = vector.broadcast %jit3A_527 : i32 to vector<16xi32>
        %select_n3A_530 = arith.select %le3A_525, %broadcast_in_dim3A_528, %broadcast_in_dim3A_529 : vector<16xi1>, vector<16xi32>
        %add3A_531 = arith.addi %add3A_524, %select_n3A_530 : vector<16xi32>
        %le3A_532 = arith.cmpi sle, %get3A_31, %add3A_480 : vector<16xi32>
        %jit3A_533 = arith.constant 1 : i32
        %jit3A_534 = arith.constant 0 : i32
        %broadcast_in_dim3A_535 = vector.broadcast %jit3A_533 : i32 to vector<16xi32>
        %broadcast_in_dim3A_536 = vector.broadcast %jit3A_534 : i32 to vector<16xi32>
        %select_n3A_537 = arith.select %le3A_532, %broadcast_in_dim3A_535, %broadcast_in_dim3A_536 : vector<16xi1>, vector<16xi32>
        %add3A_538 = arith.addi %add3A_531, %select_n3A_537 : vector<16xi32>
        %le3A_539 = arith.cmpi sle, %get3A_35, %add3A_480 : vector<16xi32>
        %jit3A_540 = arith.constant 1 : i32
        %jit3A_541 = arith.constant 0 : i32
        %broadcast_in_dim3A_542 = vector.broadcast %jit3A_540 : i32 to vector<16xi32>
        %broadcast_in_dim3A_543 = vector.broadcast %jit3A_541 : i32 to vector<16xi32>
        %select_n3A_544 = arith.select %le3A_539, %broadcast_in_dim3A_542, %broadcast_in_dim3A_543 : vector<16xi1>, vector<16xi32>
        %add3A_545 = arith.addi %add3A_538, %select_n3A_544 : vector<16xi32>
        %le3A_546 = arith.cmpi sle, %get3A_39, %add3A_480 : vector<16xi32>
        %jit3A_547 = arith.constant 1 : i32
        %jit3A_548 = arith.constant 0 : i32
        %broadcast_in_dim3A_549 = vector.broadcast %jit3A_547 : i32 to vector<16xi32>
        %broadcast_in_dim3A_550 = vector.broadcast %jit3A_548 : i32 to vector<16xi32>
        %select_n3A_551 = arith.select %le3A_546, %broadcast_in_dim3A_549, %broadcast_in_dim3A_550 : vector<16xi1>, vector<16xi32>
        %add3A_552 = arith.addi %add3A_545, %select_n3A_551 : vector<16xi32>
        %le3A_553 = arith.cmpi sle, %get3A_43, %add3A_480 : vector<16xi32>
        %jit3A_554 = arith.constant 1 : i32
        %jit3A_555 = arith.constant 0 : i32
        %broadcast_in_dim3A_556 = vector.broadcast %jit3A_554 : i32 to vector<16xi32>
        %broadcast_in_dim3A_557 = vector.broadcast %jit3A_555 : i32 to vector<16xi32>
        %select_n3A_558 = arith.select %le3A_553, %broadcast_in_dim3A_556, %broadcast_in_dim3A_557 : vector<16xi1>, vector<16xi32>
        %add3A_559 = arith.addi %add3A_552, %select_n3A_558 : vector<16xi32>
        %le3A_560 = arith.cmpi sle, %get3A_47, %add3A_480 : vector<16xi32>
        %jit3A_561 = arith.constant 1 : i32
        %jit3A_562 = arith.constant 0 : i32
        %broadcast_in_dim3A_563 = vector.broadcast %jit3A_561 : i32 to vector<16xi32>
        %broadcast_in_dim3A_564 = vector.broadcast %jit3A_562 : i32 to vector<16xi32>
        %select_n3A_565 = arith.select %le3A_560, %broadcast_in_dim3A_563, %broadcast_in_dim3A_564 : vector<16xi1>, vector<16xi32>
        %add3A_566 = arith.addi %add3A_559, %select_n3A_565 : vector<16xi32>
        %le3A_567 = arith.cmpi sle, %get3A_51, %add3A_480 : vector<16xi32>
        %jit3A_568 = arith.constant 1 : i32
        %jit3A_569 = arith.constant 0 : i32
        %broadcast_in_dim3A_570 = vector.broadcast %jit3A_568 : i32 to vector<16xi32>
        %broadcast_in_dim3A_571 = vector.broadcast %jit3A_569 : i32 to vector<16xi32>
        %select_n3A_572 = arith.select %le3A_567, %broadcast_in_dim3A_570, %broadcast_in_dim3A_571 : vector<16xi1>, vector<16xi32>
        %add3A_573 = arith.addi %add3A_566, %select_n3A_572 : vector<16xi32>
        %le3A_574 = arith.cmpi sle, %get3A_55, %add3A_480 : vector<16xi32>
        %jit3A_575 = arith.constant 1 : i32
        %jit3A_576 = arith.constant 0 : i32
        %broadcast_in_dim3A_577 = vector.broadcast %jit3A_575 : i32 to vector<16xi32>
        %broadcast_in_dim3A_578 = vector.broadcast %jit3A_576 : i32 to vector<16xi32>
        %select_n3A_579 = arith.select %le3A_574, %broadcast_in_dim3A_577, %broadcast_in_dim3A_578 : vector<16xi1>, vector<16xi32>
        %add3A_580 = arith.addi %add3A_573, %select_n3A_579 : vector<16xi32>
        %le3A_581 = arith.cmpi sle, %get3A_59, %add3A_480 : vector<16xi32>
        %jit3A_582 = arith.constant 1 : i32
        %jit3A_583 = arith.constant 0 : i32
        %broadcast_in_dim3A_584 = vector.broadcast %jit3A_582 : i32 to vector<16xi32>
        %broadcast_in_dim3A_585 = vector.broadcast %jit3A_583 : i32 to vector<16xi32>
        %select_n3A_586 = arith.select %le3A_581, %broadcast_in_dim3A_584, %broadcast_in_dim3A_585 : vector<16xi1>, vector<16xi32>
        %add3A_587 = arith.addi %add3A_580, %select_n3A_586 : vector<16xi32>
        %le3A_588 = arith.cmpi sle, %get3A_63, %add3A_480 : vector<16xi32>
        %jit3A_589 = arith.constant 1 : i32
        %jit3A_590 = arith.constant 0 : i32
        %broadcast_in_dim3A_591 = vector.broadcast %jit3A_589 : i32 to vector<16xi32>
        %broadcast_in_dim3A_592 = vector.broadcast %jit3A_590 : i32 to vector<16xi32>
        %select_n3A_593 = arith.select %le3A_588, %broadcast_in_dim3A_591, %broadcast_in_dim3A_592 : vector<16xi1>, vector<16xi32>
        %add3A_594 = arith.addi %add3A_587, %select_n3A_593 : vector<16xi32>
        %le3A_595 = arith.cmpi sle, %get3A_67, %add3A_480 : vector<16xi32>
        %jit3A_596 = arith.constant 1 : i32
        %jit3A_597 = arith.constant 0 : i32
        %broadcast_in_dim3A_598 = vector.broadcast %jit3A_596 : i32 to vector<16xi32>
        %broadcast_in_dim3A_599 = vector.broadcast %jit3A_597 : i32 to vector<16xi32>
        %select_n3A_600 = arith.select %le3A_595, %broadcast_in_dim3A_598, %broadcast_in_dim3A_599 : vector<16xi1>, vector<16xi32>
        %add3A_601 = arith.addi %add3A_594, %select_n3A_600 : vector<16xi32>
        %mul3A_602 = arith.constant 1024 : i32
        %mul3A_603 = vector.broadcast %mul3A_602 : i32 to vector<16xi32>
        %mul3A_604 = arith.muli %add3A_601, %mul3A_603 : vector<16xi32>
        %add3A_605 = arith.addi %get3A_318, %mul3A_604 : vector<16xi32>
        %ge3A_606 = arith.constant 1000448 : i32
        %ge3A_607 = vector.broadcast %ge3A_606 : i32 to vector<16xi32>
        %ge3A_608 = arith.cmpi sge, %add3A_605, %ge3A_607 : vector<16xi32>
        %jit3A_609 = arith.constant 1000448 : i32
        %jit3A_610 = arith.constant 0 : i32
        %broadcast_in_dim3A_611 = vector.broadcast %jit3A_609 : i32 to vector<16xi32>
        %broadcast_in_dim3A_612 = vector.broadcast %jit3A_610 : i32 to vector<16xi32>
        %select_n3A_613 = arith.select %ge3A_608, %broadcast_in_dim3A_611, %broadcast_in_dim3A_612 : vector<16xi1>, vector<16xi32>
        %sub3A_614 = arith.subi %add3A_605, %select_n3A_613 : vector<16xi32>
        %mul3A_615 = arith.constant 80 : i32
        %mul3A_616 = arith.muli %scan3A_305, %mul3A_615 : i32
        %add3A_617 = arith.constant 16 : i32
        %add3A_618 = arith.addi %mul3A_616, %add3A_617 : i32
        %swap3A_619 = arith.index_cast %add3A_618 : i32 to index
        %swap3A_620 = tpu.vector_load %arg11[%swap3A_619] {strides = array<i32>} : memref<10000xi32, #tpu.memory_space<vmem>>, vector<16xi32>,
        tpu.vector_store %arg11[%swap3A_619], %sub3A_614 {strides = array<i32>} : memref<10000xi32, #tpu.memory_space<vmem>>, vector<16xi32>,
        %add3A_621 = arith.constant 32 : i32
        %add3A_622 = vector.broadcast %add3A_621 : i32 to vector<16xi32>
        %add3A_623 = arith.addi %scan3A_306, %add3A_622 : vector<16xi32>
        %broadcast_in_dim3A_624 = arith.constant 0 : i32
        %broadcast_in_dim3A_625 = vector.broadcast %broadcast_in_dim3A_624 : i32 to vector<16xi32>
        %le3A_626 = arith.cmpi sle, %get3A_3, %add3A_623 : vector<16xi32>
        %jit3A_627 = arith.constant 1 : i32
        %jit3A_628 = arith.constant 0 : i32
        %broadcast_in_dim3A_629 = vector.broadcast %jit3A_627 : i32 to vector<16xi32>
        %broadcast_in_dim3A_630 = vector.broadcast %jit3A_628 : i32 to vector<16xi32>
        %select_n3A_631 = arith.select %le3A_626, %broadcast_in_dim3A_629, %broadcast_in_dim3A_630 : vector<16xi1>, vector<16xi32>
        %add3A_632 = arith.addi %broadcast_in_dim3A_625, %select_n3A_631 : vector<16xi32>
        %le3A_633 = arith.cmpi sle, %get3A_7, %add3A_623 : vector<16xi32>
        %jit3A_634 = arith.constant 1 : i32
        %jit3A_635 = arith.constant 0 : i32
        %broadcast_in_dim3A_636 = vector.broadcast %jit3A_634 : i32 to vector<16xi32>
        %broadcast_in_dim3A_637 = vector.broadcast %jit3A_635 : i32 to vector<16xi32>
        %select_n3A_638 = arith.select %le3A_633, %broadcast_in_dim3A_636, %broadcast_in_dim3A_637 : vector<16xi1>, vector<16xi32>
        %add3A_639 = arith.addi %add3A_632, %select_n3A_638 : vector<16xi32>
        %le3A_640 = arith.cmpi sle, %get3A_11, %add3A_623 : vector<16xi32>
        %jit3A_641 = arith.constant 1 : i32
        %jit3A_642 = arith.constant 0 : i32
        %broadcast_in_dim3A_643 = vector.broadcast %jit3A_641 : i32 to vector<16xi32>
        %broadcast_in_dim3A_644 = vector.broadcast %jit3A_642 : i32 to vector<16xi32>
        %select_n3A_645 = arith.select %le3A_640, %broadcast_in_dim3A_643, %broadcast_in_dim3A_644 : vector<16xi1>, vector<16xi32>
        %add3A_646 = arith.addi %add3A_639, %select_n3A_645 : vector<16xi32>
        %le3A_647 = arith.cmpi sle, %get3A_15, %add3A_623 : vector<16xi32>
        %jit3A_648 = arith.constant 1 : i32
        %jit3A_649 = arith.constant 0 : i32
        %broadcast_in_dim3A_650 = vector.broadcast %jit3A_648 : i32 to vector<16xi32>
        %broadcast_in_dim3A_651 = vector.broadcast %jit3A_649 : i32 to vector<16xi32>
        %select_n3A_652 = arith.select %le3A_647, %broadcast_in_dim3A_650, %broadcast_in_dim3A_651 : vector<16xi1>, vector<16xi32>
        %add3A_653 = arith.addi %add3A_646, %select_n3A_652 : vector<16xi32>
        %le3A_654 = arith.cmpi sle, %get3A_19, %add3A_623 : vector<16xi32>
        %jit3A_655 = arith.constant 1 : i32
        %jit3A_656 = arith.constant 0 : i32
        %broadcast_in_dim3A_657 = vector.broadcast %jit3A_655 : i32 to vector<16xi32>
        %broadcast_in_dim3A_658 = vector.broadcast %jit3A_656 : i32 to vector<16xi32>
        %select_n3A_659 = arith.select %le3A_654, %broadcast_in_dim3A_657, %broadcast_in_dim3A_658 : vector<16xi1>, vector<16xi32>
        %add3A_660 = arith.addi %add3A_653, %select_n3A_659 : vector<16xi32>
        %le3A_661 = arith.cmpi sle, %get3A_23, %add3A_623 : vector<16xi32>
        %jit3A_662 = arith.constant 1 : i32
        %jit3A_663 = arith.constant 0 : i32
        %broadcast_in_dim3A_664 = vector.broadcast %jit3A_662 : i32 to vector<16xi32>
        %broadcast_in_dim3A_665 = vector.broadcast %jit3A_663 : i32 to vector<16xi32>
        %select_n3A_666 = arith.select %le3A_661, %broadcast_in_dim3A_664, %broadcast_in_dim3A_665 : vector<16xi1>, vector<16xi32>
        %add3A_667 = arith.addi %add3A_660, %select_n3A_666 : vector<16xi32>
        %le3A_668 = arith.cmpi sle, %get3A_27, %add3A_623 : vector<16xi32>
        %jit3A_669 = arith.constant 1 : i32
        %jit3A_670 = arith.constant 0 : i32
        %broadcast_in_dim3A_671 = vector.broadcast %jit3A_669 : i32 to vector<16xi32>
        %broadcast_in_dim3A_672 = vector.broadcast %jit3A_670 : i32 to vector<16xi32>
        %select_n3A_673 = arith.select %le3A_668, %broadcast_in_dim3A_671, %broadcast_in_dim3A_672 : vector<16xi1>, vector<16xi32>
        %add3A_674 = arith.addi %add3A_667, %select_n3A_673 : vector<16xi32>
        %le3A_675 = arith.cmpi sle, %get3A_31, %add3A_623 : vector<16xi32>
        %jit3A_676 = arith.constant 1 : i32
        %jit3A_677 = arith.constant 0 : i32
        %broadcast_in_dim3A_678 = vector.broadcast %jit3A_676 : i32 to vector<16xi32>
        %broadcast_in_dim3A_679 = vector.broadcast %jit3A_677 : i32 to vector<16xi32>
        %select_n3A_680 = arith.select %le3A_675, %broadcast_in_dim3A_678, %broadcast_in_dim3A_679 : vector<16xi1>, vector<16xi32>
        %add3A_681 = arith.addi %add3A_674, %select_n3A_680 : vector<16xi32>
        %le3A_682 = arith.cmpi sle, %get3A_35, %add3A_623 : vector<16xi32>
        %jit3A_683 = arith.constant 1 : i32
        %jit3A_684 = arith.constant 0 : i32
        %broadcast_in_dim3A_685 = vector.broadcast %jit3A_683 : i32 to vector<16xi32>
        %broadcast_in_dim3A_686 = vector.broadcast %jit3A_684 : i32 to vector<16xi32>
        %select_n3A_687 = arith.select %le3A_682, %broadcast_in_dim3A_685, %broadcast_in_dim3A_686 : vector<16xi1>, vector<16xi32>
        %add3A_688 = arith.addi %add3A_681, %select_n3A_687 : vector<16xi32>
        %le3A_689 = arith.cmpi sle, %get3A_39, %add3A_623 : vector<16xi32>
        %jit3A_690 = arith.constant 1 : i32
        %jit3A_691 = arith.constant 0 : i32
        %broadcast_in_dim3A_692 = vector.broadcast %jit3A_690 : i32 to vector<16xi32>
        %broadcast_in_dim3A_693 = vector.broadcast %jit3A_691 : i32 to vector<16xi32>
        %select_n3A_694 = arith.select %le3A_689, %broadcast_in_dim3A_692, %broadcast_in_dim3A_693 : vector<16xi1>, vector<16xi32>
        %add3A_695 = arith.addi %add3A_688, %select_n3A_694 : vector<16xi32>
        %le3A_696 = arith.cmpi sle, %get3A_43, %add3A_623 : vector<16xi32>
        %jit3A_697 = arith.constant 1 : i32
        %jit3A_698 = arith.constant 0 : i32
        %broadcast_in_dim3A_699 = vector.broadcast %jit3A_697 : i32 to vector<16xi32>
        %broadcast_in_dim3A_700 = vector.broadcast %jit3A_698 : i32 to vector<16xi32>
        %select_n3A_701 = arith.select %le3A_696, %broadcast_in_dim3A_699, %broadcast_in_dim3A_700 : vector<16xi1>, vector<16xi32>
        %add3A_702 = arith.addi %add3A_695, %select_n3A_701 : vector<16xi32>
        %le3A_703 = arith.cmpi sle, %get3A_47, %add3A_623 : vector<16xi32>
        %jit3A_704 = arith.constant 1 : i32
        %jit3A_705 = arith.constant 0 : i32
        %broadcast_in_dim3A_706 = vector.broadcast %jit3A_704 : i32 to vector<16xi32>
        %broadcast_in_dim3A_707 = vector.broadcast %jit3A_705 : i32 to vector<16xi32>
        %select_n3A_708 = arith.select %le3A_703, %broadcast_in_dim3A_706, %broadcast_in_dim3A_707 : vector<16xi1>, vector<16xi32>
        %add3A_709 = arith.addi %add3A_702, %select_n3A_708 : vector<16xi32>
        %le3A_710 = arith.cmpi sle, %get3A_51, %add3A_623 : vector<16xi32>
        %jit3A_711 = arith.constant 1 : i32
        %jit3A_712 = arith.constant 0 : i32
        %broadcast_in_dim3A_713 = vector.broadcast %jit3A_711 : i32 to vector<16xi32>
        %broadcast_in_dim3A_714 = vector.broadcast %jit3A_712 : i32 to vector<16xi32>
        %select_n3A_715 = arith.select %le3A_710, %broadcast_in_dim3A_713, %broadcast_in_dim3A_714 : vector<16xi1>, vector<16xi32>
        %add3A_716 = arith.addi %add3A_709, %select_n3A_715 : vector<16xi32>
        %le3A_717 = arith.cmpi sle, %get3A_55, %add3A_623 : vector<16xi32>
        %jit3A_718 = arith.constant 1 : i32
        %jit3A_719 = arith.constant 0 : i32
        %broadcast_in_dim3A_720 = vector.broadcast %jit3A_718 : i32 to vector<16xi32>
        %broadcast_in_dim3A_721 = vector.broadcast %jit3A_719 : i32 to vector<16xi32>
        %select_n3A_722 = arith.select %le3A_717, %broadcast_in_dim3A_720, %broadcast_in_dim3A_721 : vector<16xi1>, vector<16xi32>
        %add3A_723 = arith.addi %add3A_716, %select_n3A_722 : vector<16xi32>
        %le3A_724 = arith.cmpi sle, %get3A_59, %add3A_623 : vector<16xi32>
        %jit3A_725 = arith.constant 1 : i32
        %jit3A_726 = arith.constant 0 : i32
        %broadcast_in_dim3A_727 = vector.broadcast %jit3A_725 : i32 to vector<16xi32>
        %broadcast_in_dim3A_728 = vector.broadcast %jit3A_726 : i32 to vector<16xi32>
        %select_n3A_729 = arith.select %le3A_724, %broadcast_in_dim3A_727, %broadcast_in_dim3A_728 : vector<16xi1>, vector<16xi32>
        %add3A_730 = arith.addi %add3A_723, %select_n3A_729 : vector<16xi32>
        %le3A_731 = arith.cmpi sle, %get3A_63, %add3A_623 : vector<16xi32>
        %jit3A_732 = arith.constant 1 : i32
        %jit3A_733 = arith.constant 0 : i32
        %broadcast_in_dim3A_734 = vector.broadcast %jit3A_732 : i32 to vector<16xi32>
        %broadcast_in_dim3A_735 = vector.broadcast %jit3A_733 : i32 to vector<16xi32>
        %select_n3A_736 = arith.select %le3A_731, %broadcast_in_dim3A_734, %broadcast_in_dim3A_735 : vector<16xi1>, vector<16xi32>
        %add3A_737 = arith.addi %add3A_730, %select_n3A_736 : vector<16xi32>
        %le3A_738 = arith.cmpi sle, %get3A_67, %add3A_623 : vector<16xi32>
        %jit3A_739 = arith.constant 1 : i32
        %jit3A_740 = arith.constant 0 : i32
        %broadcast_in_dim3A_741 = vector.broadcast %jit3A_739 : i32 to vector<16xi32>
        %broadcast_in_dim3A_742 = vector.broadcast %jit3A_740 : i32 to vector<16xi32>
        %select_n3A_743 = arith.select %le3A_738, %broadcast_in_dim3A_741, %broadcast_in_dim3A_742 : vector<16xi1>, vector<16xi32>
        %add3A_744 = arith.addi %add3A_737, %select_n3A_743 : vector<16xi32>
        %mul3A_745 = arith.constant 1024 : i32
        %mul3A_746 = vector.broadcast %mul3A_745 : i32 to vector<16xi32>
        %mul3A_747 = arith.muli %add3A_744, %mul3A_746 : vector<16xi32>
        %add3A_748 = arith.addi %get3A_324, %mul3A_747 : vector<16xi32>
        %ge3A_749 = arith.constant 1000448 : i32
        %ge3A_750 = vector.broadcast %ge3A_749 : i32 to vector<16xi32>
        %ge3A_751 = arith.cmpi sge, %add3A_748, %ge3A_750 : vector<16xi32>
        %jit3A_752 = arith.constant 1000448 : i32
        %jit3A_753 = arith.constant 0 : i32
        %broadcast_in_dim3A_754 = vector.broadcast %jit3A_752 : i32 to vector<16xi32>
        %broadcast_in_dim3A_755 = vector.broadcast %jit3A_753 : i32 to vector<16xi32>
        %select_n3A_756 = arith.select %ge3A_751, %broadcast_in_dim3A_754, %broadcast_in_dim3A_755 : vector<16xi1>, vector<16xi32>
        %sub3A_757 = arith.subi %add3A_748, %select_n3A_756 : vector<16xi32>
        %mul3A_758 = arith.constant 80 : i32
        %mul3A_759 = arith.muli %scan3A_305, %mul3A_758 : i32
        %add3A_760 = arith.constant 32 : i32
        %add3A_761 = arith.addi %mul3A_759, %add3A_760 : i32
        %swap3A_762 = arith.index_cast %add3A_761 : i32 to index
        %swap3A_763 = tpu.vector_load %arg11[%swap3A_762] {strides = array<i32>} : memref<10000xi32, #tpu.memory_space<vmem>>, vector<16xi32>,
        tpu.vector_store %arg11[%swap3A_762], %sub3A_757 {strides = array<i32>} : memref<10000xi32, #tpu.memory_space<vmem>>, vector<16xi32>,
        %add3A_764 = arith.constant 48 : i32
        %add3A_765 = vector.broadcast %add3A_764 : i32 to vector<16xi32>
        %add3A_766 = arith.addi %scan3A_306, %add3A_765 : vector<16xi32>
        %broadcast_in_dim3A_767 = arith.constant 0 : i32
        %broadcast_in_dim3A_768 = vector.broadcast %broadcast_in_dim3A_767 : i32 to vector<16xi32>
        %le3A_769 = arith.cmpi sle, %get3A_3, %add3A_766 : vector<16xi32>
        %jit3A_770 = arith.constant 1 : i32
        %jit3A_771 = arith.constant 0 : i32
        %broadcast_in_dim3A_772 = vector.broadcast %jit3A_770 : i32 to vector<16xi32>
        %broadcast_in_dim3A_773 = vector.broadcast %jit3A_771 : i32 to vector<16xi32>
        %select_n3A_774 = arith.select %le3A_769, %broadcast_in_dim3A_772, %broadcast_in_dim3A_773 : vector<16xi1>, vector<16xi32>
        %add3A_775 = arith.addi %broadcast_in_dim3A_768, %select_n3A_774 : vector<16xi32>
        %le3A_776 = arith.cmpi sle, %get3A_7, %add3A_766 : vector<16xi32>
        %jit3A_777 = arith.constant 1 : i32
        %jit3A_778 = arith.constant 0 : i32
        %broadcast_in_dim3A_779 = vector.broadcast %jit3A_777 : i32 to vector<16xi32>
        %broadcast_in_dim3A_780 = vector.broadcast %jit3A_778 : i32 to vector<16xi32>
        %select_n3A_781 = arith.select %le3A_776, %broadcast_in_dim3A_779, %broadcast_in_dim3A_780 : vector<16xi1>, vector<16xi32>
        %add3A_782 = arith.addi %add3A_775, %select_n3A_781 : vector<16xi32>
        %le3A_783 = arith.cmpi sle, %get3A_11, %add3A_766 : vector<16xi32>
        %jit3A_784 = arith.constant 1 : i32
        %jit3A_785 = arith.constant 0 : i32
        %broadcast_in_dim3A_786 = vector.broadcast %jit3A_784 : i32 to vector<16xi32>
        %broadcast_in_dim3A_787 = vector.broadcast %jit3A_785 : i32 to vector<16xi32>
        %select_n3A_788 = arith.select %le3A_783, %broadcast_in_dim3A_786, %broadcast_in_dim3A_787 : vector<16xi1>, vector<16xi32>
        %add3A_789 = arith.addi %add3A_782, %select_n3A_788 : vector<16xi32>
        %le3A_790 = arith.cmpi sle, %get3A_15, %add3A_766 : vector<16xi32>
        %jit3A_791 = arith.constant 1 : i32
        %jit3A_792 = arith.constant 0 : i32
        %broadcast_in_dim3A_793 = vector.broadcast %jit3A_791 : i32 to vector<16xi32>
        %broadcast_in_dim3A_794 = vector.broadcast %jit3A_792 : i32 to vector<16xi32>
        %select_n3A_795 = arith.select %le3A_790, %broadcast_in_dim3A_793, %broadcast_in_dim3A_794 : vector<16xi1>, vector<16xi32>
        %add3A_796 = arith.addi %add3A_789, %select_n3A_795 : vector<16xi32>
        %le3A_797 = arith.cmpi sle, %get3A_19, %add3A_766 : vector<16xi32>
        %jit3A_798 = arith.constant 1 : i32
        %jit3A_799 = arith.constant 0 : i32
        %broadcast_in_dim3A_800 = vector.broadcast %jit3A_798 : i32 to vector<16xi32>
        %broadcast_in_dim3A_801 = vector.broadcast %jit3A_799 : i32 to vector<16xi32>
        %select_n3A_802 = arith.select %le3A_797, %broadcast_in_dim3A_800, %broadcast_in_dim3A_801 : vector<16xi1>, vector<16xi32>
        %add3A_803 = arith.addi %add3A_796, %select_n3A_802 : vector<16xi32>
        %le3A_804 = arith.cmpi sle, %get3A_23, %add3A_766 : vector<16xi32>
        %jit3A_805 = arith.constant 1 : i32
        %jit3A_806 = arith.constant 0 : i32
        %broadcast_in_dim3A_807 = vector.broadcast %jit3A_805 : i32 to vector<16xi32>
        %broadcast_in_dim3A_808 = vector.broadcast %jit3A_806 : i32 to vector<16xi32>
        %select_n3A_809 = arith.select %le3A_804, %broadcast_in_dim3A_807, %broadcast_in_dim3A_808 : vector<16xi1>, vector<16xi32>
        %add3A_810 = arith.addi %add3A_803, %select_n3A_809 : vector<16xi32>
        %le3A_811 = arith.cmpi sle, %get3A_27, %add3A_766 : vector<16xi32>
        %jit3A_812 = arith.constant 1 : i32
        %jit3A_813 = arith.constant 0 : i32
        %broadcast_in_dim3A_814 = vector.broadcast %jit3A_812 : i32 to vector<16xi32>
        %broadcast_in_dim3A_815 = vector.broadcast %jit3A_813 : i32 to vector<16xi32>
        %select_n3A_816 = arith.select %le3A_811, %broadcast_in_dim3A_814, %broadcast_in_dim3A_815 : vector<16xi1>, vector<16xi32>
        %add3A_817 = arith.addi %add3A_810, %select_n3A_816 : vector<16xi32>
        %le3A_818 = arith.cmpi sle, %get3A_31, %add3A_766 : vector<16xi32>
        %jit3A_819 = arith.constant 1 : i32
        %jit3A_820 = arith.constant 0 : i32
        %broadcast_in_dim3A_821 = vector.broadcast %jit3A_819 : i32 to vector<16xi32>
        %broadcast_in_dim3A_822 = vector.broadcast %jit3A_820 : i32 to vector<16xi32>
        %select_n3A_823 = arith.select %le3A_818, %broadcast_in_dim3A_821, %broadcast_in_dim3A_822 : vector<16xi1>, vector<16xi32>
        %add3A_824 = arith.addi %add3A_817, %select_n3A_823 : vector<16xi32>
        %le3A_825 = arith.cmpi sle, %get3A_35, %add3A_766 : vector<16xi32>
        %jit3A_826 = arith.constant 1 : i32
        %jit3A_827 = arith.constant 0 : i32
        %broadcast_in_dim3A_828 = vector.broadcast %jit3A_826 : i32 to vector<16xi32>
        %broadcast_in_dim3A_829 = vector.broadcast %jit3A_827 : i32 to vector<16xi32>
        %select_n3A_830 = arith.select %le3A_825, %broadcast_in_dim3A_828, %broadcast_in_dim3A_829 : vector<16xi1>, vector<16xi32>
        %add3A_831 = arith.addi %add3A_824, %select_n3A_830 : vector<16xi32>
        %le3A_832 = arith.cmpi sle, %get3A_39, %add3A_766 : vector<16xi32>
        %jit3A_833 = arith.constant 1 : i32
        %jit3A_834 = arith.constant 0 : i32
        %broadcast_in_dim3A_835 = vector.broadcast %jit3A_833 : i32 to vector<16xi32>
        %broadcast_in_dim3A_836 = vector.broadcast %jit3A_834 : i32 to vector<16xi32>
        %select_n3A_837 = arith.select %le3A_832, %broadcast_in_dim3A_835, %broadcast_in_dim3A_836 : vector<16xi1>, vector<16xi32>
        %add3A_838 = arith.addi %add3A_831, %select_n3A_837 : vector<16xi32>
        %le3A_839 = arith.cmpi sle, %get3A_43, %add3A_766 : vector<16xi32>
        %jit3A_840 = arith.constant 1 : i32
        %jit3A_841 = arith.constant 0 : i32
        %broadcast_in_dim3A_842 = vector.broadcast %jit3A_840 : i32 to vector<16xi32>
        %broadcast_in_dim3A_843 = vector.broadcast %jit3A_841 : i32 to vector<16xi32>
        %select_n3A_844 = arith.select %le3A_839, %broadcast_in_dim3A_842, %broadcast_in_dim3A_843 : vector<16xi1>, vector<16xi32>
        %add3A_845 = arith.addi %add3A_838, %select_n3A_844 : vector<16xi32>
        %le3A_846 = arith.cmpi sle, %get3A_47, %add3A_766 : vector<16xi32>
        %jit3A_847 = arith.constant 1 : i32
        %jit3A_848 = arith.constant 0 : i32
        %broadcast_in_dim3A_849 = vector.broadcast %jit3A_847 : i32 to vector<16xi32>
        %broadcast_in_dim3A_850 = vector.broadcast %jit3A_848 : i32 to vector<16xi32>
        %select_n3A_851 = arith.select %le3A_846, %broadcast_in_dim3A_849, %broadcast_in_dim3A_850 : vector<16xi1>, vector<16xi32>
        %add3A_852 = arith.addi %add3A_845, %select_n3A_851 : vector<16xi32>
        %le3A_853 = arith.cmpi sle, %get3A_51, %add3A_766 : vector<16xi32>
        %jit3A_854 = arith.constant 1 : i32
        %jit3A_855 = arith.constant 0 : i32
        %broadcast_in_dim3A_856 = vector.broadcast %jit3A_854 : i32 to vector<16xi32>
        %broadcast_in_dim3A_857 = vector.broadcast %jit3A_855 : i32 to vector<16xi32>
        %select_n3A_858 = arith.select %le3A_853, %broadcast_in_dim3A_856, %broadcast_in_dim3A_857 : vector<16xi1>, vector<16xi32>
        %add3A_859 = arith.addi %add3A_852, %select_n3A_858 : vector<16xi32>
        %le3A_860 = arith.cmpi sle, %get3A_55, %add3A_766 : vector<16xi32>
        %jit3A_861 = arith.constant 1 : i32
        %jit3A_862 = arith.constant 0 : i32
        %broadcast_in_dim3A_863 = vector.broadcast %jit3A_861 : i32 to vector<16xi32>
        %broadcast_in_dim3A_864 = vector.broadcast %jit3A_862 : i32 to vector<16xi32>
        %select_n3A_865 = arith.select %le3A_860, %broadcast_in_dim3A_863, %broadcast_in_dim3A_864 : vector<16xi1>, vector<16xi32>
        %add3A_866 = arith.addi %add3A_859, %select_n3A_865 : vector<16xi32>
        %le3A_867 = arith.cmpi sle, %get3A_59, %add3A_766 : vector<16xi32>
        %jit3A_868 = arith.constant 1 : i32
        %jit3A_869 = arith.constant 0 : i32
        %broadcast_in_dim3A_870 = vector.broadcast %jit3A_868 : i32 to vector<16xi32>
        %broadcast_in_dim3A_871 = vector.broadcast %jit3A_869 : i32 to vector<16xi32>
        %select_n3A_872 = arith.select %le3A_867, %broadcast_in_dim3A_870, %broadcast_in_dim3A_871 : vector<16xi1>, vector<16xi32>
        %add3A_873 = arith.addi %add3A_866, %select_n3A_872 : vector<16xi32>
        %le3A_874 = arith.cmpi sle, %get3A_63, %add3A_766 : vector<16xi32>
        %jit3A_875 = arith.constant 1 : i32
        %jit3A_876 = arith.constant 0 : i32
        %broadcast_in_dim3A_877 = vector.broadcast %jit3A_875 : i32 to vector<16xi32>
        %broadcast_in_dim3A_878 = vector.broadcast %jit3A_876 : i32 to vector<16xi32>
        %select_n3A_879 = arith.select %le3A_874, %broadcast_in_dim3A_877, %broadcast_in_dim3A_878 : vector<16xi1>, vector<16xi32>
        %add3A_880 = arith.addi %add3A_873, %select_n3A_879 : vector<16xi32>
        %le3A_881 = arith.cmpi sle, %get3A_67, %add3A_766 : vector<16xi32>
        %jit3A_882 = arith.constant 1 : i32
        %jit3A_883 = arith.constant 0 : i32
        %broadcast_in_dim3A_884 = vector.broadcast %jit3A_882 : i32 to vector<16xi32>
        %broadcast_in_dim3A_885 = vector.broadcast %jit3A_883 : i32 to vector<16xi32>
        %select_n3A_886 = arith.select %le3A_881, %broadcast_in_dim3A_884, %broadcast_in_dim3A_885 : vector<16xi1>, vector<16xi32>
        %add3A_887 = arith.addi %add3A_880, %select_n3A_886 : vector<16xi32>
        %mul3A_888 = arith.constant 1024 : i32
        %mul3A_889 = vector.broadcast %mul3A_888 : i32 to vector<16xi32>
        %mul3A_890 = arith.muli %add3A_887, %mul3A_889 : vector<16xi32>
        %add3A_891 = arith.addi %get3A_330, %mul3A_890 : vector<16xi32>
        %ge3A_892 = arith.constant 1000448 : i32
        %ge3A_893 = vector.broadcast %ge3A_892 : i32 to vector<16xi32>
        %ge3A_894 = arith.cmpi sge, %add3A_891, %ge3A_893 : vector<16xi32>
        %jit3A_895 = arith.constant 1000448 : i32
        %jit3A_896 = arith.constant 0 : i32
        %broadcast_in_dim3A_897 = vector.broadcast %jit3A_895 : i32 to vector<16xi32>
        %broadcast_in_dim3A_898 = vector.broadcast %jit3A_896 : i32 to vector<16xi32>
        %select_n3A_899 = arith.select %ge3A_894, %broadcast_in_dim3A_897, %broadcast_in_dim3A_898 : vector<16xi1>, vector<16xi32>
        %sub3A_900 = arith.subi %add3A_891, %select_n3A_899 : vector<16xi32>
        %mul3A_901 = arith.constant 80 : i32
        %mul3A_902 = arith.muli %scan3A_305, %mul3A_901 : i32
        %add3A_903 = arith.constant 48 : i32
        %add3A_904 = arith.addi %mul3A_902, %add3A_903 : i32
        %swap3A_905 = arith.index_cast %add3A_904 : i32 to index
        %swap3A_906 = tpu.vector_load %arg11[%swap3A_905] {strides = array<i32>} : memref<10000xi32, #tpu.memory_space<vmem>>, vector<16xi32>,
        tpu.vector_store %arg11[%swap3A_905], %sub3A_900 {strides = array<i32>} : memref<10000xi32, #tpu.memory_space<vmem>>, vector<16xi32>,
        %add3A_907 = arith.constant 64 : i32
        %add3A_908 = vector.broadcast %add3A_907 : i32 to vector<16xi32>
        %add3A_909 = arith.addi %scan3A_306, %add3A_908 : vector<16xi32>
        %broadcast_in_dim3A_910 = arith.constant 0 : i32
        %broadcast_in_dim3A_911 = vector.broadcast %broadcast_in_dim3A_910 : i32 to vector<16xi32>
        %le3A_912 = arith.cmpi sle, %get3A_3, %add3A_909 : vector<16xi32>
        %jit3A_913 = arith.constant 1 : i32
        %jit3A_914 = arith.constant 0 : i32
        %broadcast_in_dim3A_915 = vector.broadcast %jit3A_913 : i32 to vector<16xi32>
        %broadcast_in_dim3A_916 = vector.broadcast %jit3A_914 : i32 to vector<16xi32>
        %select_n3A_917 = arith.select %le3A_912, %broadcast_in_dim3A_915, %broadcast_in_dim3A_916 : vector<16xi1>, vector<16xi32>
        %add3A_918 = arith.addi %broadcast_in_dim3A_911, %select_n3A_917 : vector<16xi32>
        %le3A_919 = arith.cmpi sle, %get3A_7, %add3A_909 : vector<16xi32>
        %jit3A_920 = arith.constant 1 : i32
        %jit3A_921 = arith.constant 0 : i32
        %broadcast_in_dim3A_922 = vector.broadcast %jit3A_920 : i32 to vector<16xi32>
        %broadcast_in_dim3A_923 = vector.broadcast %jit3A_921 : i32 to vector<16xi32>
        %select_n3A_924 = arith.select %le3A_919, %broadcast_in_dim3A_922, %broadcast_in_dim3A_923 : vector<16xi1>, vector<16xi32>
        %add3A_925 = arith.addi %add3A_918, %select_n3A_924 : vector<16xi32>
        %le3A_926 = arith.cmpi sle, %get3A_11, %add3A_909 : vector<16xi32>
        %jit3A_927 = arith.constant 1 : i32
        %jit3A_928 = arith.constant 0 : i32
        %broadcast_in_dim3A_929 = vector.broadcast %jit3A_927 : i32 to vector<16xi32>
        %broadcast_in_dim3A_930 = vector.broadcast %jit3A_928 : i32 to vector<16xi32>
        %select_n3A_931 = arith.select %le3A_926, %broadcast_in_dim3A_929, %broadcast_in_dim3A_930 : vector<16xi1>, vector<16xi32>
        %add3A_932 = arith.addi %add3A_925, %select_n3A_931 : vector<16xi32>
        %le3A_933 = arith.cmpi sle, %get3A_15, %add3A_909 : vector<16xi32>
        %jit3A_934 = arith.constant 1 : i32
        %jit3A_935 = arith.constant 0 : i32
        %broadcast_in_dim3A_936 = vector.broadcast %jit3A_934 : i32 to vector<16xi32>
        %broadcast_in_dim3A_937 = vector.broadcast %jit3A_935 : i32 to vector<16xi32>
        %select_n3A_938 = arith.select %le3A_933, %broadcast_in_dim3A_936, %broadcast_in_dim3A_937 : vector<16xi1>, vector<16xi32>
        %add3A_939 = arith.addi %add3A_932, %select_n3A_938 : vector<16xi32>
        %le3A_940 = arith.cmpi sle, %get3A_19, %add3A_909 : vector<16xi32>
        %jit3A_941 = arith.constant 1 : i32
        %jit3A_942 = arith.constant 0 : i32
        %broadcast_in_dim3A_943 = vector.broadcast %jit3A_941 : i32 to vector<16xi32>
        %broadcast_in_dim3A_944 = vector.broadcast %jit3A_942 : i32 to vector<16xi32>
        %select_n3A_945 = arith.select %le3A_940, %broadcast_in_dim3A_943, %broadcast_in_dim3A_944 : vector<16xi1>, vector<16xi32>
        %add3A_946 = arith.addi %add3A_939, %select_n3A_945 : vector<16xi32>
        %le3A_947 = arith.cmpi sle, %get3A_23, %add3A_909 : vector<16xi32>
        %jit3A_948 = arith.constant 1 : i32
        %jit3A_949 = arith.constant 0 : i32
        %broadcast_in_dim3A_950 = vector.broadcast %jit3A_948 : i32 to vector<16xi32>
        %broadcast_in_dim3A_951 = vector.broadcast %jit3A_949 : i32 to vector<16xi32>
        %select_n3A_952 = arith.select %le3A_947, %broadcast_in_dim3A_950, %broadcast_in_dim3A_951 : vector<16xi1>, vector<16xi32>
        %add3A_953 = arith.addi %add3A_946, %select_n3A_952 : vector<16xi32>
        %le3A_954 = arith.cmpi sle, %get3A_27, %add3A_909 : vector<16xi32>
        %jit3A_955 = arith.constant 1 : i32
        %jit3A_956 = arith.constant 0 : i32
        %broadcast_in_dim3A_957 = vector.broadcast %jit3A_955 : i32 to vector<16xi32>
        %broadcast_in_dim3A_958 = vector.broadcast %jit3A_956 : i32 to vector<16xi32>
        %select_n3A_959 = arith.select %le3A_954, %broadcast_in_dim3A_957, %broadcast_in_dim3A_958 : vector<16xi1>, vector<16xi32>
        %add3A_960 = arith.addi %add3A_953, %select_n3A_959 : vector<16xi32>
        %le3A_961 = arith.cmpi sle, %get3A_31, %add3A_909 : vector<16xi32>
        %jit3A_962 = arith.constant 1 : i32
        %jit3A_963 = arith.constant 0 : i32
        %broadcast_in_dim3A_964 = vector.broadcast %jit3A_962 : i32 to vector<16xi32>
        %broadcast_in_dim3A_965 = vector.broadcast %jit3A_963 : i32 to vector<16xi32>
        %select_n3A_966 = arith.select %le3A_961, %broadcast_in_dim3A_964, %broadcast_in_dim3A_965 : vector<16xi1>, vector<16xi32>
        %add3A_967 = arith.addi %add3A_960, %select_n3A_966 : vector<16xi32>
        %le3A_968 = arith.cmpi sle, %get3A_35, %add3A_909 : vector<16xi32>
        %jit3A_969 = arith.constant 1 : i32
        %jit3A_970 = arith.constant 0 : i32
        %broadcast_in_dim3A_971 = vector.broadcast %jit3A_969 : i32 to vector<16xi32>
        %broadcast_in_dim3A_972 = vector.broadcast %jit3A_970 : i32 to vector<16xi32>
        %select_n3A_973 = arith.select %le3A_968, %broadcast_in_dim3A_971, %broadcast_in_dim3A_972 : vector<16xi1>, vector<16xi32>
        %add3A_974 = arith.addi %add3A_967, %select_n3A_973 : vector<16xi32>
        %le3A_975 = arith.cmpi sle, %get3A_39, %add3A_909 : vector<16xi32>
        %jit3A_976 = arith.constant 1 : i32
        %jit3A_977 = arith.constant 0 : i32
        %broadcast_in_dim3A_978 = vector.broadcast %jit3A_976 : i32 to vector<16xi32>
        %broadcast_in_dim3A_979 = vector.broadcast %jit3A_977 : i32 to vector<16xi32>
        %select_n3A_980 = arith.select %le3A_975, %broadcast_in_dim3A_978, %broadcast_in_dim3A_979 : vector<16xi1>, vector<16xi32>
        %add3A_981 = arith.addi %add3A_974, %select_n3A_980 : vector<16xi32>
        %le3A_982 = arith.cmpi sle, %get3A_43, %add3A_909 : vector<16xi32>
        %jit3A_983 = arith.constant 1 : i32
        %jit3A_984 = arith.constant 0 : i32
        %broadcast_in_dim3A_985 = vector.broadcast %jit3A_983 : i32 to vector<16xi32>
        %broadcast_in_dim3A_986 = vector.broadcast %jit3A_984 : i32 to vector<16xi32>
        %select_n3A_987 = arith.select %le3A_982, %broadcast_in_dim3A_985, %broadcast_in_dim3A_986 : vector<16xi1>, vector<16xi32>
        %add3A_988 = arith.addi %add3A_981, %select_n3A_987 : vector<16xi32>
        %le3A_989 = arith.cmpi sle, %get3A_47, %add3A_909 : vector<16xi32>
        %jit3A_990 = arith.constant 1 : i32
        %jit3A_991 = arith.constant 0 : i32
        %broadcast_in_dim3A_992 = vector.broadcast %jit3A_990 : i32 to vector<16xi32>
        %broadcast_in_dim3A_993 = vector.broadcast %jit3A_991 : i32 to vector<16xi32>
        %select_n3A_994 = arith.select %le3A_989, %broadcast_in_dim3A_992, %broadcast_in_dim3A_993 : vector<16xi1>, vector<16xi32>
        %add3A_995 = arith.addi %add3A_988, %select_n3A_994 : vector<16xi32>
        %le3A_996 = arith.cmpi sle, %get3A_51, %add3A_909 : vector<16xi32>
        %jit3A_997 = arith.constant 1 : i32
        %jit3A_998 = arith.constant 0 : i32
        %broadcast_in_dim3A_999 = vector.broadcast %jit3A_997 : i32 to vector<16xi32>
        %broadcast_in_dim3A_1000 = vector.broadcast %jit3A_998 : i32 to vector<16xi32>
        %select_n3A_1001 = arith.select %le3A_996, %broadcast_in_dim3A_999, %broadcast_in_dim3A_1000 : vector<16xi1>, vector<16xi32>
        %add3A_1002 = arith.addi %add3A_995, %select_n3A_1001 : vector<16xi32>
        %le3A_1003 = arith.cmpi sle, %get3A_55, %add3A_909 : vector<16xi32>
        %jit3A_1004 = arith.constant 1 : i32
        %jit3A_1005 = arith.constant 0 : i32
        %broadcast_in_dim3A_1006 = vector.broadcast %jit3A_1004 : i32 to vector<16xi32>
        %broadcast_in_dim3A_1007 = vector.broadcast %jit3A_1005 : i32 to vector<16xi32>
        %select_n3A_1008 = arith.select %le3A_1003, %broadcast_in_dim3A_1006, %broadcast_in_dim3A_1007 : vector<16xi1>, vector<16xi32>
        %add3A_1009 = arith.addi %add3A_1002, %select_n3A_1008 : vector<16xi32>
        %le3A_1010 = arith.cmpi sle, %get3A_59, %add3A_909 : vector<16xi32>
        %jit3A_1011 = arith.constant 1 : i32
        %jit3A_1012 = arith.constant 0 : i32
        %broadcast_in_dim3A_1013 = vector.broadcast %jit3A_1011 : i32 to vector<16xi32>
        %broadcast_in_dim3A_1014 = vector.broadcast %jit3A_1012 : i32 to vector<16xi32>
        %select_n3A_1015 = arith.select %le3A_1010, %broadcast_in_dim3A_1013, %broadcast_in_dim3A_1014 : vector<16xi1>, vector<16xi32>
        %add3A_1016 = arith.addi %add3A_1009, %select_n3A_1015 : vector<16xi32>
        %le3A_1017 = arith.cmpi sle, %get3A_63, %add3A_909 : vector<16xi32>
        %jit3A_1018 = arith.constant 1 : i32
        %jit3A_1019 = arith.constant 0 : i32
        %broadcast_in_dim3A_1020 = vector.broadcast %jit3A_1018 : i32 to vector<16xi32>
        %broadcast_in_dim3A_1021 = vector.broadcast %jit3A_1019 : i32 to vector<16xi32>
        %select_n3A_1022 = arith.select %le3A_1017, %broadcast_in_dim3A_1020, %broadcast_in_dim3A_1021 : vector<16xi1>, vector<16xi32>
        %add3A_1023 = arith.addi %add3A_1016, %select_n3A_1022 : vector<16xi32>
        %le3A_1024 = arith.cmpi sle, %get3A_67, %add3A_909 : vector<16xi32>
        %jit3A_1025 = arith.constant 1 : i32
        %jit3A_1026 = arith.constant 0 : i32
        %broadcast_in_dim3A_1027 = vector.broadcast %jit3A_1025 : i32 to vector<16xi32>
        %broadcast_in_dim3A_1028 = vector.broadcast %jit3A_1026 : i32 to vector<16xi32>
        %select_n3A_1029 = arith.select %le3A_1024, %broadcast_in_dim3A_1027, %broadcast_in_dim3A_1028 : vector<16xi1>, vector<16xi32>
        %add3A_1030 = arith.addi %add3A_1023, %select_n3A_1029 : vector<16xi32>
        %mul3A_1031 = arith.constant 1024 : i32
        %mul3A_1032 = vector.broadcast %mul3A_1031 : i32 to vector<16xi32>
        %mul3A_1033 = arith.muli %add3A_1030, %mul3A_1032 : vector<16xi32>
        %add3A_1034 = arith.addi %get3A_336, %mul3A_1033 : vector<16xi32>
        %ge3A_1035 = arith.constant 1000448 : i32
        %ge3A_1036 = vector.broadcast %ge3A_1035 : i32 to vector<16xi32>
        %ge3A_1037 = arith.cmpi sge, %add3A_1034, %ge3A_1036 : vector<16xi32>
        %jit3A_1038 = arith.constant 1000448 : i32
        %jit3A_1039 = arith.constant 0 : i32
        %broadcast_in_dim3A_1040 = vector.broadcast %jit3A_1038 : i32 to vector<16xi32>
        %broadcast_in_dim3A_1041 = vector.broadcast %jit3A_1039 : i32 to vector<16xi32>
        %select_n3A_1042 = arith.select %ge3A_1037, %broadcast_in_dim3A_1040, %broadcast_in_dim3A_1041 : vector<16xi1>, vector<16xi32>
        %sub3A_1043 = arith.subi %add3A_1034, %select_n3A_1042 : vector<16xi32>
        %mul3A_1044 = arith.constant 80 : i32
        %mul3A_1045 = arith.muli %scan3A_305, %mul3A_1044 : i32
        %add3A_1046 = arith.constant 64 : i32
        %add3A_1047 = arith.addi %mul3A_1045, %add3A_1046 : i32
        %swap3A_1048 = arith.index_cast %add3A_1047 : i32 to index
        %swap3A_1049 = tpu.vector_load %arg11[%swap3A_1048] {strides = array<i32>} : memref<10000xi32, #tpu.memory_space<vmem>>, vector<16xi32>,
        tpu.vector_store %arg11[%swap3A_1048], %sub3A_1043 {strides = array<i32>} : memref<10000xi32, #tpu.memory_space<vmem>>, vector<16xi32>,
        %add3A_1050 = arith.constant 80 : i32
        %add3A_1051 = vector.broadcast %add3A_1050 : i32 to vector<16xi32>
        %add3A_1052 = arith.addi %scan3A_306, %add3A_1051 : vector<16xi32>
        scf.yield %add3A_1052 : vector<16xi32>
      }
      %scan3A_303 = arith.constant 125 : i32
      "tpu.region"() ({
        %run_scoped3A = tpu.sem_alloc : memref<!tpu.dma_semaphore, #tpu.memory_space<semaphore_mem>>
        %dma_start3A_305 = tpu.memref_slice %arg8[%mul3A_295] : memref<1000000xi32, #tpu.memory_space<hbm>> -> memref<10000xi32, #tpu.memory_space<hbm>>
        %dma_start3A_306 = tpu.memref_slice %arg8[%mul3A_295] : memref<1000000xi32, #tpu.memory_space<hbm>> -> memref<10000xi32, #tpu.memory_space<hbm>>
        tpu.enqueue_dma source(%arg11 : memref<10000xi32, #tpu.memory_space<vmem>>) target(%dma_start3A_306 : memref<10000xi32, #tpu.memory_space<hbm>>) target_semaphore(%run_scoped3A : memref<!tpu.dma_semaphore, #tpu.memory_space<semaphore_mem>>)
        %dma_wait3A_307 = tpu.memref_slice %arg8[%mul3A_295] : memref<1000000xi32, #tpu.memory_space<hbm>> -> memref<10000xi32, #tpu.memory_space<hbm>>
        %dma_wait3A_308 = tpu.memref_slice %arg8[%mul3A_295] : memref<1000000xi32, #tpu.memory_space<hbm>> -> memref<10000xi32, #tpu.memory_space<hbm>>
        tpu.wait_dma2 semaphore(%run_scoped3A : memref<!tpu.dma_semaphore, #tpu.memory_space<semaphore_mem>>) src(%arg11 : memref<10000xi32, #tpu.memory_space<vmem>>) dst(%dma_wait3A_308 : memref<10000xi32, #tpu.memory_space<hbm>>)
        tpu.yield
      }) : () -> ()
      %while3A_304 = arith.constant 0 : i32
      scf.yield %while3A_304 : i32
    }
    %while3A_79 = arith.constant 1 : i32
    %while3A_80 = scf.for %while3A_289 = %while3A_76 to %while3A_72 step %while3A_79 iter_args(%while3A_290 = %while3A_78) -> (i32)  : i32 {
      %mul3A_291 = arith.constant 16 : i32
      %mul3A_292 = arith.muli %mul3A_291, %while3A_289 : i32
      %add3A_293 = arith.addi %arg1, %mul3A_292 : i32
      %mul3A_294 = arith.constant 10000 : i32
      %mul3A_295 = arith.muli %add3A_293, %mul3A_294 : i32
      "tpu.region"() ({
        %run_scoped3A = tpu.sem_alloc : memref<!tpu.dma_semaphore, #tpu.memory_space<semaphore_mem>>
        %dma_start3A_305 = tpu.memref_slice %arg2[%mul3A_295] : memref<1000000xi32, #tpu.memory_space<hbm>> -> memref<10000xi32, #tpu.memory_space<hbm>>
        %dma_start3A_306 = tpu.memref_slice %arg2[%mul3A_295] : memref<1000000xi32, #tpu.memory_space<hbm>> -> memref<10000xi32, #tpu.memory_space<hbm>>
        tpu.enqueue_dma source(%dma_start3A_306 : memref<10000xi32, #tpu.memory_space<hbm>>) target(%arg10 : memref<10000xi32, #tpu.memory_space<vmem>>) target_semaphore(%run_scoped3A : memref<!tpu.dma_semaphore, #tpu.memory_space<semaphore_mem>>)
        %dma_wait3A_307 = tpu.memref_slice %arg2[%mul3A_295] : memref<1000000xi32, #tpu.memory_space<hbm>> -> memref<10000xi32, #tpu.memory_space<hbm>>
        %dma_wait3A_308 = tpu.memref_slice %arg2[%mul3A_295] : memref<1000000xi32, #tpu.memory_space<hbm>> -> memref<10000xi32, #tpu.memory_space<hbm>>
        tpu.wait_dma2 semaphore(%run_scoped3A : memref<!tpu.dma_semaphore, #tpu.memory_space<semaphore_mem>>) src(%dma_wait3A_308 : memref<10000xi32, #tpu.memory_space<hbm>>) dst(%arg10 : memref<10000xi32, #tpu.memory_space<vmem>>)
        tpu.yield
      }) : () -> ()
      %add3A_296 = vector.broadcast %mul3A_295 : i32 to vector<16xi32>
      %add3A_297 = arith.addi %iota3A, %add3A_296 : vector<16xi32>
      %scan3A_298 = arith.constant 0 : i32
      %scan3A_299 = arith.constant 125 : i32
      %scan3A_300 = arith.addi %scan3A_298, %scan3A_299 : i32
      %scan3A_301 = arith.constant 1 : i32
      %scan3A_302 = scf.for %scan3A_305 = %scan3A_298 to %scan3A_300 step %scan3A_301 iter_args(%scan3A_306 = %add3A_297) -> (vector<16xi32>)  : i32 {
        %mul3A_307 = arith.constant 80 : i32
        %mul3A_308 = arith.muli %scan3A_305, %mul3A_307 : i32
        %add3A_309 = arith.constant 0 : i32
        %add3A_310 = arith.addi %mul3A_308, %add3A_309 : i32
        %get3A_311 = arith.index_cast %add3A_310 : i32 to index
        %get3A_312 = tpu.vector_load %arg10[%get3A_311] {strides = array<i32>} : memref<10000xi32, #tpu.memory_space<vmem>>, vector<16xi32>,
        %mul3A_313 = arith.constant 80 : i32
        %mul3A_314 = arith.muli %scan3A_305, %mul3A_313 : i32
        %add3A_315 = arith.constant 16 : i32
        %add3A_316 = arith.addi %mul3A_314, %add3A_315 : i32
        %get3A_317 = arith.index_cast %add3A_316 : i32 to index
        %get3A_318 = tpu.vector_load %arg10[%get3A_317] {strides = array<i32>} : memref<10000xi32, #tpu.memory_space<vmem>>, vector<16xi32>,
        %mul3A_319 = arith.constant 80 : i32
        %mul3A_320 = arith.muli %scan3A_305, %mul3A_319 : i32
        %add3A_321 = arith.constant 32 : i32
        %add3A_322 = arith.addi %mul3A_320, %add3A_321 : i32
        %get3A_323 = arith.index_cast %add3A_322 : i32 to index
        %get3A_324 = tpu.vector_load %arg10[%get3A_323] {strides = array<i32>} : memref<10000xi32, #tpu.memory_space<vmem>>, vector<16xi32>,
        %mul3A_325 = arith.constant 80 : i32
        %mul3A_326 = arith.muli %scan3A_305, %mul3A_325 : i32
        %add3A_327 = arith.constant 48 : i32
        %add3A_328 = arith.addi %mul3A_326, %add3A_327 : i32
        %get3A_329 = arith.index_cast %add3A_328 : i32 to index
        %get3A_330 = tpu.vector_load %arg10[%get3A_329] {strides = array<i32>} : memref<10000xi32, #tpu.memory_space<vmem>>, vector<16xi32>,
        %mul3A_331 = arith.constant 80 : i32
        %mul3A_332 = arith.muli %scan3A_305, %mul3A_331 : i32
        %add3A_333 = arith.constant 64 : i32
        %add3A_334 = arith.addi %mul3A_332, %add3A_333 : i32
        %get3A_335 = arith.index_cast %add3A_334 : i32 to index
        %get3A_336 = tpu.vector_load %arg10[%get3A_335] {strides = array<i32>} : memref<10000xi32, #tpu.memory_space<vmem>>, vector<16xi32>,
        %add3A_337 = arith.constant 0 : i32
        %add3A_338 = vector.broadcast %add3A_337 : i32 to vector<16xi32>
        %add3A_339 = arith.addi %scan3A_306, %add3A_338 : vector<16xi32>
        %broadcast_in_dim3A_340 = arith.constant 0 : i32
        %broadcast_in_dim3A_341 = vector.broadcast %broadcast_in_dim3A_340 : i32 to vector<16xi32>
        %le3A = arith.cmpi sle, %get3A_3, %add3A_339 : vector<16xi32>
        %jit3A_342 = arith.constant 1 : i32
        %jit3A_343 = arith.constant 0 : i32
        %broadcast_in_dim3A_344 = vector.broadcast %jit3A_342 : i32 to vector<16xi32>
        %broadcast_in_dim3A_345 = vector.broadcast %jit3A_343 : i32 to vector<16xi32>
        %select_n3A_346 = arith.select %le3A, %broadcast_in_dim3A_344, %broadcast_in_dim3A_345 : vector<16xi1>, vector<16xi32>
        %add3A_347 = arith.addi %broadcast_in_dim3A_341, %select_n3A_346 : vector<16xi32>
        %le3A_348 = arith.cmpi sle, %get3A_7, %add3A_339 : vector<16xi32>
        %jit3A_349 = arith.constant 1 : i32
        %jit3A_350 = arith.constant 0 : i32
        %broadcast_in_dim3A_351 = vector.broadcast %jit3A_349 : i32 to vector<16xi32>
        %broadcast_in_dim3A_352 = vector.broadcast %jit3A_350 : i32 to vector<16xi32>
        %select_n3A_353 = arith.select %le3A_348, %broadcast_in_dim3A_351, %broadcast_in_dim3A_352 : vector<16xi1>, vector<16xi32>
        %add3A_354 = arith.addi %add3A_347, %select_n3A_353 : vector<16xi32>
        %le3A_355 = arith.cmpi sle, %get3A_11, %add3A_339 : vector<16xi32>
        %jit3A_356 = arith.constant 1 : i32
        %jit3A_357 = arith.constant 0 : i32
        %broadcast_in_dim3A_358 = vector.broadcast %jit3A_356 : i32 to vector<16xi32>
        %broadcast_in_dim3A_359 = vector.broadcast %jit3A_357 : i32 to vector<16xi32>
        %select_n3A_360 = arith.select %le3A_355, %broadcast_in_dim3A_358, %broadcast_in_dim3A_359 : vector<16xi1>, vector<16xi32>
        %add3A_361 = arith.addi %add3A_354, %select_n3A_360 : vector<16xi32>
        %le3A_362 = arith.cmpi sle, %get3A_15, %add3A_339 : vector<16xi32>
        %jit3A_363 = arith.constant 1 : i32
        %jit3A_364 = arith.constant 0 : i32
        %broadcast_in_dim3A_365 = vector.broadcast %jit3A_363 : i32 to vector<16xi32>
        %broadcast_in_dim3A_366 = vector.broadcast %jit3A_364 : i32 to vector<16xi32>
        %select_n3A_367 = arith.select %le3A_362, %broadcast_in_dim3A_365, %broadcast_in_dim3A_366 : vector<16xi1>, vector<16xi32>
        %add3A_368 = arith.addi %add3A_361, %select_n3A_367 : vector<16xi32>
        %le3A_369 = arith.cmpi sle, %get3A_19, %add3A_339 : vector<16xi32>
        %jit3A_370 = arith.constant 1 : i32
        %jit3A_371 = arith.constant 0 : i32
        %broadcast_in_dim3A_372 = vector.broadcast %jit3A_370 : i32 to vector<16xi32>
        %broadcast_in_dim3A_373 = vector.broadcast %jit3A_371 : i32 to vector<16xi32>
        %select_n3A_374 = arith.select %le3A_369, %broadcast_in_dim3A_372, %broadcast_in_dim3A_373 : vector<16xi1>, vector<16xi32>
        %add3A_375 = arith.addi %add3A_368, %select_n3A_374 : vector<16xi32>
        %le3A_376 = arith.cmpi sle, %get3A_23, %add3A_339 : vector<16xi32>
        %jit3A_377 = arith.constant 1 : i32
        %jit3A_378 = arith.constant 0 : i32
        %broadcast_in_dim3A_379 = vector.broadcast %jit3A_377 : i32 to vector<16xi32>
        %broadcast_in_dim3A_380 = vector.broadcast %jit3A_378 : i32 to vector<16xi32>
        %select_n3A_381 = arith.select %le3A_376, %broadcast_in_dim3A_379, %broadcast_in_dim3A_380 : vector<16xi1>, vector<16xi32>
        %add3A_382 = arith.addi %add3A_375, %select_n3A_381 : vector<16xi32>
        %le3A_383 = arith.cmpi sle, %get3A_27, %add3A_339 : vector<16xi32>
        %jit3A_384 = arith.constant 1 : i32
        %jit3A_385 = arith.constant 0 : i32
        %broadcast_in_dim3A_386 = vector.broadcast %jit3A_384 : i32 to vector<16xi32>
        %broadcast_in_dim3A_387 = vector.broadcast %jit3A_385 : i32 to vector<16xi32>
        %select_n3A_388 = arith.select %le3A_383, %broadcast_in_dim3A_386, %broadcast_in_dim3A_387 : vector<16xi1>, vector<16xi32>
        %add3A_389 = arith.addi %add3A_382, %select_n3A_388 : vector<16xi32>
        %le3A_390 = arith.cmpi sle, %get3A_31, %add3A_339 : vector<16xi32>
        %jit3A_391 = arith.constant 1 : i32
        %jit3A_392 = arith.constant 0 : i32
        %broadcast_in_dim3A_393 = vector.broadcast %jit3A_391 : i32 to vector<16xi32>
        %broadcast_in_dim3A_394 = vector.broadcast %jit3A_392 : i32 to vector<16xi32>
        %select_n3A_395 = arith.select %le3A_390, %broadcast_in_dim3A_393, %broadcast_in_dim3A_394 : vector<16xi1>, vector<16xi32>
        %add3A_396 = arith.addi %add3A_389, %select_n3A_395 : vector<16xi32>
        %le3A_397 = arith.cmpi sle, %get3A_35, %add3A_339 : vector<16xi32>
        %jit3A_398 = arith.constant 1 : i32
        %jit3A_399 = arith.constant 0 : i32
        %broadcast_in_dim3A_400 = vector.broadcast %jit3A_398 : i32 to vector<16xi32>
        %broadcast_in_dim3A_401 = vector.broadcast %jit3A_399 : i32 to vector<16xi32>
        %select_n3A_402 = arith.select %le3A_397, %broadcast_in_dim3A_400, %broadcast_in_dim3A_401 : vector<16xi1>, vector<16xi32>
        %add3A_403 = arith.addi %add3A_396, %select_n3A_402 : vector<16xi32>
        %le3A_404 = arith.cmpi sle, %get3A_39, %add3A_339 : vector<16xi32>
        %jit3A_405 = arith.constant 1 : i32
        %jit3A_406 = arith.constant 0 : i32
        %broadcast_in_dim3A_407 = vector.broadcast %jit3A_405 : i32 to vector<16xi32>
        %broadcast_in_dim3A_408 = vector.broadcast %jit3A_406 : i32 to vector<16xi32>
        %select_n3A_409 = arith.select %le3A_404, %broadcast_in_dim3A_407, %broadcast_in_dim3A_408 : vector<16xi1>, vector<16xi32>
        %add3A_410 = arith.addi %add3A_403, %select_n3A_409 : vector<16xi32>
        %le3A_411 = arith.cmpi sle, %get3A_43, %add3A_339 : vector<16xi32>
        %jit3A_412 = arith.constant 1 : i32
        %jit3A_413 = arith.constant 0 : i32
        %broadcast_in_dim3A_414 = vector.broadcast %jit3A_412 : i32 to vector<16xi32>
        %broadcast_in_dim3A_415 = vector.broadcast %jit3A_413 : i32 to vector<16xi32>
        %select_n3A_416 = arith.select %le3A_411, %broadcast_in_dim3A_414, %broadcast_in_dim3A_415 : vector<16xi1>, vector<16xi32>
        %add3A_417 = arith.addi %add3A_410, %select_n3A_416 : vector<16xi32>
        %le3A_418 = arith.cmpi sle, %get3A_47, %add3A_339 : vector<16xi32>
        %jit3A_419 = arith.constant 1 : i32
        %jit3A_420 = arith.constant 0 : i32
        %broadcast_in_dim3A_421 = vector.broadcast %jit3A_419 : i32 to vector<16xi32>
        %broadcast_in_dim3A_422 = vector.broadcast %jit3A_420 : i32 to vector<16xi32>
        %select_n3A_423 = arith.select %le3A_418, %broadcast_in_dim3A_421, %broadcast_in_dim3A_422 : vector<16xi1>, vector<16xi32>
        %add3A_424 = arith.addi %add3A_417, %select_n3A_423 : vector<16xi32>
        %le3A_425 = arith.cmpi sle, %get3A_51, %add3A_339 : vector<16xi32>
        %jit3A_426 = arith.constant 1 : i32
        %jit3A_427 = arith.constant 0 : i32
        %broadcast_in_dim3A_428 = vector.broadcast %jit3A_426 : i32 to vector<16xi32>
        %broadcast_in_dim3A_429 = vector.broadcast %jit3A_427 : i32 to vector<16xi32>
        %select_n3A_430 = arith.select %le3A_425, %broadcast_in_dim3A_428, %broadcast_in_dim3A_429 : vector<16xi1>, vector<16xi32>
        %add3A_431 = arith.addi %add3A_424, %select_n3A_430 : vector<16xi32>
        %le3A_432 = arith.cmpi sle, %get3A_55, %add3A_339 : vector<16xi32>
        %jit3A_433 = arith.constant 1 : i32
        %jit3A_434 = arith.constant 0 : i32
        %broadcast_in_dim3A_435 = vector.broadcast %jit3A_433 : i32 to vector<16xi32>
        %broadcast_in_dim3A_436 = vector.broadcast %jit3A_434 : i32 to vector<16xi32>
        %select_n3A_437 = arith.select %le3A_432, %broadcast_in_dim3A_435, %broadcast_in_dim3A_436 : vector<16xi1>, vector<16xi32>
        %add3A_438 = arith.addi %add3A_431, %select_n3A_437 : vector<16xi32>
        %le3A_439 = arith.cmpi sle, %get3A_59, %add3A_339 : vector<16xi32>
        %jit3A_440 = arith.constant 1 : i32
        %jit3A_441 = arith.constant 0 : i32
        %broadcast_in_dim3A_442 = vector.broadcast %jit3A_440 : i32 to vector<16xi32>
        %broadcast_in_dim3A_443 = vector.broadcast %jit3A_441 : i32 to vector<16xi32>
        %select_n3A_444 = arith.select %le3A_439, %broadcast_in_dim3A_442, %broadcast_in_dim3A_443 : vector<16xi1>, vector<16xi32>
        %add3A_445 = arith.addi %add3A_438, %select_n3A_444 : vector<16xi32>
        %le3A_446 = arith.cmpi sle, %get3A_63, %add3A_339 : vector<16xi32>
        %jit3A_447 = arith.constant 1 : i32
        %jit3A_448 = arith.constant 0 : i32
        %broadcast_in_dim3A_449 = vector.broadcast %jit3A_447 : i32 to vector<16xi32>
        %broadcast_in_dim3A_450 = vector.broadcast %jit3A_448 : i32 to vector<16xi32>
        %select_n3A_451 = arith.select %le3A_446, %broadcast_in_dim3A_449, %broadcast_in_dim3A_450 : vector<16xi1>, vector<16xi32>
        %add3A_452 = arith.addi %add3A_445, %select_n3A_451 : vector<16xi32>
        %le3A_453 = arith.cmpi sle, %get3A_67, %add3A_339 : vector<16xi32>
        %jit3A_454 = arith.constant 1 : i32
        %jit3A_455 = arith.constant 0 : i32
        %broadcast_in_dim3A_456 = vector.broadcast %jit3A_454 : i32 to vector<16xi32>
        %broadcast_in_dim3A_457 = vector.broadcast %jit3A_455 : i32 to vector<16xi32>
        %select_n3A_458 = arith.select %le3A_453, %broadcast_in_dim3A_456, %broadcast_in_dim3A_457 : vector<16xi1>, vector<16xi32>
        %add3A_459 = arith.addi %add3A_452, %select_n3A_458 : vector<16xi32>
        %mul3A_460 = arith.constant 1024 : i32
        %mul3A_461 = vector.broadcast %mul3A_460 : i32 to vector<16xi32>
        %mul3A_462 = arith.muli %add3A_459, %mul3A_461 : vector<16xi32>
        %add3A_463 = arith.addi %get3A_312, %mul3A_462 : vector<16xi32>
        %ge3A_464 = arith.constant 1000448 : i32
        %ge3A_465 = vector.broadcast %ge3A_464 : i32 to vector<16xi32>
        %ge3A_466 = arith.cmpi sge, %add3A_463, %ge3A_465 : vector<16xi32>
        %jit3A_467 = arith.constant 1000448 : i32
        %jit3A_468 = arith.constant 0 : i32
        %broadcast_in_dim3A_469 = vector.broadcast %jit3A_467 : i32 to vector<16xi32>
        %broadcast_in_dim3A_470 = vector.broadcast %jit3A_468 : i32 to vector<16xi32>
        %select_n3A_471 = arith.select %ge3A_466, %broadcast_in_dim3A_469, %broadcast_in_dim3A_470 : vector<16xi1>, vector<16xi32>
        %sub3A = arith.subi %add3A_463, %select_n3A_471 : vector<16xi32>
        %mul3A_472 = arith.constant 80 : i32
        %mul3A_473 = arith.muli %scan3A_305, %mul3A_472 : i32
        %add3A_474 = arith.constant 0 : i32
        %add3A_475 = arith.addi %mul3A_473, %add3A_474 : i32
        %swap3A_476 = arith.index_cast %add3A_475 : i32 to index
        %swap3A_477 = tpu.vector_load %arg11[%swap3A_476] {strides = array<i32>} : memref<10000xi32, #tpu.memory_space<vmem>>, vector<16xi32>,
        tpu.vector_store %arg11[%swap3A_476], %sub3A {strides = array<i32>} : memref<10000xi32, #tpu.memory_space<vmem>>, vector<16xi32>,
        %add3A_478 = arith.constant 16 : i32
        %add3A_479 = vector.broadcast %add3A_478 : i32 to vector<16xi32>
        %add3A_480 = arith.addi %scan3A_306, %add3A_479 : vector<16xi32>
        %broadcast_in_dim3A_481 = arith.constant 0 : i32
        %broadcast_in_dim3A_482 = vector.broadcast %broadcast_in_dim3A_481 : i32 to vector<16xi32>
        %le3A_483 = arith.cmpi sle, %get3A_3, %add3A_480 : vector<16xi32>
        %jit3A_484 = arith.constant 1 : i32
        %jit3A_485 = arith.constant 0 : i32
        %broadcast_in_dim3A_486 = vector.broadcast %jit3A_484 : i32 to vector<16xi32>
        %broadcast_in_dim3A_487 = vector.broadcast %jit3A_485 : i32 to vector<16xi32>
        %select_n3A_488 = arith.select %le3A_483, %broadcast_in_dim3A_486, %broadcast_in_dim3A_487 : vector<16xi1>, vector<16xi32>
        %add3A_489 = arith.addi %broadcast_in_dim3A_482, %select_n3A_488 : vector<16xi32>
        %le3A_490 = arith.cmpi sle, %get3A_7, %add3A_480 : vector<16xi32>
        %jit3A_491 = arith.constant 1 : i32
        %jit3A_492 = arith.constant 0 : i32
        %broadcast_in_dim3A_493 = vector.broadcast %jit3A_491 : i32 to vector<16xi32>
        %broadcast_in_dim3A_494 = vector.broadcast %jit3A_492 : i32 to vector<16xi32>
        %select_n3A_495 = arith.select %le3A_490, %broadcast_in_dim3A_493, %broadcast_in_dim3A_494 : vector<16xi1>, vector<16xi32>
        %add3A_496 = arith.addi %add3A_489, %select_n3A_495 : vector<16xi32>
        %le3A_497 = arith.cmpi sle, %get3A_11, %add3A_480 : vector<16xi32>
        %jit3A_498 = arith.constant 1 : i32
        %jit3A_499 = arith.constant 0 : i32
        %broadcast_in_dim3A_500 = vector.broadcast %jit3A_498 : i32 to vector<16xi32>
        %broadcast_in_dim3A_501 = vector.broadcast %jit3A_499 : i32 to vector<16xi32>
        %select_n3A_502 = arith.select %le3A_497, %broadcast_in_dim3A_500, %broadcast_in_dim3A_501 : vector<16xi1>, vector<16xi32>
        %add3A_503 = arith.addi %add3A_496, %select_n3A_502 : vector<16xi32>
        %le3A_504 = arith.cmpi sle, %get3A_15, %add3A_480 : vector<16xi32>
        %jit3A_505 = arith.constant 1 : i32
        %jit3A_506 = arith.constant 0 : i32
        %broadcast_in_dim3A_507 = vector.broadcast %jit3A_505 : i32 to vector<16xi32>
        %broadcast_in_dim3A_508 = vector.broadcast %jit3A_506 : i32 to vector<16xi32>
        %select_n3A_509 = arith.select %le3A_504, %broadcast_in_dim3A_507, %broadcast_in_dim3A_508 : vector<16xi1>, vector<16xi32>
        %add3A_510 = arith.addi %add3A_503, %select_n3A_509 : vector<16xi32>
        %le3A_511 = arith.cmpi sle, %get3A_19, %add3A_480 : vector<16xi32>
        %jit3A_512 = arith.constant 1 : i32
        %jit3A_513 = arith.constant 0 : i32
        %broadcast_in_dim3A_514 = vector.broadcast %jit3A_512 : i32 to vector<16xi32>
        %broadcast_in_dim3A_515 = vector.broadcast %jit3A_513 : i32 to vector<16xi32>
        %select_n3A_516 = arith.select %le3A_511, %broadcast_in_dim3A_514, %broadcast_in_dim3A_515 : vector<16xi1>, vector<16xi32>
        %add3A_517 = arith.addi %add3A_510, %select_n3A_516 : vector<16xi32>
        %le3A_518 = arith.cmpi sle, %get3A_23, %add3A_480 : vector<16xi32>
        %jit3A_519 = arith.constant 1 : i32
        %jit3A_520 = arith.constant 0 : i32
        %broadcast_in_dim3A_521 = vector.broadcast %jit3A_519 : i32 to vector<16xi32>
        %broadcast_in_dim3A_522 = vector.broadcast %jit3A_520 : i32 to vector<16xi32>
        %select_n3A_523 = arith.select %le3A_518, %broadcast_in_dim3A_521, %broadcast_in_dim3A_522 : vector<16xi1>, vector<16xi32>
        %add3A_524 = arith.addi %add3A_517, %select_n3A_523 : vector<16xi32>
        %le3A_525 = arith.cmpi sle, %get3A_27, %add3A_480 : vector<16xi32>
        %jit3A_526 = arith.constant 1 : i32
        %jit3A_527 = arith.constant 0 : i32
        %broadcast_in_dim3A_528 = vector.broadcast %jit3A_526 : i32 to vector<16xi32>
        %broadcast_in_dim3A_529 = vector.broadcast %jit3A_527 : i32 to vector<16xi32>
        %select_n3A_530 = arith.select %le3A_525, %broadcast_in_dim3A_528, %broadcast_in_dim3A_529 : vector<16xi1>, vector<16xi32>
        %add3A_531 = arith.addi %add3A_524, %select_n3A_530 : vector<16xi32>
        %le3A_532 = arith.cmpi sle, %get3A_31, %add3A_480 : vector<16xi32>
        %jit3A_533 = arith.constant 1 : i32
        %jit3A_534 = arith.constant 0 : i32
        %broadcast_in_dim3A_535 = vector.broadcast %jit3A_533 : i32 to vector<16xi32>
        %broadcast_in_dim3A_536 = vector.broadcast %jit3A_534 : i32 to vector<16xi32>
        %select_n3A_537 = arith.select %le3A_532, %broadcast_in_dim3A_535, %broadcast_in_dim3A_536 : vector<16xi1>, vector<16xi32>
        %add3A_538 = arith.addi %add3A_531, %select_n3A_537 : vector<16xi32>
        %le3A_539 = arith.cmpi sle, %get3A_35, %add3A_480 : vector<16xi32>
        %jit3A_540 = arith.constant 1 : i32
        %jit3A_541 = arith.constant 0 : i32
        %broadcast_in_dim3A_542 = vector.broadcast %jit3A_540 : i32 to vector<16xi32>
        %broadcast_in_dim3A_543 = vector.broadcast %jit3A_541 : i32 to vector<16xi32>
        %select_n3A_544 = arith.select %le3A_539, %broadcast_in_dim3A_542, %broadcast_in_dim3A_543 : vector<16xi1>, vector<16xi32>
        %add3A_545 = arith.addi %add3A_538, %select_n3A_544 : vector<16xi32>
        %le3A_546 = arith.cmpi sle, %get3A_39, %add3A_480 : vector<16xi32>
        %jit3A_547 = arith.constant 1 : i32
        %jit3A_548 = arith.constant 0 : i32
        %broadcast_in_dim3A_549 = vector.broadcast %jit3A_547 : i32 to vector<16xi32>
        %broadcast_in_dim3A_550 = vector.broadcast %jit3A_548 : i32 to vector<16xi32>
        %select_n3A_551 = arith.select %le3A_546, %broadcast_in_dim3A_549, %broadcast_in_dim3A_550 : vector<16xi1>, vector<16xi32>
        %add3A_552 = arith.addi %add3A_545, %select_n3A_551 : vector<16xi32>
        %le3A_553 = arith.cmpi sle, %get3A_43, %add3A_480 : vector<16xi32>
        %jit3A_554 = arith.constant 1 : i32
        %jit3A_555 = arith.constant 0 : i32
        %broadcast_in_dim3A_556 = vector.broadcast %jit3A_554 : i32 to vector<16xi32>
        %broadcast_in_dim3A_557 = vector.broadcast %jit3A_555 : i32 to vector<16xi32>
        %select_n3A_558 = arith.select %le3A_553, %broadcast_in_dim3A_556, %broadcast_in_dim3A_557 : vector<16xi1>, vector<16xi32>
        %add3A_559 = arith.addi %add3A_552, %select_n3A_558 : vector<16xi32>
        %le3A_560 = arith.cmpi sle, %get3A_47, %add3A_480 : vector<16xi32>
        %jit3A_561 = arith.constant 1 : i32
        %jit3A_562 = arith.constant 0 : i32
        %broadcast_in_dim3A_563 = vector.broadcast %jit3A_561 : i32 to vector<16xi32>
        %broadcast_in_dim3A_564 = vector.broadcast %jit3A_562 : i32 to vector<16xi32>
        %select_n3A_565 = arith.select %le3A_560, %broadcast_in_dim3A_563, %broadcast_in_dim3A_564 : vector<16xi1>, vector<16xi32>
        %add3A_566 = arith.addi %add3A_559, %select_n3A_565 : vector<16xi32>
        %le3A_567 = arith.cmpi sle, %get3A_51, %add3A_480 : vector<16xi32>
        %jit3A_568 = arith.constant 1 : i32
        %jit3A_569 = arith.constant 0 : i32
        %broadcast_in_dim3A_570 = vector.broadcast %jit3A_568 : i32 to vector<16xi32>
        %broadcast_in_dim3A_571 = vector.broadcast %jit3A_569 : i32 to vector<16xi32>
        %select_n3A_572 = arith.select %le3A_567, %broadcast_in_dim3A_570, %broadcast_in_dim3A_571 : vector<16xi1>, vector<16xi32>
        %add3A_573 = arith.addi %add3A_566, %select_n3A_572 : vector<16xi32>
        %le3A_574 = arith.cmpi sle, %get3A_55, %add3A_480 : vector<16xi32>
        %jit3A_575 = arith.constant 1 : i32
        %jit3A_576 = arith.constant 0 : i32
        %broadcast_in_dim3A_577 = vector.broadcast %jit3A_575 : i32 to vector<16xi32>
        %broadcast_in_dim3A_578 = vector.broadcast %jit3A_576 : i32 to vector<16xi32>
        %select_n3A_579 = arith.select %le3A_574, %broadcast_in_dim3A_577, %broadcast_in_dim3A_578 : vector<16xi1>, vector<16xi32>
        %add3A_580 = arith.addi %add3A_573, %select_n3A_579 : vector<16xi32>
        %le3A_581 = arith.cmpi sle, %get3A_59, %add3A_480 : vector<16xi32>
        %jit3A_582 = arith.constant 1 : i32
        %jit3A_583 = arith.constant 0 : i32
        %broadcast_in_dim3A_584 = vector.broadcast %jit3A_582 : i32 to vector<16xi32>
        %broadcast_in_dim3A_585 = vector.broadcast %jit3A_583 : i32 to vector<16xi32>
        %select_n3A_586 = arith.select %le3A_581, %broadcast_in_dim3A_584, %broadcast_in_dim3A_585 : vector<16xi1>, vector<16xi32>
        %add3A_587 = arith.addi %add3A_580, %select_n3A_586 : vector<16xi32>
        %le3A_588 = arith.cmpi sle, %get3A_63, %add3A_480 : vector<16xi32>
        %jit3A_589 = arith.constant 1 : i32
        %jit3A_590 = arith.constant 0 : i32
        %broadcast_in_dim3A_591 = vector.broadcast %jit3A_589 : i32 to vector<16xi32>
        %broadcast_in_dim3A_592 = vector.broadcast %jit3A_590 : i32 to vector<16xi32>
        %select_n3A_593 = arith.select %le3A_588, %broadcast_in_dim3A_591, %broadcast_in_dim3A_592 : vector<16xi1>, vector<16xi32>
        %add3A_594 = arith.addi %add3A_587, %select_n3A_593 : vector<16xi32>
        %le3A_595 = arith.cmpi sle, %get3A_67, %add3A_480 : vector<16xi32>
        %jit3A_596 = arith.constant 1 : i32
        %jit3A_597 = arith.constant 0 : i32
        %broadcast_in_dim3A_598 = vector.broadcast %jit3A_596 : i32 to vector<16xi32>
        %broadcast_in_dim3A_599 = vector.broadcast %jit3A_597 : i32 to vector<16xi32>
        %select_n3A_600 = arith.select %le3A_595, %broadcast_in_dim3A_598, %broadcast_in_dim3A_599 : vector<16xi1>, vector<16xi32>
        %add3A_601 = arith.addi %add3A_594, %select_n3A_600 : vector<16xi32>
        %mul3A_602 = arith.constant 1024 : i32
        %mul3A_603 = vector.broadcast %mul3A_602 : i32 to vector<16xi32>
        %mul3A_604 = arith.muli %add3A_601, %mul3A_603 : vector<16xi32>
        %add3A_605 = arith.addi %get3A_318, %mul3A_604 : vector<16xi32>
        %ge3A_606 = arith.constant 1000448 : i32
        %ge3A_607 = vector.broadcast %ge3A_606 : i32 to vector<16xi32>
        %ge3A_608 = arith.cmpi sge, %add3A_605, %ge3A_607 : vector<16xi32>
        %jit3A_609 = arith.constant 1000448 : i32
        %jit3A_610 = arith.constant 0 : i32
        %broadcast_in_dim3A_611 = vector.broadcast %jit3A_609 : i32 to vector<16xi32>
        %broadcast_in_dim3A_612 = vector.broadcast %jit3A_610 : i32 to vector<16xi32>
        %select_n3A_613 = arith.select %ge3A_608, %broadcast_in_dim3A_611, %broadcast_in_dim3A_612 : vector<16xi1>, vector<16xi32>
        %sub3A_614 = arith.subi %add3A_605, %select_n3A_613 : vector<16xi32>
        %mul3A_615 = arith.constant 80 : i32
        %mul3A_616 = arith.muli %scan3A_305, %mul3A_615 : i32
        %add3A_617 = arith.constant 16 : i32
        %add3A_618 = arith.addi %mul3A_616, %add3A_617 : i32
        %swap3A_619 = arith.index_cast %add3A_618 : i32 to index
        %swap3A_620 = tpu.vector_load %arg11[%swap3A_619] {strides = array<i32>} : memref<10000xi32, #tpu.memory_space<vmem>>, vector<16xi32>,
        tpu.vector_store %arg11[%swap3A_619], %sub3A_614 {strides = array<i32>} : memref<10000xi32, #tpu.memory_space<vmem>>, vector<16xi32>,
        %add3A_621 = arith.constant 32 : i32
        %add3A_622 = vector.broadcast %add3A_621 : i32 to vector<16xi32>
        %add3A_623 = arith.addi %scan3A_306, %add3A_622 : vector<16xi32>
        %broadcast_in_dim3A_624 = arith.constant 0 : i32
        %broadcast_in_dim3A_625 = vector.broadcast %broadcast_in_dim3A_624 : i32 to vector<16xi32>
        %le3A_626 = arith.cmpi sle, %get3A_3, %add3A_623 : vector<16xi32>
        %jit3A_627 = arith.constant 1 : i32
        %jit3A_628 = arith.constant 0 : i32
        %broadcast_in_dim3A_629 = vector.broadcast %jit3A_627 : i32 to vector<16xi32>
        %broadcast_in_dim3A_630 = vector.broadcast %jit3A_628 : i32 to vector<16xi32>
        %select_n3A_631 = arith.select %le3A_626, %broadcast_in_dim3A_629, %broadcast_in_dim3A_630 : vector<16xi1>, vector<16xi32>
        %add3A_632 = arith.addi %broadcast_in_dim3A_625, %select_n3A_631 : vector<16xi32>
        %le3A_633 = arith.cmpi sle, %get3A_7, %add3A_623 : vector<16xi32>
        %jit3A_634 = arith.constant 1 : i32
        %jit3A_635 = arith.constant 0 : i32
        %broadcast_in_dim3A_636 = vector.broadcast %jit3A_634 : i32 to vector<16xi32>
        %broadcast_in_dim3A_637 = vector.broadcast %jit3A_635 : i32 to vector<16xi32>
        %select_n3A_638 = arith.select %le3A_633, %broadcast_in_dim3A_636, %broadcast_in_dim3A_637 : vector<16xi1>, vector<16xi32>
        %add3A_639 = arith.addi %add3A_632, %select_n3A_638 : vector<16xi32>
        %le3A_640 = arith.cmpi sle, %get3A_11, %add3A_623 : vector<16xi32>
        %jit3A_641 = arith.constant 1 : i32
        %jit3A_642 = arith.constant 0 : i32
        %broadcast_in_dim3A_643 = vector.broadcast %jit3A_641 : i32 to vector<16xi32>
        %broadcast_in_dim3A_644 = vector.broadcast %jit3A_642 : i32 to vector<16xi32>
        %select_n3A_645 = arith.select %le3A_640, %broadcast_in_dim3A_643, %broadcast_in_dim3A_644 : vector<16xi1>, vector<16xi32>
        %add3A_646 = arith.addi %add3A_639, %select_n3A_645 : vector<16xi32>
        %le3A_647 = arith.cmpi sle, %get3A_15, %add3A_623 : vector<16xi32>
        %jit3A_648 = arith.constant 1 : i32
        %jit3A_649 = arith.constant 0 : i32
        %broadcast_in_dim3A_650 = vector.broadcast %jit3A_648 : i32 to vector<16xi32>
        %broadcast_in_dim3A_651 = vector.broadcast %jit3A_649 : i32 to vector<16xi32>
        %select_n3A_652 = arith.select %le3A_647, %broadcast_in_dim3A_650, %broadcast_in_dim3A_651 : vector<16xi1>, vector<16xi32>
        %add3A_653 = arith.addi %add3A_646, %select_n3A_652 : vector<16xi32>
        %le3A_654 = arith.cmpi sle, %get3A_19, %add3A_623 : vector<16xi32>
        %jit3A_655 = arith.constant 1 : i32
        %jit3A_656 = arith.constant 0 : i32
        %broadcast_in_dim3A_657 = vector.broadcast %jit3A_655 : i32 to vector<16xi32>
        %broadcast_in_dim3A_658 = vector.broadcast %jit3A_656 : i32 to vector<16xi32>
        %select_n3A_659 = arith.select %le3A_654, %broadcast_in_dim3A_657, %broadcast_in_dim3A_658 : vector<16xi1>, vector<16xi32>
        %add3A_660 = arith.addi %add3A_653, %select_n3A_659 : vector<16xi32>
        %le3A_661 = arith.cmpi sle, %get3A_23, %add3A_623 : vector<16xi32>
        %jit3A_662 = arith.constant 1 : i32
        %jit3A_663 = arith.constant 0 : i32
        %broadcast_in_dim3A_664 = vector.broadcast %jit3A_662 : i32 to vector<16xi32>
        %broadcast_in_dim3A_665 = vector.broadcast %jit3A_663 : i32 to vector<16xi32>
        %select_n3A_666 = arith.select %le3A_661, %broadcast_in_dim3A_664, %broadcast_in_dim3A_665 : vector<16xi1>, vector<16xi32>
        %add3A_667 = arith.addi %add3A_660, %select_n3A_666 : vector<16xi32>
        %le3A_668 = arith.cmpi sle, %get3A_27, %add3A_623 : vector<16xi32>
        %jit3A_669 = arith.constant 1 : i32
        %jit3A_670 = arith.constant 0 : i32
        %broadcast_in_dim3A_671 = vector.broadcast %jit3A_669 : i32 to vector<16xi32>
        %broadcast_in_dim3A_672 = vector.broadcast %jit3A_670 : i32 to vector<16xi32>
        %select_n3A_673 = arith.select %le3A_668, %broadcast_in_dim3A_671, %broadcast_in_dim3A_672 : vector<16xi1>, vector<16xi32>
        %add3A_674 = arith.addi %add3A_667, %select_n3A_673 : vector<16xi32>
        %le3A_675 = arith.cmpi sle, %get3A_31, %add3A_623 : vector<16xi32>
        %jit3A_676 = arith.constant 1 : i32
        %jit3A_677 = arith.constant 0 : i32
        %broadcast_in_dim3A_678 = vector.broadcast %jit3A_676 : i32 to vector<16xi32>
        %broadcast_in_dim3A_679 = vector.broadcast %jit3A_677 : i32 to vector<16xi32>
        %select_n3A_680 = arith.select %le3A_675, %broadcast_in_dim3A_678, %broadcast_in_dim3A_679 : vector<16xi1>, vector<16xi32>
        %add3A_681 = arith.addi %add3A_674, %select_n3A_680 : vector<16xi32>
        %le3A_682 = arith.cmpi sle, %get3A_35, %add3A_623 : vector<16xi32>
        %jit3A_683 = arith.constant 1 : i32
        %jit3A_684 = arith.constant 0 : i32
        %broadcast_in_dim3A_685 = vector.broadcast %jit3A_683 : i32 to vector<16xi32>
        %broadcast_in_dim3A_686 = vector.broadcast %jit3A_684 : i32 to vector<16xi32>
        %select_n3A_687 = arith.select %le3A_682, %broadcast_in_dim3A_685, %broadcast_in_dim3A_686 : vector<16xi1>, vector<16xi32>
        %add3A_688 = arith.addi %add3A_681, %select_n3A_687 : vector<16xi32>
        %le3A_689 = arith.cmpi sle, %get3A_39, %add3A_623 : vector<16xi32>
        %jit3A_690 = arith.constant 1 : i32
        %jit3A_691 = arith.constant 0 : i32
        %broadcast_in_dim3A_692 = vector.broadcast %jit3A_690 : i32 to vector<16xi32>
        %broadcast_in_dim3A_693 = vector.broadcast %jit3A_691 : i32 to vector<16xi32>
        %select_n3A_694 = arith.select %le3A_689, %broadcast_in_dim3A_692, %broadcast_in_dim3A_693 : vector<16xi1>, vector<16xi32>
        %add3A_695 = arith.addi %add3A_688, %select_n3A_694 : vector<16xi32>
        %le3A_696 = arith.cmpi sle, %get3A_43, %add3A_623 : vector<16xi32>
        %jit3A_697 = arith.constant 1 : i32
        %jit3A_698 = arith.constant 0 : i32
        %broadcast_in_dim3A_699 = vector.broadcast %jit3A_697 : i32 to vector<16xi32>
        %broadcast_in_dim3A_700 = vector.broadcast %jit3A_698 : i32 to vector<16xi32>
        %select_n3A_701 = arith.select %le3A_696, %broadcast_in_dim3A_699, %broadcast_in_dim3A_700 : vector<16xi1>, vector<16xi32>
        %add3A_702 = arith.addi %add3A_695, %select_n3A_701 : vector<16xi32>
        %le3A_703 = arith.cmpi sle, %get3A_47, %add3A_623 : vector<16xi32>
        %jit3A_704 = arith.constant 1 : i32
        %jit3A_705 = arith.constant 0 : i32
        %broadcast_in_dim3A_706 = vector.broadcast %jit3A_704 : i32 to vector<16xi32>
        %broadcast_in_dim3A_707 = vector.broadcast %jit3A_705 : i32 to vector<16xi32>
        %select_n3A_708 = arith.select %le3A_703, %broadcast_in_dim3A_706, %broadcast_in_dim3A_707 : vector<16xi1>, vector<16xi32>
        %add3A_709 = arith.addi %add3A_702, %select_n3A_708 : vector<16xi32>
        %le3A_710 = arith.cmpi sle, %get3A_51, %add3A_623 : vector<16xi32>
        %jit3A_711 = arith.constant 1 : i32
        %jit3A_712 = arith.constant 0 : i32
        %broadcast_in_dim3A_713 = vector.broadcast %jit3A_711 : i32 to vector<16xi32>
        %broadcast_in_dim3A_714 = vector.broadcast %jit3A_712 : i32 to vector<16xi32>
        %select_n3A_715 = arith.select %le3A_710, %broadcast_in_dim3A_713, %broadcast_in_dim3A_714 : vector<16xi1>, vector<16xi32>
        %add3A_716 = arith.addi %add3A_709, %select_n3A_715 : vector<16xi32>
        %le3A_717 = arith.cmpi sle, %get3A_55, %add3A_623 : vector<16xi32>
        %jit3A_718 = arith.constant 1 : i32
        %jit3A_719 = arith.constant 0 : i32
        %broadcast_in_dim3A_720 = vector.broadcast %jit3A_718 : i32 to vector<16xi32>
        %broadcast_in_dim3A_721 = vector.broadcast %jit3A_719 : i32 to vector<16xi32>
        %select_n3A_722 = arith.select %le3A_717, %broadcast_in_dim3A_720, %broadcast_in_dim3A_721 : vector<16xi1>, vector<16xi32>
        %add3A_723 = arith.addi %add3A_716, %select_n3A_722 : vector<16xi32>
        %le3A_724 = arith.cmpi sle, %get3A_59, %add3A_623 : vector<16xi32>
        %jit3A_725 = arith.constant 1 : i32
        %jit3A_726 = arith.constant 0 : i32
        %broadcast_in_dim3A_727 = vector.broadcast %jit3A_725 : i32 to vector<16xi32>
        %broadcast_in_dim3A_728 = vector.broadcast %jit3A_726 : i32 to vector<16xi32>
        %select_n3A_729 = arith.select %le3A_724, %broadcast_in_dim3A_727, %broadcast_in_dim3A_728 : vector<16xi1>, vector<16xi32>
        %add3A_730 = arith.addi %add3A_723, %select_n3A_729 : vector<16xi32>
        %le3A_731 = arith.cmpi sle, %get3A_63, %add3A_623 : vector<16xi32>
        %jit3A_732 = arith.constant 1 : i32
        %jit3A_733 = arith.constant 0 : i32
        %broadcast_in_dim3A_734 = vector.broadcast %jit3A_732 : i32 to vector<16xi32>
        %broadcast_in_dim3A_735 = vector.broadcast %jit3A_733 : i32 to vector<16xi32>
        %select_n3A_736 = arith.select %le3A_731, %broadcast_in_dim3A_734, %broadcast_in_dim3A_735 : vector<16xi1>, vector<16xi32>
        %add3A_737 = arith.addi %add3A_730, %select_n3A_736 : vector<16xi32>
        %le3A_738 = arith.cmpi sle, %get3A_67, %add3A_623 : vector<16xi32>
        %jit3A_739 = arith.constant 1 : i32
        %jit3A_740 = arith.constant 0 : i32
        %broadcast_in_dim3A_741 = vector.broadcast %jit3A_739 : i32 to vector<16xi32>
        %broadcast_in_dim3A_742 = vector.broadcast %jit3A_740 : i32 to vector<16xi32>
        %select_n3A_743 = arith.select %le3A_738, %broadcast_in_dim3A_741, %broadcast_in_dim3A_742 : vector<16xi1>, vector<16xi32>
        %add3A_744 = arith.addi %add3A_737, %select_n3A_743 : vector<16xi32>
        %mul3A_745 = arith.constant 1024 : i32
        %mul3A_746 = vector.broadcast %mul3A_745 : i32 to vector<16xi32>
        %mul3A_747 = arith.muli %add3A_744, %mul3A_746 : vector<16xi32>
        %add3A_748 = arith.addi %get3A_324, %mul3A_747 : vector<16xi32>
        %ge3A_749 = arith.constant 1000448 : i32
        %ge3A_750 = vector.broadcast %ge3A_749 : i32 to vector<16xi32>
        %ge3A_751 = arith.cmpi sge, %add3A_748, %ge3A_750 : vector<16xi32>
        %jit3A_752 = arith.constant 1000448 : i32
        %jit3A_753 = arith.constant 0 : i32
        %broadcast_in_dim3A_754 = vector.broadcast %jit3A_752 : i32 to vector<16xi32>
        %broadcast_in_dim3A_755 = vector.broadcast %jit3A_753 : i32 to vector<16xi32>
        %select_n3A_756 = arith.select %ge3A_751, %broadcast_in_dim3A_754, %broadcast_in_dim3A_755 : vector<16xi1>, vector<16xi32>
        %sub3A_757 = arith.subi %add3A_748, %select_n3A_756 : vector<16xi32>
        %mul3A_758 = arith.constant 80 : i32
        %mul3A_759 = arith.muli %scan3A_305, %mul3A_758 : i32
        %add3A_760 = arith.constant 32 : i32
        %add3A_761 = arith.addi %mul3A_759, %add3A_760 : i32
        %swap3A_762 = arith.index_cast %add3A_761 : i32 to index
        %swap3A_763 = tpu.vector_load %arg11[%swap3A_762] {strides = array<i32>} : memref<10000xi32, #tpu.memory_space<vmem>>, vector<16xi32>,
        tpu.vector_store %arg11[%swap3A_762], %sub3A_757 {strides = array<i32>} : memref<10000xi32, #tpu.memory_space<vmem>>, vector<16xi32>,
        %add3A_764 = arith.constant 48 : i32
        %add3A_765 = vector.broadcast %add3A_764 : i32 to vector<16xi32>
        %add3A_766 = arith.addi %scan3A_306, %add3A_765 : vector<16xi32>
        %broadcast_in_dim3A_767 = arith.constant 0 : i32
        %broadcast_in_dim3A_768 = vector.broadcast %broadcast_in_dim3A_767 : i32 to vector<16xi32>
        %le3A_769 = arith.cmpi sle, %get3A_3, %add3A_766 : vector<16xi32>
        %jit3A_770 = arith.constant 1 : i32
        %jit3A_771 = arith.constant 0 : i32
        %broadcast_in_dim3A_772 = vector.broadcast %jit3A_770 : i32 to vector<16xi32>
        %broadcast_in_dim3A_773 = vector.broadcast %jit3A_771 : i32 to vector<16xi32>
        %select_n3A_774 = arith.select %le3A_769, %broadcast_in_dim3A_772, %broadcast_in_dim3A_773 : vector<16xi1>, vector<16xi32>
        %add3A_775 = arith.addi %broadcast_in_dim3A_768, %select_n3A_774 : vector<16xi32>
        %le3A_776 = arith.cmpi sle, %get3A_7, %add3A_766 : vector<16xi32>
        %jit3A_777 = arith.constant 1 : i32
        %jit3A_778 = arith.constant 0 : i32
        %broadcast_in_dim3A_779 = vector.broadcast %jit3A_777 : i32 to vector<16xi32>
        %broadcast_in_dim3A_780 = vector.broadcast %jit3A_778 : i32 to vector<16xi32>
        %select_n3A_781 = arith.select %le3A_776, %broadcast_in_dim3A_779, %broadcast_in_dim3A_780 : vector<16xi1>, vector<16xi32>
        %add3A_782 = arith.addi %add3A_775, %select_n3A_781 : vector<16xi32>
        %le3A_783 = arith.cmpi sle, %get3A_11, %add3A_766 : vector<16xi32>
        %jit3A_784 = arith.constant 1 : i32
        %jit3A_785 = arith.constant 0 : i32
        %broadcast_in_dim3A_786 = vector.broadcast %jit3A_784 : i32 to vector<16xi32>
        %broadcast_in_dim3A_787 = vector.broadcast %jit3A_785 : i32 to vector<16xi32>
        %select_n3A_788 = arith.select %le3A_783, %broadcast_in_dim3A_786, %broadcast_in_dim3A_787 : vector<16xi1>, vector<16xi32>
        %add3A_789 = arith.addi %add3A_782, %select_n3A_788 : vector<16xi32>
        %le3A_790 = arith.cmpi sle, %get3A_15, %add3A_766 : vector<16xi32>
        %jit3A_791 = arith.constant 1 : i32
        %jit3A_792 = arith.constant 0 : i32
        %broadcast_in_dim3A_793 = vector.broadcast %jit3A_791 : i32 to vector<16xi32>
        %broadcast_in_dim3A_794 = vector.broadcast %jit3A_792 : i32 to vector<16xi32>
        %select_n3A_795 = arith.select %le3A_790, %broadcast_in_dim3A_793, %broadcast_in_dim3A_794 : vector<16xi1>, vector<16xi32>
        %add3A_796 = arith.addi %add3A_789, %select_n3A_795 : vector<16xi32>
        %le3A_797 = arith.cmpi sle, %get3A_19, %add3A_766 : vector<16xi32>
        %jit3A_798 = arith.constant 1 : i32
        %jit3A_799 = arith.constant 0 : i32
        %broadcast_in_dim3A_800 = vector.broadcast %jit3A_798 : i32 to vector<16xi32>
        %broadcast_in_dim3A_801 = vector.broadcast %jit3A_799 : i32 to vector<16xi32>
        %select_n3A_802 = arith.select %le3A_797, %broadcast_in_dim3A_800, %broadcast_in_dim3A_801 : vector<16xi1>, vector<16xi32>
        %add3A_803 = arith.addi %add3A_796, %select_n3A_802 : vector<16xi32>
        %le3A_804 = arith.cmpi sle, %get3A_23, %add3A_766 : vector<16xi32>
        %jit3A_805 = arith.constant 1 : i32
        %jit3A_806 = arith.constant 0 : i32
        %broadcast_in_dim3A_807 = vector.broadcast %jit3A_805 : i32 to vector<16xi32>
        %broadcast_in_dim3A_808 = vector.broadcast %jit3A_806 : i32 to vector<16xi32>
        %select_n3A_809 = arith.select %le3A_804, %broadcast_in_dim3A_807, %broadcast_in_dim3A_808 : vector<16xi1>, vector<16xi32>
        %add3A_810 = arith.addi %add3A_803, %select_n3A_809 : vector<16xi32>
        %le3A_811 = arith.cmpi sle, %get3A_27, %add3A_766 : vector<16xi32>
        %jit3A_812 = arith.constant 1 : i32
        %jit3A_813 = arith.constant 0 : i32
        %broadcast_in_dim3A_814 = vector.broadcast %jit3A_812 : i32 to vector<16xi32>
        %broadcast_in_dim3A_815 = vector.broadcast %jit3A_813 : i32 to vector<16xi32>
        %select_n3A_816 = arith.select %le3A_811, %broadcast_in_dim3A_814, %broadcast_in_dim3A_815 : vector<16xi1>, vector<16xi32>
        %add3A_817 = arith.addi %add3A_810, %select_n3A_816 : vector<16xi32>
        %le3A_818 = arith.cmpi sle, %get3A_31, %add3A_766 : vector<16xi32>
        %jit3A_819 = arith.constant 1 : i32
        %jit3A_820 = arith.constant 0 : i32
        %broadcast_in_dim3A_821 = vector.broadcast %jit3A_819 : i32 to vector<16xi32>
        %broadcast_in_dim3A_822 = vector.broadcast %jit3A_820 : i32 to vector<16xi32>
        %select_n3A_823 = arith.select %le3A_818, %broadcast_in_dim3A_821, %broadcast_in_dim3A_822 : vector<16xi1>, vector<16xi32>
        %add3A_824 = arith.addi %add3A_817, %select_n3A_823 : vector<16xi32>
        %le3A_825 = arith.cmpi sle, %get3A_35, %add3A_766 : vector<16xi32>
        %jit3A_826 = arith.constant 1 : i32
        %jit3A_827 = arith.constant 0 : i32
        %broadcast_in_dim3A_828 = vector.broadcast %jit3A_826 : i32 to vector<16xi32>
        %broadcast_in_dim3A_829 = vector.broadcast %jit3A_827 : i32 to vector<16xi32>
        %select_n3A_830 = arith.select %le3A_825, %broadcast_in_dim3A_828, %broadcast_in_dim3A_829 : vector<16xi1>, vector<16xi32>
        %add3A_831 = arith.addi %add3A_824, %select_n3A_830 : vector<16xi32>
        %le3A_832 = arith.cmpi sle, %get3A_39, %add3A_766 : vector<16xi32>
        %jit3A_833 = arith.constant 1 : i32
        %jit3A_834 = arith.constant 0 : i32
        %broadcast_in_dim3A_835 = vector.broadcast %jit3A_833 : i32 to vector<16xi32>
        %broadcast_in_dim3A_836 = vector.broadcast %jit3A_834 : i32 to vector<16xi32>
        %select_n3A_837 = arith.select %le3A_832, %broadcast_in_dim3A_835, %broadcast_in_dim3A_836 : vector<16xi1>, vector<16xi32>
        %add3A_838 = arith.addi %add3A_831, %select_n3A_837 : vector<16xi32>
        %le3A_839 = arith.cmpi sle, %get3A_43, %add3A_766 : vector<16xi32>
        %jit3A_840 = arith.constant 1 : i32
        %jit3A_841 = arith.constant 0 : i32
        %broadcast_in_dim3A_842 = vector.broadcast %jit3A_840 : i32 to vector<16xi32>
        %broadcast_in_dim3A_843 = vector.broadcast %jit3A_841 : i32 to vector<16xi32>
        %select_n3A_844 = arith.select %le3A_839, %broadcast_in_dim3A_842, %broadcast_in_dim3A_843 : vector<16xi1>, vector<16xi32>
        %add3A_845 = arith.addi %add3A_838, %select_n3A_844 : vector<16xi32>
        %le3A_846 = arith.cmpi sle, %get3A_47, %add3A_766 : vector<16xi32>
        %jit3A_847 = arith.constant 1 : i32
        %jit3A_848 = arith.constant 0 : i32
        %broadcast_in_dim3A_849 = vector.broadcast %jit3A_847 : i32 to vector<16xi32>
        %broadcast_in_dim3A_850 = vector.broadcast %jit3A_848 : i32 to vector<16xi32>
        %select_n3A_851 = arith.select %le3A_846, %broadcast_in_dim3A_849, %broadcast_in_dim3A_850 : vector<16xi1>, vector<16xi32>
        %add3A_852 = arith.addi %add3A_845, %select_n3A_851 : vector<16xi32>
        %le3A_853 = arith.cmpi sle, %get3A_51, %add3A_766 : vector<16xi32>
        %jit3A_854 = arith.constant 1 : i32
        %jit3A_855 = arith.constant 0 : i32
        %broadcast_in_dim3A_856 = vector.broadcast %jit3A_854 : i32 to vector<16xi32>
        %broadcast_in_dim3A_857 = vector.broadcast %jit3A_855 : i32 to vector<16xi32>
        %select_n3A_858 = arith.select %le3A_853, %broadcast_in_dim3A_856, %broadcast_in_dim3A_857 : vector<16xi1>, vector<16xi32>
        %add3A_859 = arith.addi %add3A_852, %select_n3A_858 : vector<16xi32>
        %le3A_860 = arith.cmpi sle, %get3A_55, %add3A_766 : vector<16xi32>
        %jit3A_861 = arith.constant 1 : i32
        %jit3A_862 = arith.constant 0 : i32
        %broadcast_in_dim3A_863 = vector.broadcast %jit3A_861 : i32 to vector<16xi32>
        %broadcast_in_dim3A_864 = vector.broadcast %jit3A_862 : i32 to vector<16xi32>
        %select_n3A_865 = arith.select %le3A_860, %broadcast_in_dim3A_863, %broadcast_in_dim3A_864 : vector<16xi1>, vector<16xi32>
        %add3A_866 = arith.addi %add3A_859, %select_n3A_865 : vector<16xi32>
        %le3A_867 = arith.cmpi sle, %get3A_59, %add3A_766 : vector<16xi32>
        %jit3A_868 = arith.constant 1 : i32
        %jit3A_869 = arith.constant 0 : i32
        %broadcast_in_dim3A_870 = vector.broadcast %jit3A_868 : i32 to vector<16xi32>
        %broadcast_in_dim3A_871 = vector.broadcast %jit3A_869 : i32 to vector<16xi32>
        %select_n3A_872 = arith.select %le3A_867, %broadcast_in_dim3A_870, %broadcast_in_dim3A_871 : vector<16xi1>, vector<16xi32>
        %add3A_873 = arith.addi %add3A_866, %select_n3A_872 : vector<16xi32>
        %le3A_874 = arith.cmpi sle, %get3A_63, %add3A_766 : vector<16xi32>
        %jit3A_875 = arith.constant 1 : i32
        %jit3A_876 = arith.constant 0 : i32
        %broadcast_in_dim3A_877 = vector.broadcast %jit3A_875 : i32 to vector<16xi32>
        %broadcast_in_dim3A_878 = vector.broadcast %jit3A_876 : i32 to vector<16xi32>
        %select_n3A_879 = arith.select %le3A_874, %broadcast_in_dim3A_877, %broadcast_in_dim3A_878 : vector<16xi1>, vector<16xi32>
        %add3A_880 = arith.addi %add3A_873, %select_n3A_879 : vector<16xi32>
        %le3A_881 = arith.cmpi sle, %get3A_67, %add3A_766 : vector<16xi32>
        %jit3A_882 = arith.constant 1 : i32
        %jit3A_883 = arith.constant 0 : i32
        %broadcast_in_dim3A_884 = vector.broadcast %jit3A_882 : i32 to vector<16xi32>
        %broadcast_in_dim3A_885 = vector.broadcast %jit3A_883 : i32 to vector<16xi32>
        %select_n3A_886 = arith.select %le3A_881, %broadcast_in_dim3A_884, %broadcast_in_dim3A_885 : vector<16xi1>, vector<16xi32>
        %add3A_887 = arith.addi %add3A_880, %select_n3A_886 : vector<16xi32>
        %mul3A_888 = arith.constant 1024 : i32
        %mul3A_889 = vector.broadcast %mul3A_888 : i32 to vector<16xi32>
        %mul3A_890 = arith.muli %add3A_887, %mul3A_889 : vector<16xi32>
        %add3A_891 = arith.addi %get3A_330, %mul3A_890 : vector<16xi32>
        %ge3A_892 = arith.constant 1000448 : i32
        %ge3A_893 = vector.broadcast %ge3A_892 : i32 to vector<16xi32>
        %ge3A_894 = arith.cmpi sge, %add3A_891, %ge3A_893 : vector<16xi32>
        %jit3A_895 = arith.constant 1000448 : i32
        %jit3A_896 = arith.constant 0 : i32
        %broadcast_in_dim3A_897 = vector.broadcast %jit3A_895 : i32 to vector<16xi32>
        %broadcast_in_dim3A_898 = vector.broadcast %jit3A_896 : i32 to vector<16xi32>
        %select_n3A_899 = arith.select %ge3A_894, %broadcast_in_dim3A_897, %broadcast_in_dim3A_898 : vector<16xi1>, vector<16xi32>
        %sub3A_900 = arith.subi %add3A_891, %select_n3A_899 : vector<16xi32>
        %mul3A_901 = arith.constant 80 : i32
        %mul3A_902 = arith.muli %scan3A_305, %mul3A_901 : i32
        %add3A_903 = arith.constant 48 : i32
        %add3A_904 = arith.addi %mul3A_902, %add3A_903 : i32
        %swap3A_905 = arith.index_cast %add3A_904 : i32 to index
        %swap3A_906 = tpu.vector_load %arg11[%swap3A_905] {strides = array<i32>} : memref<10000xi32, #tpu.memory_space<vmem>>, vector<16xi32>,
        tpu.vector_store %arg11[%swap3A_905], %sub3A_900 {strides = array<i32>} : memref<10000xi32, #tpu.memory_space<vmem>>, vector<16xi32>,
        %add3A_907 = arith.constant 64 : i32
        %add3A_908 = vector.broadcast %add3A_907 : i32 to vector<16xi32>
        %add3A_909 = arith.addi %scan3A_306, %add3A_908 : vector<16xi32>
        %broadcast_in_dim3A_910 = arith.constant 0 : i32
        %broadcast_in_dim3A_911 = vector.broadcast %broadcast_in_dim3A_910 : i32 to vector<16xi32>
        %le3A_912 = arith.cmpi sle, %get3A_3, %add3A_909 : vector<16xi32>
        %jit3A_913 = arith.constant 1 : i32
        %jit3A_914 = arith.constant 0 : i32
        %broadcast_in_dim3A_915 = vector.broadcast %jit3A_913 : i32 to vector<16xi32>
        %broadcast_in_dim3A_916 = vector.broadcast %jit3A_914 : i32 to vector<16xi32>
        %select_n3A_917 = arith.select %le3A_912, %broadcast_in_dim3A_915, %broadcast_in_dim3A_916 : vector<16xi1>, vector<16xi32>
        %add3A_918 = arith.addi %broadcast_in_dim3A_911, %select_n3A_917 : vector<16xi32>
        %le3A_919 = arith.cmpi sle, %get3A_7, %add3A_909 : vector<16xi32>
        %jit3A_920 = arith.constant 1 : i32
        %jit3A_921 = arith.constant 0 : i32
        %broadcast_in_dim3A_922 = vector.broadcast %jit3A_920 : i32 to vector<16xi32>
        %broadcast_in_dim3A_923 = vector.broadcast %jit3A_921 : i32 to vector<16xi32>
        %select_n3A_924 = arith.select %le3A_919, %broadcast_in_dim3A_922, %broadcast_in_dim3A_923 : vector<16xi1>, vector<16xi32>
        %add3A_925 = arith.addi %add3A_918, %select_n3A_924 : vector<16xi32>
        %le3A_926 = arith.cmpi sle, %get3A_11, %add3A_909 : vector<16xi32>
        %jit3A_927 = arith.constant 1 : i32
        %jit3A_928 = arith.constant 0 : i32
        %broadcast_in_dim3A_929 = vector.broadcast %jit3A_927 : i32 to vector<16xi32>
        %broadcast_in_dim3A_930 = vector.broadcast %jit3A_928 : i32 to vector<16xi32>
        %select_n3A_931 = arith.select %le3A_926, %broadcast_in_dim3A_929, %broadcast_in_dim3A_930 : vector<16xi1>, vector<16xi32>
        %add3A_932 = arith.addi %add3A_925, %select_n3A_931 : vector<16xi32>
        %le3A_933 = arith.cmpi sle, %get3A_15, %add3A_909 : vector<16xi32>
        %jit3A_934 = arith.constant 1 : i32
        %jit3A_935 = arith.constant 0 : i32
        %broadcast_in_dim3A_936 = vector.broadcast %jit3A_934 : i32 to vector<16xi32>
        %broadcast_in_dim3A_937 = vector.broadcast %jit3A_935 : i32 to vector<16xi32>
        %select_n3A_938 = arith.select %le3A_933, %broadcast_in_dim3A_936, %broadcast_in_dim3A_937 : vector<16xi1>, vector<16xi32>
        %add3A_939 = arith.addi %add3A_932, %select_n3A_938 : vector<16xi32>
        %le3A_940 = arith.cmpi sle, %get3A_19, %add3A_909 : vector<16xi32>
        %jit3A_941 = arith.constant 1 : i32
        %jit3A_942 = arith.constant 0 : i32
        %broadcast_in_dim3A_943 = vector.broadcast %jit3A_941 : i32 to vector<16xi32>
        %broadcast_in_dim3A_944 = vector.broadcast %jit3A_942 : i32 to vector<16xi32>
        %select_n3A_945 = arith.select %le3A_940, %broadcast_in_dim3A_943, %broadcast_in_dim3A_944 : vector<16xi1>, vector<16xi32>
        %add3A_946 = arith.addi %add3A_939, %select_n3A_945 : vector<16xi32>
        %le3A_947 = arith.cmpi sle, %get3A_23, %add3A_909 : vector<16xi32>
        %jit3A_948 = arith.constant 1 : i32
        %jit3A_949 = arith.constant 0 : i32
        %broadcast_in_dim3A_950 = vector.broadcast %jit3A_948 : i32 to vector<16xi32>
        %broadcast_in_dim3A_951 = vector.broadcast %jit3A_949 : i32 to vector<16xi32>
        %select_n3A_952 = arith.select %le3A_947, %broadcast_in_dim3A_950, %broadcast_in_dim3A_951 : vector<16xi1>, vector<16xi32>
        %add3A_953 = arith.addi %add3A_946, %select_n3A_952 : vector<16xi32>
        %le3A_954 = arith.cmpi sle, %get3A_27, %add3A_909 : vector<16xi32>
        %jit3A_955 = arith.constant 1 : i32
        %jit3A_956 = arith.constant 0 : i32
        %broadcast_in_dim3A_957 = vector.broadcast %jit3A_955 : i32 to vector<16xi32>
        %broadcast_in_dim3A_958 = vector.broadcast %jit3A_956 : i32 to vector<16xi32>
        %select_n3A_959 = arith.select %le3A_954, %broadcast_in_dim3A_957, %broadcast_in_dim3A_958 : vector<16xi1>, vector<16xi32>
        %add3A_960 = arith.addi %add3A_953, %select_n3A_959 : vector<16xi32>
        %le3A_961 = arith.cmpi sle, %get3A_31, %add3A_909 : vector<16xi32>
        %jit3A_962 = arith.constant 1 : i32
        %jit3A_963 = arith.constant 0 : i32
        %broadcast_in_dim3A_964 = vector.broadcast %jit3A_962 : i32 to vector<16xi32>
        %broadcast_in_dim3A_965 = vector.broadcast %jit3A_963 : i32 to vector<16xi32>
        %select_n3A_966 = arith.select %le3A_961, %broadcast_in_dim3A_964, %broadcast_in_dim3A_965 : vector<16xi1>, vector<16xi32>
        %add3A_967 = arith.addi %add3A_960, %select_n3A_966 : vector<16xi32>
        %le3A_968 = arith.cmpi sle, %get3A_35, %add3A_909 : vector<16xi32>
        %jit3A_969 = arith.constant 1 : i32
        %jit3A_970 = arith.constant 0 : i32
        %broadcast_in_dim3A_971 = vector.broadcast %jit3A_969 : i32 to vector<16xi32>
        %broadcast_in_dim3A_972 = vector.broadcast %jit3A_970 : i32 to vector<16xi32>
        %select_n3A_973 = arith.select %le3A_968, %broadcast_in_dim3A_971, %broadcast_in_dim3A_972 : vector<16xi1>, vector<16xi32>
        %add3A_974 = arith.addi %add3A_967, %select_n3A_973 : vector<16xi32>
        %le3A_975 = arith.cmpi sle, %get3A_39, %add3A_909 : vector<16xi32>
        %jit3A_976 = arith.constant 1 : i32
        %jit3A_977 = arith.constant 0 : i32
        %broadcast_in_dim3A_978 = vector.broadcast %jit3A_976 : i32 to vector<16xi32>
        %broadcast_in_dim3A_979 = vector.broadcast %jit3A_977 : i32 to vector<16xi32>
        %select_n3A_980 = arith.select %le3A_975, %broadcast_in_dim3A_978, %broadcast_in_dim3A_979 : vector<16xi1>, vector<16xi32>
        %add3A_981 = arith.addi %add3A_974, %select_n3A_980 : vector<16xi32>
        %le3A_982 = arith.cmpi sle, %get3A_43, %add3A_909 : vector<16xi32>
        %jit3A_983 = arith.constant 1 : i32
        %jit3A_984 = arith.constant 0 : i32
        %broadcast_in_dim3A_985 = vector.broadcast %jit3A_983 : i32 to vector<16xi32>
        %broadcast_in_dim3A_986 = vector.broadcast %jit3A_984 : i32 to vector<16xi32>
        %select_n3A_987 = arith.select %le3A_982, %broadcast_in_dim3A_985, %broadcast_in_dim3A_986 : vector<16xi1>, vector<16xi32>
        %add3A_988 = arith.addi %add3A_981, %select_n3A_987 : vector<16xi32>
        %le3A_989 = arith.cmpi sle, %get3A_47, %add3A_909 : vector<16xi32>
        %jit3A_990 = arith.constant 1 : i32
        %jit3A_991 = arith.constant 0 : i32
        %broadcast_in_dim3A_992 = vector.broadcast %jit3A_990 : i32 to vector<16xi32>
        %broadcast_in_dim3A_993 = vector.broadcast %jit3A_991 : i32 to vector<16xi32>
        %select_n3A_994 = arith.select %le3A_989, %broadcast_in_dim3A_992, %broadcast_in_dim3A_993 : vector<16xi1>, vector<16xi32>
        %add3A_995 = arith.addi %add3A_988, %select_n3A_994 : vector<16xi32>
        %le3A_996 = arith.cmpi sle, %get3A_51, %add3A_909 : vector<16xi32>
        %jit3A_997 = arith.constant 1 : i32
        %jit3A_998 = arith.constant 0 : i32
        %broadcast_in_dim3A_999 = vector.broadcast %jit3A_997 : i32 to vector<16xi32>
        %broadcast_in_dim3A_1000 = vector.broadcast %jit3A_998 : i32 to vector<16xi32>
        %select_n3A_1001 = arith.select %le3A_996, %broadcast_in_dim3A_999, %broadcast_in_dim3A_1000 : vector<16xi1>, vector<16xi32>
        %add3A_1002 = arith.addi %add3A_995, %select_n3A_1001 : vector<16xi32>
        %le3A_1003 = arith.cmpi sle, %get3A_55, %add3A_909 : vector<16xi32>
        %jit3A_1004 = arith.constant 1 : i32
        %jit3A_1005 = arith.constant 0 : i32
        %broadcast_in_dim3A_1006 = vector.broadcast %jit3A_1004 : i32 to vector<16xi32>
        %broadcast_in_dim3A_1007 = vector.broadcast %jit3A_1005 : i32 to vector<16xi32>
        %select_n3A_1008 = arith.select %le3A_1003, %broadcast_in_dim3A_1006, %broadcast_in_dim3A_1007 : vector<16xi1>, vector<16xi32>
        %add3A_1009 = arith.addi %add3A_1002, %select_n3A_1008 : vector<16xi32>
        %le3A_1010 = arith.cmpi sle, %get3A_59, %add3A_909 : vector<16xi32>
        %jit3A_1011 = arith.constant 1 : i32
        %jit3A_1012 = arith.constant 0 : i32
        %broadcast_in_dim3A_1013 = vector.broadcast %jit3A_1011 : i32 to vector<16xi32>
        %broadcast_in_dim3A_1014 = vector.broadcast %jit3A_1012 : i32 to vector<16xi32>
        %select_n3A_1015 = arith.select %le3A_1010, %broadcast_in_dim3A_1013, %broadcast_in_dim3A_1014 : vector<16xi1>, vector<16xi32>
        %add3A_1016 = arith.addi %add3A_1009, %select_n3A_1015 : vector<16xi32>
        %le3A_1017 = arith.cmpi sle, %get3A_63, %add3A_909 : vector<16xi32>
        %jit3A_1018 = arith.constant 1 : i32
        %jit3A_1019 = arith.constant 0 : i32
        %broadcast_in_dim3A_1020 = vector.broadcast %jit3A_1018 : i32 to vector<16xi32>
        %broadcast_in_dim3A_1021 = vector.broadcast %jit3A_1019 : i32 to vector<16xi32>
        %select_n3A_1022 = arith.select %le3A_1017, %broadcast_in_dim3A_1020, %broadcast_in_dim3A_1021 : vector<16xi1>, vector<16xi32>
        %add3A_1023 = arith.addi %add3A_1016, %select_n3A_1022 : vector<16xi32>
        %le3A_1024 = arith.cmpi sle, %get3A_67, %add3A_909 : vector<16xi32>
        %jit3A_1025 = arith.constant 1 : i32
        %jit3A_1026 = arith.constant 0 : i32
        %broadcast_in_dim3A_1027 = vector.broadcast %jit3A_1025 : i32 to vector<16xi32>
        %broadcast_in_dim3A_1028 = vector.broadcast %jit3A_1026 : i32 to vector<16xi32>
        %select_n3A_1029 = arith.select %le3A_1024, %broadcast_in_dim3A_1027, %broadcast_in_dim3A_1028 : vector<16xi1>, vector<16xi32>
        %add3A_1030 = arith.addi %add3A_1023, %select_n3A_1029 : vector<16xi32>
        %mul3A_1031 = arith.constant 1024 : i32
        %mul3A_1032 = vector.broadcast %mul3A_1031 : i32 to vector<16xi32>
        %mul3A_1033 = arith.muli %add3A_1030, %mul3A_1032 : vector<16xi32>
        %add3A_1034 = arith.addi %get3A_336, %mul3A_1033 : vector<16xi32>
        %ge3A_1035 = arith.constant 1000448 : i32
        %ge3A_1036 = vector.broadcast %ge3A_1035 : i32 to vector<16xi32>
        %ge3A_1037 = arith.cmpi sge, %add3A_1034, %ge3A_1036 : vector<16xi32>
        %jit3A_1038 = arith.constant 1000448 : i32
        %jit3A_1039 = arith.constant 0 : i32
        %broadcast_in_dim3A_1040 = vector.broadcast %jit3A_1038 : i32 to vector<16xi32>
        %broadcast_in_dim3A_1041 = vector.broadcast %jit3A_1039 : i32 to vector<16xi32>
        %select_n3A_1042 = arith.select %ge3A_1037, %broadcast_in_dim3A_1040, %broadcast_in_dim3A_1041 : vector<16xi1>, vector<16xi32>
        %sub3A_1043 = arith.subi %add3A_1034, %select_n3A_1042 : vector<16xi32>
        %mul3A_1044 = arith.constant 80 : i32
        %mul3A_1045 = arith.muli %scan3A_305, %mul3A_1044 : i32
        %add3A_1046 = arith.constant 64 : i32
        %add3A_1047 = arith.addi %mul3A_1045, %add3A_1046 : i32
        %swap3A_1048 = arith.index_cast %add3A_1047 : i32 to index
        %swap3A_1049 = tpu.vector_load %arg11[%swap3A_1048] {strides = array<i32>} : memref<10000xi32, #tpu.memory_space<vmem>>, vector<16xi32>,
        tpu.vector_store %arg11[%swap3A_1048], %sub3A_1043 {strides = array<i32>} : memref<10000xi32, #tpu.memory_space<vmem>>, vector<16xi32>,
        %add3A_1050 = arith.constant 80 : i32
        %add3A_1051 = vector.broadcast %add3A_1050 : i32 to vector<16xi32>
        %add3A_1052 = arith.addi %scan3A_306, %add3A_1051 : vector<16xi32>
        scf.yield %add3A_1052 : vector<16xi32>
      }
      %scan3A_303 = arith.constant 125 : i32
      "tpu.region"() ({
        %run_scoped3A = tpu.sem_alloc : memref<!tpu.dma_semaphore, #tpu.memory_space<semaphore_mem>>
        %dma_start3A_305 = tpu.memref_slice %arg8[%mul3A_295] : memref<1000000xi32, #tpu.memory_space<hbm>> -> memref<10000xi32, #tpu.memory_space<hbm>>
        %dma_start3A_306 = tpu.memref_slice %arg8[%mul3A_295] : memref<1000000xi32, #tpu.memory_space<hbm>> -> memref<10000xi32, #tpu.memory_space<hbm>>
        tpu.enqueue_dma source(%arg11 : memref<10000xi32, #tpu.memory_space<vmem>>) target(%dma_start3A_306 : memref<10000xi32, #tpu.memory_space<hbm>>) target_semaphore(%run_scoped3A : memref<!tpu.dma_semaphore, #tpu.memory_space<semaphore_mem>>)
        %dma_wait3A_307 = tpu.memref_slice %arg8[%mul3A_295] : memref<1000000xi32, #tpu.memory_space<hbm>> -> memref<10000xi32, #tpu.memory_space<hbm>>
        %dma_wait3A_308 = tpu.memref_slice %arg8[%mul3A_295] : memref<1000000xi32, #tpu.memory_space<hbm>> -> memref<10000xi32, #tpu.memory_space<hbm>>
        tpu.wait_dma2 semaphore(%run_scoped3A : memref<!tpu.dma_semaphore, #tpu.memory_space<semaphore_mem>>) src(%arg11 : memref<10000xi32, #tpu.memory_space<vmem>>) dst(%dma_wait3A_308 : memref<10000xi32, #tpu.memory_space<hbm>>)
        tpu.yield
      }) : () -> ()
      %while3A_304 = arith.constant 0 : i32
      scf.yield %while3A_304 : i32
    }
    %broadcast_in_dim3A = arith.constant -1 : i32
    %broadcast_in_dim3A_81 = vector.broadcast %broadcast_in_dim3A : i32 to vector<16xi32>
    %scan3A = arith.constant 0 : i32
    %scan3A_82 = arith.constant 0 : i32
    %scan3A_83 = arith.constant 244 : i32
    %scan3A_84 = arith.addi %scan3A_82, %scan3A_83 : i32
    %scan3A_85 = arith.constant 1 : i32
    %scan3A_86 = scf.for %scan3A_289 = %scan3A_82 to %scan3A_84 step %scan3A_85 iter_args(%scan3A_290 = %scan3A) -> (i32)  : i32 {
      %mul3A_291 = arith.constant 128 : i32
      %mul3A_292 = arith.muli %scan3A_289, %mul3A_291 : i32
      %add3A_293 = arith.constant 0 : i32
      %add3A_294 = arith.addi %mul3A_292, %add3A_293 : i32
      %swap3A_295 = arith.index_cast %add3A_294 : i32 to index
      %swap3A_296 = tpu.vector_load %arg12[%swap3A_295] {strides = array<i32>} : memref<31264xi32, #tpu.memory_space<vmem>>, vector<16xi32>,
      tpu.vector_store %arg12[%swap3A_295], %broadcast_in_dim3A_81 {strides = array<i32>} : memref<31264xi32, #tpu.memory_space<vmem>>, vector<16xi32>,
      %mul3A_297 = arith.constant 128 : i32
      %mul3A_298 = arith.muli %scan3A_289, %mul3A_297 : i32
      %add3A_299 = arith.constant 16 : i32
      %add3A_300 = arith.addi %mul3A_298, %add3A_299 : i32
      %swap3A_301 = arith.index_cast %add3A_300 : i32 to index
      %swap3A_302 = tpu.vector_load %arg12[%swap3A_301] {strides = array<i32>} : memref<31264xi32, #tpu.memory_space<vmem>>, vector<16xi32>,
      tpu.vector_store %arg12[%swap3A_301], %broadcast_in_dim3A_81 {strides = array<i32>} : memref<31264xi32, #tpu.memory_space<vmem>>, vector<16xi32>,
      %mul3A_303 = arith.constant 128 : i32
      %mul3A_304 = arith.muli %scan3A_289, %mul3A_303 : i32
      %add3A_305 = arith.constant 32 : i32
      %add3A_306 = arith.addi %mul3A_304, %add3A_305 : i32
      %swap3A_307 = arith.index_cast %add3A_306 : i32 to index
      %swap3A_308 = tpu.vector_load %arg12[%swap3A_307] {strides = array<i32>} : memref<31264xi32, #tpu.memory_space<vmem>>, vector<16xi32>,
      tpu.vector_store %arg12[%swap3A_307], %broadcast_in_dim3A_81 {strides = array<i32>} : memref<31264xi32, #tpu.memory_space<vmem>>, vector<16xi32>,
      %mul3A_309 = arith.constant 128 : i32
      %mul3A_310 = arith.muli %scan3A_289, %mul3A_309 : i32
      %add3A_311 = arith.constant 48 : i32
      %add3A_312 = arith.addi %mul3A_310, %add3A_311 : i32
      %swap3A_313 = arith.index_cast %add3A_312 : i32 to index
      %swap3A_314 = tpu.vector_load %arg12[%swap3A_313] {strides = array<i32>} : memref<31264xi32, #tpu.memory_space<vmem>>, vector<16xi32>,
      tpu.vector_store %arg12[%swap3A_313], %broadcast_in_dim3A_81 {strides = array<i32>} : memref<31264xi32, #tpu.memory_space<vmem>>, vector<16xi32>,
      %mul3A_315 = arith.constant 128 : i32
      %mul3A_316 = arith.muli %scan3A_289, %mul3A_315 : i32
      %add3A_317 = arith.constant 64 : i32
      %add3A_318 = arith.addi %mul3A_316, %add3A_317 : i32
      %swap3A_319 = arith.index_cast %add3A_318 : i32 to index
      %swap3A_320 = tpu.vector_load %arg12[%swap3A_319] {strides = array<i32>} : memref<31264xi32, #tpu.memory_space<vmem>>, vector<16xi32>,
      tpu.vector_store %arg12[%swap3A_319], %broadcast_in_dim3A_81 {strides = array<i32>} : memref<31264xi32, #tpu.memory_space<vmem>>, vector<16xi32>,
      %mul3A_321 = arith.constant 128 : i32
      %mul3A_322 = arith.muli %scan3A_289, %mul3A_321 : i32
      %add3A_323 = arith.constant 80 : i32
      %add3A_324 = arith.addi %mul3A_322, %add3A_323 : i32
      %swap3A_325 = arith.index_cast %add3A_324 : i32 to index
      %swap3A_326 = tpu.vector_load %arg12[%swap3A_325] {strides = array<i32>} : memref<31264xi32, #tpu.memory_space<vmem>>, vector<16xi32>,
      tpu.vector_store %arg12[%swap3A_325], %broadcast_in_dim3A_81 {strides = array<i32>} : memref<31264xi32, #tpu.memory_space<vmem>>, vector<16xi32>,
      %mul3A_327 = arith.constant 128 : i32
      %mul3A_328 = arith.muli %scan3A_289, %mul3A_327 : i32
      %add3A_329 = arith.constant 96 : i32
      %add3A_330 = arith.addi %mul3A_328, %add3A_329 : i32
      %swap3A_331 = arith.index_cast %add3A_330 : i32 to index
      %swap3A_332 = tpu.vector_load %arg12[%swap3A_331] {strides = array<i32>} : memref<31264xi32, #tpu.memory_space<vmem>>, vector<16xi32>,
      tpu.vector_store %arg12[%swap3A_331], %broadcast_in_dim3A_81 {strides = array<i32>} : memref<31264xi32, #tpu.memory_space<vmem>>, vector<16xi32>,
      %mul3A_333 = arith.constant 128 : i32
      %mul3A_334 = arith.muli %scan3A_289, %mul3A_333 : i32
      %add3A_335 = arith.constant 112 : i32
      %add3A_336 = arith.addi %mul3A_334, %add3A_335 : i32
      %swap3A_337 = arith.index_cast %add3A_336 : i32 to index
      %swap3A_338 = tpu.vector_load %arg12[%swap3A_337] {strides = array<i32>} : memref<31264xi32, #tpu.memory_space<vmem>>, vector<16xi32>,
      tpu.vector_store %arg12[%swap3A_337], %broadcast_in_dim3A_81 {strides = array<i32>} : memref<31264xi32, #tpu.memory_space<vmem>>, vector<16xi32>,
      %scan3A_339 = arith.constant 0 : i32
      scf.yield %scan3A_339 : i32
    }
    %scan3A_87 = arith.constant 244 : i32
    %swap3A = arith.constant 31232 : index
    %swap3A_88 = tpu.vector_load %arg12[%swap3A] {strides = array<i32>} : memref<31264xi32, #tpu.memory_space<vmem>>, vector<16xi32>,
    tpu.vector_store %arg12[%swap3A], %broadcast_in_dim3A_81 {strides = array<i32>} : memref<31264xi32, #tpu.memory_space<vmem>>, vector<16xi32>,
    %swap3A_89 = arith.constant 31248 : index
    %swap3A_90 = tpu.vector_load %arg12[%swap3A_89] {strides = array<i32>} : memref<31264xi32, #tpu.memory_space<vmem>>, vector<16xi32>,
    tpu.vector_store %arg12[%swap3A_89], %broadcast_in_dim3A_81 {strides = array<i32>} : memref<31264xi32, #tpu.memory_space<vmem>>, vector<16xi32>,
    %barrier3A = arith.constant 0 : index
    tpu.barrier barrier_id(%barrier3A)
    %mul3A_91 = arith.constant 31264 : i32
    %mul3A_92 = arith.muli %add3A, %mul3A_91 : i32
    %dma_start3A = arith.constant 0 : i32
    %dma_start3A_93 = tpu.memref_slice %arg8[%dma_start3A] : memref<1000000xi32, #tpu.memory_space<hbm>> -> memref<10000xi32, #tpu.memory_space<hbm>>
    %dma_start3A_94 = arith.constant 0 : i32
    %dma_start3A_95 = tpu.memref_slice %arg8[%dma_start3A_94] : memref<1000000xi32, #tpu.memory_space<hbm>> -> memref<10000xi32, #tpu.memory_space<hbm>>
    tpu.enqueue_dma source(%dma_start3A_95 : memref<10000xi32, #tpu.memory_space<hbm>>) target(%arg10 : memref<10000xi32, #tpu.memory_space<vmem>>) target_semaphore(%arg17 : memref<!tpu.dma_semaphore, #tpu.memory_space<semaphore_mem>>)
    %scan3A_96 = arith.constant 31264 : i32
    %scan3A_97 = arith.constant 0 : i32
    %scan3A_98 = arith.constant 0 : i32
    %scan3A_99 = arith.constant 50 : i32
    %scan3A_100 = arith.addi %scan3A_98, %scan3A_99 : i32
    %scan3A_101 = arith.constant 1 : i32
    %scan3A_102 = scf.for %scan3A_289 = %scan3A_98 to %scan3A_100 step %scan3A_101 iter_args(%scan3A_290 = %scan3A_97) -> (i32)  : i32 {
      %mul3A_291 = arith.constant 2 : i32
      %mul3A_292 = arith.muli %mul3A_291, %scan3A_289 : i32
      %add3A_293 = arith.constant 1 : i32
      %add3A_294 = arith.addi %mul3A_292, %add3A_293 : i32
      %mul3A_295 = arith.constant 10000 : i32
      %mul3A_296 = arith.muli %add3A_294, %mul3A_295 : i32
      %dma_start3A_297 = tpu.memref_slice %arg8[%mul3A_296] : memref<1000000xi32, #tpu.memory_space<hbm>> -> memref<10000xi32, #tpu.memory_space<hbm>>
      %dma_start3A_298 = tpu.memref_slice %arg8[%mul3A_296] : memref<1000000xi32, #tpu.memory_space<hbm>> -> memref<10000xi32, #tpu.memory_space<hbm>>
      tpu.enqueue_dma source(%dma_start3A_298 : memref<10000xi32, #tpu.memory_space<hbm>>) target(%arg11 : memref<10000xi32, #tpu.memory_space<vmem>>) target_semaphore(%arg18 : memref<!tpu.dma_semaphore, #tpu.memory_space<semaphore_mem>>)
      %dma_wait3A_299 = arith.constant 0 : i32
      %dma_wait3A_300 = tpu.memref_slice %arg8[%dma_wait3A_299] : memref<1000000xi32, #tpu.memory_space<hbm>> -> memref<10000xi32, #tpu.memory_space<hbm>>
      %dma_wait3A_301 = arith.constant 0 : i32
      %dma_wait3A_302 = tpu.memref_slice %arg8[%dma_wait3A_301] : memref<1000000xi32, #tpu.memory_space<hbm>> -> memref<10000xi32, #tpu.memory_space<hbm>>
      tpu.wait_dma2 semaphore(%arg17 : memref<!tpu.dma_semaphore, #tpu.memory_space<semaphore_mem>>) src(%dma_wait3A_302 : memref<10000xi32, #tpu.memory_space<hbm>>) dst(%arg10 : memref<10000xi32, #tpu.memory_space<vmem>>)
      %mul3A_303 = arith.constant 10000 : i32
      %mul3A_304 = arith.muli %mul3A_292, %mul3A_303 : i32
      %add3A_305 = vector.broadcast %mul3A_304 : i32 to vector<16xi32>
      %add3A_306 = arith.addi %iota3A, %add3A_305 : vector<16xi32>
      %scan3A_307 = arith.constant 0 : i32
      %scan3A_308 = arith.constant 25 : i32
      %scan3A_309 = arith.addi %scan3A_307, %scan3A_308 : i32
      %scan3A_310 = arith.constant 1 : i32
      %scan3A_311 = scf.for %scan3A_333 = %scan3A_307 to %scan3A_309 step %scan3A_310 iter_args(%scan3A_334 = %add3A_306) -> (vector<16xi32>)  : i32 {
        %mul3A_335 = arith.constant 400 : i32
        %mul3A_336 = arith.muli %scan3A_333, %mul3A_335 : i32
        %add3A_337 = arith.constant 0 : i32
        %add3A_338 = arith.addi %mul3A_336, %add3A_337 : i32
        %get3A_339 = arith.index_cast %add3A_338 : i32 to index
        %get3A_340 = tpu.vector_load %arg10[%get3A_339] {strides = array<i32>} : memref<10000xi32, #tpu.memory_space<vmem>>, vector<16xi32>,
        %sub3A = vector.broadcast %mul3A_92 : i32 to vector<16xi32>
        %sub3A_341 = arith.subi %get3A_340, %sub3A : vector<16xi32>
        %mul3A_342 = arith.constant 400 : i32
        %mul3A_343 = arith.muli %scan3A_333, %mul3A_342 : i32
        %add3A_344 = arith.constant 16 : i32
        %add3A_345 = arith.addi %mul3A_343, %add3A_344 : i32
        %get3A_346 = arith.index_cast %add3A_345 : i32 to index
        %get3A_347 = tpu.vector_load %arg10[%get3A_346] {strides = array<i32>} : memref<10000xi32, #tpu.memory_space<vmem>>, vector<16xi32>,
        %sub3A_348 = vector.broadcast %mul3A_92 : i32 to vector<16xi32>
        %sub3A_349 = arith.subi %get3A_347, %sub3A_348 : vector<16xi32>
        %mul3A_350 = arith.constant 400 : i32
        %mul3A_351 = arith.muli %scan3A_333, %mul3A_350 : i32
        %add3A_352 = arith.constant 32 : i32
        %add3A_353 = arith.addi %mul3A_351, %add3A_352 : i32
        %get3A_354 = arith.index_cast %add3A_353 : i32 to index
        %get3A_355 = tpu.vector_load %arg10[%get3A_354] {strides = array<i32>} : memref<10000xi32, #tpu.memory_space<vmem>>, vector<16xi32>,
        %sub3A_356 = vector.broadcast %mul3A_92 : i32 to vector<16xi32>
        %sub3A_357 = arith.subi %get3A_355, %sub3A_356 : vector<16xi32>
        %mul3A_358 = arith.constant 400 : i32
        %mul3A_359 = arith.muli %scan3A_333, %mul3A_358 : i32
        %add3A_360 = arith.constant 48 : i32
        %add3A_361 = arith.addi %mul3A_359, %add3A_360 : i32
        %get3A_362 = arith.index_cast %add3A_361 : i32 to index
        %get3A_363 = tpu.vector_load %arg10[%get3A_362] {strides = array<i32>} : memref<10000xi32, #tpu.memory_space<vmem>>, vector<16xi32>,
        %sub3A_364 = vector.broadcast %mul3A_92 : i32 to vector<16xi32>
        %sub3A_365 = arith.subi %get3A_363, %sub3A_364 : vector<16xi32>
        %mul3A_366 = arith.constant 400 : i32
        %mul3A_367 = arith.muli %scan3A_333, %mul3A_366 : i32
        %add3A_368 = arith.constant 64 : i32
        %add3A_369 = arith.addi %mul3A_367, %add3A_368 : i32
        %get3A_370 = arith.index_cast %add3A_369 : i32 to index
        %get3A_371 = tpu.vector_load %arg10[%get3A_370] {strides = array<i32>} : memref<10000xi32, #tpu.memory_space<vmem>>, vector<16xi32>,
        %sub3A_372 = vector.broadcast %mul3A_92 : i32 to vector<16xi32>
        %sub3A_373 = arith.subi %get3A_371, %sub3A_372 : vector<16xi32>
        %mul3A_374 = arith.constant 400 : i32
        %mul3A_375 = arith.muli %scan3A_333, %mul3A_374 : i32
        %add3A_376 = arith.constant 80 : i32
        %add3A_377 = arith.addi %mul3A_375, %add3A_376 : i32
        %get3A_378 = arith.index_cast %add3A_377 : i32 to index
        %get3A_379 = tpu.vector_load %arg10[%get3A_378] {strides = array<i32>} : memref<10000xi32, #tpu.memory_space<vmem>>, vector<16xi32>,
        %sub3A_380 = vector.broadcast %mul3A_92 : i32 to vector<16xi32>
        %sub3A_381 = arith.subi %get3A_379, %sub3A_380 : vector<16xi32>
        %mul3A_382 = arith.constant 400 : i32
        %mul3A_383 = arith.muli %scan3A_333, %mul3A_382 : i32
        %add3A_384 = arith.constant 96 : i32
        %add3A_385 = arith.addi %mul3A_383, %add3A_384 : i32
        %get3A_386 = arith.index_cast %add3A_385 : i32 to index
        %get3A_387 = tpu.vector_load %arg10[%get3A_386] {strides = array<i32>} : memref<10000xi32, #tpu.memory_space<vmem>>, vector<16xi32>,
        %sub3A_388 = vector.broadcast %mul3A_92 : i32 to vector<16xi32>
        %sub3A_389 = arith.subi %get3A_387, %sub3A_388 : vector<16xi32>
        %mul3A_390 = arith.constant 400 : i32
        %mul3A_391 = arith.muli %scan3A_333, %mul3A_390 : i32
        %add3A_392 = arith.constant 112 : i32
        %add3A_393 = arith.addi %mul3A_391, %add3A_392 : i32
        %get3A_394 = arith.index_cast %add3A_393 : i32 to index
        %get3A_395 = tpu.vector_load %arg10[%get3A_394] {strides = array<i32>} : memref<10000xi32, #tpu.memory_space<vmem>>, vector<16xi32>,
        %sub3A_396 = vector.broadcast %mul3A_92 : i32 to vector<16xi32>
        %sub3A_397 = arith.subi %get3A_395, %sub3A_396 : vector<16xi32>
        %mul3A_398 = arith.constant 400 : i32
        %mul3A_399 = arith.muli %scan3A_333, %mul3A_398 : i32
        %add3A_400 = arith.constant 128 : i32
        %add3A_401 = arith.addi %mul3A_399, %add3A_400 : i32
        %get3A_402 = arith.index_cast %add3A_401 : i32 to index
        %get3A_403 = tpu.vector_load %arg10[%get3A_402] {strides = array<i32>} : memref<10000xi32, #tpu.memory_space<vmem>>, vector<16xi32>,
        %sub3A_404 = vector.broadcast %mul3A_92 : i32 to vector<16xi32>
        %sub3A_405 = arith.subi %get3A_403, %sub3A_404 : vector<16xi32>
        %mul3A_406 = arith.constant 400 : i32
        %mul3A_407 = arith.muli %scan3A_333, %mul3A_406 : i32
        %add3A_408 = arith.constant 144 : i32
        %add3A_409 = arith.addi %mul3A_407, %add3A_408 : i32
        %get3A_410 = arith.index_cast %add3A_409 : i32 to index
        %get3A_411 = tpu.vector_load %arg10[%get3A_410] {strides = array<i32>} : memref<10000xi32, #tpu.memory_space<vmem>>, vector<16xi32>,
        %sub3A_412 = vector.broadcast %mul3A_92 : i32 to vector<16xi32>
        %sub3A_413 = arith.subi %get3A_411, %sub3A_412 : vector<16xi32>
        %mul3A_414 = arith.constant 400 : i32
        %mul3A_415 = arith.muli %scan3A_333, %mul3A_414 : i32
        %add3A_416 = arith.constant 160 : i32
        %add3A_417 = arith.addi %mul3A_415, %add3A_416 : i32
        %get3A_418 = arith.index_cast %add3A_417 : i32 to index
        %get3A_419 = tpu.vector_load %arg10[%get3A_418] {strides = array<i32>} : memref<10000xi32, #tpu.memory_space<vmem>>, vector<16xi32>,
        %sub3A_420 = vector.broadcast %mul3A_92 : i32 to vector<16xi32>
        %sub3A_421 = arith.subi %get3A_419, %sub3A_420 : vector<16xi32>
        %mul3A_422 = arith.constant 400 : i32
        %mul3A_423 = arith.muli %scan3A_333, %mul3A_422 : i32
        %add3A_424 = arith.constant 176 : i32
        %add3A_425 = arith.addi %mul3A_423, %add3A_424 : i32
        %get3A_426 = arith.index_cast %add3A_425 : i32 to index
        %get3A_427 = tpu.vector_load %arg10[%get3A_426] {strides = array<i32>} : memref<10000xi32, #tpu.memory_space<vmem>>, vector<16xi32>,
        %sub3A_428 = vector.broadcast %mul3A_92 : i32 to vector<16xi32>
        %sub3A_429 = arith.subi %get3A_427, %sub3A_428 : vector<16xi32>
        %mul3A_430 = arith.constant 400 : i32
        %mul3A_431 = arith.muli %scan3A_333, %mul3A_430 : i32
        %add3A_432 = arith.constant 192 : i32
        %add3A_433 = arith.addi %mul3A_431, %add3A_432 : i32
        %get3A_434 = arith.index_cast %add3A_433 : i32 to index
        %get3A_435 = tpu.vector_load %arg10[%get3A_434] {strides = array<i32>} : memref<10000xi32, #tpu.memory_space<vmem>>, vector<16xi32>,
        %sub3A_436 = vector.broadcast %mul3A_92 : i32 to vector<16xi32>
        %sub3A_437 = arith.subi %get3A_435, %sub3A_436 : vector<16xi32>
        %mul3A_438 = arith.constant 400 : i32
        %mul3A_439 = arith.muli %scan3A_333, %mul3A_438 : i32
        %add3A_440 = arith.constant 208 : i32
        %add3A_441 = arith.addi %mul3A_439, %add3A_440 : i32
        %get3A_442 = arith.index_cast %add3A_441 : i32 to index
        %get3A_443 = tpu.vector_load %arg10[%get3A_442] {strides = array<i32>} : memref<10000xi32, #tpu.memory_space<vmem>>, vector<16xi32>,
        %sub3A_444 = vector.broadcast %mul3A_92 : i32 to vector<16xi32>
        %sub3A_445 = arith.subi %get3A_443, %sub3A_444 : vector<16xi32>
        %mul3A_446 = arith.constant 400 : i32
        %mul3A_447 = arith.muli %scan3A_333, %mul3A_446 : i32
        %add3A_448 = arith.constant 224 : i32
        %add3A_449 = arith.addi %mul3A_447, %add3A_448 : i32
        %get3A_450 = arith.index_cast %add3A_449 : i32 to index
        %get3A_451 = tpu.vector_load %arg10[%get3A_450] {strides = array<i32>} : memref<10000xi32, #tpu.memory_space<vmem>>, vector<16xi32>,
        %sub3A_452 = vector.broadcast %mul3A_92 : i32 to vector<16xi32>
        %sub3A_453 = arith.subi %get3A_451, %sub3A_452 : vector<16xi32>
        %mul3A_454 = arith.constant 400 : i32
        %mul3A_455 = arith.muli %scan3A_333, %mul3A_454 : i32
        %add3A_456 = arith.constant 240 : i32
        %add3A_457 = arith.addi %mul3A_455, %add3A_456 : i32
        %get3A_458 = arith.index_cast %add3A_457 : i32 to index
        %get3A_459 = tpu.vector_load %arg10[%get3A_458] {strides = array<i32>} : memref<10000xi32, #tpu.memory_space<vmem>>, vector<16xi32>,
        %sub3A_460 = vector.broadcast %mul3A_92 : i32 to vector<16xi32>
        %sub3A_461 = arith.subi %get3A_459, %sub3A_460 : vector<16xi32>
        %mul3A_462 = arith.constant 400 : i32
        %mul3A_463 = arith.muli %scan3A_333, %mul3A_462 : i32
        %add3A_464 = arith.constant 256 : i32
        %add3A_465 = arith.addi %mul3A_463, %add3A_464 : i32
        %get3A_466 = arith.index_cast %add3A_465 : i32 to index
        %get3A_467 = tpu.vector_load %arg10[%get3A_466] {strides = array<i32>} : memref<10000xi32, #tpu.memory_space<vmem>>, vector<16xi32>,
        %sub3A_468 = vector.broadcast %mul3A_92 : i32 to vector<16xi32>
        %sub3A_469 = arith.subi %get3A_467, %sub3A_468 : vector<16xi32>
        %mul3A_470 = arith.constant 400 : i32
        %mul3A_471 = arith.muli %scan3A_333, %mul3A_470 : i32
        %add3A_472 = arith.constant 272 : i32
        %add3A_473 = arith.addi %mul3A_471, %add3A_472 : i32
        %get3A_474 = arith.index_cast %add3A_473 : i32 to index
        %get3A_475 = tpu.vector_load %arg10[%get3A_474] {strides = array<i32>} : memref<10000xi32, #tpu.memory_space<vmem>>, vector<16xi32>,
        %sub3A_476 = vector.broadcast %mul3A_92 : i32 to vector<16xi32>
        %sub3A_477 = arith.subi %get3A_475, %sub3A_476 : vector<16xi32>
        %mul3A_478 = arith.constant 400 : i32
        %mul3A_479 = arith.muli %scan3A_333, %mul3A_478 : i32
        %add3A_480 = arith.constant 288 : i32
        %add3A_481 = arith.addi %mul3A_479, %add3A_480 : i32
        %get3A_482 = arith.index_cast %add3A_481 : i32 to index
        %get3A_483 = tpu.vector_load %arg10[%get3A_482] {strides = array<i32>} : memref<10000xi32, #tpu.memory_space<vmem>>, vector<16xi32>,
        %sub3A_484 = vector.broadcast %mul3A_92 : i32 to vector<16xi32>
        %sub3A_485 = arith.subi %get3A_483, %sub3A_484 : vector<16xi32>
        %mul3A_486 = arith.constant 400 : i32
        %mul3A_487 = arith.muli %scan3A_333, %mul3A_486 : i32
        %add3A_488 = arith.constant 304 : i32
        %add3A_489 = arith.addi %mul3A_487, %add3A_488 : i32
        %get3A_490 = arith.index_cast %add3A_489 : i32 to index
        %get3A_491 = tpu.vector_load %arg10[%get3A_490] {strides = array<i32>} : memref<10000xi32, #tpu.memory_space<vmem>>, vector<16xi32>,
        %sub3A_492 = vector.broadcast %mul3A_92 : i32 to vector<16xi32>
        %sub3A_493 = arith.subi %get3A_491, %sub3A_492 : vector<16xi32>
        %mul3A_494 = arith.constant 400 : i32
        %mul3A_495 = arith.muli %scan3A_333, %mul3A_494 : i32
        %add3A_496 = arith.constant 320 : i32
        %add3A_497 = arith.addi %mul3A_495, %add3A_496 : i32
        %get3A_498 = arith.index_cast %add3A_497 : i32 to index
        %get3A_499 = tpu.vector_load %arg10[%get3A_498] {strides = array<i32>} : memref<10000xi32, #tpu.memory_space<vmem>>, vector<16xi32>,
        %sub3A_500 = vector.broadcast %mul3A_92 : i32 to vector<16xi32>
        %sub3A_501 = arith.subi %get3A_499, %sub3A_500 : vector<16xi32>
        %mul3A_502 = arith.constant 400 : i32
        %mul3A_503 = arith.muli %scan3A_333, %mul3A_502 : i32
        %add3A_504 = arith.constant 336 : i32
        %add3A_505 = arith.addi %mul3A_503, %add3A_504 : i32
        %get3A_506 = arith.index_cast %add3A_505 : i32 to index
        %get3A_507 = tpu.vector_load %arg10[%get3A_506] {strides = array<i32>} : memref<10000xi32, #tpu.memory_space<vmem>>, vector<16xi32>,
        %sub3A_508 = vector.broadcast %mul3A_92 : i32 to vector<16xi32>
        %sub3A_509 = arith.subi %get3A_507, %sub3A_508 : vector<16xi32>
        %mul3A_510 = arith.constant 400 : i32
        %mul3A_511 = arith.muli %scan3A_333, %mul3A_510 : i32
        %add3A_512 = arith.constant 352 : i32
        %add3A_513 = arith.addi %mul3A_511, %add3A_512 : i32
        %get3A_514 = arith.index_cast %add3A_513 : i32 to index
        %get3A_515 = tpu.vector_load %arg10[%get3A_514] {strides = array<i32>} : memref<10000xi32, #tpu.memory_space<vmem>>, vector<16xi32>,
        %sub3A_516 = vector.broadcast %mul3A_92 : i32 to vector<16xi32>
        %sub3A_517 = arith.subi %get3A_515, %sub3A_516 : vector<16xi32>
        %mul3A_518 = arith.constant 400 : i32
        %mul3A_519 = arith.muli %scan3A_333, %mul3A_518 : i32
        %add3A_520 = arith.constant 368 : i32
        %add3A_521 = arith.addi %mul3A_519, %add3A_520 : i32
        %get3A_522 = arith.index_cast %add3A_521 : i32 to index
        %get3A_523 = tpu.vector_load %arg10[%get3A_522] {strides = array<i32>} : memref<10000xi32, #tpu.memory_space<vmem>>, vector<16xi32>,
        %sub3A_524 = vector.broadcast %mul3A_92 : i32 to vector<16xi32>
        %sub3A_525 = arith.subi %get3A_523, %sub3A_524 : vector<16xi32>
        %mul3A_526 = arith.constant 400 : i32
        %mul3A_527 = arith.muli %scan3A_333, %mul3A_526 : i32
        %add3A_528 = arith.constant 384 : i32
        %add3A_529 = arith.addi %mul3A_527, %add3A_528 : i32
        %get3A_530 = arith.index_cast %add3A_529 : i32 to index
        %get3A_531 = tpu.vector_load %arg10[%get3A_530] {strides = array<i32>} : memref<10000xi32, #tpu.memory_space<vmem>>, vector<16xi32>,
        %sub3A_532 = vector.broadcast %mul3A_92 : i32 to vector<16xi32>
        %sub3A_533 = arith.subi %get3A_531, %sub3A_532 : vector<16xi32>
        %bitcast3A = vector.bitcast %sub3A_341 : vector<16xi32> to vector<16xi32>
        %lt3A_534 = vector.broadcast %scan3A_96 : i32 to vector<16xi32>
        %lt3A_535 = arith.cmpi ult, %bitcast3A, %lt3A_534 : vector<16xi32>
        %add3A_536 = arith.constant 0 : i32
        %add3A_537 = vector.broadcast %add3A_536 : i32 to vector<16xi32>
        %add3A_538 = arith.addi %scan3A_334, %add3A_537 : vector<16xi32>
        tpu.vector_store_idx %arg12[%sub3A_341], %add3A_538 masked %lt3A_535 : memref<31264xi32, #tpu.memory_space<vmem>>[vector<16xi32>], vector<16xi32>, vector<16xi1>
        %bitcast3A_539 = vector.bitcast %sub3A_349 : vector<16xi32> to vector<16xi32>
        %lt3A_540 = vector.broadcast %scan3A_96 : i32 to vector<16xi32>
        %lt3A_541 = arith.cmpi ult, %bitcast3A_539, %lt3A_540 : vector<16xi32>
        %add3A_542 = arith.constant 16 : i32
        %add3A_543 = vector.broadcast %add3A_542 : i32 to vector<16xi32>
        %add3A_544 = arith.addi %scan3A_334, %add3A_543 : vector<16xi32>
        tpu.vector_store_idx %arg12[%sub3A_349], %add3A_544 masked %lt3A_541 : memref<31264xi32, #tpu.memory_space<vmem>>[vector<16xi32>], vector<16xi32>, vector<16xi1>
        %bitcast3A_545 = vector.bitcast %sub3A_357 : vector<16xi32> to vector<16xi32>
        %lt3A_546 = vector.broadcast %scan3A_96 : i32 to vector<16xi32>
        %lt3A_547 = arith.cmpi ult, %bitcast3A_545, %lt3A_546 : vector<16xi32>
        %add3A_548 = arith.constant 32 : i32
        %add3A_549 = vector.broadcast %add3A_548 : i32 to vector<16xi32>
        %add3A_550 = arith.addi %scan3A_334, %add3A_549 : vector<16xi32>
        tpu.vector_store_idx %arg12[%sub3A_357], %add3A_550 masked %lt3A_547 : memref<31264xi32, #tpu.memory_space<vmem>>[vector<16xi32>], vector<16xi32>, vector<16xi1>
        %bitcast3A_551 = vector.bitcast %sub3A_365 : vector<16xi32> to vector<16xi32>
        %lt3A_552 = vector.broadcast %scan3A_96 : i32 to vector<16xi32>
        %lt3A_553 = arith.cmpi ult, %bitcast3A_551, %lt3A_552 : vector<16xi32>
        %add3A_554 = arith.constant 48 : i32
        %add3A_555 = vector.broadcast %add3A_554 : i32 to vector<16xi32>
        %add3A_556 = arith.addi %scan3A_334, %add3A_555 : vector<16xi32>
        tpu.vector_store_idx %arg12[%sub3A_365], %add3A_556 masked %lt3A_553 : memref<31264xi32, #tpu.memory_space<vmem>>[vector<16xi32>], vector<16xi32>, vector<16xi1>
        %bitcast3A_557 = vector.bitcast %sub3A_373 : vector<16xi32> to vector<16xi32>
        %lt3A_558 = vector.broadcast %scan3A_96 : i32 to vector<16xi32>
        %lt3A_559 = arith.cmpi ult, %bitcast3A_557, %lt3A_558 : vector<16xi32>
        %add3A_560 = arith.constant 64 : i32
        %add3A_561 = vector.broadcast %add3A_560 : i32 to vector<16xi32>
        %add3A_562 = arith.addi %scan3A_334, %add3A_561 : vector<16xi32>
        tpu.vector_store_idx %arg12[%sub3A_373], %add3A_562 masked %lt3A_559 : memref<31264xi32, #tpu.memory_space<vmem>>[vector<16xi32>], vector<16xi32>, vector<16xi1>
        %bitcast3A_563 = vector.bitcast %sub3A_381 : vector<16xi32> to vector<16xi32>
        %lt3A_564 = vector.broadcast %scan3A_96 : i32 to vector<16xi32>
        %lt3A_565 = arith.cmpi ult, %bitcast3A_563, %lt3A_564 : vector<16xi32>
        %add3A_566 = arith.constant 80 : i32
        %add3A_567 = vector.broadcast %add3A_566 : i32 to vector<16xi32>
        %add3A_568 = arith.addi %scan3A_334, %add3A_567 : vector<16xi32>
        tpu.vector_store_idx %arg12[%sub3A_381], %add3A_568 masked %lt3A_565 : memref<31264xi32, #tpu.memory_space<vmem>>[vector<16xi32>], vector<16xi32>, vector<16xi1>
        %bitcast3A_569 = vector.bitcast %sub3A_389 : vector<16xi32> to vector<16xi32>
        %lt3A_570 = vector.broadcast %scan3A_96 : i32 to vector<16xi32>
        %lt3A_571 = arith.cmpi ult, %bitcast3A_569, %lt3A_570 : vector<16xi32>
        %add3A_572 = arith.constant 96 : i32
        %add3A_573 = vector.broadcast %add3A_572 : i32 to vector<16xi32>
        %add3A_574 = arith.addi %scan3A_334, %add3A_573 : vector<16xi32>
        tpu.vector_store_idx %arg12[%sub3A_389], %add3A_574 masked %lt3A_571 : memref<31264xi32, #tpu.memory_space<vmem>>[vector<16xi32>], vector<16xi32>, vector<16xi1>
        %bitcast3A_575 = vector.bitcast %sub3A_397 : vector<16xi32> to vector<16xi32>
        %lt3A_576 = vector.broadcast %scan3A_96 : i32 to vector<16xi32>
        %lt3A_577 = arith.cmpi ult, %bitcast3A_575, %lt3A_576 : vector<16xi32>
        %add3A_578 = arith.constant 112 : i32
        %add3A_579 = vector.broadcast %add3A_578 : i32 to vector<16xi32>
        %add3A_580 = arith.addi %scan3A_334, %add3A_579 : vector<16xi32>
        tpu.vector_store_idx %arg12[%sub3A_397], %add3A_580 masked %lt3A_577 : memref<31264xi32, #tpu.memory_space<vmem>>[vector<16xi32>], vector<16xi32>, vector<16xi1>
        %bitcast3A_581 = vector.bitcast %sub3A_405 : vector<16xi32> to vector<16xi32>
        %lt3A_582 = vector.broadcast %scan3A_96 : i32 to vector<16xi32>
        %lt3A_583 = arith.cmpi ult, %bitcast3A_581, %lt3A_582 : vector<16xi32>
        %add3A_584 = arith.constant 128 : i32
        %add3A_585 = vector.broadcast %add3A_584 : i32 to vector<16xi32>
        %add3A_586 = arith.addi %scan3A_334, %add3A_585 : vector<16xi32>
        tpu.vector_store_idx %arg12[%sub3A_405], %add3A_586 masked %lt3A_583 : memref<31264xi32, #tpu.memory_space<vmem>>[vector<16xi32>], vector<16xi32>, vector<16xi1>
        %bitcast3A_587 = vector.bitcast %sub3A_413 : vector<16xi32> to vector<16xi32>
        %lt3A_588 = vector.broadcast %scan3A_96 : i32 to vector<16xi32>
        %lt3A_589 = arith.cmpi ult, %bitcast3A_587, %lt3A_588 : vector<16xi32>
        %add3A_590 = arith.constant 144 : i32
        %add3A_591 = vector.broadcast %add3A_590 : i32 to vector<16xi32>
        %add3A_592 = arith.addi %scan3A_334, %add3A_591 : vector<16xi32>
        tpu.vector_store_idx %arg12[%sub3A_413], %add3A_592 masked %lt3A_589 : memref<31264xi32, #tpu.memory_space<vmem>>[vector<16xi32>], vector<16xi32>, vector<16xi1>
        %bitcast3A_593 = vector.bitcast %sub3A_421 : vector<16xi32> to vector<16xi32>
        %lt3A_594 = vector.broadcast %scan3A_96 : i32 to vector<16xi32>
        %lt3A_595 = arith.cmpi ult, %bitcast3A_593, %lt3A_594 : vector<16xi32>
        %add3A_596 = arith.constant 160 : i32
        %add3A_597 = vector.broadcast %add3A_596 : i32 to vector<16xi32>
        %add3A_598 = arith.addi %scan3A_334, %add3A_597 : vector<16xi32>
        tpu.vector_store_idx %arg12[%sub3A_421], %add3A_598 masked %lt3A_595 : memref<31264xi32, #tpu.memory_space<vmem>>[vector<16xi32>], vector<16xi32>, vector<16xi1>
        %bitcast3A_599 = vector.bitcast %sub3A_429 : vector<16xi32> to vector<16xi32>
        %lt3A_600 = vector.broadcast %scan3A_96 : i32 to vector<16xi32>
        %lt3A_601 = arith.cmpi ult, %bitcast3A_599, %lt3A_600 : vector<16xi32>
        %add3A_602 = arith.constant 176 : i32
        %add3A_603 = vector.broadcast %add3A_602 : i32 to vector<16xi32>
        %add3A_604 = arith.addi %scan3A_334, %add3A_603 : vector<16xi32>
        tpu.vector_store_idx %arg12[%sub3A_429], %add3A_604 masked %lt3A_601 : memref<31264xi32, #tpu.memory_space<vmem>>[vector<16xi32>], vector<16xi32>, vector<16xi1>
        %bitcast3A_605 = vector.bitcast %sub3A_437 : vector<16xi32> to vector<16xi32>
        %lt3A_606 = vector.broadcast %scan3A_96 : i32 to vector<16xi32>
        %lt3A_607 = arith.cmpi ult, %bitcast3A_605, %lt3A_606 : vector<16xi32>
        %add3A_608 = arith.constant 192 : i32
        %add3A_609 = vector.broadcast %add3A_608 : i32 to vector<16xi32>
        %add3A_610 = arith.addi %scan3A_334, %add3A_609 : vector<16xi32>
        tpu.vector_store_idx %arg12[%sub3A_437], %add3A_610 masked %lt3A_607 : memref<31264xi32, #tpu.memory_space<vmem>>[vector<16xi32>], vector<16xi32>, vector<16xi1>
        %bitcast3A_611 = vector.bitcast %sub3A_445 : vector<16xi32> to vector<16xi32>
        %lt3A_612 = vector.broadcast %scan3A_96 : i32 to vector<16xi32>
        %lt3A_613 = arith.cmpi ult, %bitcast3A_611, %lt3A_612 : vector<16xi32>
        %add3A_614 = arith.constant 208 : i32
        %add3A_615 = vector.broadcast %add3A_614 : i32 to vector<16xi32>
        %add3A_616 = arith.addi %scan3A_334, %add3A_615 : vector<16xi32>
        tpu.vector_store_idx %arg12[%sub3A_445], %add3A_616 masked %lt3A_613 : memref<31264xi32, #tpu.memory_space<vmem>>[vector<16xi32>], vector<16xi32>, vector<16xi1>
        %bitcast3A_617 = vector.bitcast %sub3A_453 : vector<16xi32> to vector<16xi32>
        %lt3A_618 = vector.broadcast %scan3A_96 : i32 to vector<16xi32>
        %lt3A_619 = arith.cmpi ult, %bitcast3A_617, %lt3A_618 : vector<16xi32>
        %add3A_620 = arith.constant 224 : i32
        %add3A_621 = vector.broadcast %add3A_620 : i32 to vector<16xi32>
        %add3A_622 = arith.addi %scan3A_334, %add3A_621 : vector<16xi32>
        tpu.vector_store_idx %arg12[%sub3A_453], %add3A_622 masked %lt3A_619 : memref<31264xi32, #tpu.memory_space<vmem>>[vector<16xi32>], vector<16xi32>, vector<16xi1>
        %bitcast3A_623 = vector.bitcast %sub3A_461 : vector<16xi32> to vector<16xi32>
        %lt3A_624 = vector.broadcast %scan3A_96 : i32 to vector<16xi32>
        %lt3A_625 = arith.cmpi ult, %bitcast3A_623, %lt3A_624 : vector<16xi32>
        %add3A_626 = arith.constant 240 : i32
        %add3A_627 = vector.broadcast %add3A_626 : i32 to vector<16xi32>
        %add3A_628 = arith.addi %scan3A_334, %add3A_627 : vector<16xi32>
        tpu.vector_store_idx %arg12[%sub3A_461], %add3A_628 masked %lt3A_625 : memref<31264xi32, #tpu.memory_space<vmem>>[vector<16xi32>], vector<16xi32>, vector<16xi1>
        %bitcast3A_629 = vector.bitcast %sub3A_469 : vector<16xi32> to vector<16xi32>
        %lt3A_630 = vector.broadcast %scan3A_96 : i32 to vector<16xi32>
        %lt3A_631 = arith.cmpi ult, %bitcast3A_629, %lt3A_630 : vector<16xi32>
        %add3A_632 = arith.constant 256 : i32
        %add3A_633 = vector.broadcast %add3A_632 : i32 to vector<16xi32>
        %add3A_634 = arith.addi %scan3A_334, %add3A_633 : vector<16xi32>
        tpu.vector_store_idx %arg12[%sub3A_469], %add3A_634 masked %lt3A_631 : memref<31264xi32, #tpu.memory_space<vmem>>[vector<16xi32>], vector<16xi32>, vector<16xi1>
        %bitcast3A_635 = vector.bitcast %sub3A_477 : vector<16xi32> to vector<16xi32>
        %lt3A_636 = vector.broadcast %scan3A_96 : i32 to vector<16xi32>
        %lt3A_637 = arith.cmpi ult, %bitcast3A_635, %lt3A_636 : vector<16xi32>
        %add3A_638 = arith.constant 272 : i32
        %add3A_639 = vector.broadcast %add3A_638 : i32 to vector<16xi32>
        %add3A_640 = arith.addi %scan3A_334, %add3A_639 : vector<16xi32>
        tpu.vector_store_idx %arg12[%sub3A_477], %add3A_640 masked %lt3A_637 : memref<31264xi32, #tpu.memory_space<vmem>>[vector<16xi32>], vector<16xi32>, vector<16xi1>
        %bitcast3A_641 = vector.bitcast %sub3A_485 : vector<16xi32> to vector<16xi32>
        %lt3A_642 = vector.broadcast %scan3A_96 : i32 to vector<16xi32>
        %lt3A_643 = arith.cmpi ult, %bitcast3A_641, %lt3A_642 : vector<16xi32>
        %add3A_644 = arith.constant 288 : i32
        %add3A_645 = vector.broadcast %add3A_644 : i32 to vector<16xi32>
        %add3A_646 = arith.addi %scan3A_334, %add3A_645 : vector<16xi32>
        tpu.vector_store_idx %arg12[%sub3A_485], %add3A_646 masked %lt3A_643 : memref<31264xi32, #tpu.memory_space<vmem>>[vector<16xi32>], vector<16xi32>, vector<16xi1>
        %bitcast3A_647 = vector.bitcast %sub3A_493 : vector<16xi32> to vector<16xi32>
        %lt3A_648 = vector.broadcast %scan3A_96 : i32 to vector<16xi32>
        %lt3A_649 = arith.cmpi ult, %bitcast3A_647, %lt3A_648 : vector<16xi32>
        %add3A_650 = arith.constant 304 : i32
        %add3A_651 = vector.broadcast %add3A_650 : i32 to vector<16xi32>
        %add3A_652 = arith.addi %scan3A_334, %add3A_651 : vector<16xi32>
        tpu.vector_store_idx %arg12[%sub3A_493], %add3A_652 masked %lt3A_649 : memref<31264xi32, #tpu.memory_space<vmem>>[vector<16xi32>], vector<16xi32>, vector<16xi1>
        %bitcast3A_653 = vector.bitcast %sub3A_501 : vector<16xi32> to vector<16xi32>
        %lt3A_654 = vector.broadcast %scan3A_96 : i32 to vector<16xi32>
        %lt3A_655 = arith.cmpi ult, %bitcast3A_653, %lt3A_654 : vector<16xi32>
        %add3A_656 = arith.constant 320 : i32
        %add3A_657 = vector.broadcast %add3A_656 : i32 to vector<16xi32>
        %add3A_658 = arith.addi %scan3A_334, %add3A_657 : vector<16xi32>
        tpu.vector_store_idx %arg12[%sub3A_501], %add3A_658 masked %lt3A_655 : memref<31264xi32, #tpu.memory_space<vmem>>[vector<16xi32>], vector<16xi32>, vector<16xi1>
        %bitcast3A_659 = vector.bitcast %sub3A_509 : vector<16xi32> to vector<16xi32>
        %lt3A_660 = vector.broadcast %scan3A_96 : i32 to vector<16xi32>
        %lt3A_661 = arith.cmpi ult, %bitcast3A_659, %lt3A_660 : vector<16xi32>
        %add3A_662 = arith.constant 336 : i32
        %add3A_663 = vector.broadcast %add3A_662 : i32 to vector<16xi32>
        %add3A_664 = arith.addi %scan3A_334, %add3A_663 : vector<16xi32>
        tpu.vector_store_idx %arg12[%sub3A_509], %add3A_664 masked %lt3A_661 : memref<31264xi32, #tpu.memory_space<vmem>>[vector<16xi32>], vector<16xi32>, vector<16xi1>
        %bitcast3A_665 = vector.bitcast %sub3A_517 : vector<16xi32> to vector<16xi32>
        %lt3A_666 = vector.broadcast %scan3A_96 : i32 to vector<16xi32>
        %lt3A_667 = arith.cmpi ult, %bitcast3A_665, %lt3A_666 : vector<16xi32>
        %add3A_668 = arith.constant 352 : i32
        %add3A_669 = vector.broadcast %add3A_668 : i32 to vector<16xi32>
        %add3A_670 = arith.addi %scan3A_334, %add3A_669 : vector<16xi32>
        tpu.vector_store_idx %arg12[%sub3A_517], %add3A_670 masked %lt3A_667 : memref<31264xi32, #tpu.memory_space<vmem>>[vector<16xi32>], vector<16xi32>, vector<16xi1>
        %bitcast3A_671 = vector.bitcast %sub3A_525 : vector<16xi32> to vector<16xi32>
        %lt3A_672 = vector.broadcast %scan3A_96 : i32 to vector<16xi32>
        %lt3A_673 = arith.cmpi ult, %bitcast3A_671, %lt3A_672 : vector<16xi32>
        %add3A_674 = arith.constant 368 : i32
        %add3A_675 = vector.broadcast %add3A_674 : i32 to vector<16xi32>
        %add3A_676 = arith.addi %scan3A_334, %add3A_675 : vector<16xi32>
        tpu.vector_store_idx %arg12[%sub3A_525], %add3A_676 masked %lt3A_673 : memref<31264xi32, #tpu.memory_space<vmem>>[vector<16xi32>], vector<16xi32>, vector<16xi1>
        %bitcast3A_677 = vector.bitcast %sub3A_533 : vector<16xi32> to vector<16xi32>
        %lt3A_678 = vector.broadcast %scan3A_96 : i32 to vector<16xi32>
        %lt3A_679 = arith.cmpi ult, %bitcast3A_677, %lt3A_678 : vector<16xi32>
        %add3A_680 = arith.constant 384 : i32
        %add3A_681 = vector.broadcast %add3A_680 : i32 to vector<16xi32>
        %add3A_682 = arith.addi %scan3A_334, %add3A_681 : vector<16xi32>
        tpu.vector_store_idx %arg12[%sub3A_533], %add3A_682 masked %lt3A_679 : memref<31264xi32, #tpu.memory_space<vmem>>[vector<16xi32>], vector<16xi32>, vector<16xi1>
        %add3A_683 = arith.constant 400 : i32
        %add3A_684 = vector.broadcast %add3A_683 : i32 to vector<16xi32>
        %add3A_685 = arith.addi %scan3A_334, %add3A_684 : vector<16xi32>
        scf.yield %add3A_685 : vector<16xi32>
      }
      %scan3A_312 = arith.constant 25 : i32
      %lt3A_313 = arith.constant 49 : i32
      %lt3A_314 = arith.cmpi slt, %scan3A_289, %lt3A_313 : i32
      %convert_element_type3A = arith.extui %lt3A_314 : i1 to i32
      %cond3A = arith.constant 0 : i32
      %cond3A_315 = arith.cmpi ne, %convert_element_type3A, %cond3A : i32
      scf.if %cond3A_315 {
        %add3A_333 = arith.constant 2 : i32
        %add3A_334 = arith.addi %mul3A_292, %add3A_333 : i32
        %mul3A_335 = arith.constant 10000 : i32
        %mul3A_336 = arith.muli %add3A_334, %mul3A_335 : i32
        %dma_start3A_337 = tpu.memref_slice %arg8[%mul3A_336] : memref<1000000xi32, #tpu.memory_space<hbm>> -> memref<10000xi32, #tpu.memory_space<hbm>>
        %dma_start3A_338 = tpu.memref_slice %arg8[%mul3A_336] : memref<1000000xi32, #tpu.memory_space<hbm>> -> memref<10000xi32, #tpu.memory_space<hbm>>
        tpu.enqueue_dma source(%dma_start3A_338 : memref<10000xi32, #tpu.memory_space<hbm>>) target(%arg10 : memref<10000xi32, #tpu.memory_space<vmem>>) target_semaphore(%arg17 : memref<!tpu.dma_semaphore, #tpu.memory_space<semaphore_mem>>)
      } else {
      }
      %dma_wait3A_316 = arith.constant 0 : i32
      %dma_wait3A_317 = tpu.memref_slice %arg8[%dma_wait3A_316] : memref<1000000xi32, #tpu.memory_space<hbm>> -> memref<10000xi32, #tpu.memory_space<hbm>>
      %dma_wait3A_318 = arith.constant 0 : i32
      %dma_wait3A_319 = tpu.memref_slice %arg8[%dma_wait3A_318] : memref<1000000xi32, #tpu.memory_space<hbm>> -> memref<10000xi32, #tpu.memory_space<hbm>>
      tpu.wait_dma2 semaphore(%arg18 : memref<!tpu.dma_semaphore, #tpu.memory_space<semaphore_mem>>) src(%dma_wait3A_319 : memref<10000xi32, #tpu.memory_space<hbm>>) dst(%arg11 : memref<10000xi32, #tpu.memory_space<vmem>>)
      %add3A_320 = arith.constant 1 : i32
      %add3A_321 = arith.addi %mul3A_292, %add3A_320 : i32
      %mul3A_322 = arith.constant 10000 : i32
      %mul3A_323 = arith.muli %add3A_321, %mul3A_322 : i32
      %add3A_324 = vector.broadcast %mul3A_323 : i32 to vector<16xi32>
      %add3A_325 = arith.addi %iota3A, %add3A_324 : vector<16xi32>
      %scan3A_326 = arith.constant 0 : i32
      %scan3A_327 = arith.constant 25 : i32
      %scan3A_328 = arith.addi %scan3A_326, %scan3A_327 : i32
      %scan3A_329 = arith.constant 1 : i32
      %scan3A_330 = scf.for %scan3A_333 = %scan3A_326 to %scan3A_328 step %scan3A_329 iter_args(%scan3A_334 = %add3A_325) -> (vector<16xi32>)  : i32 {
        %mul3A_335 = arith.constant 400 : i32
        %mul3A_336 = arith.muli %scan3A_333, %mul3A_335 : i32
        %add3A_337 = arith.constant 0 : i32
        %add3A_338 = arith.addi %mul3A_336, %add3A_337 : i32
        %get3A_339 = arith.index_cast %add3A_338 : i32 to index
        %get3A_340 = tpu.vector_load %arg11[%get3A_339] {strides = array<i32>} : memref<10000xi32, #tpu.memory_space<vmem>>, vector<16xi32>,
        %sub3A = vector.broadcast %mul3A_92 : i32 to vector<16xi32>
        %sub3A_341 = arith.subi %get3A_340, %sub3A : vector<16xi32>
        %mul3A_342 = arith.constant 400 : i32
        %mul3A_343 = arith.muli %scan3A_333, %mul3A_342 : i32
        %add3A_344 = arith.constant 16 : i32
        %add3A_345 = arith.addi %mul3A_343, %add3A_344 : i32
        %get3A_346 = arith.index_cast %add3A_345 : i32 to index
        %get3A_347 = tpu.vector_load %arg11[%get3A_346] {strides = array<i32>} : memref<10000xi32, #tpu.memory_space<vmem>>, vector<16xi32>,
        %sub3A_348 = vector.broadcast %mul3A_92 : i32 to vector<16xi32>
        %sub3A_349 = arith.subi %get3A_347, %sub3A_348 : vector<16xi32>
        %mul3A_350 = arith.constant 400 : i32
        %mul3A_351 = arith.muli %scan3A_333, %mul3A_350 : i32
        %add3A_352 = arith.constant 32 : i32
        %add3A_353 = arith.addi %mul3A_351, %add3A_352 : i32
        %get3A_354 = arith.index_cast %add3A_353 : i32 to index
        %get3A_355 = tpu.vector_load %arg11[%get3A_354] {strides = array<i32>} : memref<10000xi32, #tpu.memory_space<vmem>>, vector<16xi32>,
        %sub3A_356 = vector.broadcast %mul3A_92 : i32 to vector<16xi32>
        %sub3A_357 = arith.subi %get3A_355, %sub3A_356 : vector<16xi32>
        %mul3A_358 = arith.constant 400 : i32
        %mul3A_359 = arith.muli %scan3A_333, %mul3A_358 : i32
        %add3A_360 = arith.constant 48 : i32
        %add3A_361 = arith.addi %mul3A_359, %add3A_360 : i32
        %get3A_362 = arith.index_cast %add3A_361 : i32 to index
        %get3A_363 = tpu.vector_load %arg11[%get3A_362] {strides = array<i32>} : memref<10000xi32, #tpu.memory_space<vmem>>, vector<16xi32>,
        %sub3A_364 = vector.broadcast %mul3A_92 : i32 to vector<16xi32>
        %sub3A_365 = arith.subi %get3A_363, %sub3A_364 : vector<16xi32>
        %mul3A_366 = arith.constant 400 : i32
        %mul3A_367 = arith.muli %scan3A_333, %mul3A_366 : i32
        %add3A_368 = arith.constant 64 : i32
        %add3A_369 = arith.addi %mul3A_367, %add3A_368 : i32
        %get3A_370 = arith.index_cast %add3A_369 : i32 to index
        %get3A_371 = tpu.vector_load %arg11[%get3A_370] {strides = array<i32>} : memref<10000xi32, #tpu.memory_space<vmem>>, vector<16xi32>,
        %sub3A_372 = vector.broadcast %mul3A_92 : i32 to vector<16xi32>
        %sub3A_373 = arith.subi %get3A_371, %sub3A_372 : vector<16xi32>
        %mul3A_374 = arith.constant 400 : i32
        %mul3A_375 = arith.muli %scan3A_333, %mul3A_374 : i32
        %add3A_376 = arith.constant 80 : i32
        %add3A_377 = arith.addi %mul3A_375, %add3A_376 : i32
        %get3A_378 = arith.index_cast %add3A_377 : i32 to index
        %get3A_379 = tpu.vector_load %arg11[%get3A_378] {strides = array<i32>} : memref<10000xi32, #tpu.memory_space<vmem>>, vector<16xi32>,
        %sub3A_380 = vector.broadcast %mul3A_92 : i32 to vector<16xi32>
        %sub3A_381 = arith.subi %get3A_379, %sub3A_380 : vector<16xi32>
        %mul3A_382 = arith.constant 400 : i32
        %mul3A_383 = arith.muli %scan3A_333, %mul3A_382 : i32
        %add3A_384 = arith.constant 96 : i32
        %add3A_385 = arith.addi %mul3A_383, %add3A_384 : i32
        %get3A_386 = arith.index_cast %add3A_385 : i32 to index
        %get3A_387 = tpu.vector_load %arg11[%get3A_386] {strides = array<i32>} : memref<10000xi32, #tpu.memory_space<vmem>>, vector<16xi32>,
        %sub3A_388 = vector.broadcast %mul3A_92 : i32 to vector<16xi32>
        %sub3A_389 = arith.subi %get3A_387, %sub3A_388 : vector<16xi32>
        %mul3A_390 = arith.constant 400 : i32
        %mul3A_391 = arith.muli %scan3A_333, %mul3A_390 : i32
        %add3A_392 = arith.constant 112 : i32
        %add3A_393 = arith.addi %mul3A_391, %add3A_392 : i32
        %get3A_394 = arith.index_cast %add3A_393 : i32 to index
        %get3A_395 = tpu.vector_load %arg11[%get3A_394] {strides = array<i32>} : memref<10000xi32, #tpu.memory_space<vmem>>, vector<16xi32>,
        %sub3A_396 = vector.broadcast %mul3A_92 : i32 to vector<16xi32>
        %sub3A_397 = arith.subi %get3A_395, %sub3A_396 : vector<16xi32>
        %mul3A_398 = arith.constant 400 : i32
        %mul3A_399 = arith.muli %scan3A_333, %mul3A_398 : i32
        %add3A_400 = arith.constant 128 : i32
        %add3A_401 = arith.addi %mul3A_399, %add3A_400 : i32
        %get3A_402 = arith.index_cast %add3A_401 : i32 to index
        %get3A_403 = tpu.vector_load %arg11[%get3A_402] {strides = array<i32>} : memref<10000xi32, #tpu.memory_space<vmem>>, vector<16xi32>,
        %sub3A_404 = vector.broadcast %mul3A_92 : i32 to vector<16xi32>
        %sub3A_405 = arith.subi %get3A_403, %sub3A_404 : vector<16xi32>
        %mul3A_406 = arith.constant 400 : i32
        %mul3A_407 = arith.muli %scan3A_333, %mul3A_406 : i32
        %add3A_408 = arith.constant 144 : i32
        %add3A_409 = arith.addi %mul3A_407, %add3A_408 : i32
        %get3A_410 = arith.index_cast %add3A_409 : i32 to index
        %get3A_411 = tpu.vector_load %arg11[%get3A_410] {strides = array<i32>} : memref<10000xi32, #tpu.memory_space<vmem>>, vector<16xi32>,
        %sub3A_412 = vector.broadcast %mul3A_92 : i32 to vector<16xi32>
        %sub3A_413 = arith.subi %get3A_411, %sub3A_412 : vector<16xi32>
        %mul3A_414 = arith.constant 400 : i32
        %mul3A_415 = arith.muli %scan3A_333, %mul3A_414 : i32
        %add3A_416 = arith.constant 160 : i32
        %add3A_417 = arith.addi %mul3A_415, %add3A_416 : i32
        %get3A_418 = arith.index_cast %add3A_417 : i32 to index
        %get3A_419 = tpu.vector_load %arg11[%get3A_418] {strides = array<i32>} : memref<10000xi32, #tpu.memory_space<vmem>>, vector<16xi32>,
        %sub3A_420 = vector.broadcast %mul3A_92 : i32 to vector<16xi32>
        %sub3A_421 = arith.subi %get3A_419, %sub3A_420 : vector<16xi32>
        %mul3A_422 = arith.constant 400 : i32
        %mul3A_423 = arith.muli %scan3A_333, %mul3A_422 : i32
        %add3A_424 = arith.constant 176 : i32
        %add3A_425 = arith.addi %mul3A_423, %add3A_424 : i32
        %get3A_426 = arith.index_cast %add3A_425 : i32 to index
        %get3A_427 = tpu.vector_load %arg11[%get3A_426] {strides = array<i32>} : memref<10000xi32, #tpu.memory_space<vmem>>, vector<16xi32>,
        %sub3A_428 = vector.broadcast %mul3A_92 : i32 to vector<16xi32>
        %sub3A_429 = arith.subi %get3A_427, %sub3A_428 : vector<16xi32>
        %mul3A_430 = arith.constant 400 : i32
        %mul3A_431 = arith.muli %scan3A_333, %mul3A_430 : i32
        %add3A_432 = arith.constant 192 : i32
        %add3A_433 = arith.addi %mul3A_431, %add3A_432 : i32
        %get3A_434 = arith.index_cast %add3A_433 : i32 to index
        %get3A_435 = tpu.vector_load %arg11[%get3A_434] {strides = array<i32>} : memref<10000xi32, #tpu.memory_space<vmem>>, vector<16xi32>,
        %sub3A_436 = vector.broadcast %mul3A_92 : i32 to vector<16xi32>
        %sub3A_437 = arith.subi %get3A_435, %sub3A_436 : vector<16xi32>
        %mul3A_438 = arith.constant 400 : i32
        %mul3A_439 = arith.muli %scan3A_333, %mul3A_438 : i32
        %add3A_440 = arith.constant 208 : i32
        %add3A_441 = arith.addi %mul3A_439, %add3A_440 : i32
        %get3A_442 = arith.index_cast %add3A_441 : i32 to index
        %get3A_443 = tpu.vector_load %arg11[%get3A_442] {strides = array<i32>} : memref<10000xi32, #tpu.memory_space<vmem>>, vector<16xi32>,
        %sub3A_444 = vector.broadcast %mul3A_92 : i32 to vector<16xi32>
        %sub3A_445 = arith.subi %get3A_443, %sub3A_444 : vector<16xi32>
        %mul3A_446 = arith.constant 400 : i32
        %mul3A_447 = arith.muli %scan3A_333, %mul3A_446 : i32
        %add3A_448 = arith.constant 224 : i32
        %add3A_449 = arith.addi %mul3A_447, %add3A_448 : i32
        %get3A_450 = arith.index_cast %add3A_449 : i32 to index
        %get3A_451 = tpu.vector_load %arg11[%get3A_450] {strides = array<i32>} : memref<10000xi32, #tpu.memory_space<vmem>>, vector<16xi32>,
        %sub3A_452 = vector.broadcast %mul3A_92 : i32 to vector<16xi32>
        %sub3A_453 = arith.subi %get3A_451, %sub3A_452 : vector<16xi32>
        %mul3A_454 = arith.constant 400 : i32
        %mul3A_455 = arith.muli %scan3A_333, %mul3A_454 : i32
        %add3A_456 = arith.constant 240 : i32
        %add3A_457 = arith.addi %mul3A_455, %add3A_456 : i32
        %get3A_458 = arith.index_cast %add3A_457 : i32 to index
        %get3A_459 = tpu.vector_load %arg11[%get3A_458] {strides = array<i32>} : memref<10000xi32, #tpu.memory_space<vmem>>, vector<16xi32>,
        %sub3A_460 = vector.broadcast %mul3A_92 : i32 to vector<16xi32>
        %sub3A_461 = arith.subi %get3A_459, %sub3A_460 : vector<16xi32>
        %mul3A_462 = arith.constant 400 : i32
        %mul3A_463 = arith.muli %scan3A_333, %mul3A_462 : i32
        %add3A_464 = arith.constant 256 : i32
        %add3A_465 = arith.addi %mul3A_463, %add3A_464 : i32
        %get3A_466 = arith.index_cast %add3A_465 : i32 to index
        %get3A_467 = tpu.vector_load %arg11[%get3A_466] {strides = array<i32>} : memref<10000xi32, #tpu.memory_space<vmem>>, vector<16xi32>,
        %sub3A_468 = vector.broadcast %mul3A_92 : i32 to vector<16xi32>
        %sub3A_469 = arith.subi %get3A_467, %sub3A_468 : vector<16xi32>
        %mul3A_470 = arith.constant 400 : i32
        %mul3A_471 = arith.muli %scan3A_333, %mul3A_470 : i32
        %add3A_472 = arith.constant 272 : i32
        %add3A_473 = arith.addi %mul3A_471, %add3A_472 : i32
        %get3A_474 = arith.index_cast %add3A_473 : i32 to index
        %get3A_475 = tpu.vector_load %arg11[%get3A_474] {strides = array<i32>} : memref<10000xi32, #tpu.memory_space<vmem>>, vector<16xi32>,
        %sub3A_476 = vector.broadcast %mul3A_92 : i32 to vector<16xi32>
        %sub3A_477 = arith.subi %get3A_475, %sub3A_476 : vector<16xi32>
        %mul3A_478 = arith.constant 400 : i32
        %mul3A_479 = arith.muli %scan3A_333, %mul3A_478 : i32
        %add3A_480 = arith.constant 288 : i32
        %add3A_481 = arith.addi %mul3A_479, %add3A_480 : i32
        %get3A_482 = arith.index_cast %add3A_481 : i32 to index
        %get3A_483 = tpu.vector_load %arg11[%get3A_482] {strides = array<i32>} : memref<10000xi32, #tpu.memory_space<vmem>>, vector<16xi32>,
        %sub3A_484 = vector.broadcast %mul3A_92 : i32 to vector<16xi32>
        %sub3A_485 = arith.subi %get3A_483, %sub3A_484 : vector<16xi32>
        %mul3A_486 = arith.constant 400 : i32
        %mul3A_487 = arith.muli %scan3A_333, %mul3A_486 : i32
        %add3A_488 = arith.constant 304 : i32
        %add3A_489 = arith.addi %mul3A_487, %add3A_488 : i32
        %get3A_490 = arith.index_cast %add3A_489 : i32 to index
        %get3A_491 = tpu.vector_load %arg11[%get3A_490] {strides = array<i32>} : memref<10000xi32, #tpu.memory_space<vmem>>, vector<16xi32>,
        %sub3A_492 = vector.broadcast %mul3A_92 : i32 to vector<16xi32>
        %sub3A_493 = arith.subi %get3A_491, %sub3A_492 : vector<16xi32>
        %mul3A_494 = arith.constant 400 : i32
        %mul3A_495 = arith.muli %scan3A_333, %mul3A_494 : i32
        %add3A_496 = arith.constant 320 : i32
        %add3A_497 = arith.addi %mul3A_495, %add3A_496 : i32
        %get3A_498 = arith.index_cast %add3A_497 : i32 to index
        %get3A_499 = tpu.vector_load %arg11[%get3A_498] {strides = array<i32>} : memref<10000xi32, #tpu.memory_space<vmem>>, vector<16xi32>,
        %sub3A_500 = vector.broadcast %mul3A_92 : i32 to vector<16xi32>
        %sub3A_501 = arith.subi %get3A_499, %sub3A_500 : vector<16xi32>
        %mul3A_502 = arith.constant 400 : i32
        %mul3A_503 = arith.muli %scan3A_333, %mul3A_502 : i32
        %add3A_504 = arith.constant 336 : i32
        %add3A_505 = arith.addi %mul3A_503, %add3A_504 : i32
        %get3A_506 = arith.index_cast %add3A_505 : i32 to index
        %get3A_507 = tpu.vector_load %arg11[%get3A_506] {strides = array<i32>} : memref<10000xi32, #tpu.memory_space<vmem>>, vector<16xi32>,
        %sub3A_508 = vector.broadcast %mul3A_92 : i32 to vector<16xi32>
        %sub3A_509 = arith.subi %get3A_507, %sub3A_508 : vector<16xi32>
        %mul3A_510 = arith.constant 400 : i32
        %mul3A_511 = arith.muli %scan3A_333, %mul3A_510 : i32
        %add3A_512 = arith.constant 352 : i32
        %add3A_513 = arith.addi %mul3A_511, %add3A_512 : i32
        %get3A_514 = arith.index_cast %add3A_513 : i32 to index
        %get3A_515 = tpu.vector_load %arg11[%get3A_514] {strides = array<i32>} : memref<10000xi32, #tpu.memory_space<vmem>>, vector<16xi32>,
        %sub3A_516 = vector.broadcast %mul3A_92 : i32 to vector<16xi32>
        %sub3A_517 = arith.subi %get3A_515, %sub3A_516 : vector<16xi32>
        %mul3A_518 = arith.constant 400 : i32
        %mul3A_519 = arith.muli %scan3A_333, %mul3A_518 : i32
        %add3A_520 = arith.constant 368 : i32
        %add3A_521 = arith.addi %mul3A_519, %add3A_520 : i32
        %get3A_522 = arith.index_cast %add3A_521 : i32 to index
        %get3A_523 = tpu.vector_load %arg11[%get3A_522] {strides = array<i32>} : memref<10000xi32, #tpu.memory_space<vmem>>, vector<16xi32>,
        %sub3A_524 = vector.broadcast %mul3A_92 : i32 to vector<16xi32>
        %sub3A_525 = arith.subi %get3A_523, %sub3A_524 : vector<16xi32>
        %mul3A_526 = arith.constant 400 : i32
        %mul3A_527 = arith.muli %scan3A_333, %mul3A_526 : i32
        %add3A_528 = arith.constant 384 : i32
        %add3A_529 = arith.addi %mul3A_527, %add3A_528 : i32
        %get3A_530 = arith.index_cast %add3A_529 : i32 to index
        %get3A_531 = tpu.vector_load %arg11[%get3A_530] {strides = array<i32>} : memref<10000xi32, #tpu.memory_space<vmem>>, vector<16xi32>,
        %sub3A_532 = vector.broadcast %mul3A_92 : i32 to vector<16xi32>
        %sub3A_533 = arith.subi %get3A_531, %sub3A_532 : vector<16xi32>
        %bitcast3A = vector.bitcast %sub3A_341 : vector<16xi32> to vector<16xi32>
        %lt3A_534 = vector.broadcast %scan3A_96 : i32 to vector<16xi32>
        %lt3A_535 = arith.cmpi ult, %bitcast3A, %lt3A_534 : vector<16xi32>
        %add3A_536 = arith.constant 0 : i32
        %add3A_537 = vector.broadcast %add3A_536 : i32 to vector<16xi32>
        %add3A_538 = arith.addi %scan3A_334, %add3A_537 : vector<16xi32>
        tpu.vector_store_idx %arg12[%sub3A_341], %add3A_538 masked %lt3A_535 : memref<31264xi32, #tpu.memory_space<vmem>>[vector<16xi32>], vector<16xi32>, vector<16xi1>
        %bitcast3A_539 = vector.bitcast %sub3A_349 : vector<16xi32> to vector<16xi32>
        %lt3A_540 = vector.broadcast %scan3A_96 : i32 to vector<16xi32>
        %lt3A_541 = arith.cmpi ult, %bitcast3A_539, %lt3A_540 : vector<16xi32>
        %add3A_542 = arith.constant 16 : i32
        %add3A_543 = vector.broadcast %add3A_542 : i32 to vector<16xi32>
        %add3A_544 = arith.addi %scan3A_334, %add3A_543 : vector<16xi32>
        tpu.vector_store_idx %arg12[%sub3A_349], %add3A_544 masked %lt3A_541 : memref<31264xi32, #tpu.memory_space<vmem>>[vector<16xi32>], vector<16xi32>, vector<16xi1>
        %bitcast3A_545 = vector.bitcast %sub3A_357 : vector<16xi32> to vector<16xi32>
        %lt3A_546 = vector.broadcast %scan3A_96 : i32 to vector<16xi32>
        %lt3A_547 = arith.cmpi ult, %bitcast3A_545, %lt3A_546 : vector<16xi32>
        %add3A_548 = arith.constant 32 : i32
        %add3A_549 = vector.broadcast %add3A_548 : i32 to vector<16xi32>
        %add3A_550 = arith.addi %scan3A_334, %add3A_549 : vector<16xi32>
        tpu.vector_store_idx %arg12[%sub3A_357], %add3A_550 masked %lt3A_547 : memref<31264xi32, #tpu.memory_space<vmem>>[vector<16xi32>], vector<16xi32>, vector<16xi1>
        %bitcast3A_551 = vector.bitcast %sub3A_365 : vector<16xi32> to vector<16xi32>
        %lt3A_552 = vector.broadcast %scan3A_96 : i32 to vector<16xi32>
        %lt3A_553 = arith.cmpi ult, %bitcast3A_551, %lt3A_552 : vector<16xi32>
        %add3A_554 = arith.constant 48 : i32
        %add3A_555 = vector.broadcast %add3A_554 : i32 to vector<16xi32>
        %add3A_556 = arith.addi %scan3A_334, %add3A_555 : vector<16xi32>
        tpu.vector_store_idx %arg12[%sub3A_365], %add3A_556 masked %lt3A_553 : memref<31264xi32, #tpu.memory_space<vmem>>[vector<16xi32>], vector<16xi32>, vector<16xi1>
        %bitcast3A_557 = vector.bitcast %sub3A_373 : vector<16xi32> to vector<16xi32>
        %lt3A_558 = vector.broadcast %scan3A_96 : i32 to vector<16xi32>
        %lt3A_559 = arith.cmpi ult, %bitcast3A_557, %lt3A_558 : vector<16xi32>
        %add3A_560 = arith.constant 64 : i32
        %add3A_561 = vector.broadcast %add3A_560 : i32 to vector<16xi32>
        %add3A_562 = arith.addi %scan3A_334, %add3A_561 : vector<16xi32>
        tpu.vector_store_idx %arg12[%sub3A_373], %add3A_562 masked %lt3A_559 : memref<31264xi32, #tpu.memory_space<vmem>>[vector<16xi32>], vector<16xi32>, vector<16xi1>
        %bitcast3A_563 = vector.bitcast %sub3A_381 : vector<16xi32> to vector<16xi32>
        %lt3A_564 = vector.broadcast %scan3A_96 : i32 to vector<16xi32>
        %lt3A_565 = arith.cmpi ult, %bitcast3A_563, %lt3A_564 : vector<16xi32>
        %add3A_566 = arith.constant 80 : i32
        %add3A_567 = vector.broadcast %add3A_566 : i32 to vector<16xi32>
        %add3A_568 = arith.addi %scan3A_334, %add3A_567 : vector<16xi32>
        tpu.vector_store_idx %arg12[%sub3A_381], %add3A_568 masked %lt3A_565 : memref<31264xi32, #tpu.memory_space<vmem>>[vector<16xi32>], vector<16xi32>, vector<16xi1>
        %bitcast3A_569 = vector.bitcast %sub3A_389 : vector<16xi32> to vector<16xi32>
        %lt3A_570 = vector.broadcast %scan3A_96 : i32 to vector<16xi32>
        %lt3A_571 = arith.cmpi ult, %bitcast3A_569, %lt3A_570 : vector<16xi32>
        %add3A_572 = arith.constant 96 : i32
        %add3A_573 = vector.broadcast %add3A_572 : i32 to vector<16xi32>
        %add3A_574 = arith.addi %scan3A_334, %add3A_573 : vector<16xi32>
        tpu.vector_store_idx %arg12[%sub3A_389], %add3A_574 masked %lt3A_571 : memref<31264xi32, #tpu.memory_space<vmem>>[vector<16xi32>], vector<16xi32>, vector<16xi1>
        %bitcast3A_575 = vector.bitcast %sub3A_397 : vector<16xi32> to vector<16xi32>
        %lt3A_576 = vector.broadcast %scan3A_96 : i32 to vector<16xi32>
        %lt3A_577 = arith.cmpi ult, %bitcast3A_575, %lt3A_576 : vector<16xi32>
        %add3A_578 = arith.constant 112 : i32
        %add3A_579 = vector.broadcast %add3A_578 : i32 to vector<16xi32>
        %add3A_580 = arith.addi %scan3A_334, %add3A_579 : vector<16xi32>
        tpu.vector_store_idx %arg12[%sub3A_397], %add3A_580 masked %lt3A_577 : memref<31264xi32, #tpu.memory_space<vmem>>[vector<16xi32>], vector<16xi32>, vector<16xi1>
        %bitcast3A_581 = vector.bitcast %sub3A_405 : vector<16xi32> to vector<16xi32>
        %lt3A_582 = vector.broadcast %scan3A_96 : i32 to vector<16xi32>
        %lt3A_583 = arith.cmpi ult, %bitcast3A_581, %lt3A_582 : vector<16xi32>
        %add3A_584 = arith.constant 128 : i32
        %add3A_585 = vector.broadcast %add3A_584 : i32 to vector<16xi32>
        %add3A_586 = arith.addi %scan3A_334, %add3A_585 : vector<16xi32>
        tpu.vector_store_idx %arg12[%sub3A_405], %add3A_586 masked %lt3A_583 : memref<31264xi32, #tpu.memory_space<vmem>>[vector<16xi32>], vector<16xi32>, vector<16xi1>
        %bitcast3A_587 = vector.bitcast %sub3A_413 : vector<16xi32> to vector<16xi32>
        %lt3A_588 = vector.broadcast %scan3A_96 : i32 to vector<16xi32>
        %lt3A_589 = arith.cmpi ult, %bitcast3A_587, %lt3A_588 : vector<16xi32>
        %add3A_590 = arith.constant 144 : i32
        %add3A_591 = vector.broadcast %add3A_590 : i32 to vector<16xi32>
        %add3A_592 = arith.addi %scan3A_334, %add3A_591 : vector<16xi32>
        tpu.vector_store_idx %arg12[%sub3A_413], %add3A_592 masked %lt3A_589 : memref<31264xi32, #tpu.memory_space<vmem>>[vector<16xi32>], vector<16xi32>, vector<16xi1>
        %bitcast3A_593 = vector.bitcast %sub3A_421 : vector<16xi32> to vector<16xi32>
        %lt3A_594 = vector.broadcast %scan3A_96 : i32 to vector<16xi32>
        %lt3A_595 = arith.cmpi ult, %bitcast3A_593, %lt3A_594 : vector<16xi32>
        %add3A_596 = arith.constant 160 : i32
        %add3A_597 = vector.broadcast %add3A_596 : i32 to vector<16xi32>
        %add3A_598 = arith.addi %scan3A_334, %add3A_597 : vector<16xi32>
        tpu.vector_store_idx %arg12[%sub3A_421], %add3A_598 masked %lt3A_595 : memref<31264xi32, #tpu.memory_space<vmem>>[vector<16xi32>], vector<16xi32>, vector<16xi1>
        %bitcast3A_599 = vector.bitcast %sub3A_429 : vector<16xi32> to vector<16xi32>
        %lt3A_600 = vector.broadcast %scan3A_96 : i32 to vector<16xi32>
        %lt3A_601 = arith.cmpi ult, %bitcast3A_599, %lt3A_600 : vector<16xi32>
        %add3A_602 = arith.constant 176 : i32
        %add3A_603 = vector.broadcast %add3A_602 : i32 to vector<16xi32>
        %add3A_604 = arith.addi %scan3A_334, %add3A_603 : vector<16xi32>
        tpu.vector_store_idx %arg12[%sub3A_429], %add3A_604 masked %lt3A_601 : memref<31264xi32, #tpu.memory_space<vmem>>[vector<16xi32>], vector<16xi32>, vector<16xi1>
        %bitcast3A_605 = vector.bitcast %sub3A_437 : vector<16xi32> to vector<16xi32>
        %lt3A_606 = vector.broadcast %scan3A_96 : i32 to vector<16xi32>
        %lt3A_607 = arith.cmpi ult, %bitcast3A_605, %lt3A_606 : vector<16xi32>
        %add3A_608 = arith.constant 192 : i32
        %add3A_609 = vector.broadcast %add3A_608 : i32 to vector<16xi32>
        %add3A_610 = arith.addi %scan3A_334, %add3A_609 : vector<16xi32>
        tpu.vector_store_idx %arg12[%sub3A_437], %add3A_610 masked %lt3A_607 : memref<31264xi32, #tpu.memory_space<vmem>>[vector<16xi32>], vector<16xi32>, vector<16xi1>
        %bitcast3A_611 = vector.bitcast %sub3A_445 : vector<16xi32> to vector<16xi32>
        %lt3A_612 = vector.broadcast %scan3A_96 : i32 to vector<16xi32>
        %lt3A_613 = arith.cmpi ult, %bitcast3A_611, %lt3A_612 : vector<16xi32>
        %add3A_614 = arith.constant 208 : i32
        %add3A_615 = vector.broadcast %add3A_614 : i32 to vector<16xi32>
        %add3A_616 = arith.addi %scan3A_334, %add3A_615 : vector<16xi32>
        tpu.vector_store_idx %arg12[%sub3A_445], %add3A_616 masked %lt3A_613 : memref<31264xi32, #tpu.memory_space<vmem>>[vector<16xi32>], vector<16xi32>, vector<16xi1>
        %bitcast3A_617 = vector.bitcast %sub3A_453 : vector<16xi32> to vector<16xi32>
        %lt3A_618 = vector.broadcast %scan3A_96 : i32 to vector<16xi32>
        %lt3A_619 = arith.cmpi ult, %bitcast3A_617, %lt3A_618 : vector<16xi32>
        %add3A_620 = arith.constant 224 : i32
        %add3A_621 = vector.broadcast %add3A_620 : i32 to vector<16xi32>
        %add3A_622 = arith.addi %scan3A_334, %add3A_621 : vector<16xi32>
        tpu.vector_store_idx %arg12[%sub3A_453], %add3A_622 masked %lt3A_619 : memref<31264xi32, #tpu.memory_space<vmem>>[vector<16xi32>], vector<16xi32>, vector<16xi1>
        %bitcast3A_623 = vector.bitcast %sub3A_461 : vector<16xi32> to vector<16xi32>
        %lt3A_624 = vector.broadcast %scan3A_96 : i32 to vector<16xi32>
        %lt3A_625 = arith.cmpi ult, %bitcast3A_623, %lt3A_624 : vector<16xi32>
        %add3A_626 = arith.constant 240 : i32
        %add3A_627 = vector.broadcast %add3A_626 : i32 to vector<16xi32>
        %add3A_628 = arith.addi %scan3A_334, %add3A_627 : vector<16xi32>
        tpu.vector_store_idx %arg12[%sub3A_461], %add3A_628 masked %lt3A_625 : memref<31264xi32, #tpu.memory_space<vmem>>[vector<16xi32>], vector<16xi32>, vector<16xi1>
        %bitcast3A_629 = vector.bitcast %sub3A_469 : vector<16xi32> to vector<16xi32>
        %lt3A_630 = vector.broadcast %scan3A_96 : i32 to vector<16xi32>
        %lt3A_631 = arith.cmpi ult, %bitcast3A_629, %lt3A_630 : vector<16xi32>
        %add3A_632 = arith.constant 256 : i32
        %add3A_633 = vector.broadcast %add3A_632 : i32 to vector<16xi32>
        %add3A_634 = arith.addi %scan3A_334, %add3A_633 : vector<16xi32>
        tpu.vector_store_idx %arg12[%sub3A_469], %add3A_634 masked %lt3A_631 : memref<31264xi32, #tpu.memory_space<vmem>>[vector<16xi32>], vector<16xi32>, vector<16xi1>
        %bitcast3A_635 = vector.bitcast %sub3A_477 : vector<16xi32> to vector<16xi32>
        %lt3A_636 = vector.broadcast %scan3A_96 : i32 to vector<16xi32>
        %lt3A_637 = arith.cmpi ult, %bitcast3A_635, %lt3A_636 : vector<16xi32>
        %add3A_638 = arith.constant 272 : i32
        %add3A_639 = vector.broadcast %add3A_638 : i32 to vector<16xi32>
        %add3A_640 = arith.addi %scan3A_334, %add3A_639 : vector<16xi32>
        tpu.vector_store_idx %arg12[%sub3A_477], %add3A_640 masked %lt3A_637 : memref<31264xi32, #tpu.memory_space<vmem>>[vector<16xi32>], vector<16xi32>, vector<16xi1>
        %bitcast3A_641 = vector.bitcast %sub3A_485 : vector<16xi32> to vector<16xi32>
        %lt3A_642 = vector.broadcast %scan3A_96 : i32 to vector<16xi32>
        %lt3A_643 = arith.cmpi ult, %bitcast3A_641, %lt3A_642 : vector<16xi32>
        %add3A_644 = arith.constant 288 : i32
        %add3A_645 = vector.broadcast %add3A_644 : i32 to vector<16xi32>
        %add3A_646 = arith.addi %scan3A_334, %add3A_645 : vector<16xi32>
        tpu.vector_store_idx %arg12[%sub3A_485], %add3A_646 masked %lt3A_643 : memref<31264xi32, #tpu.memory_space<vmem>>[vector<16xi32>], vector<16xi32>, vector<16xi1>
        %bitcast3A_647 = vector.bitcast %sub3A_493 : vector<16xi32> to vector<16xi32>
        %lt3A_648 = vector.broadcast %scan3A_96 : i32 to vector<16xi32>
        %lt3A_649 = arith.cmpi ult, %bitcast3A_647, %lt3A_648 : vector<16xi32>
        %add3A_650 = arith.constant 304 : i32
        %add3A_651 = vector.broadcast %add3A_650 : i32 to vector<16xi32>
        %add3A_652 = arith.addi %scan3A_334, %add3A_651 : vector<16xi32>
        tpu.vector_store_idx %arg12[%sub3A_493], %add3A_652 masked %lt3A_649 : memref<31264xi32, #tpu.memory_space<vmem>>[vector<16xi32>], vector<16xi32>, vector<16xi1>
        %bitcast3A_653 = vector.bitcast %sub3A_501 : vector<16xi32> to vector<16xi32>
        %lt3A_654 = vector.broadcast %scan3A_96 : i32 to vector<16xi32>
        %lt3A_655 = arith.cmpi ult, %bitcast3A_653, %lt3A_654 : vector<16xi32>
        %add3A_656 = arith.constant 320 : i32
        %add3A_657 = vector.broadcast %add3A_656 : i32 to vector<16xi32>
        %add3A_658 = arith.addi %scan3A_334, %add3A_657 : vector<16xi32>
        tpu.vector_store_idx %arg12[%sub3A_501], %add3A_658 masked %lt3A_655 : memref<31264xi32, #tpu.memory_space<vmem>>[vector<16xi32>], vector<16xi32>, vector<16xi1>
        %bitcast3A_659 = vector.bitcast %sub3A_509 : vector<16xi32> to vector<16xi32>
        %lt3A_660 = vector.broadcast %scan3A_96 : i32 to vector<16xi32>
        %lt3A_661 = arith.cmpi ult, %bitcast3A_659, %lt3A_660 : vector<16xi32>
        %add3A_662 = arith.constant 336 : i32
        %add3A_663 = vector.broadcast %add3A_662 : i32 to vector<16xi32>
        %add3A_664 = arith.addi %scan3A_334, %add3A_663 : vector<16xi32>
        tpu.vector_store_idx %arg12[%sub3A_509], %add3A_664 masked %lt3A_661 : memref<31264xi32, #tpu.memory_space<vmem>>[vector<16xi32>], vector<16xi32>, vector<16xi1>
        %bitcast3A_665 = vector.bitcast %sub3A_517 : vector<16xi32> to vector<16xi32>
        %lt3A_666 = vector.broadcast %scan3A_96 : i32 to vector<16xi32>
        %lt3A_667 = arith.cmpi ult, %bitcast3A_665, %lt3A_666 : vector<16xi32>
        %add3A_668 = arith.constant 352 : i32
        %add3A_669 = vector.broadcast %add3A_668 : i32 to vector<16xi32>
        %add3A_670 = arith.addi %scan3A_334, %add3A_669 : vector<16xi32>
        tpu.vector_store_idx %arg12[%sub3A_517], %add3A_670 masked %lt3A_667 : memref<31264xi32, #tpu.memory_space<vmem>>[vector<16xi32>], vector<16xi32>, vector<16xi1>
        %bitcast3A_671 = vector.bitcast %sub3A_525 : vector<16xi32> to vector<16xi32>
        %lt3A_672 = vector.broadcast %scan3A_96 : i32 to vector<16xi32>
        %lt3A_673 = arith.cmpi ult, %bitcast3A_671, %lt3A_672 : vector<16xi32>
        %add3A_674 = arith.constant 368 : i32
        %add3A_675 = vector.broadcast %add3A_674 : i32 to vector<16xi32>
        %add3A_676 = arith.addi %scan3A_334, %add3A_675 : vector<16xi32>
        tpu.vector_store_idx %arg12[%sub3A_525], %add3A_676 masked %lt3A_673 : memref<31264xi32, #tpu.memory_space<vmem>>[vector<16xi32>], vector<16xi32>, vector<16xi1>
        %bitcast3A_677 = vector.bitcast %sub3A_533 : vector<16xi32> to vector<16xi32>
        %lt3A_678 = vector.broadcast %scan3A_96 : i32 to vector<16xi32>
        %lt3A_679 = arith.cmpi ult, %bitcast3A_677, %lt3A_678 : vector<16xi32>
        %add3A_680 = arith.constant 384 : i32
        %add3A_681 = vector.broadcast %add3A_680 : i32 to vector<16xi32>
        %add3A_682 = arith.addi %scan3A_334, %add3A_681 : vector<16xi32>
        tpu.vector_store_idx %arg12[%sub3A_533], %add3A_682 masked %lt3A_679 : memref<31264xi32, #tpu.memory_space<vmem>>[vector<16xi32>], vector<16xi32>, vector<16xi1>
        %add3A_683 = arith.constant 400 : i32
        %add3A_684 = vector.broadcast %add3A_683 : i32 to vector<16xi32>
        %add3A_685 = arith.addi %scan3A_334, %add3A_684 : vector<16xi32>
        scf.yield %add3A_685 : vector<16xi32>
      }
      %scan3A_331 = arith.constant 25 : i32
      %scan3A_332 = arith.constant 0 : i32
      scf.yield %scan3A_332 : i32
    }
    %scan3A_103 = arith.constant 50 : i32
    %broadcast_in_dim3A_104 = arith.constant 0.000000e+00 : f32
    %broadcast_in_dim3A_105 = vector.broadcast %broadcast_in_dim3A_104 : f32 to vector<16xf32>
    %add3A_106 = arith.constant 16 : i32
    %add3A_107 = vector.broadcast %add3A_106 : i32 to vector<16xi32>
    %add3A_108 = arith.addi %iota3A, %add3A_107 : vector<16xi32>
    %swap3A_109 = arith.constant 122 : i32
    %swap3A_110 = arith.index_cast %swap3A_109 : i32 to index
    %swap3A_111 = arith.constant 16 : index
    %swap3A_112 = tpu.vector_load %arg13[%swap3A_110, %swap3A_111] {strides = array<i32>} : memref<123x128xi32, #tpu.memory_space<vmem>>, vector<16xi32>,
    tpu.vector_store %arg13[%swap3A_110, %swap3A_111], %add3A_108 {strides = array<i32>} : memref<123x128xi32, #tpu.memory_space<vmem>>, vector<16xi32>,
    %add3A_113 = arith.constant 32 : i32
    %add3A_114 = vector.broadcast %add3A_113 : i32 to vector<16xi32>
    %add3A_115 = arith.addi %iota3A, %add3A_114 : vector<16xi32>
    %swap3A_116 = arith.constant 122 : i32
    %swap3A_117 = arith.index_cast %swap3A_116 : i32 to index
    %swap3A_118 = arith.constant 32 : index
    %swap3A_119 = tpu.vector_load %arg13[%swap3A_117, %swap3A_118] {strides = array<i32>} : memref<123x128xi32, #tpu.memory_space<vmem>>, vector<16xi32>,
    tpu.vector_store %arg13[%swap3A_117, %swap3A_118], %add3A_115 {strides = array<i32>} : memref<123x128xi32, #tpu.memory_space<vmem>>, vector<16xi32>,
    %add3A_120 = arith.constant 48 : i32
    %add3A_121 = vector.broadcast %add3A_120 : i32 to vector<16xi32>
    %add3A_122 = arith.addi %iota3A, %add3A_121 : vector<16xi32>
    %swap3A_123 = arith.constant 122 : i32
    %swap3A_124 = arith.index_cast %swap3A_123 : i32 to index
    %swap3A_125 = arith.constant 48 : index
    %swap3A_126 = tpu.vector_load %arg13[%swap3A_124, %swap3A_125] {strides = array<i32>} : memref<123x128xi32, #tpu.memory_space<vmem>>, vector<16xi32>,
    tpu.vector_store %arg13[%swap3A_124, %swap3A_125], %add3A_122 {strides = array<i32>} : memref<123x128xi32, #tpu.memory_space<vmem>>, vector<16xi32>,
    %add3A_127 = arith.constant 64 : i32
    %add3A_128 = vector.broadcast %add3A_127 : i32 to vector<16xi32>
    %add3A_129 = arith.addi %iota3A, %add3A_128 : vector<16xi32>
    %swap3A_130 = arith.constant 122 : i32
    %swap3A_131 = arith.index_cast %swap3A_130 : i32 to index
    %swap3A_132 = arith.constant 64 : index
    %swap3A_133 = tpu.vector_load %arg13[%swap3A_131, %swap3A_132] {strides = array<i32>} : memref<123x128xi32, #tpu.memory_space<vmem>>, vector<16xi32>,
    tpu.vector_store %arg13[%swap3A_131, %swap3A_132], %add3A_129 {strides = array<i32>} : memref<123x128xi32, #tpu.memory_space<vmem>>, vector<16xi32>,
    %add3A_134 = arith.constant 80 : i32
    %add3A_135 = vector.broadcast %add3A_134 : i32 to vector<16xi32>
    %add3A_136 = arith.addi %iota3A, %add3A_135 : vector<16xi32>
    %swap3A_137 = arith.constant 122 : i32
    %swap3A_138 = arith.index_cast %swap3A_137 : i32 to index
    %swap3A_139 = arith.constant 80 : index
    %swap3A_140 = tpu.vector_load %arg13[%swap3A_138, %swap3A_139] {strides = array<i32>} : memref<123x128xi32, #tpu.memory_space<vmem>>, vector<16xi32>,
    tpu.vector_store %arg13[%swap3A_138, %swap3A_139], %add3A_136 {strides = array<i32>} : memref<123x128xi32, #tpu.memory_space<vmem>>, vector<16xi32>,
    %add3A_141 = arith.constant 96 : i32
    %add3A_142 = vector.broadcast %add3A_141 : i32 to vector<16xi32>
    %add3A_143 = arith.addi %iota3A, %add3A_142 : vector<16xi32>
    %swap3A_144 = arith.constant 122 : i32
    %swap3A_145 = arith.index_cast %swap3A_144 : i32 to index
    %swap3A_146 = arith.constant 96 : index
    %swap3A_147 = tpu.vector_load %arg13[%swap3A_145, %swap3A_146] {strides = array<i32>} : memref<123x128xi32, #tpu.memory_space<vmem>>, vector<16xi32>,
    tpu.vector_store %arg13[%swap3A_145, %swap3A_146], %add3A_143 {strides = array<i32>} : memref<123x128xi32, #tpu.memory_space<vmem>>, vector<16xi32>,
    %add3A_148 = arith.constant 112 : i32
    %add3A_149 = vector.broadcast %add3A_148 : i32 to vector<16xi32>
    %add3A_150 = arith.addi %iota3A, %add3A_149 : vector<16xi32>
    %swap3A_151 = arith.constant 122 : i32
    %swap3A_152 = arith.index_cast %swap3A_151 : i32 to index
    %swap3A_153 = arith.constant 112 : index
    %swap3A_154 = tpu.vector_load %arg13[%swap3A_152, %swap3A_153] {strides = array<i32>} : memref<123x128xi32, #tpu.memory_space<vmem>>, vector<16xi32>,
    tpu.vector_store %arg13[%swap3A_152, %swap3A_153], %add3A_150 {strides = array<i32>} : memref<123x128xi32, #tpu.memory_space<vmem>>, vector<16xi32>,
    %add3A_155 = arith.constant 0 : i32
    %add3A_156 = arith.addi %mul3A_92, %add3A_155 : i32
    %scan3A_157 = arith.constant 0 : i32
    %scan3A_158 = arith.constant 122 : i32
    %scan3A_159 = arith.addi %scan3A_157, %scan3A_158 : i32
    %scan3A_160 = arith.constant 1 : i32
    %scan3A_161 = scf.for %scan3A_289 = %scan3A_157 to %scan3A_159 step %scan3A_160 iter_args(%scan3A_290 = %iota3A) -> (vector<16xi32>)  : i32 {
      %mul3A_291 = arith.constant 128 : i32
      %mul3A_292 = arith.muli %scan3A_289, %mul3A_291 : i32
      %add3A_293 = arith.constant 0 : i32
      %add3A_294 = arith.addi %add3A_293, %mul3A_292 : i32
      %add3A_295 = arith.constant 0 : i32
      %add3A_296 = arith.addi %add3A_294, %add3A_295 : i32
      %get3A_297 = arith.index_cast %add3A_296 : i32 to index
      %get3A_298 = tpu.vector_load %arg12[%get3A_297] {strides = array<i32>} : memref<31264xi32, #tpu.memory_space<vmem>>, vector<16xi32>,
      %mul3A_299 = arith.constant 128 : i32
      %mul3A_300 = arith.muli %scan3A_289, %mul3A_299 : i32
      %add3A_301 = arith.constant 0 : i32
      %add3A_302 = arith.addi %add3A_301, %mul3A_300 : i32
      %add3A_303 = arith.constant 16 : i32
      %add3A_304 = arith.addi %add3A_302, %add3A_303 : i32
      %get3A_305 = arith.index_cast %add3A_304 : i32 to index
      %get3A_306 = tpu.vector_load %arg12[%get3A_305] {strides = array<i32>} : memref<31264xi32, #tpu.memory_space<vmem>>, vector<16xi32>,
      %mul3A_307 = arith.constant 128 : i32
      %mul3A_308 = arith.muli %scan3A_289, %mul3A_307 : i32
      %add3A_309 = arith.constant 0 : i32
      %add3A_310 = arith.addi %add3A_309, %mul3A_308 : i32
      %add3A_311 = arith.constant 32 : i32
      %add3A_312 = arith.addi %add3A_310, %add3A_311 : i32
      %get3A_313 = arith.index_cast %add3A_312 : i32 to index
      %get3A_314 = tpu.vector_load %arg12[%get3A_313] {strides = array<i32>} : memref<31264xi32, #tpu.memory_space<vmem>>, vector<16xi32>,
      %mul3A_315 = arith.constant 128 : i32
      %mul3A_316 = arith.muli %scan3A_289, %mul3A_315 : i32
      %add3A_317 = arith.constant 0 : i32
      %add3A_318 = arith.addi %add3A_317, %mul3A_316 : i32
      %add3A_319 = arith.constant 48 : i32
      %add3A_320 = arith.addi %add3A_318, %add3A_319 : i32
      %get3A_321 = arith.index_cast %add3A_320 : i32 to index
      %get3A_322 = tpu.vector_load %arg12[%get3A_321] {strides = array<i32>} : memref<31264xi32, #tpu.memory_space<vmem>>, vector<16xi32>,
      %mul3A_323 = arith.constant 128 : i32
      %mul3A_324 = arith.muli %scan3A_289, %mul3A_323 : i32
      %add3A_325 = arith.constant 0 : i32
      %add3A_326 = arith.addi %add3A_325, %mul3A_324 : i32
      %add3A_327 = arith.constant 64 : i32
      %add3A_328 = arith.addi %add3A_326, %add3A_327 : i32
      %get3A_329 = arith.index_cast %add3A_328 : i32 to index
      %get3A_330 = tpu.vector_load %arg12[%get3A_329] {strides = array<i32>} : memref<31264xi32, #tpu.memory_space<vmem>>, vector<16xi32>,
      %mul3A_331 = arith.constant 128 : i32
      %mul3A_332 = arith.muli %scan3A_289, %mul3A_331 : i32
      %add3A_333 = arith.constant 0 : i32
      %add3A_334 = arith.addi %add3A_333, %mul3A_332 : i32
      %add3A_335 = arith.constant 80 : i32
      %add3A_336 = arith.addi %add3A_334, %add3A_335 : i32
      %get3A_337 = arith.index_cast %add3A_336 : i32 to index
      %get3A_338 = tpu.vector_load %arg12[%get3A_337] {strides = array<i32>} : memref<31264xi32, #tpu.memory_space<vmem>>, vector<16xi32>,
      %mul3A_339 = arith.constant 128 : i32
      %mul3A_340 = arith.muli %scan3A_289, %mul3A_339 : i32
      %add3A_341 = arith.constant 0 : i32
      %add3A_342 = arith.addi %add3A_341, %mul3A_340 : i32
      %add3A_343 = arith.constant 96 : i32
      %add3A_344 = arith.addi %add3A_342, %add3A_343 : i32
      %get3A_345 = arith.index_cast %add3A_344 : i32 to index
      %get3A_346 = tpu.vector_load %arg12[%get3A_345] {strides = array<i32>} : memref<31264xi32, #tpu.memory_space<vmem>>, vector<16xi32>,
      %mul3A_347 = arith.constant 128 : i32
      %mul3A_348 = arith.muli %scan3A_289, %mul3A_347 : i32
      %add3A_349 = arith.constant 0 : i32
      %add3A_350 = arith.addi %add3A_349, %mul3A_348 : i32
      %add3A_351 = arith.constant 112 : i32
      %add3A_352 = arith.addi %add3A_350, %add3A_351 : i32
      %get3A_353 = arith.index_cast %add3A_352 : i32 to index
      %get3A_354 = tpu.vector_load %arg12[%get3A_353] {strides = array<i32>} : memref<31264xi32, #tpu.memory_space<vmem>>, vector<16xi32>,
      %ge3A_355 = arith.constant 0 : i32
      %ge3A_356 = vector.broadcast %ge3A_355 : i32 to vector<16xi32>
      %ge3A_357 = arith.cmpi sge, %get3A_298, %ge3A_356 : vector<16xi32>
      %add3A_358 = arith.constant 0 : i32
      %add3A_359 = vector.broadcast %add3A_358 : i32 to vector<16xi32>
      %add3A_360 = arith.addi %scan3A_290, %add3A_359 : vector<16xi32>
      %select_n3A_361 = arith.select %ge3A_357, %get3A_298, %add3A_360 : vector<16xi1>, vector<16xi32>
      %swap3A_362 = arith.index_cast %scan3A_289 : i32 to index
      %swap3A_363 = arith.constant 0 : index
      %swap3A_364 = tpu.vector_load %arg13[%swap3A_362, %swap3A_363] {strides = array<i32>} : memref<123x128xi32, #tpu.memory_space<vmem>>, vector<16xi32>,
      tpu.vector_store %arg13[%swap3A_362, %swap3A_363], %select_n3A_361 {strides = array<i32>} : memref<123x128xi32, #tpu.memory_space<vmem>>, vector<16xi32>,
      %ge3A_365 = arith.constant 0 : i32
      %ge3A_366 = vector.broadcast %ge3A_365 : i32 to vector<16xi32>
      %ge3A_367 = arith.cmpi sge, %get3A_306, %ge3A_366 : vector<16xi32>
      %add3A_368 = arith.constant 16 : i32
      %add3A_369 = vector.broadcast %add3A_368 : i32 to vector<16xi32>
      %add3A_370 = arith.addi %scan3A_290, %add3A_369 : vector<16xi32>
      %select_n3A_371 = arith.select %ge3A_367, %get3A_306, %add3A_370 : vector<16xi1>, vector<16xi32>
      %swap3A_372 = arith.index_cast %scan3A_289 : i32 to index
      %swap3A_373 = arith.constant 16 : index
      %swap3A_374 = tpu.vector_load %arg13[%swap3A_372, %swap3A_373] {strides = array<i32>} : memref<123x128xi32, #tpu.memory_space<vmem>>, vector<16xi32>,
      tpu.vector_store %arg13[%swap3A_372, %swap3A_373], %select_n3A_371 {strides = array<i32>} : memref<123x128xi32, #tpu.memory_space<vmem>>, vector<16xi32>,
      %ge3A_375 = arith.constant 0 : i32
      %ge3A_376 = vector.broadcast %ge3A_375 : i32 to vector<16xi32>
      %ge3A_377 = arith.cmpi sge, %get3A_314, %ge3A_376 : vector<16xi32>
      %add3A_378 = arith.constant 32 : i32
      %add3A_379 = vector.broadcast %add3A_378 : i32 to vector<16xi32>
      %add3A_380 = arith.addi %scan3A_290, %add3A_379 : vector<16xi32>
      %select_n3A_381 = arith.select %ge3A_377, %get3A_314, %add3A_380 : vector<16xi1>, vector<16xi32>
      %swap3A_382 = arith.index_cast %scan3A_289 : i32 to index
      %swap3A_383 = arith.constant 32 : index
      %swap3A_384 = tpu.vector_load %arg13[%swap3A_382, %swap3A_383] {strides = array<i32>} : memref<123x128xi32, #tpu.memory_space<vmem>>, vector<16xi32>,
      tpu.vector_store %arg13[%swap3A_382, %swap3A_383], %select_n3A_381 {strides = array<i32>} : memref<123x128xi32, #tpu.memory_space<vmem>>, vector<16xi32>,
      %ge3A_385 = arith.constant 0 : i32
      %ge3A_386 = vector.broadcast %ge3A_385 : i32 to vector<16xi32>
      %ge3A_387 = arith.cmpi sge, %get3A_322, %ge3A_386 : vector<16xi32>
      %add3A_388 = arith.constant 48 : i32
      %add3A_389 = vector.broadcast %add3A_388 : i32 to vector<16xi32>
      %add3A_390 = arith.addi %scan3A_290, %add3A_389 : vector<16xi32>
      %select_n3A_391 = arith.select %ge3A_387, %get3A_322, %add3A_390 : vector<16xi1>, vector<16xi32>
      %swap3A_392 = arith.index_cast %scan3A_289 : i32 to index
      %swap3A_393 = arith.constant 48 : index
      %swap3A_394 = tpu.vector_load %arg13[%swap3A_392, %swap3A_393] {strides = array<i32>} : memref<123x128xi32, #tpu.memory_space<vmem>>, vector<16xi32>,
      tpu.vector_store %arg13[%swap3A_392, %swap3A_393], %select_n3A_391 {strides = array<i32>} : memref<123x128xi32, #tpu.memory_space<vmem>>, vector<16xi32>,
      %ge3A_395 = arith.constant 0 : i32
      %ge3A_396 = vector.broadcast %ge3A_395 : i32 to vector<16xi32>
      %ge3A_397 = arith.cmpi sge, %get3A_330, %ge3A_396 : vector<16xi32>
      %add3A_398 = arith.constant 64 : i32
      %add3A_399 = vector.broadcast %add3A_398 : i32 to vector<16xi32>
      %add3A_400 = arith.addi %scan3A_290, %add3A_399 : vector<16xi32>
      %select_n3A_401 = arith.select %ge3A_397, %get3A_330, %add3A_400 : vector<16xi1>, vector<16xi32>
      %swap3A_402 = arith.index_cast %scan3A_289 : i32 to index
      %swap3A_403 = arith.constant 64 : index
      %swap3A_404 = tpu.vector_load %arg13[%swap3A_402, %swap3A_403] {strides = array<i32>} : memref<123x128xi32, #tpu.memory_space<vmem>>, vector<16xi32>,
      tpu.vector_store %arg13[%swap3A_402, %swap3A_403], %select_n3A_401 {strides = array<i32>} : memref<123x128xi32, #tpu.memory_space<vmem>>, vector<16xi32>,
      %ge3A_405 = arith.constant 0 : i32
      %ge3A_406 = vector.broadcast %ge3A_405 : i32 to vector<16xi32>
      %ge3A_407 = arith.cmpi sge, %get3A_338, %ge3A_406 : vector<16xi32>
      %add3A_408 = arith.constant 80 : i32
      %add3A_409 = vector.broadcast %add3A_408 : i32 to vector<16xi32>
      %add3A_410 = arith.addi %scan3A_290, %add3A_409 : vector<16xi32>
      %select_n3A_411 = arith.select %ge3A_407, %get3A_338, %add3A_410 : vector<16xi1>, vector<16xi32>
      %swap3A_412 = arith.index_cast %scan3A_289 : i32 to index
      %swap3A_413 = arith.constant 80 : index
      %swap3A_414 = tpu.vector_load %arg13[%swap3A_412, %swap3A_413] {strides = array<i32>} : memref<123x128xi32, #tpu.memory_space<vmem>>, vector<16xi32>,
      tpu.vector_store %arg13[%swap3A_412, %swap3A_413], %select_n3A_411 {strides = array<i32>} : memref<123x128xi32, #tpu.memory_space<vmem>>, vector<16xi32>,
      %ge3A_415 = arith.constant 0 : i32
      %ge3A_416 = vector.broadcast %ge3A_415 : i32 to vector<16xi32>
      %ge3A_417 = arith.cmpi sge, %get3A_346, %ge3A_416 : vector<16xi32>
      %add3A_418 = arith.constant 96 : i32
      %add3A_419 = vector.broadcast %add3A_418 : i32 to vector<16xi32>
      %add3A_420 = arith.addi %scan3A_290, %add3A_419 : vector<16xi32>
      %select_n3A_421 = arith.select %ge3A_417, %get3A_346, %add3A_420 : vector<16xi1>, vector<16xi32>
      %swap3A_422 = arith.index_cast %scan3A_289 : i32 to index
      %swap3A_423 = arith.constant 96 : index
      %swap3A_424 = tpu.vector_load %arg13[%swap3A_422, %swap3A_423] {strides = array<i32>} : memref<123x128xi32, #tpu.memory_space<vmem>>, vector<16xi32>,
      tpu.vector_store %arg13[%swap3A_422, %swap3A_423], %select_n3A_421 {strides = array<i32>} : memref<123x128xi32, #tpu.memory_space<vmem>>, vector<16xi32>,
      %ge3A_425 = arith.constant 0 : i32
      %ge3A_426 = vector.broadcast %ge3A_425 : i32 to vector<16xi32>
      %ge3A_427 = arith.cmpi sge, %get3A_354, %ge3A_426 : vector<16xi32>
      %add3A_428 = arith.constant 112 : i32
      %add3A_429 = vector.broadcast %add3A_428 : i32 to vector<16xi32>
      %add3A_430 = arith.addi %scan3A_290, %add3A_429 : vector<16xi32>
      %select_n3A_431 = arith.select %ge3A_427, %get3A_354, %add3A_430 : vector<16xi1>, vector<16xi32>
      %swap3A_432 = arith.index_cast %scan3A_289 : i32 to index
      %swap3A_433 = arith.constant 112 : index
      %swap3A_434 = tpu.vector_load %arg13[%swap3A_432, %swap3A_433] {strides = array<i32>} : memref<123x128xi32, #tpu.memory_space<vmem>>, vector<16xi32>,
      tpu.vector_store %arg13[%swap3A_432, %swap3A_433], %select_n3A_431 {strides = array<i32>} : memref<123x128xi32, #tpu.memory_space<vmem>>, vector<16xi32>,
      %add3A_435 = arith.constant 128 : i32
      %add3A_436 = vector.broadcast %add3A_435 : i32 to vector<16xi32>
      %add3A_437 = arith.addi %scan3A_290, %add3A_436 : vector<16xi32>
      scf.yield %add3A_437 : vector<16xi32>
    }
    %scan3A_162 = arith.constant 122 : i32
    %get3A_163 = arith.constant 15616 : index
    %get3A_164 = tpu.vector_load %arg12[%get3A_163] {strides = array<i32>} : memref<31264xi32, #tpu.memory_space<vmem>>, vector<16xi32>,
    %ge3A = arith.constant 0 : i32
    %ge3A_165 = vector.broadcast %ge3A : i32 to vector<16xi32>
    %ge3A_166 = arith.cmpi sge, %get3A_164, %ge3A_165 : vector<16xi32>
    %select_n3A_167 = arith.select %ge3A_166, %get3A_164, %scan3A_161 : vector<16xi1>, vector<16xi32>
    %swap3A_168 = arith.constant 122 : i32
    %swap3A_169 = arith.index_cast %swap3A_168 : i32 to index
    %swap3A_170 = arith.constant 0 : index
    %swap3A_171 = tpu.vector_load %arg13[%swap3A_169, %swap3A_170] {strides = array<i32>} : memref<123x128xi32, #tpu.memory_space<vmem>>, vector<16xi32>,
    tpu.vector_store %arg13[%swap3A_169, %swap3A_170], %select_n3A_167 {strides = array<i32>} : memref<123x128xi32, #tpu.memory_space<vmem>>, vector<16xi32>,
    %scan3A_172 = arith.constant 0 : i32
    %scan3A_173 = arith.constant 0 : i32
    %scan3A_174 = arith.constant 123 : i32
    %scan3A_175 = arith.addi %scan3A_173, %scan3A_174 : i32
    %scan3A_176 = arith.constant 1 : i32
    %scan3A_177 = scf.for %scan3A_289 = %scan3A_173 to %scan3A_175 step %scan3A_176 iter_args(%scan3A_290 = %scan3A_172) -> (i32)  : i32 {
      %mul3A_291 = arith.constant 128 : i32
      %mul3A_292 = arith.muli %scan3A_289, %mul3A_291 : i32
      %dma_start3A_293 = tpu.memref_slice %arg14[%mul3A_292] : memref<15744xf32, #tpu.memory_space<vmem>> -> memref<128xf32, #tpu.memory_space<vmem>>
      %dma_start3A_294 = arith.constant 0 : i32
      %dma_start3A_295 = tpu.memref_slice %arg13[%scan3A_289, %dma_start3A_294] : memref<123x128xi32, #tpu.memory_space<vmem>> -> memref<1x128xi32, #tpu.memory_space<vmem>>
      %dma_start3A_296 = tpu.memref_squeeze %dma_start3A_295 : memref<1x128xi32, #tpu.memory_space<vmem>> -> memref<128xi32, #tpu.memory_space<vmem>>
      %dma_start3A_297 = arith.constant 0 : i32
      %dma_start3A_298 = tpu.memref_slice %arg4[%dma_start3A_297] : memref<1000000xf32, #tpu.memory_space<hbm>> -> memref<1000000xf32, #tpu.memory_space<hbm>>
      tpu.enqueue_indirect_dma source(%dma_start3A_298 : memref<1000000xf32, #tpu.memory_space<hbm>>) target(%dma_start3A_293 : memref<128xf32, #tpu.memory_space<vmem>>) offsets(%dma_start3A_296 : memref<128xi32, #tpu.memory_space<vmem>>) semaphore(%arg17 : memref<!tpu.dma_semaphore, #tpu.memory_space<semaphore_mem>>)
      %scan3A_299 = arith.constant 0 : i32
      scf.yield %scan3A_299 : i32
    }
    %scan3A_178 = arith.constant 123 : i32
    %scan3A_179 = arith.constant 0 : i32
    %scan3A_180 = arith.constant 0 : i32
    %scan3A_181 = arith.constant 123 : i32
    %scan3A_182 = arith.addi %scan3A_180, %scan3A_181 : i32
    %scan3A_183 = arith.constant 1 : i32
    %scan3A_184 = scf.for %scan3A_289 = %scan3A_180 to %scan3A_182 step %scan3A_183 iter_args(%scan3A_290 = %scan3A_179) -> (i32)  : i32 {
      %mul3A_291 = arith.constant 128 : i32
      %mul3A_292 = arith.muli %scan3A_289, %mul3A_291 : i32
      %dma_start3A_293 = tpu.memref_slice %arg15[%mul3A_292] : memref<15744xf32, #tpu.memory_space<vmem>> -> memref<128xf32, #tpu.memory_space<vmem>>
      %dma_start3A_294 = arith.constant 0 : i32
      %dma_start3A_295 = tpu.memref_slice %arg13[%scan3A_289, %dma_start3A_294] : memref<123x128xi32, #tpu.memory_space<vmem>> -> memref<1x128xi32, #tpu.memory_space<vmem>>
      %dma_start3A_296 = tpu.memref_squeeze %dma_start3A_295 : memref<1x128xi32, #tpu.memory_space<vmem>> -> memref<128xi32, #tpu.memory_space<vmem>>
      %dma_start3A_297 = arith.constant 0 : i32
      %dma_start3A_298 = tpu.memref_slice %arg5[%dma_start3A_297] : memref<1000000xf32, #tpu.memory_space<hbm>> -> memref<1000000xf32, #tpu.memory_space<hbm>>
      tpu.enqueue_indirect_dma source(%dma_start3A_298 : memref<1000000xf32, #tpu.memory_space<hbm>>) target(%dma_start3A_293 : memref<128xf32, #tpu.memory_space<vmem>>) offsets(%dma_start3A_296 : memref<128xi32, #tpu.memory_space<vmem>>) semaphore(%arg18 : memref<!tpu.dma_semaphore, #tpu.memory_space<semaphore_mem>>)
      %scan3A_299 = arith.constant 0 : i32
      scf.yield %scan3A_299 : i32
    }
    %scan3A_185 = arith.constant 123 : i32
    %scan3A_186 = arith.constant 0 : i32
    %scan3A_187 = arith.constant 0 : i32
    %scan3A_188 = arith.constant 123 : i32
    %scan3A_189 = arith.addi %scan3A_187, %scan3A_188 : i32
    %scan3A_190 = arith.constant 1 : i32
    %scan3A_191 = scf.for %scan3A_289 = %scan3A_187 to %scan3A_189 step %scan3A_190 iter_args(%scan3A_290 = %scan3A_186) -> (i32)  : i32 {
      %mul3A_291 = arith.constant 128 : i32
      %mul3A_292 = arith.muli %scan3A_289, %mul3A_291 : i32
      %dma_start3A_293 = tpu.memref_slice %arg16[%mul3A_292] : memref<15744xf32, #tpu.memory_space<vmem>> -> memref<128xf32, #tpu.memory_space<vmem>>
      %dma_start3A_294 = arith.constant 0 : i32
      %dma_start3A_295 = tpu.memref_slice %arg13[%scan3A_289, %dma_start3A_294] : memref<123x128xi32, #tpu.memory_space<vmem>> -> memref<1x128xi32, #tpu.memory_space<vmem>>
      %dma_start3A_296 = tpu.memref_squeeze %dma_start3A_295 : memref<1x128xi32, #tpu.memory_space<vmem>> -> memref<128xi32, #tpu.memory_space<vmem>>
      %dma_start3A_297 = arith.constant 0 : i32
      %dma_start3A_298 = tpu.memref_slice %arg6[%dma_start3A_297] : memref<1000000xf32, #tpu.memory_space<hbm>> -> memref<1000000xf32, #tpu.memory_space<hbm>>
      tpu.enqueue_indirect_dma source(%dma_start3A_298 : memref<1000000xf32, #tpu.memory_space<hbm>>) target(%dma_start3A_293 : memref<128xf32, #tpu.memory_space<vmem>>) offsets(%dma_start3A_296 : memref<128xi32, #tpu.memory_space<vmem>>) semaphore(%arg19 : memref<!tpu.dma_semaphore, #tpu.memory_space<semaphore_mem>>)
      %scan3A_299 = arith.constant 0 : i32
      scf.yield %scan3A_299 : i32
    }
    %scan3A_192 = arith.constant 123 : i32
    %dma_wait3A = arith.constant 0 : i32
    %dma_wait3A_193 = tpu.memref_slice %arg4[%dma_wait3A] : memref<1000000xf32, #tpu.memory_space<hbm>> -> memref<15744xf32, #tpu.memory_space<hbm>>
    %dma_wait3A_194 = arith.constant 0 : i32
    %dma_wait3A_195 = tpu.memref_slice %arg4[%dma_wait3A_194] : memref<1000000xf32, #tpu.memory_space<hbm>> -> memref<15744xf32, #tpu.memory_space<hbm>>
    tpu.wait_dma2 semaphore(%arg17 : memref<!tpu.dma_semaphore, #tpu.memory_space<semaphore_mem>>) src(%dma_wait3A_195 : memref<15744xf32, #tpu.memory_space<hbm>>) dst(%arg14 : memref<15744xf32, #tpu.memory_space<vmem>>)
    %dma_wait3A_196 = arith.constant 0 : i32
    %dma_wait3A_197 = tpu.memref_slice %arg5[%dma_wait3A_196] : memref<1000000xf32, #tpu.memory_space<hbm>> -> memref<15744xf32, #tpu.memory_space<hbm>>
    %dma_wait3A_198 = arith.constant 0 : i32
    %dma_wait3A_199 = tpu.memref_slice %arg5[%dma_wait3A_198] : memref<1000000xf32, #tpu.memory_space<hbm>> -> memref<15744xf32, #tpu.memory_space<hbm>>
    tpu.wait_dma2 semaphore(%arg18 : memref<!tpu.dma_semaphore, #tpu.memory_space<semaphore_mem>>) src(%dma_wait3A_199 : memref<15744xf32, #tpu.memory_space<hbm>>) dst(%arg15 : memref<15744xf32, #tpu.memory_space<vmem>>)
    %dma_wait3A_200 = arith.constant 0 : i32
    %dma_wait3A_201 = tpu.memref_slice %arg6[%dma_wait3A_200] : memref<1000000xf32, #tpu.memory_space<hbm>> -> memref<15744xf32, #tpu.memory_space<hbm>>
    %dma_wait3A_202 = arith.constant 0 : i32
    %dma_wait3A_203 = tpu.memref_slice %arg6[%dma_wait3A_202] : memref<1000000xf32, #tpu.memory_space<hbm>> -> memref<15744xf32, #tpu.memory_space<hbm>>
    tpu.wait_dma2 semaphore(%arg19 : memref<!tpu.dma_semaphore, #tpu.memory_space<semaphore_mem>>) src(%dma_wait3A_203 : memref<15744xf32, #tpu.memory_space<hbm>>) dst(%arg16 : memref<15744xf32, #tpu.memory_space<vmem>>)
    %scan3A_204 = arith.constant 0 : i32
    %scan3A_205 = arith.constant 122 : i32
    %scan3A_206 = arith.addi %scan3A_204, %scan3A_205 : i32
    %scan3A_207 = arith.constant 1 : i32
    %scan3A_208 = scf.for %scan3A_289 = %scan3A_204 to %scan3A_206 step %scan3A_207 iter_args(%scan3A_290 = %iota3A) -> (vector<16xi32>)  : i32 {
      %mul3A_291 = arith.constant 128 : i32
      %mul3A_292 = arith.muli %scan3A_289, %mul3A_291 : i32
      %add3A_293 = arith.constant 0 : i32
      %add3A_294 = arith.addi %add3A_293, %mul3A_292 : i32
      %add3A_295 = arith.constant 0 : i32
      %add3A_296 = arith.addi %add3A_294, %add3A_295 : i32
      %get3A_297 = arith.index_cast %add3A_296 : i32 to index
      %get3A_298 = tpu.vector_load %arg12[%get3A_297] {strides = array<i32>} : memref<31264xi32, #tpu.memory_space<vmem>>, vector<16xi32>,
      %mul3A_299 = arith.constant 128 : i32
      %mul3A_300 = arith.muli %scan3A_289, %mul3A_299 : i32
      %add3A_301 = arith.constant 0 : i32
      %add3A_302 = arith.addi %add3A_301, %mul3A_300 : i32
      %add3A_303 = arith.constant 16 : i32
      %add3A_304 = arith.addi %add3A_302, %add3A_303 : i32
      %get3A_305 = arith.index_cast %add3A_304 : i32 to index
      %get3A_306 = tpu.vector_load %arg12[%get3A_305] {strides = array<i32>} : memref<31264xi32, #tpu.memory_space<vmem>>, vector<16xi32>,
      %mul3A_307 = arith.constant 128 : i32
      %mul3A_308 = arith.muli %scan3A_289, %mul3A_307 : i32
      %add3A_309 = arith.constant 0 : i32
      %add3A_310 = arith.addi %add3A_309, %mul3A_308 : i32
      %add3A_311 = arith.constant 32 : i32
      %add3A_312 = arith.addi %add3A_310, %add3A_311 : i32
      %get3A_313 = arith.index_cast %add3A_312 : i32 to index
      %get3A_314 = tpu.vector_load %arg12[%get3A_313] {strides = array<i32>} : memref<31264xi32, #tpu.memory_space<vmem>>, vector<16xi32>,
      %mul3A_315 = arith.constant 128 : i32
      %mul3A_316 = arith.muli %scan3A_289, %mul3A_315 : i32
      %add3A_317 = arith.constant 0 : i32
      %add3A_318 = arith.addi %add3A_317, %mul3A_316 : i32
      %add3A_319 = arith.constant 48 : i32
      %add3A_320 = arith.addi %add3A_318, %add3A_319 : i32
      %get3A_321 = arith.index_cast %add3A_320 : i32 to index
      %get3A_322 = tpu.vector_load %arg12[%get3A_321] {strides = array<i32>} : memref<31264xi32, #tpu.memory_space<vmem>>, vector<16xi32>,
      %mul3A_323 = arith.constant 128 : i32
      %mul3A_324 = arith.muli %scan3A_289, %mul3A_323 : i32
      %add3A_325 = arith.constant 0 : i32
      %add3A_326 = arith.addi %add3A_325, %mul3A_324 : i32
      %add3A_327 = arith.constant 64 : i32
      %add3A_328 = arith.addi %add3A_326, %add3A_327 : i32
      %get3A_329 = arith.index_cast %add3A_328 : i32 to index
      %get3A_330 = tpu.vector_load %arg12[%get3A_329] {strides = array<i32>} : memref<31264xi32, #tpu.memory_space<vmem>>, vector<16xi32>,
      %mul3A_331 = arith.constant 128 : i32
      %mul3A_332 = arith.muli %scan3A_289, %mul3A_331 : i32
      %add3A_333 = arith.constant 0 : i32
      %add3A_334 = arith.addi %add3A_333, %mul3A_332 : i32
      %add3A_335 = arith.constant 80 : i32
      %add3A_336 = arith.addi %add3A_334, %add3A_335 : i32
      %get3A_337 = arith.index_cast %add3A_336 : i32 to index
      %get3A_338 = tpu.vector_load %arg12[%get3A_337] {strides = array<i32>} : memref<31264xi32, #tpu.memory_space<vmem>>, vector<16xi32>,
      %mul3A_339 = arith.constant 128 : i32
      %mul3A_340 = arith.muli %scan3A_289, %mul3A_339 : i32
      %add3A_341 = arith.constant 0 : i32
      %add3A_342 = arith.addi %add3A_341, %mul3A_340 : i32
      %add3A_343 = arith.constant 96 : i32
      %add3A_344 = arith.addi %add3A_342, %add3A_343 : i32
      %get3A_345 = arith.index_cast %add3A_344 : i32 to index
      %get3A_346 = tpu.vector_load %arg12[%get3A_345] {strides = array<i32>} : memref<31264xi32, #tpu.memory_space<vmem>>, vector<16xi32>,
      %mul3A_347 = arith.constant 128 : i32
      %mul3A_348 = arith.muli %scan3A_289, %mul3A_347 : i32
      %add3A_349 = arith.constant 0 : i32
      %add3A_350 = arith.addi %add3A_349, %mul3A_348 : i32
      %add3A_351 = arith.constant 112 : i32
      %add3A_352 = arith.addi %add3A_350, %add3A_351 : i32
      %get3A_353 = arith.index_cast %add3A_352 : i32 to index
      %get3A_354 = tpu.vector_load %arg12[%get3A_353] {strides = array<i32>} : memref<31264xi32, #tpu.memory_space<vmem>>, vector<16xi32>,
      %lt3A_355 = arith.constant 0 : i32
      %lt3A_356 = vector.broadcast %lt3A_355 : i32 to vector<16xi32>
      %lt3A_357 = arith.cmpi slt, %get3A_298, %lt3A_356 : vector<16xi32>
      %add3A_358 = arith.constant 0 : i32
      %add3A_359 = vector.broadcast %add3A_358 : i32 to vector<16xi32>
      %add3A_360 = arith.addi %scan3A_290, %add3A_359 : vector<16xi32>
      tpu.vector_store_idx %arg14[%add3A_360], %broadcast_in_dim3A_105 masked %lt3A_357 : memref<15744xf32, #tpu.memory_space<vmem>>[vector<16xi32>], vector<16xf32>, vector<16xi1>
      %add3A_361 = arith.constant 0 : i32
      %add3A_362 = vector.broadcast %add3A_361 : i32 to vector<16xi32>
      %add3A_363 = arith.addi %scan3A_290, %add3A_362 : vector<16xi32>
      tpu.vector_store_idx %arg15[%add3A_363], %broadcast_in_dim3A_105 masked %lt3A_357 : memref<15744xf32, #tpu.memory_space<vmem>>[vector<16xi32>], vector<16xf32>, vector<16xi1>
      %add3A_364 = arith.constant 0 : i32
      %add3A_365 = vector.broadcast %add3A_364 : i32 to vector<16xi32>
      %add3A_366 = arith.addi %scan3A_290, %add3A_365 : vector<16xi32>
      tpu.vector_store_idx %arg16[%add3A_366], %broadcast_in_dim3A_105 masked %lt3A_357 : memref<15744xf32, #tpu.memory_space<vmem>>[vector<16xi32>], vector<16xf32>, vector<16xi1>
      %lt3A_367 = arith.constant 0 : i32
      %lt3A_368 = vector.broadcast %lt3A_367 : i32 to vector<16xi32>
      %lt3A_369 = arith.cmpi slt, %get3A_306, %lt3A_368 : vector<16xi32>
      %add3A_370 = arith.constant 16 : i32
      %add3A_371 = vector.broadcast %add3A_370 : i32 to vector<16xi32>
      %add3A_372 = arith.addi %scan3A_290, %add3A_371 : vector<16xi32>
      tpu.vector_store_idx %arg14[%add3A_372], %broadcast_in_dim3A_105 masked %lt3A_369 : memref<15744xf32, #tpu.memory_space<vmem>>[vector<16xi32>], vector<16xf32>, vector<16xi1>
      %add3A_373 = arith.constant 16 : i32
      %add3A_374 = vector.broadcast %add3A_373 : i32 to vector<16xi32>
      %add3A_375 = arith.addi %scan3A_290, %add3A_374 : vector<16xi32>
      tpu.vector_store_idx %arg15[%add3A_375], %broadcast_in_dim3A_105 masked %lt3A_369 : memref<15744xf32, #tpu.memory_space<vmem>>[vector<16xi32>], vector<16xf32>, vector<16xi1>
      %add3A_376 = arith.constant 16 : i32
      %add3A_377 = vector.broadcast %add3A_376 : i32 to vector<16xi32>
      %add3A_378 = arith.addi %scan3A_290, %add3A_377 : vector<16xi32>
      tpu.vector_store_idx %arg16[%add3A_378], %broadcast_in_dim3A_105 masked %lt3A_369 : memref<15744xf32, #tpu.memory_space<vmem>>[vector<16xi32>], vector<16xf32>, vector<16xi1>
      %lt3A_379 = arith.constant 0 : i32
      %lt3A_380 = vector.broadcast %lt3A_379 : i32 to vector<16xi32>
      %lt3A_381 = arith.cmpi slt, %get3A_314, %lt3A_380 : vector<16xi32>
      %add3A_382 = arith.constant 32 : i32
      %add3A_383 = vector.broadcast %add3A_382 : i32 to vector<16xi32>
      %add3A_384 = arith.addi %scan3A_290, %add3A_383 : vector<16xi32>
      tpu.vector_store_idx %arg14[%add3A_384], %broadcast_in_dim3A_105 masked %lt3A_381 : memref<15744xf32, #tpu.memory_space<vmem>>[vector<16xi32>], vector<16xf32>, vector<16xi1>
      %add3A_385 = arith.constant 32 : i32
      %add3A_386 = vector.broadcast %add3A_385 : i32 to vector<16xi32>
      %add3A_387 = arith.addi %scan3A_290, %add3A_386 : vector<16xi32>
      tpu.vector_store_idx %arg15[%add3A_387], %broadcast_in_dim3A_105 masked %lt3A_381 : memref<15744xf32, #tpu.memory_space<vmem>>[vector<16xi32>], vector<16xf32>, vector<16xi1>
      %add3A_388 = arith.constant 32 : i32
      %add3A_389 = vector.broadcast %add3A_388 : i32 to vector<16xi32>
      %add3A_390 = arith.addi %scan3A_290, %add3A_389 : vector<16xi32>
      tpu.vector_store_idx %arg16[%add3A_390], %broadcast_in_dim3A_105 masked %lt3A_381 : memref<15744xf32, #tpu.memory_space<vmem>>[vector<16xi32>], vector<16xf32>, vector<16xi1>
      %lt3A_391 = arith.constant 0 : i32
      %lt3A_392 = vector.broadcast %lt3A_391 : i32 to vector<16xi32>
      %lt3A_393 = arith.cmpi slt, %get3A_322, %lt3A_392 : vector<16xi32>
      %add3A_394 = arith.constant 48 : i32
      %add3A_395 = vector.broadcast %add3A_394 : i32 to vector<16xi32>
      %add3A_396 = arith.addi %scan3A_290, %add3A_395 : vector<16xi32>
      tpu.vector_store_idx %arg14[%add3A_396], %broadcast_in_dim3A_105 masked %lt3A_393 : memref<15744xf32, #tpu.memory_space<vmem>>[vector<16xi32>], vector<16xf32>, vector<16xi1>
      %add3A_397 = arith.constant 48 : i32
      %add3A_398 = vector.broadcast %add3A_397 : i32 to vector<16xi32>
      %add3A_399 = arith.addi %scan3A_290, %add3A_398 : vector<16xi32>
      tpu.vector_store_idx %arg15[%add3A_399], %broadcast_in_dim3A_105 masked %lt3A_393 : memref<15744xf32, #tpu.memory_space<vmem>>[vector<16xi32>], vector<16xf32>, vector<16xi1>
      %add3A_400 = arith.constant 48 : i32
      %add3A_401 = vector.broadcast %add3A_400 : i32 to vector<16xi32>
      %add3A_402 = arith.addi %scan3A_290, %add3A_401 : vector<16xi32>
      tpu.vector_store_idx %arg16[%add3A_402], %broadcast_in_dim3A_105 masked %lt3A_393 : memref<15744xf32, #tpu.memory_space<vmem>>[vector<16xi32>], vector<16xf32>, vector<16xi1>
      %lt3A_403 = arith.constant 0 : i32
      %lt3A_404 = vector.broadcast %lt3A_403 : i32 to vector<16xi32>
      %lt3A_405 = arith.cmpi slt, %get3A_330, %lt3A_404 : vector<16xi32>
      %add3A_406 = arith.constant 64 : i32
      %add3A_407 = vector.broadcast %add3A_406 : i32 to vector<16xi32>
      %add3A_408 = arith.addi %scan3A_290, %add3A_407 : vector<16xi32>
      tpu.vector_store_idx %arg14[%add3A_408], %broadcast_in_dim3A_105 masked %lt3A_405 : memref<15744xf32, #tpu.memory_space<vmem>>[vector<16xi32>], vector<16xf32>, vector<16xi1>
      %add3A_409 = arith.constant 64 : i32
      %add3A_410 = vector.broadcast %add3A_409 : i32 to vector<16xi32>
      %add3A_411 = arith.addi %scan3A_290, %add3A_410 : vector<16xi32>
      tpu.vector_store_idx %arg15[%add3A_411], %broadcast_in_dim3A_105 masked %lt3A_405 : memref<15744xf32, #tpu.memory_space<vmem>>[vector<16xi32>], vector<16xf32>, vector<16xi1>
      %add3A_412 = arith.constant 64 : i32
      %add3A_413 = vector.broadcast %add3A_412 : i32 to vector<16xi32>
      %add3A_414 = arith.addi %scan3A_290, %add3A_413 : vector<16xi32>
      tpu.vector_store_idx %arg16[%add3A_414], %broadcast_in_dim3A_105 masked %lt3A_405 : memref<15744xf32, #tpu.memory_space<vmem>>[vector<16xi32>], vector<16xf32>, vector<16xi1>
      %lt3A_415 = arith.constant 0 : i32
      %lt3A_416 = vector.broadcast %lt3A_415 : i32 to vector<16xi32>
      %lt3A_417 = arith.cmpi slt, %get3A_338, %lt3A_416 : vector<16xi32>
      %add3A_418 = arith.constant 80 : i32
      %add3A_419 = vector.broadcast %add3A_418 : i32 to vector<16xi32>
      %add3A_420 = arith.addi %scan3A_290, %add3A_419 : vector<16xi32>
      tpu.vector_store_idx %arg14[%add3A_420], %broadcast_in_dim3A_105 masked %lt3A_417 : memref<15744xf32, #tpu.memory_space<vmem>>[vector<16xi32>], vector<16xf32>, vector<16xi1>
      %add3A_421 = arith.constant 80 : i32
      %add3A_422 = vector.broadcast %add3A_421 : i32 to vector<16xi32>
      %add3A_423 = arith.addi %scan3A_290, %add3A_422 : vector<16xi32>
      tpu.vector_store_idx %arg15[%add3A_423], %broadcast_in_dim3A_105 masked %lt3A_417 : memref<15744xf32, #tpu.memory_space<vmem>>[vector<16xi32>], vector<16xf32>, vector<16xi1>
      %add3A_424 = arith.constant 80 : i32
      %add3A_425 = vector.broadcast %add3A_424 : i32 to vector<16xi32>
      %add3A_426 = arith.addi %scan3A_290, %add3A_425 : vector<16xi32>
      tpu.vector_store_idx %arg16[%add3A_426], %broadcast_in_dim3A_105 masked %lt3A_417 : memref<15744xf32, #tpu.memory_space<vmem>>[vector<16xi32>], vector<16xf32>, vector<16xi1>
      %lt3A_427 = arith.constant 0 : i32
      %lt3A_428 = vector.broadcast %lt3A_427 : i32 to vector<16xi32>
      %lt3A_429 = arith.cmpi slt, %get3A_346, %lt3A_428 : vector<16xi32>
      %add3A_430 = arith.constant 96 : i32
      %add3A_431 = vector.broadcast %add3A_430 : i32 to vector<16xi32>
      %add3A_432 = arith.addi %scan3A_290, %add3A_431 : vector<16xi32>
      tpu.vector_store_idx %arg14[%add3A_432], %broadcast_in_dim3A_105 masked %lt3A_429 : memref<15744xf32, #tpu.memory_space<vmem>>[vector<16xi32>], vector<16xf32>, vector<16xi1>
      %add3A_433 = arith.constant 96 : i32
      %add3A_434 = vector.broadcast %add3A_433 : i32 to vector<16xi32>
      %add3A_435 = arith.addi %scan3A_290, %add3A_434 : vector<16xi32>
      tpu.vector_store_idx %arg15[%add3A_435], %broadcast_in_dim3A_105 masked %lt3A_429 : memref<15744xf32, #tpu.memory_space<vmem>>[vector<16xi32>], vector<16xf32>, vector<16xi1>
      %add3A_436 = arith.constant 96 : i32
      %add3A_437 = vector.broadcast %add3A_436 : i32 to vector<16xi32>
      %add3A_438 = arith.addi %scan3A_290, %add3A_437 : vector<16xi32>
      tpu.vector_store_idx %arg16[%add3A_438], %broadcast_in_dim3A_105 masked %lt3A_429 : memref<15744xf32, #tpu.memory_space<vmem>>[vector<16xi32>], vector<16xf32>, vector<16xi1>
      %lt3A_439 = arith.constant 0 : i32
      %lt3A_440 = vector.broadcast %lt3A_439 : i32 to vector<16xi32>
      %lt3A_441 = arith.cmpi slt, %get3A_354, %lt3A_440 : vector<16xi32>
      %add3A_442 = arith.constant 112 : i32
      %add3A_443 = vector.broadcast %add3A_442 : i32 to vector<16xi32>
      %add3A_444 = arith.addi %scan3A_290, %add3A_443 : vector<16xi32>
      tpu.vector_store_idx %arg14[%add3A_444], %broadcast_in_dim3A_105 masked %lt3A_441 : memref<15744xf32, #tpu.memory_space<vmem>>[vector<16xi32>], vector<16xf32>, vector<16xi1>
      %add3A_445 = arith.constant 112 : i32
      %add3A_446 = vector.broadcast %add3A_445 : i32 to vector<16xi32>
      %add3A_447 = arith.addi %scan3A_290, %add3A_446 : vector<16xi32>
      tpu.vector_store_idx %arg15[%add3A_447], %broadcast_in_dim3A_105 masked %lt3A_441 : memref<15744xf32, #tpu.memory_space<vmem>>[vector<16xi32>], vector<16xf32>, vector<16xi1>
      %add3A_448 = arith.constant 112 : i32
      %add3A_449 = vector.broadcast %add3A_448 : i32 to vector<16xi32>
      %add3A_450 = arith.addi %scan3A_290, %add3A_449 : vector<16xi32>
      tpu.vector_store_idx %arg16[%add3A_450], %broadcast_in_dim3A_105 masked %lt3A_441 : memref<15744xf32, #tpu.memory_space<vmem>>[vector<16xi32>], vector<16xf32>, vector<16xi1>
      %add3A_451 = arith.constant 128 : i32
      %add3A_452 = vector.broadcast %add3A_451 : i32 to vector<16xi32>
      %add3A_453 = arith.addi %scan3A_290, %add3A_452 : vector<16xi32>
      scf.yield %add3A_453 : vector<16xi32>
    }
    %scan3A_209 = arith.constant 122 : i32
    %get3A_210 = arith.constant 15616 : index
    %get3A_211 = tpu.vector_load %arg12[%get3A_210] {strides = array<i32>} : memref<31264xi32, #tpu.memory_space<vmem>>, vector<16xi32>,
    %lt3A_212 = arith.constant 0 : i32
    %lt3A_213 = vector.broadcast %lt3A_212 : i32 to vector<16xi32>
    %lt3A_214 = arith.cmpi slt, %get3A_211, %lt3A_213 : vector<16xi32>
    tpu.vector_store_idx %arg14[%scan3A_208], %broadcast_in_dim3A_105 masked %lt3A_214 : memref<15744xf32, #tpu.memory_space<vmem>>[vector<16xi32>], vector<16xf32>, vector<16xi1>
    %add3A_215 = arith.constant 0 : i32
    %add3A_216 = arith.addi %add3A_215, %add3A_156 : i32
    "tpu.region"() ({
      %run_scoped3A = tpu.sem_alloc : memref<!tpu.dma_semaphore, #tpu.memory_space<semaphore_mem>>
      %dma_start3A_289 = arith.constant 0 : i32
      %dma_start3A_290 = tpu.memref_slice %arg14[%dma_start3A_289] : memref<15744xf32, #tpu.memory_space<vmem>> -> memref<15632xf32, #tpu.memory_space<vmem>>
      %dma_start3A_291 = tpu.memref_slice %arg7[%add3A_216] : memref<3001344xf32, #tpu.memory_space<hbm>> -> memref<15632xf32, #tpu.memory_space<hbm>>
      %dma_start3A_292 = tpu.memref_slice %arg7[%add3A_216] : memref<3001344xf32, #tpu.memory_space<hbm>> -> memref<15632xf32, #tpu.memory_space<hbm>>
      %dma_start3A_293 = arith.constant 0 : i32
      %dma_start3A_294 = tpu.memref_slice %arg14[%dma_start3A_293] : memref<15744xf32, #tpu.memory_space<vmem>> -> memref<15632xf32, #tpu.memory_space<vmem>>
      tpu.enqueue_dma source(%dma_start3A_294 : memref<15632xf32, #tpu.memory_space<vmem>>) target(%dma_start3A_292 : memref<15632xf32, #tpu.memory_space<hbm>>) target_semaphore(%run_scoped3A : memref<!tpu.dma_semaphore, #tpu.memory_space<semaphore_mem>>)
      %dma_wait3A_295 = arith.constant 0 : i32
      %dma_wait3A_296 = tpu.memref_slice %arg14[%dma_wait3A_295] : memref<15744xf32, #tpu.memory_space<vmem>> -> memref<15632xf32, #tpu.memory_space<vmem>>
      %dma_wait3A_297 = tpu.memref_slice %arg7[%add3A_216] : memref<3001344xf32, #tpu.memory_space<hbm>> -> memref<15632xf32, #tpu.memory_space<hbm>>
      %dma_wait3A_298 = tpu.memref_slice %arg7[%add3A_216] : memref<3001344xf32, #tpu.memory_space<hbm>> -> memref<15632xf32, #tpu.memory_space<hbm>>
      %dma_wait3A_299 = arith.constant 0 : i32
      %dma_wait3A_300 = tpu.memref_slice %arg14[%dma_wait3A_299] : memref<15744xf32, #tpu.memory_space<vmem>> -> memref<15632xf32, #tpu.memory_space<vmem>>
      tpu.wait_dma2 semaphore(%run_scoped3A : memref<!tpu.dma_semaphore, #tpu.memory_space<semaphore_mem>>) src(%dma_wait3A_300 : memref<15632xf32, #tpu.memory_space<vmem>>) dst(%dma_wait3A_298 : memref<15632xf32, #tpu.memory_space<hbm>>)
      tpu.yield
    }) : () -> ()
    tpu.vector_store_idx %arg15[%scan3A_208], %broadcast_in_dim3A_105 masked %lt3A_214 : memref<15744xf32, #tpu.memory_space<vmem>>[vector<16xi32>], vector<16xf32>, vector<16xi1>
    %add3A_217 = arith.constant 1000448 : i32
    %add3A_218 = arith.addi %add3A_217, %add3A_156 : i32
    "tpu.region"() ({
      %run_scoped3A = tpu.sem_alloc : memref<!tpu.dma_semaphore, #tpu.memory_space<semaphore_mem>>
      %dma_start3A_289 = arith.constant 0 : i32
      %dma_start3A_290 = tpu.memref_slice %arg15[%dma_start3A_289] : memref<15744xf32, #tpu.memory_space<vmem>> -> memref<15632xf32, #tpu.memory_space<vmem>>
      %dma_start3A_291 = tpu.memref_slice %arg7[%add3A_218] : memref<3001344xf32, #tpu.memory_space<hbm>> -> memref<15632xf32, #tpu.memory_space<hbm>>
      %dma_start3A_292 = tpu.memref_slice %arg7[%add3A_218] : memref<3001344xf32, #tpu.memory_space<hbm>> -> memref<15632xf32, #tpu.memory_space<hbm>>
      %dma_start3A_293 = arith.constant 0 : i32
      %dma_start3A_294 = tpu.memref_slice %arg15[%dma_start3A_293] : memref<15744xf32, #tpu.memory_space<vmem>> -> memref<15632xf32, #tpu.memory_space<vmem>>
      tpu.enqueue_dma source(%dma_start3A_294 : memref<15632xf32, #tpu.memory_space<vmem>>) target(%dma_start3A_292 : memref<15632xf32, #tpu.memory_space<hbm>>) target_semaphore(%run_scoped3A : memref<!tpu.dma_semaphore, #tpu.memory_space<semaphore_mem>>)
      %dma_wait3A_295 = arith.constant 0 : i32
      %dma_wait3A_296 = tpu.memref_slice %arg15[%dma_wait3A_295] : memref<15744xf32, #tpu.memory_space<vmem>> -> memref<15632xf32, #tpu.memory_space<vmem>>
      %dma_wait3A_297 = tpu.memref_slice %arg7[%add3A_218] : memref<3001344xf32, #tpu.memory_space<hbm>> -> memref<15632xf32, #tpu.memory_space<hbm>>
      %dma_wait3A_298 = tpu.memref_slice %arg7[%add3A_218] : memref<3001344xf32, #tpu.memory_space<hbm>> -> memref<15632xf32, #tpu.memory_space<hbm>>
      %dma_wait3A_299 = arith.constant 0 : i32
      %dma_wait3A_300 = tpu.memref_slice %arg15[%dma_wait3A_299] : memref<15744xf32, #tpu.memory_space<vmem>> -> memref<15632xf32, #tpu.memory_space<vmem>>
      tpu.wait_dma2 semaphore(%run_scoped3A : memref<!tpu.dma_semaphore, #tpu.memory_space<semaphore_mem>>) src(%dma_wait3A_300 : memref<15632xf32, #tpu.memory_space<vmem>>) dst(%dma_wait3A_298 : memref<15632xf32, #tpu.memory_space<hbm>>)
      tpu.yield
    }) : () -> ()
    tpu.vector_store_idx %arg16[%scan3A_208], %broadcast_in_dim3A_105 masked %lt3A_214 : memref<15744xf32, #tpu.memory_space<vmem>>[vector<16xi32>], vector<16xf32>, vector<16xi1>
    %add3A_219 = arith.constant 2000896 : i32
    %add3A_220 = arith.addi %add3A_219, %add3A_156 : i32
    "tpu.region"() ({
      %run_scoped3A = tpu.sem_alloc : memref<!tpu.dma_semaphore, #tpu.memory_space<semaphore_mem>>
      %dma_start3A_289 = arith.constant 0 : i32
      %dma_start3A_290 = tpu.memref_slice %arg16[%dma_start3A_289] : memref<15744xf32, #tpu.memory_space<vmem>> -> memref<15632xf32, #tpu.memory_space<vmem>>
      %dma_start3A_291 = tpu.memref_slice %arg7[%add3A_220] : memref<3001344xf32, #tpu.memory_space<hbm>> -> memref<15632xf32, #tpu.memory_space<hbm>>
      %dma_start3A_292 = tpu.memref_slice %arg7[%add3A_220] : memref<3001344xf32, #tpu.memory_space<hbm>> -> memref<15632xf32, #tpu.memory_space<hbm>>
      %dma_start3A_293 = arith.constant 0 : i32
      %dma_start3A_294 = tpu.memref_slice %arg16[%dma_start3A_293] : memref<15744xf32, #tpu.memory_space<vmem>> -> memref<15632xf32, #tpu.memory_space<vmem>>
      tpu.enqueue_dma source(%dma_start3A_294 : memref<15632xf32, #tpu.memory_space<vmem>>) target(%dma_start3A_292 : memref<15632xf32, #tpu.memory_space<hbm>>) target_semaphore(%run_scoped3A : memref<!tpu.dma_semaphore, #tpu.memory_space<semaphore_mem>>)
      %dma_wait3A_295 = arith.constant 0 : i32
      %dma_wait3A_296 = tpu.memref_slice %arg16[%dma_wait3A_295] : memref<15744xf32, #tpu.memory_space<vmem>> -> memref<15632xf32, #tpu.memory_space<vmem>>
      %dma_wait3A_297 = tpu.memref_slice %arg7[%add3A_220] : memref<3001344xf32, #tpu.memory_space<hbm>> -> memref<15632xf32, #tpu.memory_space<hbm>>
      %dma_wait3A_298 = tpu.memref_slice %arg7[%add3A_220] : memref<3001344xf32, #tpu.memory_space<hbm>> -> memref<15632xf32, #tpu.memory_space<hbm>>
      %dma_wait3A_299 = arith.constant 0 : i32
      %dma_wait3A_300 = tpu.memref_slice %arg16[%dma_wait3A_299] : memref<15744xf32, #tpu.memory_space<vmem>> -> memref<15632xf32, #tpu.memory_space<vmem>>
      tpu.wait_dma2 semaphore(%run_scoped3A : memref<!tpu.dma_semaphore, #tpu.memory_space<semaphore_mem>>) src(%dma_wait3A_300 : memref<15632xf32, #tpu.memory_space<vmem>>) dst(%dma_wait3A_298 : memref<15632xf32, #tpu.memory_space<hbm>>)
      tpu.yield
    }) : () -> ()
    %add3A_221 = arith.constant 15632 : i32
    %add3A_222 = arith.addi %mul3A_92, %add3A_221 : i32
    %scan3A_223 = arith.constant 0 : i32
    %scan3A_224 = arith.constant 122 : i32
    %scan3A_225 = arith.addi %scan3A_223, %scan3A_224 : i32
    %scan3A_226 = arith.constant 1 : i32
    %scan3A_227 = scf.for %scan3A_289 = %scan3A_223 to %scan3A_225 step %scan3A_226 iter_args(%scan3A_290 = %iota3A) -> (vector<16xi32>)  : i32 {
      %mul3A_291 = arith.constant 128 : i32
      %mul3A_292 = arith.muli %scan3A_289, %mul3A_291 : i32
      %add3A_293 = arith.constant 15632 : i32
      %add3A_294 = arith.addi %add3A_293, %mul3A_292 : i32
      %add3A_295 = arith.constant 0 : i32
      %add3A_296 = arith.addi %add3A_294, %add3A_295 : i32
      %get3A_297 = arith.index_cast %add3A_296 : i32 to index
      %get3A_298 = tpu.vector_load %arg12[%get3A_297] {strides = array<i32>} : memref<31264xi32, #tpu.memory_space<vmem>>, vector<16xi32>,
      %mul3A_299 = arith.constant 128 : i32
      %mul3A_300 = arith.muli %scan3A_289, %mul3A_299 : i32
      %add3A_301 = arith.constant 15632 : i32
      %add3A_302 = arith.addi %add3A_301, %mul3A_300 : i32
      %add3A_303 = arith.constant 16 : i32
      %add3A_304 = arith.addi %add3A_302, %add3A_303 : i32
      %get3A_305 = arith.index_cast %add3A_304 : i32 to index
      %get3A_306 = tpu.vector_load %arg12[%get3A_305] {strides = array<i32>} : memref<31264xi32, #tpu.memory_space<vmem>>, vector<16xi32>,
      %mul3A_307 = arith.constant 128 : i32
      %mul3A_308 = arith.muli %scan3A_289, %mul3A_307 : i32
      %add3A_309 = arith.constant 15632 : i32
      %add3A_310 = arith.addi %add3A_309, %mul3A_308 : i32
      %add3A_311 = arith.constant 32 : i32
      %add3A_312 = arith.addi %add3A_310, %add3A_311 : i32
      %get3A_313 = arith.index_cast %add3A_312 : i32 to index
      %get3A_314 = tpu.vector_load %arg12[%get3A_313] {strides = array<i32>} : memref<31264xi32, #tpu.memory_space<vmem>>, vector<16xi32>,
      %mul3A_315 = arith.constant 128 : i32
      %mul3A_316 = arith.muli %scan3A_289, %mul3A_315 : i32
      %add3A_317 = arith.constant 15632 : i32
      %add3A_318 = arith.addi %add3A_317, %mul3A_316 : i32
      %add3A_319 = arith.constant 48 : i32
      %add3A_320 = arith.addi %add3A_318, %add3A_319 : i32
      %get3A_321 = arith.index_cast %add3A_320 : i32 to index
      %get3A_322 = tpu.vector_load %arg12[%get3A_321] {strides = array<i32>} : memref<31264xi32, #tpu.memory_space<vmem>>, vector<16xi32>,
      %mul3A_323 = arith.constant 128 : i32
      %mul3A_324 = arith.muli %scan3A_289, %mul3A_323 : i32
      %add3A_325 = arith.constant 15632 : i32
      %add3A_326 = arith.addi %add3A_325, %mul3A_324 : i32
      %add3A_327 = arith.constant 64 : i32
      %add3A_328 = arith.addi %add3A_326, %add3A_327 : i32
      %get3A_329 = arith.index_cast %add3A_328 : i32 to index
      %get3A_330 = tpu.vector_load %arg12[%get3A_329] {strides = array<i32>} : memref<31264xi32, #tpu.memory_space<vmem>>, vector<16xi32>,
      %mul3A_331 = arith.constant 128 : i32
      %mul3A_332 = arith.muli %scan3A_289, %mul3A_331 : i32
      %add3A_333 = arith.constant 15632 : i32
      %add3A_334 = arith.addi %add3A_333, %mul3A_332 : i32
      %add3A_335 = arith.constant 80 : i32
      %add3A_336 = arith.addi %add3A_334, %add3A_335 : i32
      %get3A_337 = arith.index_cast %add3A_336 : i32 to index
      %get3A_338 = tpu.vector_load %arg12[%get3A_337] {strides = array<i32>} : memref<31264xi32, #tpu.memory_space<vmem>>, vector<16xi32>,
      %mul3A_339 = arith.constant 128 : i32
      %mul3A_340 = arith.muli %scan3A_289, %mul3A_339 : i32
      %add3A_341 = arith.constant 15632 : i32
      %add3A_342 = arith.addi %add3A_341, %mul3A_340 : i32
      %add3A_343 = arith.constant 96 : i32
      %add3A_344 = arith.addi %add3A_342, %add3A_343 : i32
      %get3A_345 = arith.index_cast %add3A_344 : i32 to index
      %get3A_346 = tpu.vector_load %arg12[%get3A_345] {strides = array<i32>} : memref<31264xi32, #tpu.memory_space<vmem>>, vector<16xi32>,
      %mul3A_347 = arith.constant 128 : i32
      %mul3A_348 = arith.muli %scan3A_289, %mul3A_347 : i32
      %add3A_349 = arith.constant 15632 : i32
      %add3A_350 = arith.addi %add3A_349, %mul3A_348 : i32
      %add3A_351 = arith.constant 112 : i32
      %add3A_352 = arith.addi %add3A_350, %add3A_351 : i32
      %get3A_353 = arith.index_cast %add3A_352 : i32 to index
      %get3A_354 = tpu.vector_load %arg12[%get3A_353] {strides = array<i32>} : memref<31264xi32, #tpu.memory_space<vmem>>, vector<16xi32>,
      %ge3A_355 = arith.constant 0 : i32
      %ge3A_356 = vector.broadcast %ge3A_355 : i32 to vector<16xi32>
      %ge3A_357 = arith.cmpi sge, %get3A_298, %ge3A_356 : vector<16xi32>
      %add3A_358 = arith.constant 0 : i32
      %add3A_359 = vector.broadcast %add3A_358 : i32 to vector<16xi32>
      %add3A_360 = arith.addi %scan3A_290, %add3A_359 : vector<16xi32>
      %select_n3A_361 = arith.select %ge3A_357, %get3A_298, %add3A_360 : vector<16xi1>, vector<16xi32>
      %swap3A_362 = arith.index_cast %scan3A_289 : i32 to index
      %swap3A_363 = arith.constant 0 : index
      %swap3A_364 = tpu.vector_load %arg13[%swap3A_362, %swap3A_363] {strides = array<i32>} : memref<123x128xi32, #tpu.memory_space<vmem>>, vector<16xi32>,
      tpu.vector_store %arg13[%swap3A_362, %swap3A_363], %select_n3A_361 {strides = array<i32>} : memref<123x128xi32, #tpu.memory_space<vmem>>, vector<16xi32>,
      %ge3A_365 = arith.constant 0 : i32
      %ge3A_366 = vector.broadcast %ge3A_365 : i32 to vector<16xi32>
      %ge3A_367 = arith.cmpi sge, %get3A_306, %ge3A_366 : vector<16xi32>
      %add3A_368 = arith.constant 16 : i32
      %add3A_369 = vector.broadcast %add3A_368 : i32 to vector<16xi32>
      %add3A_370 = arith.addi %scan3A_290, %add3A_369 : vector<16xi32>
      %select_n3A_371 = arith.select %ge3A_367, %get3A_306, %add3A_370 : vector<16xi1>, vector<16xi32>
      %swap3A_372 = arith.index_cast %scan3A_289 : i32 to index
      %swap3A_373 = arith.constant 16 : index
      %swap3A_374 = tpu.vector_load %arg13[%swap3A_372, %swap3A_373] {strides = array<i32>} : memref<123x128xi32, #tpu.memory_space<vmem>>, vector<16xi32>,
      tpu.vector_store %arg13[%swap3A_372, %swap3A_373], %select_n3A_371 {strides = array<i32>} : memref<123x128xi32, #tpu.memory_space<vmem>>, vector<16xi32>,
      %ge3A_375 = arith.constant 0 : i32
      %ge3A_376 = vector.broadcast %ge3A_375 : i32 to vector<16xi32>
      %ge3A_377 = arith.cmpi sge, %get3A_314, %ge3A_376 : vector<16xi32>
      %add3A_378 = arith.constant 32 : i32
      %add3A_379 = vector.broadcast %add3A_378 : i32 to vector<16xi32>
      %add3A_380 = arith.addi %scan3A_290, %add3A_379 : vector<16xi32>
      %select_n3A_381 = arith.select %ge3A_377, %get3A_314, %add3A_380 : vector<16xi1>, vector<16xi32>
      %swap3A_382 = arith.index_cast %scan3A_289 : i32 to index
      %swap3A_383 = arith.constant 32 : index
      %swap3A_384 = tpu.vector_load %arg13[%swap3A_382, %swap3A_383] {strides = array<i32>} : memref<123x128xi32, #tpu.memory_space<vmem>>, vector<16xi32>,
      tpu.vector_store %arg13[%swap3A_382, %swap3A_383], %select_n3A_381 {strides = array<i32>} : memref<123x128xi32, #tpu.memory_space<vmem>>, vector<16xi32>,
      %ge3A_385 = arith.constant 0 : i32
      %ge3A_386 = vector.broadcast %ge3A_385 : i32 to vector<16xi32>
      %ge3A_387 = arith.cmpi sge, %get3A_322, %ge3A_386 : vector<16xi32>
      %add3A_388 = arith.constant 48 : i32
      %add3A_389 = vector.broadcast %add3A_388 : i32 to vector<16xi32>
      %add3A_390 = arith.addi %scan3A_290, %add3A_389 : vector<16xi32>
      %select_n3A_391 = arith.select %ge3A_387, %get3A_322, %add3A_390 : vector<16xi1>, vector<16xi32>
      %swap3A_392 = arith.index_cast %scan3A_289 : i32 to index
      %swap3A_393 = arith.constant 48 : index
      %swap3A_394 = tpu.vector_load %arg13[%swap3A_392, %swap3A_393] {strides = array<i32>} : memref<123x128xi32, #tpu.memory_space<vmem>>, vector<16xi32>,
      tpu.vector_store %arg13[%swap3A_392, %swap3A_393], %select_n3A_391 {strides = array<i32>} : memref<123x128xi32, #tpu.memory_space<vmem>>, vector<16xi32>,
      %ge3A_395 = arith.constant 0 : i32
      %ge3A_396 = vector.broadcast %ge3A_395 : i32 to vector<16xi32>
      %ge3A_397 = arith.cmpi sge, %get3A_330, %ge3A_396 : vector<16xi32>
      %add3A_398 = arith.constant 64 : i32
      %add3A_399 = vector.broadcast %add3A_398 : i32 to vector<16xi32>
      %add3A_400 = arith.addi %scan3A_290, %add3A_399 : vector<16xi32>
      %select_n3A_401 = arith.select %ge3A_397, %get3A_330, %add3A_400 : vector<16xi1>, vector<16xi32>
      %swap3A_402 = arith.index_cast %scan3A_289 : i32 to index
      %swap3A_403 = arith.constant 64 : index
      %swap3A_404 = tpu.vector_load %arg13[%swap3A_402, %swap3A_403] {strides = array<i32>} : memref<123x128xi32, #tpu.memory_space<vmem>>, vector<16xi32>,
      tpu.vector_store %arg13[%swap3A_402, %swap3A_403], %select_n3A_401 {strides = array<i32>} : memref<123x128xi32, #tpu.memory_space<vmem>>, vector<16xi32>,
      %ge3A_405 = arith.constant 0 : i32
      %ge3A_406 = vector.broadcast %ge3A_405 : i32 to vector<16xi32>
      %ge3A_407 = arith.cmpi sge, %get3A_338, %ge3A_406 : vector<16xi32>
      %add3A_408 = arith.constant 80 : i32
      %add3A_409 = vector.broadcast %add3A_408 : i32 to vector<16xi32>
      %add3A_410 = arith.addi %scan3A_290, %add3A_409 : vector<16xi32>
      %select_n3A_411 = arith.select %ge3A_407, %get3A_338, %add3A_410 : vector<16xi1>, vector<16xi32>
      %swap3A_412 = arith.index_cast %scan3A_289 : i32 to index
      %swap3A_413 = arith.constant 80 : index
      %swap3A_414 = tpu.vector_load %arg13[%swap3A_412, %swap3A_413] {strides = array<i32>} : memref<123x128xi32, #tpu.memory_space<vmem>>, vector<16xi32>,
      tpu.vector_store %arg13[%swap3A_412, %swap3A_413], %select_n3A_411 {strides = array<i32>} : memref<123x128xi32, #tpu.memory_space<vmem>>, vector<16xi32>,
      %ge3A_415 = arith.constant 0 : i32
      %ge3A_416 = vector.broadcast %ge3A_415 : i32 to vector<16xi32>
      %ge3A_417 = arith.cmpi sge, %get3A_346, %ge3A_416 : vector<16xi32>
      %add3A_418 = arith.constant 96 : i32
      %add3A_419 = vector.broadcast %add3A_418 : i32 to vector<16xi32>
      %add3A_420 = arith.addi %scan3A_290, %add3A_419 : vector<16xi32>
      %select_n3A_421 = arith.select %ge3A_417, %get3A_346, %add3A_420 : vector<16xi1>, vector<16xi32>
      %swap3A_422 = arith.index_cast %scan3A_289 : i32 to index
      %swap3A_423 = arith.constant 96 : index
      %swap3A_424 = tpu.vector_load %arg13[%swap3A_422, %swap3A_423] {strides = array<i32>} : memref<123x128xi32, #tpu.memory_space<vmem>>, vector<16xi32>,
      tpu.vector_store %arg13[%swap3A_422, %swap3A_423], %select_n3A_421 {strides = array<i32>} : memref<123x128xi32, #tpu.memory_space<vmem>>, vector<16xi32>,
      %ge3A_425 = arith.constant 0 : i32
      %ge3A_426 = vector.broadcast %ge3A_425 : i32 to vector<16xi32>
      %ge3A_427 = arith.cmpi sge, %get3A_354, %ge3A_426 : vector<16xi32>
      %add3A_428 = arith.constant 112 : i32
      %add3A_429 = vector.broadcast %add3A_428 : i32 to vector<16xi32>
      %add3A_430 = arith.addi %scan3A_290, %add3A_429 : vector<16xi32>
      %select_n3A_431 = arith.select %ge3A_427, %get3A_354, %add3A_430 : vector<16xi1>, vector<16xi32>
      %swap3A_432 = arith.index_cast %scan3A_289 : i32 to index
      %swap3A_433 = arith.constant 112 : index
      %swap3A_434 = tpu.vector_load %arg13[%swap3A_432, %swap3A_433] {strides = array<i32>} : memref<123x128xi32, #tpu.memory_space<vmem>>, vector<16xi32>,
      tpu.vector_store %arg13[%swap3A_432, %swap3A_433], %select_n3A_431 {strides = array<i32>} : memref<123x128xi32, #tpu.memory_space<vmem>>, vector<16xi32>,
      %add3A_435 = arith.constant 128 : i32
      %add3A_436 = vector.broadcast %add3A_435 : i32 to vector<16xi32>
      %add3A_437 = arith.addi %scan3A_290, %add3A_436 : vector<16xi32>
      scf.yield %add3A_437 : vector<16xi32>
    }
    %scan3A_228 = arith.constant 122 : i32
    %get3A_229 = arith.constant 31248 : index
    %get3A_230 = tpu.vector_load %arg12[%get3A_229] {strides = array<i32>} : memref<31264xi32, #tpu.memory_space<vmem>>, vector<16xi32>,
    %ge3A_231 = arith.constant 0 : i32
    %ge3A_232 = vector.broadcast %ge3A_231 : i32 to vector<16xi32>
    %ge3A_233 = arith.cmpi sge, %get3A_230, %ge3A_232 : vector<16xi32>
    %select_n3A_234 = arith.select %ge3A_233, %get3A_230, %scan3A_227 : vector<16xi1>, vector<16xi32>
    %swap3A_235 = arith.constant 122 : i32
    %swap3A_236 = arith.index_cast %swap3A_235 : i32 to index
    %swap3A_237 = arith.constant 0 : index
    %swap3A_238 = tpu.vector_load %arg13[%swap3A_236, %swap3A_237] {strides = array<i32>} : memref<123x128xi32, #tpu.memory_space<vmem>>, vector<16xi32>,
    tpu.vector_store %arg13[%swap3A_236, %swap3A_237], %select_n3A_234 {strides = array<i32>} : memref<123x128xi32, #tpu.memory_space<vmem>>, vector<16xi32>,
    %scan3A_239 = arith.constant 0 : i32
    %scan3A_240 = arith.constant 0 : i32
    %scan3A_241 = arith.constant 123 : i32
    %scan3A_242 = arith.addi %scan3A_240, %scan3A_241 : i32
    %scan3A_243 = arith.constant 1 : i32
    %scan3A_244 = scf.for %scan3A_289 = %scan3A_240 to %scan3A_242 step %scan3A_243 iter_args(%scan3A_290 = %scan3A_239) -> (i32)  : i32 {
      %mul3A_291 = arith.constant 128 : i32
      %mul3A_292 = arith.muli %scan3A_289, %mul3A_291 : i32
      %dma_start3A_293 = tpu.memref_slice %arg14[%mul3A_292] : memref<15744xf32, #tpu.memory_space<vmem>> -> memref<128xf32, #tpu.memory_space<vmem>>
      %dma_start3A_294 = arith.constant 0 : i32
      %dma_start3A_295 = tpu.memref_slice %arg13[%scan3A_289, %dma_start3A_294] : memref<123x128xi32, #tpu.memory_space<vmem>> -> memref<1x128xi32, #tpu.memory_space<vmem>>
      %dma_start3A_296 = tpu.memref_squeeze %dma_start3A_295 : memref<1x128xi32, #tpu.memory_space<vmem>> -> memref<128xi32, #tpu.memory_space<vmem>>
      %dma_start3A_297 = arith.constant 0 : i32
      %dma_start3A_298 = tpu.memref_slice %arg4[%dma_start3A_297] : memref<1000000xf32, #tpu.memory_space<hbm>> -> memref<1000000xf32, #tpu.memory_space<hbm>>
      tpu.enqueue_indirect_dma source(%dma_start3A_298 : memref<1000000xf32, #tpu.memory_space<hbm>>) target(%dma_start3A_293 : memref<128xf32, #tpu.memory_space<vmem>>) offsets(%dma_start3A_296 : memref<128xi32, #tpu.memory_space<vmem>>) semaphore(%arg17 : memref<!tpu.dma_semaphore, #tpu.memory_space<semaphore_mem>>)
      %scan3A_299 = arith.constant 0 : i32
      scf.yield %scan3A_299 : i32
    }
    %scan3A_245 = arith.constant 123 : i32
    %scan3A_246 = arith.constant 0 : i32
    %scan3A_247 = arith.constant 0 : i32
    %scan3A_248 = arith.constant 123 : i32
    %scan3A_249 = arith.addi %scan3A_247, %scan3A_248 : i32
    %scan3A_250 = arith.constant 1 : i32
    %scan3A_251 = scf.for %scan3A_289 = %scan3A_247 to %scan3A_249 step %scan3A_250 iter_args(%scan3A_290 = %scan3A_246) -> (i32)  : i32 {
      %mul3A_291 = arith.constant 128 : i32
      %mul3A_292 = arith.muli %scan3A_289, %mul3A_291 : i32
      %dma_start3A_293 = tpu.memref_slice %arg15[%mul3A_292] : memref<15744xf32, #tpu.memory_space<vmem>> -> memref<128xf32, #tpu.memory_space<vmem>>
      %dma_start3A_294 = arith.constant 0 : i32
      %dma_start3A_295 = tpu.memref_slice %arg13[%scan3A_289, %dma_start3A_294] : memref<123x128xi32, #tpu.memory_space<vmem>> -> memref<1x128xi32, #tpu.memory_space<vmem>>
      %dma_start3A_296 = tpu.memref_squeeze %dma_start3A_295 : memref<1x128xi32, #tpu.memory_space<vmem>> -> memref<128xi32, #tpu.memory_space<vmem>>
      %dma_start3A_297 = arith.constant 0 : i32
      %dma_start3A_298 = tpu.memref_slice %arg5[%dma_start3A_297] : memref<1000000xf32, #tpu.memory_space<hbm>> -> memref<1000000xf32, #tpu.memory_space<hbm>>
      tpu.enqueue_indirect_dma source(%dma_start3A_298 : memref<1000000xf32, #tpu.memory_space<hbm>>) target(%dma_start3A_293 : memref<128xf32, #tpu.memory_space<vmem>>) offsets(%dma_start3A_296 : memref<128xi32, #tpu.memory_space<vmem>>) semaphore(%arg18 : memref<!tpu.dma_semaphore, #tpu.memory_space<semaphore_mem>>)
      %scan3A_299 = arith.constant 0 : i32
      scf.yield %scan3A_299 : i32
    }
    %scan3A_252 = arith.constant 123 : i32
    %scan3A_253 = arith.constant 0 : i32
    %scan3A_254 = arith.constant 0 : i32
    %scan3A_255 = arith.constant 123 : i32
    %scan3A_256 = arith.addi %scan3A_254, %scan3A_255 : i32
    %scan3A_257 = arith.constant 1 : i32
    %scan3A_258 = scf.for %scan3A_289 = %scan3A_254 to %scan3A_256 step %scan3A_257 iter_args(%scan3A_290 = %scan3A_253) -> (i32)  : i32 {
      %mul3A_291 = arith.constant 128 : i32
      %mul3A_292 = arith.muli %scan3A_289, %mul3A_291 : i32
      %dma_start3A_293 = tpu.memref_slice %arg16[%mul3A_292] : memref<15744xf32, #tpu.memory_space<vmem>> -> memref<128xf32, #tpu.memory_space<vmem>>
      %dma_start3A_294 = arith.constant 0 : i32
      %dma_start3A_295 = tpu.memref_slice %arg13[%scan3A_289, %dma_start3A_294] : memref<123x128xi32, #tpu.memory_space<vmem>> -> memref<1x128xi32, #tpu.memory_space<vmem>>
      %dma_start3A_296 = tpu.memref_squeeze %dma_start3A_295 : memref<1x128xi32, #tpu.memory_space<vmem>> -> memref<128xi32, #tpu.memory_space<vmem>>
      %dma_start3A_297 = arith.constant 0 : i32
      %dma_start3A_298 = tpu.memref_slice %arg6[%dma_start3A_297] : memref<1000000xf32, #tpu.memory_space<hbm>> -> memref<1000000xf32, #tpu.memory_space<hbm>>
      tpu.enqueue_indirect_dma source(%dma_start3A_298 : memref<1000000xf32, #tpu.memory_space<hbm>>) target(%dma_start3A_293 : memref<128xf32, #tpu.memory_space<vmem>>) offsets(%dma_start3A_296 : memref<128xi32, #tpu.memory_space<vmem>>) semaphore(%arg19 : memref<!tpu.dma_semaphore, #tpu.memory_space<semaphore_mem>>)
      %scan3A_299 = arith.constant 0 : i32
      scf.yield %scan3A_299 : i32
    }
    %scan3A_259 = arith.constant 123 : i32
    %dma_wait3A_260 = arith.constant 0 : i32
    %dma_wait3A_261 = tpu.memref_slice %arg4[%dma_wait3A_260] : memref<1000000xf32, #tpu.memory_space<hbm>> -> memref<15744xf32, #tpu.memory_space<hbm>>
    %dma_wait3A_262 = arith.constant 0 : i32
    %dma_wait3A_263 = tpu.memref_slice %arg4[%dma_wait3A_262] : memref<1000000xf32, #tpu.memory_space<hbm>> -> memref<15744xf32, #tpu.memory_space<hbm>>
    tpu.wait_dma2 semaphore(%arg17 : memref<!tpu.dma_semaphore, #tpu.memory_space<semaphore_mem>>) src(%dma_wait3A_263 : memref<15744xf32, #tpu.memory_space<hbm>>) dst(%arg14 : memref<15744xf32, #tpu.memory_space<vmem>>)
    %dma_wait3A_264 = arith.constant 0 : i32
    %dma_wait3A_265 = tpu.memref_slice %arg5[%dma_wait3A_264] : memref<1000000xf32, #tpu.memory_space<hbm>> -> memref<15744xf32, #tpu.memory_space<hbm>>
    %dma_wait3A_266 = arith.constant 0 : i32
    %dma_wait3A_267 = tpu.memref_slice %arg5[%dma_wait3A_266] : memref<1000000xf32, #tpu.memory_space<hbm>> -> memref<15744xf32, #tpu.memory_space<hbm>>
    tpu.wait_dma2 semaphore(%arg18 : memref<!tpu.dma_semaphore, #tpu.memory_space<semaphore_mem>>) src(%dma_wait3A_267 : memref<15744xf32, #tpu.memory_space<hbm>>) dst(%arg15 : memref<15744xf32, #tpu.memory_space<vmem>>)
    %dma_wait3A_268 = arith.constant 0 : i32
    %dma_wait3A_269 = tpu.memref_slice %arg6[%dma_wait3A_268] : memref<1000000xf32, #tpu.memory_space<hbm>> -> memref<15744xf32, #tpu.memory_space<hbm>>
    %dma_wait3A_270 = arith.constant 0 : i32
    %dma_wait3A_271 = tpu.memref_slice %arg6[%dma_wait3A_270] : memref<1000000xf32, #tpu.memory_space<hbm>> -> memref<15744xf32, #tpu.memory_space<hbm>>
    tpu.wait_dma2 semaphore(%arg19 : memref<!tpu.dma_semaphore, #tpu.memory_space<semaphore_mem>>) src(%dma_wait3A_271 : memref<15744xf32, #tpu.memory_space<hbm>>) dst(%arg16 : memref<15744xf32, #tpu.memory_space<vmem>>)
    %scan3A_272 = arith.constant 0 : i32
    %scan3A_273 = arith.constant 122 : i32
    %scan3A_274 = arith.addi %scan3A_272, %scan3A_273 : i32
    %scan3A_275 = arith.constant 1 : i32
    %scan3A_276 = scf.for %scan3A_289 = %scan3A_272 to %scan3A_274 step %scan3A_275 iter_args(%scan3A_290 = %iota3A) -> (vector<16xi32>)  : i32 {
      %mul3A_291 = arith.constant 128 : i32
      %mul3A_292 = arith.muli %scan3A_289, %mul3A_291 : i32
      %add3A_293 = arith.constant 15632 : i32
      %add3A_294 = arith.addi %add3A_293, %mul3A_292 : i32
      %add3A_295 = arith.constant 0 : i32
      %add3A_296 = arith.addi %add3A_294, %add3A_295 : i32
      %get3A_297 = arith.index_cast %add3A_296 : i32 to index
      %get3A_298 = tpu.vector_load %arg12[%get3A_297] {strides = array<i32>} : memref<31264xi32, #tpu.memory_space<vmem>>, vector<16xi32>,
      %mul3A_299 = arith.constant 128 : i32
      %mul3A_300 = arith.muli %scan3A_289, %mul3A_299 : i32
      %add3A_301 = arith.constant 15632 : i32
      %add3A_302 = arith.addi %add3A_301, %mul3A_300 : i32
      %add3A_303 = arith.constant 16 : i32
      %add3A_304 = arith.addi %add3A_302, %add3A_303 : i32
      %get3A_305 = arith.index_cast %add3A_304 : i32 to index
      %get3A_306 = tpu.vector_load %arg12[%get3A_305] {strides = array<i32>} : memref<31264xi32, #tpu.memory_space<vmem>>, vector<16xi32>,
      %mul3A_307 = arith.constant 128 : i32
      %mul3A_308 = arith.muli %scan3A_289, %mul3A_307 : i32
      %add3A_309 = arith.constant 15632 : i32
      %add3A_310 = arith.addi %add3A_309, %mul3A_308 : i32
      %add3A_311 = arith.constant 32 : i32
      %add3A_312 = arith.addi %add3A_310, %add3A_311 : i32
      %get3A_313 = arith.index_cast %add3A_312 : i32 to index
      %get3A_314 = tpu.vector_load %arg12[%get3A_313] {strides = array<i32>} : memref<31264xi32, #tpu.memory_space<vmem>>, vector<16xi32>,
      %mul3A_315 = arith.constant 128 : i32
      %mul3A_316 = arith.muli %scan3A_289, %mul3A_315 : i32
      %add3A_317 = arith.constant 15632 : i32
      %add3A_318 = arith.addi %add3A_317, %mul3A_316 : i32
      %add3A_319 = arith.constant 48 : i32
      %add3A_320 = arith.addi %add3A_318, %add3A_319 : i32
      %get3A_321 = arith.index_cast %add3A_320 : i32 to index
      %get3A_322 = tpu.vector_load %arg12[%get3A_321] {strides = array<i32>} : memref<31264xi32, #tpu.memory_space<vmem>>, vector<16xi32>,
      %mul3A_323 = arith.constant 128 : i32
      %mul3A_324 = arith.muli %scan3A_289, %mul3A_323 : i32
      %add3A_325 = arith.constant 15632 : i32
      %add3A_326 = arith.addi %add3A_325, %mul3A_324 : i32
      %add3A_327 = arith.constant 64 : i32
      %add3A_328 = arith.addi %add3A_326, %add3A_327 : i32
      %get3A_329 = arith.index_cast %add3A_328 : i32 to index
      %get3A_330 = tpu.vector_load %arg12[%get3A_329] {strides = array<i32>} : memref<31264xi32, #tpu.memory_space<vmem>>, vector<16xi32>,
      %mul3A_331 = arith.constant 128 : i32
      %mul3A_332 = arith.muli %scan3A_289, %mul3A_331 : i32
      %add3A_333 = arith.constant 15632 : i32
      %add3A_334 = arith.addi %add3A_333, %mul3A_332 : i32
      %add3A_335 = arith.constant 80 : i32
      %add3A_336 = arith.addi %add3A_334, %add3A_335 : i32
      %get3A_337 = arith.index_cast %add3A_336 : i32 to index
      %get3A_338 = tpu.vector_load %arg12[%get3A_337] {strides = array<i32>} : memref<31264xi32, #tpu.memory_space<vmem>>, vector<16xi32>,
      %mul3A_339 = arith.constant 128 : i32
      %mul3A_340 = arith.muli %scan3A_289, %mul3A_339 : i32
      %add3A_341 = arith.constant 15632 : i32
      %add3A_342 = arith.addi %add3A_341, %mul3A_340 : i32
      %add3A_343 = arith.constant 96 : i32
      %add3A_344 = arith.addi %add3A_342, %add3A_343 : i32
      %get3A_345 = arith.index_cast %add3A_344 : i32 to index
      %get3A_346 = tpu.vector_load %arg12[%get3A_345] {strides = array<i32>} : memref<31264xi32, #tpu.memory_space<vmem>>, vector<16xi32>,
      %mul3A_347 = arith.constant 128 : i32
      %mul3A_348 = arith.muli %scan3A_289, %mul3A_347 : i32
      %add3A_349 = arith.constant 15632 : i32
      %add3A_350 = arith.addi %add3A_349, %mul3A_348 : i32
      %add3A_351 = arith.constant 112 : i32
      %add3A_352 = arith.addi %add3A_350, %add3A_351 : i32
      %get3A_353 = arith.index_cast %add3A_352 : i32 to index
      %get3A_354 = tpu.vector_load %arg12[%get3A_353] {strides = array<i32>} : memref<31264xi32, #tpu.memory_space<vmem>>, vector<16xi32>,
      %lt3A_355 = arith.constant 0 : i32
      %lt3A_356 = vector.broadcast %lt3A_355 : i32 to vector<16xi32>
      %lt3A_357 = arith.cmpi slt, %get3A_298, %lt3A_356 : vector<16xi32>
      %add3A_358 = arith.constant 0 : i32
      %add3A_359 = vector.broadcast %add3A_358 : i32 to vector<16xi32>
      %add3A_360 = arith.addi %scan3A_290, %add3A_359 : vector<16xi32>
      tpu.vector_store_idx %arg14[%add3A_360], %broadcast_in_dim3A_105 masked %lt3A_357 : memref<15744xf32, #tpu.memory_space<vmem>>[vector<16xi32>], vector<16xf32>, vector<16xi1>
      %add3A_361 = arith.constant 0 : i32
      %add3A_362 = vector.broadcast %add3A_361 : i32 to vector<16xi32>
      %add3A_363 = arith.addi %scan3A_290, %add3A_362 : vector<16xi32>
      tpu.vector_store_idx %arg15[%add3A_363], %broadcast_in_dim3A_105 masked %lt3A_357 : memref<15744xf32, #tpu.memory_space<vmem>>[vector<16xi32>], vector<16xf32>, vector<16xi1>
      %add3A_364 = arith.constant 0 : i32
      %add3A_365 = vector.broadcast %add3A_364 : i32 to vector<16xi32>
      %add3A_366 = arith.addi %scan3A_290, %add3A_365 : vector<16xi32>
      tpu.vector_store_idx %arg16[%add3A_366], %broadcast_in_dim3A_105 masked %lt3A_357 : memref<15744xf32, #tpu.memory_space<vmem>>[vector<16xi32>], vector<16xf32>, vector<16xi1>
      %lt3A_367 = arith.constant 0 : i32
      %lt3A_368 = vector.broadcast %lt3A_367 : i32 to vector<16xi32>
      %lt3A_369 = arith.cmpi slt, %get3A_306, %lt3A_368 : vector<16xi32>
      %add3A_370 = arith.constant 16 : i32
      %add3A_371 = vector.broadcast %add3A_370 : i32 to vector<16xi32>
      %add3A_372 = arith.addi %scan3A_290, %add3A_371 : vector<16xi32>
      tpu.vector_store_idx %arg14[%add3A_372], %broadcast_in_dim3A_105 masked %lt3A_369 : memref<15744xf32, #tpu.memory_space<vmem>>[vector<16xi32>], vector<16xf32>, vector<16xi1>
      %add3A_373 = arith.constant 16 : i32
      %add3A_374 = vector.broadcast %add3A_373 : i32 to vector<16xi32>
      %add3A_375 = arith.addi %scan3A_290, %add3A_374 : vector<16xi32>
      tpu.vector_store_idx %arg15[%add3A_375], %broadcast_in_dim3A_105 masked %lt3A_369 : memref<15744xf32, #tpu.memory_space<vmem>>[vector<16xi32>], vector<16xf32>, vector<16xi1>
      %add3A_376 = arith.constant 16 : i32
      %add3A_377 = vector.broadcast %add3A_376 : i32 to vector<16xi32>
      %add3A_378 = arith.addi %scan3A_290, %add3A_377 : vector<16xi32>
      tpu.vector_store_idx %arg16[%add3A_378], %broadcast_in_dim3A_105 masked %lt3A_369 : memref<15744xf32, #tpu.memory_space<vmem>>[vector<16xi32>], vector<16xf32>, vector<16xi1>
      %lt3A_379 = arith.constant 0 : i32
      %lt3A_380 = vector.broadcast %lt3A_379 : i32 to vector<16xi32>
      %lt3A_381 = arith.cmpi slt, %get3A_314, %lt3A_380 : vector<16xi32>
      %add3A_382 = arith.constant 32 : i32
      %add3A_383 = vector.broadcast %add3A_382 : i32 to vector<16xi32>
      %add3A_384 = arith.addi %scan3A_290, %add3A_383 : vector<16xi32>
      tpu.vector_store_idx %arg14[%add3A_384], %broadcast_in_dim3A_105 masked %lt3A_381 : memref<15744xf32, #tpu.memory_space<vmem>>[vector<16xi32>], vector<16xf32>, vector<16xi1>
      %add3A_385 = arith.constant 32 : i32
      %add3A_386 = vector.broadcast %add3A_385 : i32 to vector<16xi32>
      %add3A_387 = arith.addi %scan3A_290, %add3A_386 : vector<16xi32>
      tpu.vector_store_idx %arg15[%add3A_387], %broadcast_in_dim3A_105 masked %lt3A_381 : memref<15744xf32, #tpu.memory_space<vmem>>[vector<16xi32>], vector<16xf32>, vector<16xi1>
      %add3A_388 = arith.constant 32 : i32
      %add3A_389 = vector.broadcast %add3A_388 : i32 to vector<16xi32>
      %add3A_390 = arith.addi %scan3A_290, %add3A_389 : vector<16xi32>
      tpu.vector_store_idx %arg16[%add3A_390], %broadcast_in_dim3A_105 masked %lt3A_381 : memref<15744xf32, #tpu.memory_space<vmem>>[vector<16xi32>], vector<16xf32>, vector<16xi1>
      %lt3A_391 = arith.constant 0 : i32
      %lt3A_392 = vector.broadcast %lt3A_391 : i32 to vector<16xi32>
      %lt3A_393 = arith.cmpi slt, %get3A_322, %lt3A_392 : vector<16xi32>
      %add3A_394 = arith.constant 48 : i32
      %add3A_395 = vector.broadcast %add3A_394 : i32 to vector<16xi32>
      %add3A_396 = arith.addi %scan3A_290, %add3A_395 : vector<16xi32>
      tpu.vector_store_idx %arg14[%add3A_396], %broadcast_in_dim3A_105 masked %lt3A_393 : memref<15744xf32, #tpu.memory_space<vmem>>[vector<16xi32>], vector<16xf32>, vector<16xi1>
      %add3A_397 = arith.constant 48 : i32
      %add3A_398 = vector.broadcast %add3A_397 : i32 to vector<16xi32>
      %add3A_399 = arith.addi %scan3A_290, %add3A_398 : vector<16xi32>
      tpu.vector_store_idx %arg15[%add3A_399], %broadcast_in_dim3A_105 masked %lt3A_393 : memref<15744xf32, #tpu.memory_space<vmem>>[vector<16xi32>], vector<16xf32>, vector<16xi1>
      %add3A_400 = arith.constant 48 : i32
      %add3A_401 = vector.broadcast %add3A_400 : i32 to vector<16xi32>
      %add3A_402 = arith.addi %scan3A_290, %add3A_401 : vector<16xi32>
      tpu.vector_store_idx %arg16[%add3A_402], %broadcast_in_dim3A_105 masked %lt3A_393 : memref<15744xf32, #tpu.memory_space<vmem>>[vector<16xi32>], vector<16xf32>, vector<16xi1>
      %lt3A_403 = arith.constant 0 : i32
      %lt3A_404 = vector.broadcast %lt3A_403 : i32 to vector<16xi32>
      %lt3A_405 = arith.cmpi slt, %get3A_330, %lt3A_404 : vector<16xi32>
      %add3A_406 = arith.constant 64 : i32
      %add3A_407 = vector.broadcast %add3A_406 : i32 to vector<16xi32>
      %add3A_408 = arith.addi %scan3A_290, %add3A_407 : vector<16xi32>
      tpu.vector_store_idx %arg14[%add3A_408], %broadcast_in_dim3A_105 masked %lt3A_405 : memref<15744xf32, #tpu.memory_space<vmem>>[vector<16xi32>], vector<16xf32>, vector<16xi1>
      %add3A_409 = arith.constant 64 : i32
      %add3A_410 = vector.broadcast %add3A_409 : i32 to vector<16xi32>
      %add3A_411 = arith.addi %scan3A_290, %add3A_410 : vector<16xi32>
      tpu.vector_store_idx %arg15[%add3A_411], %broadcast_in_dim3A_105 masked %lt3A_405 : memref<15744xf32, #tpu.memory_space<vmem>>[vector<16xi32>], vector<16xf32>, vector<16xi1>
      %add3A_412 = arith.constant 64 : i32
      %add3A_413 = vector.broadcast %add3A_412 : i32 to vector<16xi32>
      %add3A_414 = arith.addi %scan3A_290, %add3A_413 : vector<16xi32>
      tpu.vector_store_idx %arg16[%add3A_414], %broadcast_in_dim3A_105 masked %lt3A_405 : memref<15744xf32, #tpu.memory_space<vmem>>[vector<16xi32>], vector<16xf32>, vector<16xi1>
      %lt3A_415 = arith.constant 0 : i32
      %lt3A_416 = vector.broadcast %lt3A_415 : i32 to vector<16xi32>
      %lt3A_417 = arith.cmpi slt, %get3A_338, %lt3A_416 : vector<16xi32>
      %add3A_418 = arith.constant 80 : i32
      %add3A_419 = vector.broadcast %add3A_418 : i32 to vector<16xi32>
      %add3A_420 = arith.addi %scan3A_290, %add3A_419 : vector<16xi32>
      tpu.vector_store_idx %arg14[%add3A_420], %broadcast_in_dim3A_105 masked %lt3A_417 : memref<15744xf32, #tpu.memory_space<vmem>>[vector<16xi32>], vector<16xf32>, vector<16xi1>
      %add3A_421 = arith.constant 80 : i32
      %add3A_422 = vector.broadcast %add3A_421 : i32 to vector<16xi32>
      %add3A_423 = arith.addi %scan3A_290, %add3A_422 : vector<16xi32>
      tpu.vector_store_idx %arg15[%add3A_423], %broadcast_in_dim3A_105 masked %lt3A_417 : memref<15744xf32, #tpu.memory_space<vmem>>[vector<16xi32>], vector<16xf32>, vector<16xi1>
      %add3A_424 = arith.constant 80 : i32
      %add3A_425 = vector.broadcast %add3A_424 : i32 to vector<16xi32>
      %add3A_426 = arith.addi %scan3A_290, %add3A_425 : vector<16xi32>
      tpu.vector_store_idx %arg16[%add3A_426], %broadcast_in_dim3A_105 masked %lt3A_417 : memref<15744xf32, #tpu.memory_space<vmem>>[vector<16xi32>], vector<16xf32>, vector<16xi1>
      %lt3A_427 = arith.constant 0 : i32
      %lt3A_428 = vector.broadcast %lt3A_427 : i32 to vector<16xi32>
      %lt3A_429 = arith.cmpi slt, %get3A_346, %lt3A_428 : vector<16xi32>
      %add3A_430 = arith.constant 96 : i32
      %add3A_431 = vector.broadcast %add3A_430 : i32 to vector<16xi32>
      %add3A_432 = arith.addi %scan3A_290, %add3A_431 : vector<16xi32>
      tpu.vector_store_idx %arg14[%add3A_432], %broadcast_in_dim3A_105 masked %lt3A_429 : memref<15744xf32, #tpu.memory_space<vmem>>[vector<16xi32>], vector<16xf32>, vector<16xi1>
      %add3A_433 = arith.constant 96 : i32
      %add3A_434 = vector.broadcast %add3A_433 : i32 to vector<16xi32>
      %add3A_435 = arith.addi %scan3A_290, %add3A_434 : vector<16xi32>
      tpu.vector_store_idx %arg15[%add3A_435], %broadcast_in_dim3A_105 masked %lt3A_429 : memref<15744xf32, #tpu.memory_space<vmem>>[vector<16xi32>], vector<16xf32>, vector<16xi1>
      %add3A_436 = arith.constant 96 : i32
      %add3A_437 = vector.broadcast %add3A_436 : i32 to vector<16xi32>
      %add3A_438 = arith.addi %scan3A_290, %add3A_437 : vector<16xi32>
      tpu.vector_store_idx %arg16[%add3A_438], %broadcast_in_dim3A_105 masked %lt3A_429 : memref<15744xf32, #tpu.memory_space<vmem>>[vector<16xi32>], vector<16xf32>, vector<16xi1>
      %lt3A_439 = arith.constant 0 : i32
      %lt3A_440 = vector.broadcast %lt3A_439 : i32 to vector<16xi32>
      %lt3A_441 = arith.cmpi slt, %get3A_354, %lt3A_440 : vector<16xi32>
      %add3A_442 = arith.constant 112 : i32
      %add3A_443 = vector.broadcast %add3A_442 : i32 to vector<16xi32>
      %add3A_444 = arith.addi %scan3A_290, %add3A_443 : vector<16xi32>
      tpu.vector_store_idx %arg14[%add3A_444], %broadcast_in_dim3A_105 masked %lt3A_441 : memref<15744xf32, #tpu.memory_space<vmem>>[vector<16xi32>], vector<16xf32>, vector<16xi1>
      %add3A_445 = arith.constant 112 : i32
      %add3A_446 = vector.broadcast %add3A_445 : i32 to vector<16xi32>
      %add3A_447 = arith.addi %scan3A_290, %add3A_446 : vector<16xi32>
      tpu.vector_store_idx %arg15[%add3A_447], %broadcast_in_dim3A_105 masked %lt3A_441 : memref<15744xf32, #tpu.memory_space<vmem>>[vector<16xi32>], vector<16xf32>, vector<16xi1>
      %add3A_448 = arith.constant 112 : i32
      %add3A_449 = vector.broadcast %add3A_448 : i32 to vector<16xi32>
      %add3A_450 = arith.addi %scan3A_290, %add3A_449 : vector<16xi32>
      tpu.vector_store_idx %arg16[%add3A_450], %broadcast_in_dim3A_105 masked %lt3A_441 : memref<15744xf32, #tpu.memory_space<vmem>>[vector<16xi32>], vector<16xf32>, vector<16xi1>
      %add3A_451 = arith.constant 128 : i32
      %add3A_452 = vector.broadcast %add3A_451 : i32 to vector<16xi32>
      %add3A_453 = arith.addi %scan3A_290, %add3A_452 : vector<16xi32>
      scf.yield %add3A_453 : vector<16xi32>
    }
    %scan3A_277 = arith.constant 122 : i32
    %get3A_278 = arith.constant 31248 : index
    %get3A_279 = tpu.vector_load %arg12[%get3A_278] {strides = array<i32>} : memref<31264xi32, #tpu.memory_space<vmem>>, vector<16xi32>,
    %lt3A_280 = arith.constant 0 : i32
    %lt3A_281 = vector.broadcast %lt3A_280 : i32 to vector<16xi32>
    %lt3A_282 = arith.cmpi slt, %get3A_279, %lt3A_281 : vector<16xi32>
    tpu.vector_store_idx %arg14[%scan3A_276], %broadcast_in_dim3A_105 masked %lt3A_282 : memref<15744xf32, #tpu.memory_space<vmem>>[vector<16xi32>], vector<16xf32>, vector<16xi1>
    %add3A_283 = arith.constant 0 : i32
    %add3A_284 = arith.addi %add3A_283, %add3A_222 : i32
    "tpu.region"() ({
      %run_scoped3A = tpu.sem_alloc : memref<!tpu.dma_semaphore, #tpu.memory_space<semaphore_mem>>
      %dma_start3A_289 = arith.constant 0 : i32
      %dma_start3A_290 = tpu.memref_slice %arg14[%dma_start3A_289] : memref<15744xf32, #tpu.memory_space<vmem>> -> memref<15632xf32, #tpu.memory_space<vmem>>
      %dma_start3A_291 = tpu.memref_slice %arg7[%add3A_284] : memref<3001344xf32, #tpu.memory_space<hbm>> -> memref<15632xf32, #tpu.memory_space<hbm>>
      %dma_start3A_292 = tpu.memref_slice %arg7[%add3A_284] : memref<3001344xf32, #tpu.memory_space<hbm>> -> memref<15632xf32, #tpu.memory_space<hbm>>
      %dma_start3A_293 = arith.constant 0 : i32
      %dma_start3A_294 = tpu.memref_slice %arg14[%dma_start3A_293] : memref<15744xf32, #tpu.memory_space<vmem>> -> memref<15632xf32, #tpu.memory_space<vmem>>
      tpu.enqueue_dma source(%dma_start3A_294 : memref<15632xf32, #tpu.memory_space<vmem>>) target(%dma_start3A_292 : memref<15632xf32, #tpu.memory_space<hbm>>) target_semaphore(%run_scoped3A : memref<!tpu.dma_semaphore, #tpu.memory_space<semaphore_mem>>)
      %dma_wait3A_295 = arith.constant 0 : i32
      %dma_wait3A_296 = tpu.memref_slice %arg14[%dma_wait3A_295] : memref<15744xf32, #tpu.memory_space<vmem>> -> memref<15632xf32, #tpu.memory_space<vmem>>
      %dma_wait3A_297 = tpu.memref_slice %arg7[%add3A_284] : memref<3001344xf32, #tpu.memory_space<hbm>> -> memref<15632xf32, #tpu.memory_space<hbm>>
      %dma_wait3A_298 = tpu.memref_slice %arg7[%add3A_284] : memref<3001344xf32, #tpu.memory_space<hbm>> -> memref<15632xf32, #tpu.memory_space<hbm>>
      %dma_wait3A_299 = arith.constant 0 : i32
      %dma_wait3A_300 = tpu.memref_slice %arg14[%dma_wait3A_299] : memref<15744xf32, #tpu.memory_space<vmem>> -> memref<15632xf32, #tpu.memory_space<vmem>>
      tpu.wait_dma2 semaphore(%run_scoped3A : memref<!tpu.dma_semaphore, #tpu.memory_space<semaphore_mem>>) src(%dma_wait3A_300 : memref<15632xf32, #tpu.memory_space<vmem>>) dst(%dma_wait3A_298 : memref<15632xf32, #tpu.memory_space<hbm>>)
      tpu.yield
    }) : () -> ()
    tpu.vector_store_idx %arg15[%scan3A_276], %broadcast_in_dim3A_105 masked %lt3A_282 : memref<15744xf32, #tpu.memory_space<vmem>>[vector<16xi32>], vector<16xf32>, vector<16xi1>
    %add3A_285 = arith.constant 1000448 : i32
    %add3A_286 = arith.addi %add3A_285, %add3A_222 : i32
    "tpu.region"() ({
      %run_scoped3A = tpu.sem_alloc : memref<!tpu.dma_semaphore, #tpu.memory_space<semaphore_mem>>
      %dma_start3A_289 = arith.constant 0 : i32
      %dma_start3A_290 = tpu.memref_slice %arg15[%dma_start3A_289] : memref<15744xf32, #tpu.memory_space<vmem>> -> memref<15632xf32, #tpu.memory_space<vmem>>
      %dma_start3A_291 = tpu.memref_slice %arg7[%add3A_286] : memref<3001344xf32, #tpu.memory_space<hbm>> -> memref<15632xf32, #tpu.memory_space<hbm>>
      %dma_start3A_292 = tpu.memref_slice %arg7[%add3A_286] : memref<3001344xf32, #tpu.memory_space<hbm>> -> memref<15632xf32, #tpu.memory_space<hbm>>
      %dma_start3A_293 = arith.constant 0 : i32
      %dma_start3A_294 = tpu.memref_slice %arg15[%dma_start3A_293] : memref<15744xf32, #tpu.memory_space<vmem>> -> memref<15632xf32, #tpu.memory_space<vmem>>
      tpu.enqueue_dma source(%dma_start3A_294 : memref<15632xf32, #tpu.memory_space<vmem>>) target(%dma_start3A_292 : memref<15632xf32, #tpu.memory_space<hbm>>) target_semaphore(%run_scoped3A : memref<!tpu.dma_semaphore, #tpu.memory_space<semaphore_mem>>)
      %dma_wait3A_295 = arith.constant 0 : i32
      %dma_wait3A_296 = tpu.memref_slice %arg15[%dma_wait3A_295] : memref<15744xf32, #tpu.memory_space<vmem>> -> memref<15632xf32, #tpu.memory_space<vmem>>
      %dma_wait3A_297 = tpu.memref_slice %arg7[%add3A_286] : memref<3001344xf32, #tpu.memory_space<hbm>> -> memref<15632xf32, #tpu.memory_space<hbm>>
      %dma_wait3A_298 = tpu.memref_slice %arg7[%add3A_286] : memref<3001344xf32, #tpu.memory_space<hbm>> -> memref<15632xf32, #tpu.memory_space<hbm>>
      %dma_wait3A_299 = arith.constant 0 : i32
      %dma_wait3A_300 = tpu.memref_slice %arg15[%dma_wait3A_299] : memref<15744xf32, #tpu.memory_space<vmem>> -> memref<15632xf32, #tpu.memory_space<vmem>>
      tpu.wait_dma2 semaphore(%run_scoped3A : memref<!tpu.dma_semaphore, #tpu.memory_space<semaphore_mem>>) src(%dma_wait3A_300 : memref<15632xf32, #tpu.memory_space<vmem>>) dst(%dma_wait3A_298 : memref<15632xf32, #tpu.memory_space<hbm>>)
      tpu.yield
    }) : () -> ()
    tpu.vector_store_idx %arg16[%scan3A_276], %broadcast_in_dim3A_105 masked %lt3A_282 : memref<15744xf32, #tpu.memory_space<vmem>>[vector<16xi32>], vector<16xf32>, vector<16xi1>
    %add3A_287 = arith.constant 2000896 : i32
    %add3A_288 = arith.addi %add3A_287, %add3A_222 : i32
    "tpu.region"() ({
      %run_scoped3A = tpu.sem_alloc : memref<!tpu.dma_semaphore, #tpu.memory_space<semaphore_mem>>
      %dma_start3A_289 = arith.constant 0 : i32
      %dma_start3A_290 = tpu.memref_slice %arg16[%dma_start3A_289] : memref<15744xf32, #tpu.memory_space<vmem>> -> memref<15632xf32, #tpu.memory_space<vmem>>
      %dma_start3A_291 = tpu.memref_slice %arg7[%add3A_288] : memref<3001344xf32, #tpu.memory_space<hbm>> -> memref<15632xf32, #tpu.memory_space<hbm>>
      %dma_start3A_292 = tpu.memref_slice %arg7[%add3A_288] : memref<3001344xf32, #tpu.memory_space<hbm>> -> memref<15632xf32, #tpu.memory_space<hbm>>
      %dma_start3A_293 = arith.constant 0 : i32
      %dma_start3A_294 = tpu.memref_slice %arg16[%dma_start3A_293] : memref<15744xf32, #tpu.memory_space<vmem>> -> memref<15632xf32, #tpu.memory_space<vmem>>
      tpu.enqueue_dma source(%dma_start3A_294 : memref<15632xf32, #tpu.memory_space<vmem>>) target(%dma_start3A_292 : memref<15632xf32, #tpu.memory_space<hbm>>) target_semaphore(%run_scoped3A : memref<!tpu.dma_semaphore, #tpu.memory_space<semaphore_mem>>)
      %dma_wait3A_295 = arith.constant 0 : i32
      %dma_wait3A_296 = tpu.memref_slice %arg16[%dma_wait3A_295] : memref<15744xf32, #tpu.memory_space<vmem>> -> memref<15632xf32, #tpu.memory_space<vmem>>
      %dma_wait3A_297 = tpu.memref_slice %arg7[%add3A_288] : memref<3001344xf32, #tpu.memory_space<hbm>> -> memref<15632xf32, #tpu.memory_space<hbm>>
      %dma_wait3A_298 = tpu.memref_slice %arg7[%add3A_288] : memref<3001344xf32, #tpu.memory_space<hbm>> -> memref<15632xf32, #tpu.memory_space<hbm>>
      %dma_wait3A_299 = arith.constant 0 : i32
      %dma_wait3A_300 = tpu.memref_slice %arg16[%dma_wait3A_299] : memref<15744xf32, #tpu.memory_space<vmem>> -> memref<15632xf32, #tpu.memory_space<vmem>>
      tpu.wait_dma2 semaphore(%run_scoped3A : memref<!tpu.dma_semaphore, #tpu.memory_space<semaphore_mem>>) src(%dma_wait3A_300 : memref<15632xf32, #tpu.memory_space<vmem>>) dst(%dma_wait3A_298 : memref<15632xf32, #tpu.memory_space<hbm>>)
      tpu.yield
    }) : () -> ()
    return
  }
}

module attributes {stable_mosaic.version = 14 : i64} {
  func.func @_tc_body(%arg0: i32, %arg1: memref<3x32768xf32, #tpu.memory_space<vmem>>, %arg2: memref<3x64xbf16, #tpu.memory_space<vmem>>, %arg3: memref<1x64xbf16, #tpu.memory_space<vmem>>, %arg4: memref<32768x64xbf16, #tpu.memory_space<vmem>>) attributes {dimension_semantics = [#tpu.dimension_semantics<arbitrary>], iteration_bounds = array<i64: 31>, scalar_prefetch = 0 : i64, scratch_operands = 0 : i64, tpu.core_type = #tpu.core_type<tc>, window_params = [{transform_indices = @transform_0, window_bounds = array<i64: 3, 32768>}, {pipeline_mode = #tpu.pipeline_mode<synchronous>, transform_indices = @transform_1, window_bounds = array<i64: 3, 64>}, {pipeline_mode = #tpu.pipeline_mode<synchronous>, transform_indices = @transform_2, window_bounds = array<i64: 1, 64>}, {transform_indices = @transform_3, window_bounds = array<i64: 32768, 64>}]} {
    %get3A = arith.constant 0 : index
    %get3A_0 = arith.constant 0 : index
    %get3A_1 = vector.load %arg1[%get3A, %get3A_0] : memref<3x32768xf32, #tpu.memory_space<vmem>>, vector<3x32768xf32>
    %convert_element_type3A = arith.truncf %get3A_1 : vector<3x32768xf32> to vector<3x32768xbf16>
    %get3A_2 = arith.constant 0 : index
    %get3A_3 = arith.constant 0 : index
    %get3A_4 = vector.load %arg2[%get3A_2, %get3A_3] : memref<3x64xbf16, #tpu.memory_space<vmem>>, vector<3x64xbf16>
    %dot_general3A = arith.constant dense<0.000000e+00> : vector<32768x64xf32>
    %dot_general3A_5 = tpu.matmul %convert_element_type3A, %get3A_4, %dot_general3A {dimension_numbers = #tpu.dot_dimension_numbers<[0], [0], [1], [1], [0, 1, 1, 1], [], []>, transpose_lhs_hint = false} : vector<3x32768xbf16>, vector<3x64xbf16>, vector<32768x64xf32> -> vector<32768x64xf32>
    %convert_element_type3A_6 = arith.truncf %dot_general3A_5 : vector<32768x64xf32> to vector<32768x64xbf16>
    %get3A_7 = arith.constant 0 : index
    %get3A_8 = arith.constant 0 : index
    %get3A_9 = vector.load %arg3[%get3A_7, %get3A_8] : memref<1x64xbf16, #tpu.memory_space<vmem>>, vector<1x64xbf16>
    %add3A = vector.broadcast %get3A_9 : vector<1x64xbf16> to vector<32768x64xbf16>
    %add3A_10 = arith.addf %convert_element_type3A_6, %add3A : vector<32768x64xbf16>
    %swap3A = arith.constant 0 : index
    %swap3A_11 = arith.constant 0 : index
    %swap3A_12 = vector.load %arg4[%swap3A, %swap3A_11] : memref<32768x64xbf16, #tpu.memory_space<vmem>>, vector<32768x64xbf16>
    tpu.vector_store %arg4[%swap3A, %swap3A_11], %add3A_10 {strides = array<i32>} : memref<32768x64xbf16, #tpu.memory_space<vmem>>, vector<32768x64xbf16>,
    return
  }
  func.func @transform_0(%arg0: i32) -> (i32, i32) {
    %c0_i32 = arith.constant 0 : i32
    %c0_i32_0 = arith.constant 0 : i32
    return %c0_i32, %arg0 : i32, i32
  }
  func.func @transform_1(%arg0: i32) -> (i32, i32) {
    %c0_i32 = arith.constant 0 : i32
    %c0_i32_0 = arith.constant 0 : i32
    %c0_i32_1 = arith.constant 0 : i32
    return %c0_i32, %c0_i32_0 : i32, i32
  }
  func.func @transform_2(%arg0: i32) -> (i32, i32) {
    %c0_i32 = arith.constant 0 : i32
    %c0_i32_0 = arith.constant 0 : i32
    %c0_i32_1 = arith.constant 0 : i32
    return %c0_i32, %c0_i32_0 : i32, i32
  }
  func.func @transform_3(%arg0: i32) -> (i32, i32) {
    %c0_i32 = arith.constant 0 : i32
    %c0_i32_0 = arith.constant 0 : i32
    return %arg0, %c0_i32 : i32, i32
  }
}

</mosaic_0001>

<sc_bundles>
// kernel: kernel.4.cloned.1.call-start
scs
__scs_entry_jumppad:
0x0: {  	(pc) =	sbr.rel $0x88, $3  }
0x1: {  	(tag) =	ssettag $0x0;
	lr =	simm.s32 $0x1  }
0x2: {  	[smem:$0x3F9C] =	sst lr;
	_ =	strace $0xD0000000  }
0x3: {  	_ = 	snop  }
0x4: {  	_ = 	snop  }
0x5: {  	_ = 	snop  }
0x6: {  	_ = 	snop  }
0x7: {  	_ = 	snop  }
__scs_overlays_trampoline_lowered:
0x8: {  	[smem:$0x3FAB] =	sst s0  }
0x9: {  	[smem:$0x3FAC] =	sst s1  }
0xa: {  	[smem:$0x3FAD] =	sst s2  }
0xb: {  	[smem:$0x3FAE] =	sst s3  }
0xc: {  	[smem:$0x3FAF] =	sst s4  }
0xd: {  	[smem:$0x3FB0] =	sst s5  }
0xe: {  	[smem:$0x3FB1] =	sst s6  }
0xf: {  	[smem:$0x3FB2] =	sst s7  }
0x10: {  	[smem:$0x3FB3] =	sst s8  }
0x11: {  	[smem:$0x3FB4] =	sst s9;
	s0 =	simm.s32 @!p0 $0x0  }
0x12: {  	s1 =	sld [smem:$0x3F9A];
	s0 =	simm.s32 @p0 $0x1  }
0x13: {  	[smem:$0x3FB5] =	sst s0;
	s0 =	simm.s32 @!p1 $0x0  }
0x14: {  	s2 =	sld [smem:$0x3F99];
	s0 =	simm.s32 @p1 $0x1  }
0x15: {  	[smem:$0x3FB6] =	sst s0;
	s0 =	simm.s32 @!p2 $0x0  }
0x16: {  	s3 =	sld [smem:$0x3FDB];
	s0 =	simm.s32 @p2 $0x1  }
0x17: {  	s4 =	simm.s32 $0x1BF5;
	[smem:$0x3FB8] =	sst s0  }
0x18: {  	s0 =	sld [smem:$0x3F9B];
	_ =	swait.ge [sflag:s4], $0x0  }
0x19: {  	s7 =	sld [smem:$0x3F9C]  }
0x1a: {  	s8 =	sadd.s32 $0xFFFFE003, lr  }
0x1b: {  	s9 =	sadd.s32 $0xFFFFFEF7, lr;
	s5 =	simm.s32 $0xFFFFFFFF;
	p2 =	slt.u32 s8, $0xFFFFF086  }
0x1c: {  	p1 =	slt.u32 s9, $0xF7A;
	s5 =	simm.s32 @!p2 $0x0  }
0x1d: {  	s5 =	simm.s32 @p1 $0x1;
	p0 =	seq.s32 s7, s2  }
0x1e: {  	s7 =	smul.u32 @!p0 $0xF7A, s2;
	p2 =	seq.s32 @!p0 s5, $0x0  }
0x1f: {  	s9 =	smul.u32 $0xF7A, s1;
	s8 =	simm.s32 @!p0 $0x1BF5;
	p2 =	por !p2, p0  }
0x20: {  	[sflag:s8] =	ssyncset.s32 @!p0 $0xFFFFF086;
	s6 =	sadd.s32 @!p0 s3, s7;
	s7 =	simm.s32 @!p0 $0x108  }
0x21: {  	s3 =	sadd.s32 s3, s9;
	s6 =	sadd.s32 @!p0 $0x88, s6;
	s7 =	simm.s32 @p2 $0x1082  }
0x22: {  	[simem:s7], [sflag:s8] =	dma.local @!p0 [hbm:s6], $0xF7A  }
0x23: {  	s9 =	sor.u32 $0xD0000000, s2;
	s6 =	simm.s32 $0x108;
	_ =	swait.ge @!p0 [sflag:s8], $0x0  }
0x24: {  	s3 =	sadd.s32 $0x88, s3;
	s6 =	simm.s32 @!p1 $0x1082;
	[sflag:s4] =	ssyncset.s32 $0xFFFFF086  }
0x25: {  	[simem:s6], [sflag:s4] =	dma.local [hbm:s3], $0xF7A  }
0x26: {  	[smem:$0x3F9C] =	sst s1;
	(tag) =	ssettag s2;
	_ =	strace s9  }
0x27: {  	s1 =	sld [smem:$0x3FAC]  }
0x28: {  	s2 =	sld [smem:$0x3FAD]  }
0x29: {  	s4 =	sld [smem:$0x3FAF]  }
0x2a: {  	p0 =	seq.s32 s5, $0x0;
	s5 =	sld [smem:$0x3FB0]  }
0x2b: {  	s6 =	sld [smem:$0x3FB1]  }
0x2c: {  	s7 =	sld [smem:$0x3FB2]  }
0x2d: {  	s3 =	simm.s32 $0x108;
	s8 =	sld [smem:$0x3FB3]  }
0x2e: {  	s3 =	simm.s32 @!p0 $0x1082;
	s9 =	sld [smem:$0x3FB4]  }
0x2f: {  	lr =	sadd.s32 s0, s3;
	s0 =	sld [smem:$0x3FAB]  }
0x30: {  	s3 =	sld [smem:$0x3FAE]  }
0x31: {  	[smem:$0x3FB7] =	sst s10  }
0x32: {  	s10 =	sld [smem:$0x3FB5];
	_ =	sdelay $0x3  }
0x33: {  	p0 =	seq.s32 s10, $0x1;
	s10 =	sld [smem:$0x3FB7];
	_ =	sdelay $0x3  }
0x34: {  	[smem:$0x3FB7] =	sst s10  }
0x35: {  	s10 =	sld [smem:$0x3FB6];
	_ =	sdelay $0x3  }
0x36: {  	p1 =	seq.s32 s10, $0x1;
	s10 =	sld [smem:$0x3FB7];
	_ =	sdelay $0x3  }
0x37: {  	[smem:$0x3FB7] =	sst s10  }
0x38: {  	s10 =	sld [smem:$0x3FB8]  }
0x39: {  	_ = 	snop;
	(pc) =	sbr.ind lr, $3  }
0x3a: {  	_ = 	snop  }
0x3b: {  	_ = 	snop  }
0x3c: {  	p2 =	seq.s32 s10, $0x1;
	s10 =	sld [smem:$0x3FB7]  }
0x3d: {  	_ =	shalt  }
0x3e: {  	_ =	shalt  }
0x3f: {  	_ =	shalt  }
0x40: {  	_ =	shalt  }
0x41: {  	_ =	shalt  }
0x42: {  	_ =	shalt  }
0x43: {  	_ =	shalt  }
0x44: {  	_ =	shalt  }
0x45: {  	_ =	shalt  }
0x46: {  	_ =	shalt  }
0x47: {  	_ =	shalt  }
0x48: {  	_ =	shalt  }
0x49: {  	_ =	shalt  }
0x4a: {  	_ =	shalt  }
0x4b: {  	_ =	shalt  }
0x4c: {  	_ =	shalt  }
0x4d: {  	_ =	shalt  }
0x4e: {  	_ =	shalt  }
0x4f: {  	_ =	shalt  }
0x50: {  	_ =	shalt  }
0x51: {  	_ =	shalt  }
0x52: {  	_ =	shalt  }
0x53: {  	_ =	shalt  }
0x54: {  	_ =	shalt  }
0x55: {  	_ =	shalt  }
0x56: {  	_ =	shalt  }
0x57: {  	_ =	shalt  }
0x58: {  	_ =	shalt  }
0x59: {  	_ =	shalt  }
0x5a: {  	_ =	shalt  }
0x5b: {  	_ =	shalt  }
0x5c: {  	_ =	shalt  }
0x5d: {  	_ =	shalt  }
0x5e: {  	_ =	shalt  }
0x5f: {  	_ =	shalt  }
0x60: {  	_ =	shalt  }
0x61: {  	_ =	shalt  }
0x62: {  	_ =	shalt  }
0x63: {  	_ =	shalt  }
0x64: {  	_ =	shalt  }
0x65: {  	_ =	shalt  }
0x66: {  	_ =	shalt  }
0x67: {  	_ =	shalt  }
0x68: {  	_ =	shalt  }
0x69: {  	_ =	shalt  }
0x6a: {  	_ =	shalt  }
0x6b: {  	_ =	shalt  }
0x6c: {  	_ =	shalt  }
0x6d: {  	_ =	shalt  }
0x6e: {  	_ =	shalt  }
0x6f: {  	_ =	shalt  }
0x70: {  	_ =	shalt  }
0x71: {  	_ =	shalt  }
0x72: {  	_ =	shalt  }
0x73: {  	_ =	shalt  }
0x74: {  	_ =	shalt  }
0x75: {  	_ =	shalt  }
0x76: {  	_ =	shalt  }
0x77: {  	_ =	shalt  }
0x78: {  	_ =	shalt  }
0x79: {  	_ =	shalt  }
0x7a: {  	_ =	shalt  }
0x7b: {  	_ =	shalt  }
0x7c: {  	_ =	shalt  }
0x7d: {  	_ =	shalt  }
0x7e: {  	_ =	shalt  }
0x7f: {  	_ =	shalt  }
0x80: {  	_ =	shalt  }
0x81: {  	_ =	shalt  }
0x82: {  	_ =	shalt  }
0x83: {  	_ =	shalt  }
0x84: {  	_ =	shalt  }
0x85: {  	_ =	shalt  }
0x86: {  	_ =	shalt  }
0x87: {  	_ =	shalt  }
.Lfunc_end0:
.L_simem_size_0:
called_computation_lowered:
.L_overlay_start_0:
0x88: {  	s2 =	sld [smem:$0x3FD9]  }
0x89: {  	s3 =	sld [smem:$0x3FFE];
	_ =	sdelay $0x1  }
0x8a: {  	s1 =	srdreg.scid  }
0x8b: {  	s0 =	sand.u32 $0x1, s1  }
0x8c: {  	s17 =	sshll.u32 s0, $0xA;
	s2 =	sadd.s32 s3, s2  }
0x8d: {  	s2 =	sadd.s32 s2, s17  }
0x8e: {  	[smem:$0x3FC3] =	sst s2  }
0x8f: {  	_ = 	snop  }
0x90: {  	s2 =	sld [smem:$0x3FC7]  }
0x91: {  	s18 =	sld [smem:$0x3FD0];
	(tm) =	ssettm $0x1  }
0x92: {  	s4 =	sld [smem:$0x3FFB];
	_ =	sdelay $0x3  }
0x93: {  	_ =	strace s4  }
0x94: {  	s4 =	sld [smem:$0x3FFC];
	_ =	sdelay $0x3  }
0x95: {  	_ =	strace s4  }
0x96: {  	s4 =	sld [smem:$0x3FFD];
	_ =	sdelay $0x3  }
0x97: {  	_ =	strace s4  }
0x98: {  	_ =	strace $0x8FFFFFFF  }
0x99: {  	s19 =	sld [smem:$0x3FDB];
	_ =	sdelay $0x1  }
0x9a: {  	s5 =	simm.s32 $_scs_section_size  }
0x9b: {  	s6 =	simm.s32 $_size__tile_overlayer_lowered;
	s7 =	simm.s32 $_tile_overlayer_lowered  }
0x9c: {  	s22 =	simm.s32 $0x1BFF;
	s21 =	sshll.u32 s7, $0x1;
	s4 =	sadd.s32 s5, s19  }
0x9d: {  	s8 =	simm.s32 $0x0;
	s20 =	sshll.u32 s6, $0x1;
	s6 =	sadd.s32 s21, s4  }
0x9e: {  	[timem:s8], [sflag:s22] =	dma.local [hbm:s6], s20  }
0x9f: {  	_ =	swait.ge [sflag:s22], s20  }
0xa0: {  	s5 =	ssub.s32 $0x0, s20;
	[sflag:s22] =	ssyncset.done $0x0  }
0xa1: {  	[sflag:s22] =	ssyncadd.s32 s5;
	_ =	sdelay $0x1  }
0xa2: {  	s23 =	simm.s32 $0x1B8B  }
0xa3: {  	_ =	swait.ge [sflag:s23], $0x1  }
0xa4: {  	[sflag:s23] =	ssyncset.done $0x0  }
0xa5: {  	s25 =	simm.s32 $0x1B8E;
	s24 =	sld [smem:$0x3FFE];
	[sflag:s23] =	ssyncadd.s32 $0xFFFFFFFF  }
0xa6: {  	s26 =	simm.s32 $execute0_lowered;
	[smem:$0x3FD2] =	sst s25  }
0xa7: {  	s6 =	sshll.u32 s26, $0x1;
	_ =	strace $0x80000046;
	[dreg:$0x1] =	wrdreg $0xFFFFFFFF  }
0xa8: {  	s28 =	simm.s32 $_size_execute0_lowered;
	s4 =	sadd.s32 s4, s6;
	[dreg:$0x0] =	wrdreg $0x0  }
0xa9: {  	s6 =	sshll.u32 s28, $0x1;
	[dreg:$0x2] =	wrdreg s4  }
0xaa: {  	[dreg:$0x3] =	wrdreg s6  }
0xab: {  	[dreg:$0x4] =	wrdreg $0xC0  }
0xac: {  	_ =	task [dreg:s8], $0x5FFFF  }
0xad: {  	[dreg:$0x1] =	wrdreg $0xFFFFFFFF  }
0xae: {  	[dreg:$0x0] =	wrdreg $0x60  }
0xaf: {  	[dreg:$0x2] =	wrdreg s2  }
0xb0: {  	[dreg:$0x3] =	wrdreg s24  }
0xb1: {  	[dreg:$0x4] =	wrdreg s18  }
0xb2: {  	[dreg:$0x5] =	wrdreg $0x9  }
0xb3: {  	_ =	task.clear_ibuf [dreg:s8], $0x6FFFF;
	_ =	strace $0x90000046  }
0xb4: {  	s29 =	simm.s32 $0x9;
	_ =	strace $0x80000048  }
0xb5: {  	_ =	swait.ge [sflag:s29], $0x1  }
0xb6: {  	[sflag:s29] =	ssyncadd.s32 $0xFFFFFFFF  }
0xb7: {  	_ =	strace $0x90000048  }
0xb8: {  	_ =	sfence  }
0xb9: {  	s30 =	sld [smem:$0x0];
	_ =	sdelay $0x2  }
0xba: {  	s31 =	sshll.u32 s1, $0xD;
	s1 =	sshrl.u32 s1, $0x2  }
0xbb: {  	s3 =	sand.u32 $0x4000, s31;
	s1 =	sadd.s32 s1, s30  }
0xbc: {  	s0 =	sor.u32 s3, s0;
	s1 =	sshll.u32 s1, $0x11  }
0xbd: {  	s0 =	sor.u32 s1, s0  }
0xbe: {  	s0 =	sadd.s32 $0x8F2B, s0  }
0xbf: {  	[sflag:s0] =	ssyncadd.remote.s32 $0x1  }
0xc0: {  	_ =	sfence.sel $0xFFFF  }
0xc1: {  	[dreg:$0x0] =	wrdreg $0xFFFFFFFF;
	(pc) =	sbr.abs _section_cstart, $3  }
0xc2: {  	[dreg:$0x1] =	wrdreg $0xFFFFFFFF  }
0xc3: {  	_ =	task.clear_ibuf [dreg:s8], $0x2FFFF;
	_ =	strace $0x9FFFFFFF  }
0xc4: {  	(tm) =	ssettm $0x7FFFFFFF  }
0xc5: {  	_ =	shalt  }
tec
execute0_lowered:
.L_overlay_start_1:
0x0: {  	(tag) =	ssettag $0x1  }
0x1: {  	s1 =	rddreg [dreg:$0x0]  }
0x2: {  	s2 =	rddreg [dreg:$0x1]  }
0x3: {  	s0 =	rddreg [dreg:$0x2];
	s3 =	srdreg.scid  }
0x4: {  	s4 =	simm.s32 $0x0;
	s9 =	simm.s32 $0x7;
	s17 =	simm.s32 $0x4  }
0x5: {  	s18 =	simm.s32 $0xC00;
	s19 =	simm.s32 $0x3380;
	s20 =	simm.s32 $0x1  }
0x6: {  	s21 =	simm.s32 $0x5B00;
	s22 =	simm.s32 $0x2;
	s23 =	simm.s32 $0x80  }
0x7: {  	s24 =	simm.s32 $0x3;
	s25 =	simm.s32 $0x11580;
	s5 =	sand.u32 $0x1, s3  }
0x8: {  	s28 =	simm.s32 $0x19080;
	s3 =	stileid.u32;
	s6 =	sshll.u32 s5, $0x4  }
0x9: {  	s29 =	simm.s32 $0x0;
	[smem:$0x7FF] =	sst s4;
	s26 =	sor.u32 s3, s6  }
0xa: {  	s7 =	sadd.s32 $0x5BE00, s2;
	s8 =	sadd.s32 $0x5C000, s2;
	s11 =	smul.u32 $0x7A20, s26  }
0xb: {  	_ =	strace $0x80000047;
	[dreg:$0x4] =	wrdreg s7;
	s5 =	ssub.s32 $0x2, s5  }
0xc: {  	s7 =	sadd.s32 $0x1EA00, s2;
	s10 =	sshrl.u32 s5, $0x1;
	s12 =	sshrl.u32 s11, $0x3  }
0xd: {  	p0 =	slt.u32 s3, $0x4;
	s5 =	ssub.s32 s5, s10;
	s10 =	sadd.s32 s0, s12  }
0xe: {  	s6 =	sadd.s32 $0x3D400, s2;
	s9 =	simm.s32 @!p0 $0x6;
	s0 =	sadd.s32 $0x1E880, s10  }
0xf: {  	s26 =	simm.s32 $0x15300;
	s30 =	sadd.s32 $0x3D100, s10;
	[dreg:$0x5] =	wrdreg s0  }
0x10: {  	v1 =	vlaneseq.u32;
	v2 =	vimm.s32 $0x0;
	v3 =	vimm.s32 $0xFFF0BC00;
	s16 =	smax.u32 s5, $0x1;
	s31 =	sadd.s32 $0x7A2, s10;
	[dreg:$0x6] =	wrdreg s30  }
0x11: {  	v4 =	vimm.s32 $0xFFFFFFFF;
	v5 =	vimm.f32 $0.0e+00;
	v0 =	vmov s11;
	s14 =	sadd.s32 $0x1F022, s10;
	s15 =	sadd.s32 $0x3D8A2, s10;
	[dreg:$0x7] =	wrdreg s31  }
.LBB2_1:
0x12: {  	s0 =	rddreg [dreg:$0x4]  }
0x13: {  	[tilespmem:s4], [sflag:$0x4] =	stream.linear.gather [hbm4b:s0+s4], $0x880, $0x38;
	[tilespmem:$0x1CE00] =	vst v63  }
0x14: {  	_ =	swait.ge [sflag:s17], $0x880  }
0x15: {  	[sflag:s17] =	ssyncset.done $0x0  }
0x16: {  	[sflag:s17] =	ssyncadd.s32 $0xFFFFF780  }
0x17: {  	v6 =	vld [tilespmem:$0x0]  }
0x18: {  	v7 =	vld [tilespmem:$0x80]  }
0x19: {  	v8 =	vld [tilespmem:$0x100]  }
0x1a: {  	v9 =	vld [tilespmem:$0x180]  }
0x1b: {  	v10 =	vld [tilespmem:$0x200]  }
0x1c: {  	v11 =	vld [tilespmem:$0x280]  }
0x1d: {  	v12 =	vld [tilespmem:$0x300]  }
0x1e: {  	v13 =	vld [tilespmem:$0x380]  }
0x1f: {  	v14 =	vld [tilespmem:$0x400]  }
0x20: {  	v15 =	vld [tilespmem:$0x480]  }
0x21: {  	v16 =	vld [tilespmem:$0x500]  }
0x22: {  	v17 =	vld [tilespmem:$0x580]  }
0x23: {  	v18 =	vld [tilespmem:$0x600]  }
0x24: {  	v19 =	vld [tilespmem:$0x680]  }
0x25: {  	v20 =	vld [tilespmem:$0x700]  }
0x26: {  	v21 =	vld [tilespmem:$0x780]  }
0x27: {  	s30 =	simm.s32 $0x0;
	v22 =	vld [tilespmem:$0x800]  }
.LBB2_2:
0x28: {  	s0 =	sshll.u32 s30, $0x4  }
0x29: {  	s0 =	sor.u32 s3, s0  }
0x2a: {  	s0 =	smul.u32 $0x2710, s0;
	_ =	sdelay $0x1  }
0x2b: {  	v23 =	vor.u32 s0, v1  }
0x2c: {  	v26 =	vadd.s32 $0x40, v23  }
0x2d: {  	v24 =	vadd.s32 $0x10, v23;
	vm0 =	vle.s32 v6, v26;
	vm1 =	vle.s32 v7, v26  }
0x2e: {  	vm6 =	vle.s32 v8, v26;
	vm7 =	vle.s32 v9, v26;
	vm8 =	vle.s32 v10, v26  }
0x2f: {  	vm9 =	vle.s32 v11, v26;
	vm10 =	vle.s32 v12, v26;
	vm11 =	vle.s32 v13, v26  }
0x30: {  	vm12 =	vle.s32 v14, v26;
	vm13 =	vle.s32 v15, v26;
	vm14 =	vle.s32 v16, v26  }
0x31: {  	vm15 =	vle.s32 v17, v26;
	v25 =	vsel vm0, $0x1, v2;
	v27 =	vsel vm1, $0x1, v2  }
0x32: {  	vm4 =	vle.s32 v18, v26;
	v25 =	vadd.s32 v27, v25;
	v27 =	vsel vm6, $0x1, v2  }
0x33: {  	vm5 =	vle.s32 v19, v26;
	v25 =	vadd.s32 v27, v25;
	v27 =	vsel vm7, $0x1, v2  }
0x34: {  	v28 =	vsel vm5, $0x1, v2;
	v25 =	vadd.s32 v27, v25;
	v27 =	vsel vm8, $0x1, v2  }
0x35: {  	vm5 =	vle.s32 v6, v23;
	v25 =	vadd.s32 v27, v25;
	v27 =	vsel vm9, $0x1, v2  }
0x36: {  	vm6 =	vle.s32 v20, v26;
	v25 =	vadd.s32 v27, v25;
	v27 =	vsel vm10, $0x1, v2  }
0x37: {  	v29 =	vsel vm6, $0x1, v2;
	v25 =	vadd.s32 v27, v25;
	v27 =	vsel vm11, $0x1, v2  }
0x38: {  	vm7 =	vle.s32 v21, v26;
	v25 =	vadd.s32 v27, v25;
	v27 =	vsel vm12, $0x1, v2  }
0x39: {  	vm8 =	vle.s32 v22, v26;
	v25 =	vadd.s32 v27, v25;
	v27 =	vsel vm13, $0x1, v2  }
0x3a: {  	vm9 =	vle.s32 v6, v24;
	v25 =	vadd.s32 v27, v25;
	v27 =	vsel vm14, $0x1, v2  }
0x3b: {  	vm10 =	vle.s32 v7, v24;
	v25 =	vadd.s32 v27, v25;
	v27 =	vsel vm15, $0x1, v2  }
0x3c: {  	vm15 =	vle.s32 v8, v23;
	v25 =	vadd.s32 v27, v25;
	v27 =	vsel vm4, $0x1, v2  }
0x3d: {  	vm12 =	vle.s32 v8, v24;
	v47 =	vsel vm15, $0x1, v2;
	v27 =	vadd.s32 v27, v25  }
0x3e: {  	v25 =	vadd.s32 $0x20, v23;
	v28 =	vadd.s32 v28, v27;
	v27 =	vadd.s32 $0x30, v23  }
0x3f: {  	vm2 =	vle.s32 v6, v25;
	vm3 =	vle.s32 v7, v25;
	vm13 =	vle.s32 v8, v25  }
0x40: {  	vm15 =	vle.s32 v11, v25;
	v28 =	vadd.s32 v29, v28;
	v29 =	vsel vm7, $0x1, v2  }
0x41: {  	vm4 =	vle.s32 v6, v27;
	vm6 =	vle.s32 v7, v27;
	vm7 =	vle.s32 v7, v23  }
0x42: {  	v32 =	vsel vm3, $0x1, v2;
	vm14 =	vle.s32 v8, v27;
	v48 =	vsel vm13, $0x1, v2  }
0x43: {  	vm13 =	vle.s32 v10, v23;
	v57 =	vsel vm15, $0x1, v2;
	vm15 =	vle.s32 v13, v23  }
0x44: {  	v26 =	vadd.s32 v29, v28;
	v28 =	vsel vm8, $0x1, v2;
	v29 =	vsel vm10, $0x1, v2  }
0x45: {  	s31 =	sshrl.u32 s0, $0x3;
	v33 =	vsel vm4, $0x1, v2;
	v34 =	vsel vm7, $0x1, v2;
	v35 =	vsel vm6, $0x1, v2  }
0x46: {  	s5 =	simm.s32 $0x0;
	s0 =	sadd.s32 s1, s31;
	v49 =	vsel vm14, $0x1, v2;
	vm6 =	vle.s32 v9, v24;
	vm7 =	vle.s32 v9, v25  }
0x47: {  	[tilespmem:s18], [sflag:$0x4] =	stream.linear.gather [hbm4b:s0+s5], $0x2710, $0x38;
	vm8 =	vle.s32 v9, v27;
	vm10 =	vle.s32 v10, v24;
	v53 =	vsel vm13, $0x1, v2;
	[tilespmem:$0x1CE00] =	vst v63  }
0x48: {  	_ =	swait.ge [sflag:s17], $0x2710;
	vm14 =	vle.s32 v11, v24;
	vm13 =	vle.s32 v13, v25;
	v62 =	vsel vm15, $0x1, v2  }
0x49: {  	[sflag:s17] =	ssyncset.done $0x0;
	vm15 =	vle.s32 v16, v25;
	v26 =	vadd.s32 v28, v26;
	v28 =	vsel vm9, $0x1, v2  }
0x4a: {  	s0 =	simm.s32 $0x0;
	[sflag:s17] =	ssyncadd.s32 $0xFFFFD8F0;
	v46 =	vadd.s32 v35, v33;
	vm9 =	vle.s32 v9, v23;
	v51 =	vsel vm7, $0x1, v2  }
0x4b: {  	v30 =	vld [tilespmem:s0+$0xC40];
	v52 =	vsel vm8, $0x1, v2;
	vm7 =	vle.s32 v11, v23;
	vm8 =	vle.s32 v12, v24  }
0x4c: {  	v63 =	vsel vm13, $0x1, v2;
	vm13 =	vle.s32 v15, v23;
	v44 =	vsel vm15, $0x1, v2  }
0x4d: {  	vm15 =	vle.s32 v18, v23;
	v26 =	vshll.u32 v26, $0xA;
	v28 =	vadd.s32 v29, v28  }
0x4e: {  	v50 =	vsel vm9, $0x1, v2;
	v56 =	vsel vm7, $0x1, v2;
	vm9 =	vle.s32 v12, v25  }
0x4f: {  	vm7 =	vle.s32 v14, v25;
	v40 =	vsel vm13, $0x1, v2;
	vm13 =	vle.s32 v18, v25  }
0x50: {  	v26 =	vadd.s32 v26, v30;
	v30 =	vsel vm2, $0x1, v2;
	v60 =	vsel vm9, $0x1, v2  }
0x51: {  	vm9 =	vle.s32 v14, v23;
	v38 =	vsel vm7, $0x1, v2;
	vm7 =	vle.s32 v16, v23  }
0x52: {  	vm11 =	vlt.s32 v26, $0xF4400;
	v29 =	vadd.s32 v32, v30;
	v32 =	vadd.s32 v49, v46  }
0x53: {  	v37 =	vsel vm9, $0x1, v2;
	v43 =	vsel vm7, $0x1, v2;
	vm9 =	vle.s32 v17, v25  }
0x54: {  	v49 =	vsel vm15, $0x1, v2;
	vm7 =	vle.s32 v19, v25;
	vm15 =	vle.s32 v21, v25  }
0x55: {  	v31 =	vsel vm11, $0x0, v3;
	v29 =	vadd.s32 v48, v29;
	vm11 =	vle.s32 v10, v25  }
0x56: {  	v32 =	vadd.s32 v52, v32;
	v26 =	vadd.s32 v26, v31;
	v31 =	vsel vm5, $0x1, v2  }
0x57: {  	v29 =	vadd.s32 v51, v29;
	v54 =	vsel vm11, $0x1, v2;
	vm11 =	vle.s32 v12, v23  }
0x58: {  	v30 =	vadd.s32 v34, v31;
	v31 =	vsel vm12, $0x1, v2;
	vm12 =	vle.s32 v10, v27  }
0x59: {  	v29 =	vadd.s32 v54, v29;
	v59 =	vsel vm11, $0x1, v2;
	vm11 =	vle.s32 v15, v25  }
0x5a: {  	v28 =	vadd.s32 v31, v28;
	v30 =	vadd.s32 v47, v30;
	v31 =	vsel vm6, $0x1, v2  }
0x5b: {  	v55 =	vsel vm12, $0x1, v2;
	vm6 =	vle.s32 v11, v27;
	v29 =	vadd.s32 v57, v29  }
0x5c: {  	vm12 =	vle.s32 v13, v24;
	v41 =	vsel vm11, $0x1, v2;
	vm11 =	vle.s32 v17, v23  }
0x5d: {  	v47 =	vsel vm9, $0x1, v2;
	vm9 =	vle.s32 v19, v23;
	v28 =	vadd.s32 v31, v28  }
0x5e: {  	v30 =	vadd.s32 v50, v30;
	v31 =	vsel vm10, $0x1, v2;
	v32 =	vadd.s32 v55, v32  }
0x5f: {  	v58 =	vsel vm6, $0x1, v2;
	vm10 =	vle.s32 v12, v27;
	v29 =	vadd.s32 v60, v29  }
0x60: {  	vm6 =	vle.s32 v14, v24;
	v46 =	vsel vm11, $0x1, v2;
	v50 =	vsel vm13, $0x1, v2  }
0x61: {  	v52 =	vsel vm9, $0x1, v2;
	vm11 =	vle.s32 v20, v25;
	vm13 =	vle.s32 v20, v23  }
0x62: {  	v60 =	vsel vm15, $0x1, v2;
	vm9 =	vle.s32 v22, v25;
	v28 =	vadd.s32 v31, v28  }
0x63: {  	v30 =	vadd.s32 v53, v30;
	v31 =	vsel vm14, $0x1, v2;
	v32 =	vadd.s32 v58, v32  }
0x64: {  	v61 =	vsel vm10, $0x1, v2;
	vm14 =	vle.s32 v13, v27;
	v29 =	vadd.s32 v63, v29  }
0x65: {  	vm10 =	vle.s32 v15, v24;
	v53 =	vsel vm7, $0x1, v2;
	v55 =	vsel vm13, $0x1, v2  }
0x66: {  	vm7 =	vle.s32 v21, v23;
	v28 =	vadd.s32 v31, v28;
	v30 =	vadd.s32 v56, v30  }
0x67: {  	v31 =	vsel vm8, $0x1, v2;
	v32 =	vadd.s32 v61, v32;
	v36 =	vsel vm14, $0x1, v2  }
0x68: {  	vm8 =	vle.s32 v14, v27;
	v29 =	vadd.s32 v38, v29;
	vm14 =	vle.s32 v16, v24  }
0x69: {  	v56 =	vsel vm11, $0x1, v2;
	v58 =	vsel vm7, $0x1, v2;
	vm11 =	vle.s32 v22, v23  }
0x6a: {  	v28 =	vadd.s32 v31, v28;
	v30 =	vadd.s32 v59, v30;
	v31 =	vsel vm12, $0x1, v2  }
0x6b: {  	v32 =	vadd.s32 v36, v32;
	v39 =	vsel vm8, $0x1, v2;
	vm12 =	vle.s32 v15, v27  }
0x6c: {  	v29 =	vadd.s32 v41, v29;
	vm8 =	vle.s32 v17, v24;
	v61 =	vsel vm11, $0x1, v2  }
0x6d: {  	v28 =	vadd.s32 v31, v28;
	v30 =	vadd.s32 v62, v30;
	v31 =	vsel vm6, $0x1, v2  }
0x6e: {  	v32 =	vadd.s32 v39, v32;
	v42 =	vsel vm12, $0x1, v2;
	vm6 =	vle.s32 v16, v27  }
0x6f: {  	v29 =	vadd.s32 v44, v29;
	vm12 =	vle.s32 v18, v24;
	v62 =	vsel vm9, $0x1, v2  }
0x70: {  	v28 =	vadd.s32 v31, v28;
	v30 =	vadd.s32 v37, v30;
	v31 =	vsel vm10, $0x1, v2  }
0x71: {  	v32 =	vadd.s32 v42, v32;
	v45 =	vsel vm6, $0x1, v2;
	vm10 =	vle.s32 v17, v27  }
0x72: {  	v29 =	vadd.s32 v47, v29;
	vm6 =	vle.s32 v19, v24;
	v28 =	vadd.s32 v31, v28  }
0x73: {  	v30 =	vadd.s32 v40, v30;
	v31 =	vsel vm14, $0x1, v2;
	v32 =	vadd.s32 v45, v32  }
0x74: {  	v48 =	vsel vm10, $0x1, v2;
	vm14 =	vle.s32 v18, v27;
	v29 =	vadd.s32 v50, v29  }
0x75: {  	vm10 =	vle.s32 v20, v24;
	v28 =	vadd.s32 v31, v28;
	v30 =	vadd.s32 v43, v30  }
0x76: {  	v31 =	vsel vm8, $0x1, v2;
	v32 =	vadd.s32 v48, v32;
	v51 =	vsel vm14, $0x1, v2  }
0x77: {  	vm8 =	vle.s32 v19, v27;
	v29 =	vadd.s32 v53, v29;
	vm14 =	vle.s32 v21, v24  }
0x78: {  	v28 =	vadd.s32 v31, v28;
	v30 =	vadd.s32 v46, v30;
	v31 =	vsel vm12, $0x1, v2  }
0x79: {  	v32 =	vadd.s32 v51, v32;
	v54 =	vsel vm8, $0x1, v2;
	vm12 =	vle.s32 v20, v27  }
0x7a: {  	v29 =	vadd.s32 v56, v29;
	vm8 =	vle.s32 v22, v24;
	v28 =	vadd.s32 v31, v28  }
0x7b: {  	v30 =	vadd.s32 v49, v30;
	v31 =	vsel vm6, $0x1, v2;
	v32 =	vadd.s32 v54, v32  }
0x7c: {  	v57 =	vsel vm12, $0x1, v2;
	vm6 =	vle.s32 v21, v27;
	v28 =	vadd.s32 v31, v28  }
0x7d: {  	v30 =	vadd.s32 v52, v30;
	v31 =	vsel vm10, $0x1, v2;
	v32 =	vadd.s32 v57, v32  }
0x7e: {  	v25 =	vld [tilespmem:s0+$0xC20];
	v36 =	vsel vm6, $0x1, v2;
	vm10 =	vle.s32 v22, v27;
	v28 =	vadd.s32 v31, v28  }
0x7f: {  	v24 =	vld [tilespmem:s0+$0xC10];
	v30 =	vadd.s32 v55, v30;
	v31 =	vsel vm14, $0x1, v2;
	v32 =	vadd.s32 v36, v32  }
0x80: {  	v59 =	vld [tilespmem:s0+$0xC00];
	v63 =	vsel vm10, $0x1, v2;
	v27 =	vadd.s32 v31, v28;
	v31 =	vsel vm8, $0x1, v2  }
0x81: {  	v28 =	vadd.s32 v60, v29;
	v29 =	vadd.s32 v58, v30;
	v30 =	vld [tilespmem:s0+$0xC30];
	v27 =	vadd.s32 v31, v27  }
0x82: {  	v28 =	vadd.s32 v62, v28;
	v31 =	vadd.s32 v63, v32;
	v29 =	vadd.s32 v61, v29  }
0x83: {  	v27 =	vshll.u32 v27, $0xA;
	v28 =	vshll.u32 v28, $0xA;
	v29 =	vshll.u32 v29, $0xA  }
0x84: {  	v24 =	vadd.s32 v27, v24;
	v27 =	vshll.u32 v31, $0xA;
	v25 =	vadd.s32 v28, v25  }
0x85: {  	v29 =	vadd.s32 v29, v59;
	vm12 =	vlt.s32 v24, $0xF4400;
	vm13 =	vlt.s32 v25, $0xF4400  }
0x86: {  	vm15 =	vlt.s32 v29, $0xF4400;
	v28 =	vadd.s32 v27, v30;
	v27 =	vsel vm12, $0x0, v3  }
0x87: {  	[tilespmem:s0+$0x33C0] =	vst v26;
	v26 =	vsel vm13, $0x0, v3;
	vm14 =	vlt.s32 v28, $0xF4400;
	v24 =	vadd.s32 v24, v27  }
0x88: {  	v27 =	vsel vm15, $0x0, v3;
	v30 =	vsel vm14, $0x0, v3;
	[tilespmem:s0+$0x3390] =	vst v24;
	v24 =	vadd.s32 v25, v26  }
0x89: {  	v23 =	vadd.s32 $0x50, v23;
	v27 =	vadd.s32 v29, v27;
	v26 =	vadd.s32 v28, v30;
	[tilespmem:s0+$0x33A0] =	vst v24  }
0x8a: {  	s11 =	simm.s32 $0x280;
	s5 =	simm.s32 $0x140;
	v25 =	vadd.s32 $0x20, v23;
	v24 =	vadd.s32 $0x10, v23;
	v28 =	vadd.s32 $0x40, v23;
	[tilespmem:s0+$0x33B0] =	vst v26  }
.LBB2_3:
0x8b: {  	p0 =	sne.s32 s11, $0x9B00;
	v26 =	vadd.s32 $0x30, v23;
	vm0 =	vle.s32 v6, v28;
	vm1 =	vle.s32 v7, v28;
	[tilespmem:s0+$0x3380] =	vst v27  }
0x8c: {  	v27 =	vsel vm0, $0x1, v2;
	v29 =	vsel vm1, $0x1, v2;
	vm0 =	vle.s32 v8, v28  }
0x8d: {  	v27 =	vadd.s32 v29, v27;
	v29 =	vsel vm0, $0x1, v2;
	vm0 =	vle.s32 v9, v28  }
0x8e: {  	v27 =	vadd.s32 v29, v27;
	v29 =	vsel vm0, $0x1, v2;
	vm0 =	vle.s32 v10, v28  }
0x8f: {  	v27 =	vadd.s32 v29, v27;
	v29 =	vsel vm0, $0x1, v2;
	vm0 =	vle.s32 v11, v28  }
0x90: {  	v27 =	vadd.s32 v29, v27;
	v29 =	vsel vm0, $0x1, v2;
	vm0 =	vle.s32 v12, v28  }
0x91: {  	v27 =	vadd.s32 v29, v27;
	v29 =	vsel vm0, $0x1, v2;
	vm0 =	vle.s32 v13, v28  }
0x92: {  	v27 =	vadd.s32 v29, v27;
	v29 =	vsel vm0, $0x1, v2;
	vm0 =	vle.s32 v14, v28  }
0x93: {  	v27 =	vadd.s32 v29, v27;
	v29 =	vsel vm0, $0x1, v2;
	vm0 =	vle.s32 v15, v28  }
0x94: {  	v27 =	vadd.s32 v29, v27;
	v29 =	vsel vm0, $0x1, v2;
	vm0 =	vle.s32 v16, v28  }
0x95: {  	v27 =	vadd.s32 v29, v27;
	v29 =	vsel vm0, $0x1, v2;
	vm0 =	vle.s32 v17, v28  }
0x96: {  	v27 =	vadd.s32 v29, v27;
	v29 =	vsel vm0, $0x1, v2;
	vm0 =	vle.s32 v18, v28  }
0x97: {  	v27 =	vadd.s32 v29, v27;
	v29 =	vsel vm0, $0x1, v2;
	vm0 =	vle.s32 v19, v28  }
0x98: {  	s0 =	sshra.s32 s5, $0x2;
	s5 =	smov.u32 s11;
	v27 =	vadd.s32 v29, v27;
	v29 =	vsel vm0, $0x1, v2;
	vm0 =	vle.s32 v20, v28  }
0x99: {  	v31 =	vld [tilespmem:s0+$0xC40];
	v29 =	vadd.s32 v29, v27;
	v30 =	vsel vm0, $0x1, v2;
	vm0 =	vle.s32 v21, v28  }
0x9a: {  	v27 =	vld [tilespmem:s0+$0xC00];
	v29 =	vadd.s32 v30, v29;
	v30 =	vsel vm0, $0x1, v2;
	vm0 =	vle.s32 v22, v28  }
0x9b: {  	vm1 =	vle.s32 v6, v24;
	v28 =	vld [tilespmem:s0+$0xC10];
	v30 =	vadd.s32 v30, v29;
	v32 =	vsel vm0, $0x1, v2  }
0x9c: {  	vm2 =	vle.s32 v6, v25;
	vm0 =	vle.s32 v7, v24;
	v29 =	vld [tilespmem:s0+$0xC20];
	v32 =	vadd.s32 v32, v30  }
0x9d: {  	vm3 =	vle.s32 v7, v25;
	vm4 =	vle.s32 v6, v26;
	v30 =	vld [tilespmem:s0+$0xC30];
	v32 =	vshll.u32 v32, $0xA  }
0x9e: {  	vm5 =	vle.s32 v6, v23;
	vm6 =	vle.s32 v7, v26;
	v31 =	vadd.s32 v32, v31  }
0x9f: {  	vm7 =	vle.s32 v7, v23;
	v32 =	vsel vm1, $0x1, v2;
	vm1 =	vlt.s32 v31, $0xF4400  }
0xa0: {  	v34 =	vsel vm2, $0x1, v2;
	v33 =	vsel vm0, $0x1, v2;
	v35 =	vsel vm1, $0x0, v3  }
0xa1: {  	v36 =	vsel vm3, $0x1, v2;
	v37 =	vsel vm4, $0x1, v2;
	v31 =	vadd.s32 v31, v35  }
0xa2: {  	v38 =	vsel vm7, $0x1, v2;
	v39 =	vsel vm6, $0x1, v2;
	v35 =	vsel vm5, $0x1, v2;
	[tilespmem:s0+$0x33C0] =	vst v31  }
0xa3: {  	vm2 =	vle.s32 v8, v26;
	vm0 =	vle.s32 v8, v24;
	vm1 =	vle.s32 v8, v25  }
0xa4: {  	vm3 =	vle.s32 v8, v23;
	v31 =	vadd.s32 v33, v32;
	v32 =	vadd.s32 v36, v34  }
0xa5: {  	v33 =	vadd.s32 v38, v35;
	v34 =	vsel vm0, $0x1, v2;
	v35 =	vadd.s32 v39, v37  }
0xa6: {  	v36 =	vsel vm3, $0x1, v2;
	v37 =	vsel vm1, $0x1, v2;
	v38 =	vsel vm2, $0x1, v2  }
0xa7: {  	vm0 =	vle.s32 v9, v24;
	vm1 =	vle.s32 v9, v25;
	vm2 =	vle.s32 v9, v26  }
0xa8: {  	vm3 =	vle.s32 v9, v23;
	v31 =	vadd.s32 v34, v31;
	v32 =	vadd.s32 v37, v32  }
0xa9: {  	v33 =	vadd.s32 v36, v33;
	v34 =	vsel vm0, $0x1, v2;
	v35 =	vadd.s32 v38, v35  }
0xaa: {  	v36 =	vsel vm3, $0x1, v2;
	v37 =	vsel vm1, $0x1, v2;
	v38 =	vsel vm2, $0x1, v2  }
0xab: {  	vm0 =	vle.s32 v10, v24;
	vm1 =	vle.s32 v10, v25;
	vm2 =	vle.s32 v10, v26  }
0xac: {  	vm3 =	vle.s32 v10, v23;
	v31 =	vadd.s32 v34, v31;
	v32 =	vadd.s32 v37, v32  }
0xad: {  	v33 =	vadd.s32 v36, v33;
	v34 =	vsel vm0, $0x1, v2;
	v35 =	vadd.s32 v38, v35  }
0xae: {  	v36 =	vsel vm3, $0x1, v2;
	v37 =	vsel vm1, $0x1, v2;
	v38 =	vsel vm2, $0x1, v2  }
0xaf: {  	vm0 =	vle.s32 v11, v24;
	vm1 =	vle.s32 v11, v25;
	vm2 =	vle.s32 v11, v26  }
0xb0: {  	vm3 =	vle.s32 v11, v23;
	v31 =	vadd.s32 v34, v31;
	v32 =	vadd.s32 v37, v32  }
0xb1: {  	v33 =	vadd.s32 v36, v33;
	v34 =	vsel vm0, $0x1, v2;
	v35 =	vadd.s32 v38, v35  }
0xb2: {  	v36 =	vsel vm3, $0x1, v2;
	v37 =	vsel vm1, $0x1, v2;
	v38 =	vsel vm2, $0x1, v2  }
0xb3: {  	vm0 =	vle.s32 v12, v24;
	vm1 =	vle.s32 v12, v25;
	vm2 =	vle.s32 v12, v26  }
0xb4: {  	vm3 =	vle.s32 v12, v23;
	v31 =	vadd.s32 v34, v31;
	v32 =	vadd.s32 v37, v32  }
0xb5: {  	v33 =	vadd.s32 v36, v33;
	v34 =	vsel vm0, $0x1, v2;
	v35 =	vadd.s32 v38, v35  }
0xb6: {  	v36 =	vsel vm3, $0x1, v2;
	v37 =	vsel vm1, $0x1, v2;
	v38 =	vsel vm2, $0x1, v2  }
0xb7: {  	vm0 =	vle.s32 v13, v24;
	vm1 =	vle.s32 v13, v25;
	vm2 =	vle.s32 v13, v26  }
0xb8: {  	vm3 =	vle.s32 v13, v23;
	v31 =	vadd.s32 v34, v31;
	v32 =	vadd.s32 v37, v32  }
0xb9: {  	v33 =	vadd.s32 v36, v33;
	v34 =	vsel vm0, $0x1, v2;
	v35 =	vadd.s32 v38, v35  }
0xba: {  	v36 =	vsel vm3, $0x1, v2;
	v37 =	vsel vm1, $0x1, v2;
	v38 =	vsel vm2, $0x1, v2  }
0xbb: {  	vm0 =	vle.s32 v14, v24;
	vm1 =	vle.s32 v14, v25;
	vm2 =	vle.s32 v14, v26  }
0xbc: {  	vm3 =	vle.s32 v14, v23;
	v31 =	vadd.s32 v34, v31;
	v32 =	vadd.s32 v37, v32  }
0xbd: {  	v33 =	vadd.s32 v36, v33;
	v34 =	vsel vm0, $0x1, v2;
	v35 =	vadd.s32 v38, v35  }
0xbe: {  	v36 =	vsel vm3, $0x1, v2;
	v37 =	vsel vm1, $0x1, v2;
	v38 =	vsel vm2, $0x1, v2  }
0xbf: {  	vm0 =	vle.s32 v15, v24;
	vm1 =	vle.s32 v15, v25;
	vm2 =	vle.s32 v15, v26  }
0xc0: {  	vm3 =	vle.s32 v15, v23;
	v31 =	vadd.s32 v34, v31;
	v32 =	vadd.s32 v37, v32  }
0xc1: {  	v33 =	vadd.s32 v36, v33;
	v34 =	vsel vm0, $0x1, v2;
	v35 =	vadd.s32 v38, v35  }
0xc2: {  	v36 =	vsel vm3, $0x1, v2;
	v37 =	vsel vm1, $0x1, v2;
	v38 =	vsel vm2, $0x1, v2  }
0xc3: {  	vm0 =	vle.s32 v16, v24;
	vm1 =	vle.s32 v16, v25;
	vm2 =	vle.s32 v16, v26  }
0xc4: {  	vm3 =	vle.s32 v16, v23;
	v31 =	vadd.s32 v34, v31;
	v32 =	vadd.s32 v37, v32  }
0xc5: {  	v33 =	vadd.s32 v36, v33;
	v34 =	vsel vm0, $0x1, v2;
	v35 =	vadd.s32 v38, v35  }
0xc6: {  	v36 =	vsel vm3, $0x1, v2;
	v37 =	vsel vm1, $0x1, v2;
	v38 =	vsel vm2, $0x1, v2  }
0xc7: {  	vm0 =	vle.s32 v17, v24;
	vm1 =	vle.s32 v17, v25;
	vm2 =	vle.s32 v17, v26  }
0xc8: {  	vm3 =	vle.s32 v17, v23;
	v31 =	vadd.s32 v34, v31;
	v32 =	vadd.s32 v37, v32  }
0xc9: {  	v33 =	vadd.s32 v36, v33;
	v34 =	vsel vm0, $0x1, v2;
	v35 =	vadd.s32 v38, v35  }
0xca: {  	v36 =	vsel vm3, $0x1, v2;
	v37 =	vsel vm1, $0x1, v2;
	v38 =	vsel vm2, $0x1, v2  }
0xcb: {  	vm0 =	vle.s32 v18, v24;
	vm1 =	vle.s32 v18, v25;
	vm2 =	vle.s32 v18, v26  }
0xcc: {  	vm3 =	vle.s32 v18, v23;
	v31 =	vadd.s32 v34, v31;
	v32 =	vadd.s32 v37, v32  }
0xcd: {  	v33 =	vadd.s32 v36, v33;
	v34 =	vsel vm0, $0x1, v2;
	v35 =	vadd.s32 v38, v35  }
0xce: {  	v36 =	vsel vm3, $0x1, v2;
	v37 =	vsel vm1, $0x1, v2;
	v38 =	vsel vm2, $0x1, v2  }
0xcf: {  	vm0 =	vle.s32 v19, v24;
	vm1 =	vle.s32 v19, v25;
	vm2 =	vle.s32 v19, v26  }
0xd0: {  	vm3 =	vle.s32 v19, v23;
	v31 =	vadd.s32 v34, v31;
	v32 =	vadd.s32 v37, v32  }
0xd1: {  	v33 =	vadd.s32 v36, v33;
	v34 =	vsel vm0, $0x1, v2;
	v35 =	vadd.s32 v38, v35  }
0xd2: {  	v36 =	vsel vm3, $0x1, v2;
	v37 =	vsel vm1, $0x1, v2;
	v38 =	vsel vm2, $0x1, v2  }
0xd3: {  	vm0 =	vle.s32 v20, v24;
	vm1 =	vle.s32 v20, v25;
	vm2 =	vle.s32 v20, v26  }
0xd4: {  	vm3 =	vle.s32 v20, v23;
	v31 =	vadd.s32 v34, v31;
	v32 =	vadd.s32 v37, v32  }
0xd5: {  	v33 =	vadd.s32 v36, v33;
	v34 =	vsel vm0, $0x1, v2;
	v35 =	vadd.s32 v38, v35  }
0xd6: {  	v36 =	vsel vm3, $0x1, v2;
	v37 =	vsel vm1, $0x1, v2;
	v38 =	vsel vm2, $0x1, v2  }
0xd7: {  	vm0 =	vle.s32 v21, v24;
	vm1 =	vle.s32 v21, v25;
	vm2 =	vle.s32 v21, v26  }
0xd8: {  	vm3 =	vle.s32 v21, v23;
	v31 =	vadd.s32 v34, v31;
	v32 =	vadd.s32 v37, v32  }
0xd9: {  	v33 =	vadd.s32 v36, v33;
	v34 =	vsel vm0, $0x1, v2;
	v35 =	vadd.s32 v38, v35  }
0xda: {  	v36 =	vsel vm3, $0x1, v2;
	v37 =	vsel vm1, $0x1, v2;
	v38 =	vsel vm2, $0x1, v2  }
0xdb: {  	vm0 =	vle.s32 v22, v24;
	vm1 =	vle.s32 v22, v25;
	vm2 =	vle.s32 v22, v26  }
0xdc: {  	vm3 =	vle.s32 v22, v23;
	v24 =	vadd.s32 v34, v31;
	v25 =	vadd.s32 v37, v32  }
0xdd: {  	v26 =	vadd.s32 v36, v33;
	v31 =	vsel vm0, $0x1, v2;
	v32 =	vadd.s32 v38, v35  }
0xde: {  	v33 =	vsel vm3, $0x1, v2;
	v34 =	vsel vm1, $0x1, v2;
	v35 =	vsel vm2, $0x1, v2  }
0xdf: {  	v24 =	vadd.s32 v31, v24;
	v25 =	vadd.s32 v34, v25;
	v31 =	vadd.s32 v35, v32  }
0xe0: {  	v26 =	vadd.s32 v33, v26;
	v24 =	vshll.u32 v24, $0xA;
	v25 =	vshll.u32 v25, $0xA  }
0xe1: {  	v26 =	vshll.u32 v26, $0xA;
	v24 =	vadd.s32 v24, v28;
	v28 =	vshll.u32 v31, $0xA  }
0xe2: {  	v26 =	vadd.s32 v26, v27;
	v25 =	vadd.s32 v25, v29;
	v28 =	vadd.s32 v28, v30  }
0xe3: {  	vm0 =	vlt.s32 v24, $0xF4400;
	vm1 =	vlt.s32 v25, $0xF4400;
	vm2 =	vlt.s32 v28, $0xF4400  }
.Ltmp0:
0xe4: {  	vm3 =	vlt.s32 v26, $0xF4400;
	v27 =	vsel vm0, $0x0, v3;
	v29 =	vsel vm1, $0x0, v3;
	(pc) =	sbr.rel @p0 .LBB2_3-.Ltmp0, $4  }
0xe5: {  	v30 =	vsel vm3, $0x0, v3;
	v24 =	vadd.s32 v24, v27;
	v31 =	vsel vm2, $0x0, v3  }
0xe6: {  	v27 =	vadd.s32 v26, v30;
	v26 =	vadd.s32 v28, v31;
	[tilespmem:s0+$0x3390] =	vst v24;
	v24 =	vadd.s32 v25, v29  }
0xe7: {  	v23 =	vadd.s32 $0x50, v23;
	[tilespmem:s0+$0x33A0] =	vst v24  }
0xe8: {  	s11 =	sadd.s32 $0x140, s11;
	v28 =	vadd.s32 $0x40, v23;
	v25 =	vadd.s32 $0x20, v23;
	v24 =	vadd.s32 $0x10, v23;
	[tilespmem:s0+$0x33B0] =	vst v26  }
0xe9: {  	v26 =	vadd.s32 $0x30, v23;
	vm0 =	vle.s32 v6, v28;
	vm1 =	vle.s32 v7, v28  }
0xea: {  	vm6 =	vle.s32 v8, v28;
	vm7 =	vle.s32 v9, v28;
	vm8 =	vle.s32 v10, v28  }
0xeb: {  	vm9 =	vle.s32 v11, v28;
	vm10 =	vle.s32 v12, v28;
	vm11 =	vle.s32 v13, v28  }
0xec: {  	vm12 =	vle.s32 v14, v28;
	vm13 =	vle.s32 v15, v28;
	vm14 =	vle.s32 v16, v28  }
0xed: {  	vm15 =	vle.s32 v17, v28;
	vm4 =	vle.s32 v18, v28;
	vm5 =	vle.s32 v19, v28  }
0xee: {  	vm2 =	vle.s32 v6, v25;
	vm3 =	vle.s32 v7, v25;
	v29 =	vsel vm0, $0x1, v2  }
0xef: {  	v30 =	vsel vm1, $0x1, v2;
	v56 =	vsel vm6, $0x1, v2;
	v57 =	vsel vm7, $0x1, v2  }
0xf0: {  	v58 =	vsel vm8, $0x1, v2;
	v59 =	vsel vm9, $0x1, v2;
	v60 =	vsel vm10, $0x1, v2  }
0xf1: {  	v61 =	vsel vm11, $0x1, v2;
	v62 =	vsel vm12, $0x1, v2;
	v63 =	vsel vm13, $0x1, v2  }
0xf2: {  	v33 =	vsel vm14, $0x1, v2;
	v34 =	vsel vm15, $0x1, v2;
	v35 =	vsel vm4, $0x1, v2  }
0xf3: {  	v37 =	vsel vm5, $0x1, v2;
	vm6 =	vle.s32 v20, v28;
	vm7 =	vle.s32 v21, v28  }
0xf4: {  	vm8 =	vle.s32 v22, v28;
	vm9 =	vle.s32 v6, v24;
	vm10 =	vle.s32 v7, v24  }
0xf5: {  	vm4 =	vle.s32 v6, v26;
	vm5 =	vle.s32 v6, v23;
	v43 =	vsel vm2, $0x1, v2  }
0xf6: {  	v32 =	vsel vm3, $0x1, v2;
	vm12 =	vle.s32 v8, v24;
	vm13 =	vle.s32 v8, v25  }
0xf7: {  	vm14 =	vle.s32 v8, v26;
	vm15 =	vle.s32 v8, v23;
	v29 =	vadd.s32 v30, v29  }
0xf8: {  	v39 =	vsel vm6, $0x1, v2;
	v40 =	vsel vm7, $0x1, v2;
	v28 =	vsel vm8, $0x1, v2  }
0xf9: {  	vm6 =	vle.s32 v7, v26;
	vm7 =	vle.s32 v7, v23;
	v41 =	vsel vm9, $0x1, v2  }
0xfa: {  	v42 =	vsel vm10, $0x1, v2;
	v44 =	vsel vm5, $0x1, v2;
	v45 =	vadd.s32 v32, v43  }
0xfb: {  	v47 =	vsel vm12, $0x1, v2;
	v49 =	vsel vm15, $0x1, v2;
	v50 =	vsel vm13, $0x1, v2  }
0xfc: {  	v51 =	vsel vm14, $0x1, v2;
	vm8 =	vle.s32 v9, v26;
	vm9 =	vle.s32 v9, v23  }
0xfd: {  	vm10 =	vle.s32 v10, v24;
	vm12 =	vle.s32 v10, v26;
	vm13 =	vle.s32 v10, v23  }
0xfe: {  	vm14 =	vle.s32 v11, v24;
	vm15 =	vle.s32 v11, v25;
	v29 =	vadd.s32 v56, v29  }
0xff: {  	v53 =	vsel vm9, $0x1, v2;
	v55 =	vsel vm8, $0x1, v2;
	v29 =	vadd.s32 v57, v29  }
0x100: {  	v56 =	vsel vm10, $0x1, v2;
	vm8 =	vle.s32 v12, v24;
	v29 =	vadd.s32 v58, v29  }
0x101: {  	vm9 =	vle.s32 v12, v25;
	vm10 =	vle.s32 v12, v26;
	v29 =	vadd.s32 v59, v29  }
0x102: {  	v57 =	vsel vm13, $0x1, v2;
	vm13 =	vle.s32 v13, v25;
	v29 =	vadd.s32 v60, v29  }
0x103: {  	v59 =	vsel vm12, $0x1, v2;
	vm12 =	vle.s32 v13, v24;
	v29 =	vadd.s32 v61, v29  }
0x104: {  	v60 =	vsel vm14, $0x1, v2;
	vm14 =	vle.s32 v13, v26;
	v29 =	vadd.s32 v62, v29  }
0x105: {  	v43 =	vsel vm14, $0x1, v2;
	vm14 =	vle.s32 v16, v24;
	v29 =	vadd.s32 v63, v29  }
0x106: {  	v62 =	vsel vm15, $0x1, v2;
	vm15 =	vle.s32 v13, v23;
	v29 =	vadd.s32 v33, v29  }
0x107: {  	v33 =	vsel vm4, $0x1, v2;
	v29 =	vadd.s32 v34, v29;
	v34 =	vsel vm7, $0x1, v2  }
0x108: {  	vm7 =	vle.s32 v9, v25;
	v36 =	vadd.s32 v35, v29;
	v35 =	vsel vm6, $0x1, v2  }
0x109: {  	v46 =	vadd.s32 v34, v44;
	vm6 =	vle.s32 v9, v24;
	v29 =	vadd.s32 v50, v45  }
0x10a: {  	[tilespmem:s0+$0x3380] =	vst v27;
	v54 =	vsel vm7, $0x1, v2;
	vm7 =	vle.s32 v11, v23;
	v27 =	vadd.s32 v37, v36  }
0x10b: {  	v48 =	vadd.s32 v35, v33;
	v30 =	vadd.s32 v49, v46;
	v52 =	vsel vm6, $0x1, v2  }
0x10c: {  	v29 =	vadd.s32 v54, v29;
	vm6 =	vle.s32 v11, v26;
	v61 =	vsel vm7, $0x1, v2  }
0x10d: {  	v36 =	vsel vm8, $0x1, v2;
	vm7 =	vle.s32 v14, v25;
	vm8 =	vle.s32 v14, v26  }
0x10e: {  	v27 =	vadd.s32 v39, v27;
	v32 =	vadd.s32 v51, v48;
	v30 =	vadd.s32 v53, v30  }
0x10f: {  	v63 =	vsel vm6, $0x1, v2;
	v39 =	vsel vm10, $0x1, v2;
	vm6 =	vle.s32 v14, v24  }
0x110: {  	v46 =	vsel vm7, $0x1, v2;
	vm10 =	vle.s32 v15, v24;
	vm7 =	vle.s32 v16, v23  }
0x111: {  	v27 =	vadd.s32 v40, v27;
	v32 =	vadd.s32 v55, v32;
	v30 =	vadd.s32 v57, v30  }
0x112: {  	v40 =	vsel vm12, $0x1, v2;
	v44 =	vsel vm6, $0x1, v2;
	vm12 =	vle.s32 v15, v26  }
0x113: {  	v48 =	vsel vm10, $0x1, v2;
	vm6 =	vle.s32 v16, v26;
	v53 =	vsel vm7, $0x1, v2  }
0x114: {  	vm10 =	vle.s32 v17, v26;
	vm7 =	vle.s32 v19, v25;
	v27 =	vadd.s32 v28, v27  }
0x115: {  	v28 =	vadd.s32 v42, v41;
	v32 =	vadd.s32 v59, v32;
	v30 =	vadd.s32 v61, v30  }
0x116: {  	s13 =	sshra.s32 s5, $0x2;
	v41 =	vsel vm15, $0x1, v2;
	v42 =	vsel vm13, $0x1, v2;
	vm13 =	vle.s32 v15, v23  }
0x117: {  	v38 =	vld [tilespmem:s13+$0xC40];
	v51 =	vsel vm12, $0x1, v2;
	vm15 =	vle.s32 v16, v25;
	v55 =	vsel vm6, $0x1, v2  }
0x118: {  	v59 =	vsel vm10, $0x1, v2;
	vm12 =	vle.s32 v18, v24;
	vm6 =	vle.s32 v19, v24  }
0x119: {  	vm10 =	vle.s32 v20, v24;
	v27 =	vshll.u32 v27, $0xA;
	v28 =	vadd.s32 v47, v28  }
0x11a: {  	v32 =	vadd.s32 v63, v32;
	v47 =	vsel vm8, $0x1, v2;
	v49 =	vsel vm13, $0x1, v2  }
0x11b: {  	v54 =	vsel vm15, $0x1, v2;
	vm8 =	vle.s32 v17, v24;
	vm13 =	vle.s32 v18, v25  }
0x11c: {  	vm15 =	vle.s32 v18, v23;
	v27 =	vadd.s32 v27, v38;
	v28 =	vadd.s32 v52, v28  }
0x11d: {  	v38 =	vsel vm9, $0x1, v2;
	v32 =	vadd.s32 v39, v32;
	vm9 =	vle.s32 v14, v23  }
0x11e: {  	v52 =	vsel vm14, $0x1, v2;
	vm14 =	vle.s32 v18, v26;
	v61 =	vsel vm15, $0x1, v2  }
0x11f: {  	vm15 =	vle.s32 v21, v25;
	vm11 =	vlt.s32 v27, $0xF4400;
	v28 =	vadd.s32 v56, v28  }
0x120: {  	v32 =	vadd.s32 v43, v32;
	v45 =	vsel vm9, $0x1, v2;
	vm9 =	vle.s32 v17, v25  }
0x121: {  	v56 =	vsel vm8, $0x1, v2;
	v63 =	vsel vm14, $0x1, v2;
	vm8 =	vle.s32 v19, v26  }
0x122: {  	vm14 =	vle.s32 v21, v24;
	v31 =	vsel vm11, $0x0, v3;
	vm11 =	vle.s32 v10, v25  }
0x123: {  	v28 =	vadd.s32 v60, v28;
	v32 =	vadd.s32 v47, v32;
	v60 =	vsel vm12, $0x1, v2  }
0x124: {  	v39 =	vsel vm8, $0x1, v2;
	vm12 =	vle.s32 v20, v26;
	vm8 =	vle.s32 v22, v24  }
0x125: {  	v27 =	vadd.s32 v27, v31;
	v58 =	vsel vm11, $0x1, v2;
	vm11 =	vle.s32 v12, v23  }
0x126: {  	v28 =	vadd.s32 v36, v28;
	v32 =	vadd.s32 v51, v32;
	v36 =	vsel vm6, $0x1, v2  }
0x127: {  	v43 =	vsel vm12, $0x1, v2;
	vm6 =	vle.s32 v21, v26;
	v29 =	vadd.s32 v58, v29  }
0x128: {  	v37 =	vsel vm11, $0x1, v2;
	v28 =	vadd.s32 v40, v28;
	vm11 =	vle.s32 v15, v25  }
0x129: {  	v32 =	vadd.s32 v55, v32;
	v58 =	vsel vm9, $0x1, v2;
	vm9 =	vle.s32 v19, v23  }
0x12a: {  	v40 =	vsel vm10, $0x1, v2;
	v47 =	vsel vm6, $0x1, v2;
	vm10 =	vle.s32 v22, v26  }
0x12b: {  	v29 =	vadd.s32 v62, v29;
	v30 =	vadd.s32 v37, v30;
	v28 =	vadd.s32 v44, v28  }
0x12c: {  	v50 =	vsel vm11, $0x1, v2;
	vm11 =	vle.s32 v17, v23;
	v32 =	vadd.s32 v59, v32  }
0x12d: {  	v62 =	vsel vm13, $0x1, v2;
	v37 =	vsel vm9, $0x1, v2;
	vm13 =	vle.s32 v20, v23  }
0x12e: {  	v44 =	vsel vm14, $0x1, v2;
	vm9 =	vle.s32 v22, v25;
	v29 =	vadd.s32 v38, v29  }
0x12f: {  	v30 =	vadd.s32 v41, v30;
	v28 =	vadd.s32 v48, v28;
	v57 =	vsel vm11, $0x1, v2  }
0x130: {  	v32 =	vadd.s32 v63, v32;
	v38 =	vsel vm7, $0x1, v2;
	vm11 =	vle.s32 v20, v25  }
0x131: {  	v41 =	vsel vm13, $0x1, v2;
	vm7 =	vle.s32 v21, v23;
	v29 =	vadd.s32 v42, v29  }
0x132: {  	v30 =	vadd.s32 v45, v30;
	v28 =	vadd.s32 v52, v28;
	v32 =	vadd.s32 v39, v32  }
0x133: {  	v42 =	vsel vm11, $0x1, v2;
	v45 =	vsel vm7, $0x1, v2;
	vm11 =	vle.s32 v22, v23  }
0x134: {  	v52 =	vsel vm8, $0x1, v2;
	v29 =	vadd.s32 v46, v29;
	v30 =	vadd.s32 v49, v30  }
0x135: {  	v28 =	vadd.s32 v56, v28;
	v32 =	vadd.s32 v43, v32;
	v46 =	vsel vm15, $0x1, v2  }
0x136: {  	v55 =	vsel vm11, $0x1, v2;
	v56 =	vsel vm9, $0x1, v2;
	v29 =	vadd.s32 v50, v29  }
0x137: {  	v30 =	vadd.s32 v53, v30;
	v28 =	vadd.s32 v60, v28;
	v53 =	vadd.s32 v47, v32  }
0x138: {  	v29 =	vadd.s32 v54, v29;
	v30 =	vadd.s32 v57, v30;
	v28 =	vadd.s32 v36, v28  }
0x139: {  	v48 =	vld [tilespmem:s13+$0xC10];
	v57 =	vsel vm10, $0x1, v2;
	v29 =	vadd.s32 v58, v29;
	v30 =	vadd.s32 v61, v30  }
0x13a: {  	v54 =	vld [tilespmem:s13+$0xC30];
	v28 =	vadd.s32 v40, v28;
	v58 =	vadd.s32 v57, v53;
	v29 =	vadd.s32 v62, v29  }
0x13b: {  	v50 =	vld [tilespmem:s13+$0xC20];
	v30 =	vadd.s32 v37, v30;
	v23 =	vadd.s32 v44, v28;
	v59 =	vshll.u32 v58, $0xA  }
0x13c: {  	v36 =	vld [tilespmem:s13+$0xC00];
	v29 =	vadd.s32 v38, v29;
	v30 =	vadd.s32 v41, v30;
	v23 =	vadd.s32 v52, v23  }
0x13d: {  	v29 =	vadd.s32 v42, v29;
	v51 =	vadd.s32 v45, v30;
	v23 =	vshll.u32 v23, $0xA  }
0x13e: {  	v49 =	vadd.s32 v46, v29;
	v28 =	vadd.s32 v55, v51;
	v23 =	vadd.s32 v23, v48  }
0x13f: {  	v24 =	vadd.s32 v59, v54;
	v25 =	vadd.s32 v56, v49;
	v28 =	vshll.u32 v28, $0xA  }
0x140: {  	vm12 =	vlt.s32 v23, $0xF4400;
	vm14 =	vlt.s32 v24, $0xF4400;
	v25 =	vshll.u32 v25, $0xA  }
0x141: {  	v28 =	vadd.s32 v28, v36;
	v60 =	vsel vm12, $0x0, v3;
	v25 =	vadd.s32 v25, v50  }
0x142: {  	[tilespmem:s13+$0x33C0] =	vst v27;
	v62 =	vsel vm14, $0x0, v3;
	v23 =	vadd.s32 v23, v60;
	vm13 =	vlt.s32 v25, $0xF4400  }
0x143: {  	vm15 =	vlt.s32 v28, $0xF4400;
	v24 =	vadd.s32 v24, v62;
	[tilespmem:s13+$0x3390] =	vst v23;
	v61 =	vsel vm13, $0x0, v3  }
0x144: {  	s30 =	sadd.s32 $0x1, s30;
	v63 =	vsel vm15, $0x0, v3;
	[tilespmem:s13+$0x33B0] =	vst v24;
	v23 =	vadd.s32 v25, v61  }
0x145: {  	p0 =	sne.s32 s30, s9;
	[tilespmem:s13+$0x33A0] =	vst v23;
	v23 =	vadd.s32 v28, v63  }
.Ltmp1:
0x146: {  	s31 =	sadd.s32 s8, s31;
	s5 =	simm.s32 $0x0;
	[tilespmem:s13+$0x3380] =	vst v23;
	(pc) =	sbr.rel @p0 .LBB2_2-.Ltmp1, $4  }
0x147: {  	[hbm4b:s31+s5] =	stream.linear.scatter [tilespmem:s19], [sflag:$0x4], $0x2710, $0x38;
	[tilespmem:$0x1CE00] =	vst v63  }
0x148: {  	_ =	swait.ge [sflag:s17], $0x2710  }
0x149: {  	[sflag:s17] =	ssyncset.done $0x0  }
0x14a: {  	[sflag:s17] =	ssyncadd.s32 $0xFFFFD8F0  }
0x14b: {  	s0 =	sshra.s32 s5, $0x2;
	s5 =	sadd.s32 $0x200, s5  }
.LBB2_6:
0x14c: {  	p0 =	sne.s32 s5, $0x1E600;
	[tilespmem:s0+$0x5B70] =	vst v4  }
0x14d: {  	[tilespmem:s0+$0x5B00] =	vst v4  }
0x14e: {  	[tilespmem:s0+$0x5B10] =	vst v4  }
.Ltmp2:
0x14f: {  	[tilespmem:s0+$0x5B20] =	vst v4;
	(pc) =	sbr.rel @p0 .LBB2_6-.Ltmp2, $4  }
0x150: {  	[tilespmem:s0+$0x5B30] =	vst v4  }
0x151: {  	[tilespmem:s0+$0x5B40] =	vst v4  }
0x152: {  	[tilespmem:s0+$0x5B50] =	vst v4  }
0x153: {  	[tilespmem:s0+$0x5B60] =	vst v4;
	s0 =	sshra.s32 s5, $0x2;
	s5 =	sadd.s32 $0x200, s5  }
0x154: {  	[tilespmem:s0+$0x5B70] =	vst v4  }
0x155: {  	[tilespmem:s0+$0x5B00] =	vst v4  }
0x156: {  	[tilespmem:s0+$0x5B10] =	vst v4  }
0x157: {  	[tilespmem:s0+$0x5B20] =	vst v4  }
0x158: {  	[tilespmem:s0+$0x5B30] =	vst v4  }
0x159: {  	[tilespmem:s0+$0x5B40] =	vst v4  }
0x15a: {  	[tilespmem:s0+$0x5B50] =	vst v4  }
0x15b: {  	[tilespmem:s0+$0x5B60] =	vst v4  }
0x15c: {  	[tilespmem:$0xD500] =	vst v4  }
0x15d: {  	[tilespmem:$0xD510] =	vst v4  }
0x15e: {  	s30 =	simm.s32 $0x0;
	s31 =	simm.s32 $0x0;
	[bflag:$0x0] =	sbarrier.arrive $0xFFFF  }
0x15f: {  	[tilespmem:s18], [sflag:$0x1] =	stream.linear.gather [hbm4b:s8+s30], $0x2710, $0x38;
	[tilespmem:$0x1CE00] =	vst v63  }
.LBB2_8:
0x160: {  	s5 =	smul.u32 $0x4E20, s31;
	_ =	sdelay $0x1  }
0x161: {  	s0 =	sadd.s32 $0x2710, s5  }
0x162: {  	s11 =	sshrl.u32 s0, $0x3  }
0x163: {  	s11 =	sadd.s32 s8, s11  }
0x164: {  	[tilespmem:s19], [sflag:$0x2] =	stream.linear.gather [hbm4b:s11+s30], $0x2710, $0x38;
	[tilespmem:$0x1CE00] =	vst v63  }
0x165: {  	_ =	swait.ge [sflag:s20], $0x2710  }
0x166: {  	[sflag:s20] =	ssyncset.done $0x0  }
0x167: {  	s11 =	simm.s32 $0xCC0;
	[sflag:s20] =	ssyncadd.s32 $0xFFFFD8F0  }
0x168: {  	v8 =	vld [tilespmem:s11+$0xFFFFFFF0]  }
0x169: {  	v9 =	vld [tilespmem:s11+$0xFFFFFFB0]  }
0x16a: {  	v10 =	vld [tilespmem:s11+$0xFFFFFFA0]  }
0x16b: {  	v11 =	vld [tilespmem:s11+$0xFFFFFF90]  }
0x16c: {  	v12 =	vld [tilespmem:s11+$0xFFFFFF80]  }
0x16d: {  	v13 =	vld [tilespmem:s11+$0xFFFFFF70]  }
0x16e: {  	v14 =	vld [tilespmem:s11+$0xFFFFFF60]  }
0x16f: {  	v15 =	vld [tilespmem:s11+$0xFFFFFF50]  }
0x170: {  	v16 =	vld [tilespmem:s11+$0x50]  }
0x171: {  	v17 =	vld [tilespmem:s11+$0x0]  }
0x172: {  	v18 =	vld [tilespmem:s11+$0x10]  }
0x173: {  	v19 =	vld [tilespmem:s11+$0x20]  }
0x174: {  	v21 =	vld [tilespmem:s11+$0xFFFFFF40]  }
0x175: {  	v20 =	vld [tilespmem:s11+$0x30]  }
0x176: {  	v22 =	vld [tilespmem:s11+$0xFFFFFFD0]  }
0x177: {  	v23 =	vld [tilespmem:s11+$0xFFFFFFE0]  }
0x178: {  	v24 =	vld [tilespmem:s11+$0x80]  }
0x179: {  	v25 =	vld [tilespmem:s11+$0x90];
	v21 =	vsub.s32 v21, v0  }
0x17a: {  	v26 =	vld [tilespmem:s11+$0xA0];
	v15 =	vsub.s32 v15, v0;
	vm2 =	vlt.u32 v21, $0x7A20  }
0x17b: {  	s12 =	sand.u32 $0x3FF0, s30;
	v27 =	vld [tilespmem:s11+$0xB0];
	v14 =	vsub.s32 v14, v0;
	vm5 =	vlt.u32 v15, $0x7A20  }
0x17c: {  	v29 =	vld [tilespmem:s12+$0xC80];
	v13 =	vsub.s32 v13, v0;
	vm6 =	vlt.u32 v14, $0x7A20  }
0x17d: {  	v28 =	vld [tilespmem:s12+$0xD80];
	v12 =	vsub.s32 v12, v0;
	vm7 =	vlt.u32 v13, $0x7A20  }
0x17e: {  	v6 =	vor.u32 s5, v1;
	v30 =	vld [tilespmem:s12+$0xD00];
	v11 =	vsub.s32 v11, v0;
	vm8 =	vlt.u32 v12, $0x7A20  }
0x17f: {  	v7 =	vadd.s32 $0x110, v6;
	v32 =	vld [tilespmem:s11+$0x60];
	v10 =	vsub.s32 v10, v0;
	vm9 =	vlt.u32 v11, $0x7A20  }
0x180: {  	v33 =	vld [tilespmem:s11+$0x70];
	v31 =	vsub.s32 v9, v0;
	v9 =	vadd.s32 $0x10, v6;
	vm1 =	vlt.u32 v10, $0x7A20;
	[tilespmem:v21+s21+$0x0] =	vst.idx.msk vm2, v6  }
0x181: {  	v63 =	vsub.s32 v29, v0;
	vm0 =	vlt.u32 v31, $0x7A20;
	[tilespmem:v15+s21+$0x0] =	vst.idx.msk vm5, v9;
	v9 =	vadd.s32 $0x20, v6  }
0x182: {  	v22 =	vsub.s32 v22, v0;
	vm2 =	vlt.u32 v63, $0x7A20;
	[tilespmem:v14+s21+$0x0] =	vst.idx.msk vm6, v9;
	v9 =	vadd.s32 $0x30, v6  }
0x183: {  	v23 =	vsub.s32 v23, v0;
	vm3 =	vlt.u32 v22, $0x7A20;
	[tilespmem:v13+s21+$0x0] =	vst.idx.msk vm7, v9;
	v9 =	vadd.s32 $0x40, v6  }
0x184: {  	v8 =	vsub.s32 v8, v0;
	vm4 =	vlt.u32 v23, $0x7A20;
	[tilespmem:v12+s21+$0x0] =	vst.idx.msk vm8, v9;
	v9 =	vadd.s32 $0x50, v6  }
0x185: {  	v17 =	vsub.s32 v17, v0;
	vm5 =	vlt.u32 v8, $0x7A20;
	[tilespmem:v11+s21+$0x0] =	vst.idx.msk vm9, v9;
	v9 =	vadd.s32 $0x60, v6  }
0x186: {  	v18 =	vsub.s32 v18, v0;
	vm6 =	vlt.u32 v17, $0x7A20;
	v11 =	vadd.s32 $0x70, v6;
	[tilespmem:v10+s21+$0x0] =	vst.idx.msk vm1, v9  }
0x187: {  	v19 =	vsub.s32 v19, v0;
	v20 =	vsub.s32 v20, v0;
	v12 =	vadd.s32 $0x80, v6;
	[tilespmem:v31+s21+$0x0] =	vst.idx.msk vm0, v11  }
0x188: {  	v15 =	vadd.s32 $0xB0, v6;
	v14 =	vadd.s32 $0xA0, v6;
	v13 =	vadd.s32 $0x90, v6;
	[tilespmem:v63+s21+$0x0] =	vst.idx.msk vm2, v12  }
0x189: {  	vm7 =	vlt.u32 v18, $0x7A20;
	vm8 =	vlt.u32 v20, $0x7A20;
	v9 =	vsub.s32 v16, v0;
	[tilespmem:v22+s21+$0x0] =	vst.idx.msk vm3, v13  }
0x18a: {  	vm9 =	vlt.u32 v19, $0x7A20;
	v10 =	vsub.s32 v32, v0;
	v16 =	vsub.s32 v28, v0;
	[tilespmem:v23+s21+$0x0] =	vst.idx.msk vm4, v14  }
0x18b: {  	vm0 =	vlt.u32 v9, $0x7A20;
	v11 =	vsub.s32 v33, v0;
	[tilespmem:v8+s21+$0x0] =	vst.idx.msk vm5, v15;
	v8 =	vadd.s32 $0xC0, v6  }
0x18c: {  	vm1 =	vlt.u32 v10, $0x7A20;
	v12 =	vsub.s32 v24, v0;
	[tilespmem:v17+s21+$0x0] =	vst.idx.msk vm6, v8;
	v17 =	vsub.s32 v30, v0  }
0x18d: {  	vm2 =	vlt.u32 v11, $0x7A20;
	v13 =	vsub.s32 v25, v0;
	vm13 =	vlt.u32 v17, $0x7A20  }
0x18e: {  	vm3 =	vlt.u32 v12, $0x7A20;
	v14 =	vsub.s32 v26, v0;
	v8 =	vadd.s32 $0xD0, v6  }
0x18f: {  	vm4 =	vlt.u32 v13, $0x7A20;
	v15 =	vsub.s32 v27, v0;
	[tilespmem:v18+s21+$0x0] =	vst.idx.msk vm7, v8;
	v8 =	vadd.s32 $0xE0, v6  }
0x190: {  	vm5 =	vlt.u32 v14, $0x7A20;
	vm6 =	vlt.u32 v15, $0x7A20;
	[tilespmem:v19+s21+$0x0] =	vst.idx.msk vm9, v8;
	v8 =	vadd.s32 $0xF0, v6  }
0x191: {  	s12 =	simm.s32 $0x190;
	vm7 =	vlt.u32 v16, $0x7A20;
	v18 =	vadd.s32 $0x100, v6;
	[tilespmem:v20+s21+$0x0] =	vst.idx.msk vm8, v8;
	v8 =	vadd.s32 $0x190, v6  }
.LBB2_9:
0x192: {  	p0 =	sne.s32 s12, $0x2580  }
0x193: {  	v19 =	vadd.s32 $0x110, v8;
	[tilespmem:v17+s21+$0x0] =	vst.idx.msk vm13, v18;
	s11 =	sadd.s32 $0x190, s11;
	s13 =	smov.u32 s12;
	s12 =	sadd.s32 $0x190, s12  }
0x194: {  	[tilespmem:v9+s21+$0x0] =	vst.idx.msk vm0, v7;
	v9 =	vadd.s32 $0x120, v6;
	v7 =	vmov v19  }
0x195: {  	[tilespmem:v10+s21+$0x0] =	vst.idx.msk vm1, v9;
	v9 =	vadd.s32 $0x130, v6  }
0x196: {  	[tilespmem:v11+s21+$0x0] =	vst.idx.msk vm2, v9;
	v9 =	vadd.s32 $0x140, v6  }
0x197: {  	[tilespmem:v12+s21+$0x0] =	vst.idx.msk vm3, v9;
	v9 =	vadd.s32 $0x150, v6  }
0x198: {  	[tilespmem:v13+s21+$0x0] =	vst.idx.msk vm4, v9;
	v9 =	vadd.s32 $0x160, v6  }
0x199: {  	[tilespmem:v14+s21+$0x0] =	vst.idx.msk vm5, v9;
	v9 =	vadd.s32 $0x170, v6  }
0x19a: {  	[tilespmem:v15+s21+$0x0] =	vst.idx.msk vm6, v9;
	v9 =	vadd.s32 $0x180, v6;
	v6 =	vmov v8  }
0x19b: {  	[tilespmem:v16+s21+$0x0] =	vst.idx.msk vm7, v9  }
0x19c: {  	v9 =	vld [tilespmem:s11+$0xFFFFFFF0]  }
0x19d: {  	v10 =	vld [tilespmem:s11+$0xFFFFFFB0]  }
0x19e: {  	v11 =	vld [tilespmem:s11+$0xFFFFFFA0]  }
0x19f: {  	v12 =	vld [tilespmem:s11+$0xFFFFFF90]  }
0x1a0: {  	v13 =	vld [tilespmem:s11+$0xFFFFFF80]  }
0x1a1: {  	v14 =	vld [tilespmem:s11+$0xFFFFFF70]  }
0x1a2: {  	v15 =	vld [tilespmem:s11+$0xFFFFFF60]  }
0x1a3: {  	v16 =	vld [tilespmem:s11+$0xFFFFFF50]  }
0x1a4: {  	v17 =	vld [tilespmem:s11+$0x50]  }
0x1a5: {  	v18 =	vld [tilespmem:s11+$0x0]  }
0x1a6: {  	v19 =	vld [tilespmem:s11+$0x10]  }
0x1a7: {  	v20 =	vld [tilespmem:s11+$0x20]  }
0x1a8: {  	s13 =	sand.u32 $0x3FF0, s13;
	v15 =	vsub.s32 v15, v0;
	v21 =	vld [tilespmem:s11+$0x30]  }
0x1a9: {  	v14 =	vsub.s32 v14, v0;
	vm5 =	vlt.u32 v15, $0x7A20;
	v22 =	vld [tilespmem:s11+$0xFFFFFF40]  }
0x1aa: {  	v13 =	vsub.s32 v13, v0;
	vm0 =	vlt.u32 v14, $0x7A20;
	v23 =	vld [tilespmem:s11+$0xFFFFFFD0]  }
0x1ab: {  	v24 =	vsub.s32 v12, v0;
	vm1 =	vlt.u32 v13, $0x7A20;
	v16 =	vsub.s32 v16, v0;
	v12 =	vld [tilespmem:s11+$0xFFFFFFE0]  }
0x1ac: {  	v25 =	vsub.s32 v11, v0;
	vm2 =	vlt.u32 v24, $0x7A20;
	v26 =	vld [tilespmem:s11+$0x80]  }
0x1ad: {  	v27 =	vsub.s32 v10, v0;
	vm3 =	vlt.u32 v25, $0x7A20;
	v28 =	vld [tilespmem:s11+$0x90]  }
0x1ae: {  	vm4 =	vlt.u32 v27, $0x7A20;
	vm12 =	vlt.u32 v16, $0x7A20;
	v10 =	vsub.s32 v22, v0;
	v22 =	vld [tilespmem:s11+$0xA0]  }
0x1af: {  	v23 =	vsub.s32 v23, v0;
	v29 =	vld [tilespmem:s11+$0xB0];
	vm11 =	vlt.u32 v10, $0x7A20  }
0x1b0: {  	v30 =	vsub.s32 v12, v0;
	v31 =	vld [tilespmem:s13+$0xD80];
	vm6 =	vlt.u32 v23, $0x7A20  }
0x1b1: {  	v32 =	vsub.s32 v9, v0;
	v11 =	vld [tilespmem:s13+$0xC80];
	vm7 =	vlt.u32 v30, $0x7A20  }
0x1b2: {  	vm8 =	vlt.u32 v32, $0x7A20;
	v18 =	vsub.s32 v18, v0;
	v33 =	vld [tilespmem:s13+$0xD00]  }
0x1b3: {  	v19 =	vsub.s32 v19, v0;
	vm9 =	vlt.u32 v18, $0x7A20;
	v12 =	vld [tilespmem:s11+$0x60]  }
0x1b4: {  	v35 =	vadd.s32 $0xA0, v8;
	v20 =	vsub.s32 v20, v0;
	vm10 =	vlt.u32 v19, $0x7A20;
	v34 =	vld [tilespmem:s11+$0x70]  }
0x1b5: {  	v9 =	vadd.s32 $0x10, v8;
	v21 =	vsub.s32 v21, v0;
	[tilespmem:v10+s21+$0x0] =	vst.idx.msk vm11, v8;
	vm11 =	vlt.u32 v20, $0x7A20  }
0x1b6: {  	v10 =	vadd.s32 $0x20, v8;
	v36 =	vsub.s32 v11, v0;
	[tilespmem:v16+s21+$0x0] =	vst.idx.msk vm12, v9;
	vm12 =	vlt.u32 v21, $0x7A20  }
0x1b7: {  	v9 =	vsub.s32 v17, v0;
	v11 =	vadd.s32 $0x30, v8;
	[tilespmem:v15+s21+$0x0] =	vst.idx.msk vm5, v10;
	vm5 =	vlt.u32 v36, $0x7A20  }
0x1b8: {  	v10 =	vsub.s32 v12, v0;
	[tilespmem:v14+s21+$0x0] =	vst.idx.msk vm0, v11;
	v12 =	vadd.s32 $0x40, v8;
	vm0 =	vlt.u32 v9, $0x7A20  }
0x1b9: {  	v11 =	vsub.s32 v34, v0;
	[tilespmem:v13+s21+$0x0] =	vst.idx.msk vm1, v12;
	v13 =	vadd.s32 $0x50, v8;
	vm1 =	vlt.u32 v10, $0x7A20  }
0x1ba: {  	v14 =	vadd.s32 $0x60, v8;
	v12 =	vsub.s32 v26, v0;
	[tilespmem:v24+s21+$0x0] =	vst.idx.msk vm2, v13;
	vm2 =	vlt.u32 v11, $0x7A20  }
0x1bb: {  	v15 =	vadd.s32 $0x70, v8;
	v13 =	vsub.s32 v28, v0;
	[tilespmem:v25+s21+$0x0] =	vst.idx.msk vm3, v14;
	vm3 =	vlt.u32 v12, $0x7A20  }
0x1bc: {  	v16 =	vadd.s32 $0x80, v8;
	v14 =	vsub.s32 v22, v0;
	[tilespmem:v27+s21+$0x0] =	vst.idx.msk vm4, v15;
	vm4 =	vlt.u32 v13, $0x7A20  }
0x1bd: {  	v22 =	vadd.s32 $0x90, v8;
	v15 =	vsub.s32 v29, v0;
	[tilespmem:v36+s21+$0x0] =	vst.idx.msk vm5, v16;
	vm5 =	vlt.u32 v14, $0x7A20  }
0x1be: {  	v17 =	vsub.s32 v33, v0;
	v16 =	vsub.s32 v31, v0;
	[tilespmem:v23+s21+$0x0] =	vst.idx.msk vm6, v22;
	vm6 =	vlt.u32 v15, $0x7A20  }
0x1bf: {  	vm13 =	vlt.u32 v17, $0x7A20;
	v22 =	vadd.s32 $0xB0, v8;
	[tilespmem:v30+s21+$0x0] =	vst.idx.msk vm7, v35;
	vm7 =	vlt.u32 v16, $0x7A20  }
.Ltmp3:
0x1c0: {  	[tilespmem:v32+s21+$0x0] =	vst.idx.msk vm8, v22;
	v22 =	vadd.s32 $0xC0, v8;
	(pc) =	sbr.rel @p0 .LBB2_9-.Ltmp3, $4  }
0x1c1: {  	[tilespmem:v18+s21+$0x0] =	vst.idx.msk vm9, v22;
	v18 =	vadd.s32 $0xD0, v8  }
0x1c2: {  	[tilespmem:v19+s21+$0x0] =	vst.idx.msk vm10, v18;
	v18 =	vadd.s32 $0xE0, v8  }
0x1c3: {  	[tilespmem:v20+s21+$0x0] =	vst.idx.msk vm11, v18;
	v18 =	vadd.s32 $0xF0, v8  }
0x1c4: {  	v8 =	vadd.s32 $0x190, v8;
	[tilespmem:v21+s21+$0x0] =	vst.idx.msk vm12, v18;
	v18 =	vadd.s32 $0x100, v6  }
0x1c5: {  	_ =	sdelay $0x4  }
0x1c6: {  	[tilespmem:v17+s21+$0x0] =	vst.idx.msk vm13, v18  }
0x1c7: {  	[tilespmem:v9+s21+$0x0] =	vst.idx.msk vm0, v7;
	v7 =	vadd.s32 $0x120, v6  }
0x1c8: {  	[tilespmem:v10+s21+$0x0] =	vst.idx.msk vm1, v7;
	v7 =	vadd.s32 $0x130, v6  }
0x1c9: {  	[tilespmem:v11+s21+$0x0] =	vst.idx.msk vm2, v7;
	v7 =	vadd.s32 $0x140, v6  }
0x1ca: {  	[tilespmem:v12+s21+$0x0] =	vst.idx.msk vm3, v7;
	v7 =	vadd.s32 $0x150, v6  }
0x1cb: {  	p0 =	seq.s32 s31, $0x31;
	[tilespmem:v13+s21+$0x0] =	vst.idx.msk vm4, v7;
	v7 =	vadd.s32 $0x160, v6  }
0x1cc: {  	s5 =	sshrl.u32 @!p0 s5, $0x3;
	[tilespmem:v14+s21+$0x0] =	vst.idx.msk vm5, v7;
	v7 =	vadd.s32 $0x170, v6  }
0x1cd: {  	s5 =	sadd.s32 @!p0 s8, s5;
	v6 =	vadd.s32 $0x180, v6;
	[tilespmem:v15+s21+$0x0] =	vst.idx.msk vm6, v7  }
0x1ce: {  	s11 =	simm.s32 @!p0 $0x0;
	s12 =	simm.s32 @!p0 $0xC00;
	s5 =	sadd.s32 @!p0 $0x9C4, s5;
	[tilespmem:v16+s21+$0x0] =	vst.idx.msk vm7, v6  }
0x1cf: {  	[tilespmem:s12], [sflag:$0x1] =	stream.linear.gather @!p0 [hbm4b:s5+s11], $0x2710, $0x38;
	[tilespmem:$0x1CE00] =	vst v63  }
0x1d0: {  	_ =	swait.ge [sflag:s22], $0x2710  }
0x1d1: {  	[sflag:s22] =	ssyncset.done $0x0  }
0x1d2: {  	s5 =	simm.s32 $0x3440;
	[sflag:s22] =	ssyncadd.s32 $0xFFFFD8F0  }
0x1d3: {  	v8 =	vld [tilespmem:s5+$0xFFFFFFF0]  }
0x1d4: {  	v9 =	vld [tilespmem:s5+$0xFFFFFFB0]  }
0x1d5: {  	v10 =	vld [tilespmem:s5+$0xFFFFFFA0]  }
0x1d6: {  	v11 =	vld [tilespmem:s5+$0xFFFFFF90]  }
0x1d7: {  	v12 =	vld [tilespmem:s5+$0xFFFFFF80]  }
0x1d8: {  	v13 =	vld [tilespmem:s5+$0xFFFFFF70]  }
0x1d9: {  	v14 =	vld [tilespmem:s5+$0xFFFFFF60]  }
0x1da: {  	v15 =	vld [tilespmem:s5+$0xFFFFFF50]  }
0x1db: {  	v16 =	vld [tilespmem:s5+$0x50]  }
0x1dc: {  	v17 =	vld [tilespmem:s5+$0x0]  }
0x1dd: {  	v18 =	vld [tilespmem:s5+$0x10]  }
0x1de: {  	v19 =	vld [tilespmem:s5+$0x20]  }
0x1df: {  	v21 =	vld [tilespmem:s5+$0xFFFFFF40]  }
0x1e0: {  	v20 =	vld [tilespmem:s5+$0x30]  }
0x1e1: {  	v22 =	vld [tilespmem:s5+$0xFFFFFFD0]  }
0x1e2: {  	v23 =	vld [tilespmem:s5+$0xFFFFFFE0]  }
0x1e3: {  	v24 =	vld [tilespmem:s5+$0x80]  }
0x1e4: {  	v25 =	vld [tilespmem:s5+$0x90];
	v21 =	vsub.s32 v21, v0  }
0x1e5: {  	s13 =	simm.s32 $0x0;
	v26 =	vld [tilespmem:s5+$0xA0];
	v15 =	vsub.s32 v15, v0;
	vm2 =	vlt.u32 v21, $0x7A20  }
0x1e6: {  	v6 =	vor.u32 s0, v1;
	s0 =	sand.u32 $0x3FF0, s13;
	v27 =	vld [tilespmem:s5+$0xB0];
	v14 =	vsub.s32 v14, v0;
	vm5 =	vlt.u32 v15, $0x7A20  }
0x1e7: {  	v29 =	vld [tilespmem:s0+$0x3400];
	v13 =	vsub.s32 v13, v0;
	vm6 =	vlt.u32 v14, $0x7A20  }
0x1e8: {  	v28 =	vld [tilespmem:s0+$0x3500];
	v12 =	vsub.s32 v12, v0;
	vm7 =	vlt.u32 v13, $0x7A20  }
0x1e9: {  	v30 =	vld [tilespmem:s0+$0x3480];
	v11 =	vsub.s32 v11, v0;
	vm8 =	vlt.u32 v12, $0x7A20  }
0x1ea: {  	v7 =	vadd.s32 $0x110, v6;
	v32 =	vld [tilespmem:s5+$0x60];
	v10 =	vsub.s32 v10, v0;
	vm9 =	vlt.u32 v11, $0x7A20  }
0x1eb: {  	v33 =	vld [tilespmem:s5+$0x70];
	v31 =	vsub.s32 v9, v0;
	v9 =	vadd.s32 $0x10, v6;
	vm1 =	vlt.u32 v10, $0x7A20;
	[tilespmem:v21+s21+$0x0] =	vst.idx.msk vm2, v6  }
0x1ec: {  	v63 =	vsub.s32 v29, v0;
	vm0 =	vlt.u32 v31, $0x7A20;
	[tilespmem:v15+s21+$0x0] =	vst.idx.msk vm5, v9;
	v9 =	vadd.s32 $0x20, v6  }
0x1ed: {  	v22 =	vsub.s32 v22, v0;
	vm2 =	vlt.u32 v63, $0x7A20;
	[tilespmem:v14+s21+$0x0] =	vst.idx.msk vm6, v9;
	v9 =	vadd.s32 $0x30, v6  }
0x1ee: {  	v23 =	vsub.s32 v23, v0;
	vm3 =	vlt.u32 v22, $0x7A20;
	[tilespmem:v13+s21+$0x0] =	vst.idx.msk vm7, v9;
	v9 =	vadd.s32 $0x40, v6  }
0x1ef: {  	v8 =	vsub.s32 v8, v0;
	vm4 =	vlt.u32 v23, $0x7A20;
	[tilespmem:v12+s21+$0x0] =	vst.idx.msk vm8, v9;
	v9 =	vadd.s32 $0x50, v6  }
0x1f0: {  	v17 =	vsub.s32 v17, v0;
	vm5 =	vlt.u32 v8, $0x7A20;
	[tilespmem:v11+s21+$0x0] =	vst.idx.msk vm9, v9;
	v9 =	vadd.s32 $0x60, v6  }
0x1f1: {  	v18 =	vsub.s32 v18, v0;
	vm6 =	vlt.u32 v17, $0x7A20;
	v11 =	vadd.s32 $0x70, v6;
	[tilespmem:v10+s21+$0x0] =	vst.idx.msk vm1, v9  }
0x1f2: {  	v19 =	vsub.s32 v19, v0;
	v20 =	vsub.s32 v20, v0;
	v12 =	vadd.s32 $0x80, v6;
	[tilespmem:v31+s21+$0x0] =	vst.idx.msk vm0, v11  }
0x1f3: {  	v15 =	vadd.s32 $0xB0, v6;
	v14 =	vadd.s32 $0xA0, v6;
	v13 =	vadd.s32 $0x90, v6;
	[tilespmem:v63+s21+$0x0] =	vst.idx.msk vm2, v12  }
0x1f4: {  	vm7 =	vlt.u32 v18, $0x7A20;
	vm8 =	vlt.u32 v20, $0x7A20;
	v9 =	vsub.s32 v16, v0;
	[tilespmem:v22+s21+$0x0] =	vst.idx.msk vm3, v13  }
0x1f5: {  	vm9 =	vlt.u32 v19, $0x7A20;
	v10 =	vsub.s32 v32, v0;
	v16 =	vsub.s32 v28, v0;
	[tilespmem:v23+s21+$0x0] =	vst.idx.msk vm4, v14  }
0x1f6: {  	vm0 =	vlt.u32 v9, $0x7A20;
	v11 =	vsub.s32 v33, v0;
	[tilespmem:v8+s21+$0x0] =	vst.idx.msk vm5, v15;
	v8 =	vadd.s32 $0xC0, v6  }
0x1f7: {  	vm1 =	vlt.u32 v10, $0x7A20;
	v12 =	vsub.s32 v24, v0;
	[tilespmem:v17+s21+$0x0] =	vst.idx.msk vm6, v8;
	v17 =	vsub.s32 v30, v0  }
0x1f8: {  	vm2 =	vlt.u32 v11, $0x7A20;
	v13 =	vsub.s32 v25, v0;
	vm13 =	vlt.u32 v17, $0x7A20  }
0x1f9: {  	vm3 =	vlt.u32 v12, $0x7A20;
	v14 =	vsub.s32 v26, v0;
	v8 =	vadd.s32 $0xD0, v6  }
0x1fa: {  	vm4 =	vlt.u32 v13, $0x7A20;
	v15 =	vsub.s32 v27, v0;
	[tilespmem:v18+s21+$0x0] =	vst.idx.msk vm7, v8;
	v8 =	vadd.s32 $0xE0, v6  }
0x1fb: {  	vm5 =	vlt.u32 v14, $0x7A20;
	vm6 =	vlt.u32 v15, $0x7A20;
	[tilespmem:v19+s21+$0x0] =	vst.idx.msk vm9, v8;
	v8 =	vadd.s32 $0xF0, v6  }
0x1fc: {  	s0 =	simm.s32 $0x190;
	vm7 =	vlt.u32 v16, $0x7A20;
	v18 =	vadd.s32 $0x100, v6;
	[tilespmem:v20+s21+$0x0] =	vst.idx.msk vm8, v8;
	v8 =	vadd.s32 $0x190, v6  }
.LBB2_11:
0x1fd: {  	p0 =	sne.s32 s0, $0x2580  }
0x1fe: {  	v19 =	vadd.s32 $0x110, v8;
	[tilespmem:v17+s21+$0x0] =	vst.idx.msk vm13, v18;
	s5 =	sadd.s32 $0x190, s5;
	s11 =	smov.u32 s0;
	s0 =	sadd.s32 $0x190, s0  }
0x1ff: {  	[tilespmem:v9+s21+$0x0] =	vst.idx.msk vm0, v7;
	v9 =	vadd.s32 $0x120, v6;
	v7 =	vmov v19  }
0x200: {  	[tilespmem:v10+s21+$0x0] =	vst.idx.msk vm1, v9;
	v9 =	vadd.s32 $0x130, v6  }
0x201: {  	[tilespmem:v11+s21+$0x0] =	vst.idx.msk vm2, v9;
	v9 =	vadd.s32 $0x140, v6  }
0x202: {  	[tilespmem:v12+s21+$0x0] =	vst.idx.msk vm3, v9;
	v9 =	vadd.s32 $0x150, v6  }
0x203: {  	[tilespmem:v13+s21+$0x0] =	vst.idx.msk vm4, v9;
	v9 =	vadd.s32 $0x160, v6  }
0x204: {  	[tilespmem:v14+s21+$0x0] =	vst.idx.msk vm5, v9;
	v9 =	vadd.s32 $0x170, v6  }
0x205: {  	[tilespmem:v15+s21+$0x0] =	vst.idx.msk vm6, v9;
	v9 =	vadd.s32 $0x180, v6;
	v6 =	vmov v8  }
0x206: {  	[tilespmem:v16+s21+$0x0] =	vst.idx.msk vm7, v9  }
0x207: {  	v9 =	vld [tilespmem:s5+$0xFFFFFFF0]  }
0x208: {  	v10 =	vld [tilespmem:s5+$0xFFFFFFB0]  }
0x209: {  	v11 =	vld [tilespmem:s5+$0xFFFFFFA0]  }
0x20a: {  	v12 =	vld [tilespmem:s5+$0xFFFFFF90]  }
0x20b: {  	v13 =	vld [tilespmem:s5+$0xFFFFFF80]  }
0x20c: {  	v14 =	vld [tilespmem:s5+$0xFFFFFF70]  }
0x20d: {  	v15 =	vld [tilespmem:s5+$0xFFFFFF60]  }
0x20e: {  	v16 =	vld [tilespmem:s5+$0xFFFFFF50]  }
0x20f: {  	v17 =	vld [tilespmem:s5+$0x50]  }
0x210: {  	v18 =	vld [tilespmem:s5+$0x0]  }
0x211: {  	v19 =	vld [tilespmem:s5+$0x10]  }
0x212: {  	v20 =	vld [tilespmem:s5+$0x20]  }
0x213: {  	s11 =	sand.u32 $0x3FF0, s11;
	v15 =	vsub.s32 v15, v0;
	v21 =	vld [tilespmem:s5+$0x30]  }
0x214: {  	v14 =	vsub.s32 v14, v0;
	vm5 =	vlt.u32 v15, $0x7A20;
	v22 =	vld [tilespmem:s5+$0xFFFFFF40]  }
0x215: {  	v13 =	vsub.s32 v13, v0;
	vm0 =	vlt.u32 v14, $0x7A20;
	v23 =	vld [tilespmem:s5+$0xFFFFFFD0]  }
0x216: {  	v24 =	vsub.s32 v12, v0;
	vm1 =	vlt.u32 v13, $0x7A20;
	v16 =	vsub.s32 v16, v0;
	v12 =	vld [tilespmem:s5+$0xFFFFFFE0]  }
0x217: {  	v25 =	vsub.s32 v11, v0;
	vm2 =	vlt.u32 v24, $0x7A20;
	v26 =	vld [tilespmem:s5+$0x80]  }
0x218: {  	v27 =	vsub.s32 v10, v0;
	vm3 =	vlt.u32 v25, $0x7A20;
	v28 =	vld [tilespmem:s5+$0x90]  }
0x219: {  	vm4 =	vlt.u32 v27, $0x7A20;
	vm12 =	vlt.u32 v16, $0x7A20;
	v10 =	vsub.s32 v22, v0;
	v22 =	vld [tilespmem:s5+$0xA0]  }
0x21a: {  	v23 =	vsub.s32 v23, v0;
	v29 =	vld [tilespmem:s5+$0xB0];
	vm11 =	vlt.u32 v10, $0x7A20  }
0x21b: {  	v30 =	vsub.s32 v12, v0;
	v31 =	vld [tilespmem:s11+$0x3500];
	vm6 =	vlt.u32 v23, $0x7A20  }
0x21c: {  	v32 =	vsub.s32 v9, v0;
	v11 =	vld [tilespmem:s11+$0x3400];
	vm7 =	vlt.u32 v30, $0x7A20  }
0x21d: {  	vm8 =	vlt.u32 v32, $0x7A20;
	v18 =	vsub.s32 v18, v0;
	v33 =	vld [tilespmem:s11+$0x3480]  }
0x21e: {  	v19 =	vsub.s32 v19, v0;
	vm9 =	vlt.u32 v18, $0x7A20;
	v12 =	vld [tilespmem:s5+$0x60]  }
0x21f: {  	v35 =	vadd.s32 $0xA0, v8;
	v20 =	vsub.s32 v20, v0;
	vm10 =	vlt.u32 v19, $0x7A20;
	v34 =	vld [tilespmem:s5+$0x70]  }
0x220: {  	v9 =	vadd.s32 $0x10, v8;
	v21 =	vsub.s32 v21, v0;
	[tilespmem:v10+s21+$0x0] =	vst.idx.msk vm11, v8;
	vm11 =	vlt.u32 v20, $0x7A20  }
0x221: {  	v10 =	vadd.s32 $0x20, v8;
	v36 =	vsub.s32 v11, v0;
	[tilespmem:v16+s21+$0x0] =	vst.idx.msk vm12, v9;
	vm12 =	vlt.u32 v21, $0x7A20  }
0x222: {  	v9 =	vsub.s32 v17, v0;
	v11 =	vadd.s32 $0x30, v8;
	[tilespmem:v15+s21+$0x0] =	vst.idx.msk vm5, v10;
	vm5 =	vlt.u32 v36, $0x7A20  }
0x223: {  	v10 =	vsub.s32 v12, v0;
	[tilespmem:v14+s21+$0x0] =	vst.idx.msk vm0, v11;
	v12 =	vadd.s32 $0x40, v8;
	vm0 =	vlt.u32 v9, $0x7A20  }
0x224: {  	v11 =	vsub.s32 v34, v0;
	[tilespmem:v13+s21+$0x0] =	vst.idx.msk vm1, v12;
	v13 =	vadd.s32 $0x50, v8;
	vm1 =	vlt.u32 v10, $0x7A20  }
0x225: {  	v14 =	vadd.s32 $0x60, v8;
	v12 =	vsub.s32 v26, v0;
	[tilespmem:v24+s21+$0x0] =	vst.idx.msk vm2, v13;
	vm2 =	vlt.u32 v11, $0x7A20  }
0x226: {  	v15 =	vadd.s32 $0x70, v8;
	v13 =	vsub.s32 v28, v0;
	[tilespmem:v25+s21+$0x0] =	vst.idx.msk vm3, v14;
	vm3 =	vlt.u32 v12, $0x7A20  }
0x227: {  	v16 =	vadd.s32 $0x80, v8;
	v14 =	vsub.s32 v22, v0;
	[tilespmem:v27+s21+$0x0] =	vst.idx.msk vm4, v15;
	vm4 =	vlt.u32 v13, $0x7A20  }
0x228: {  	v22 =	vadd.s32 $0x90, v8;
	v15 =	vsub.s32 v29, v0;
	[tilespmem:v36+s21+$0x0] =	vst.idx.msk vm5, v16;
	vm5 =	vlt.u32 v14, $0x7A20  }
0x229: {  	v17 =	vsub.s32 v33, v0;
	v16 =	vsub.s32 v31, v0;
	[tilespmem:v23+s21+$0x0] =	vst.idx.msk vm6, v22;
	vm6 =	vlt.u32 v15, $0x7A20  }
0x22a: {  	vm13 =	vlt.u32 v17, $0x7A20;
	v22 =	vadd.s32 $0xB0, v8;
	[tilespmem:v30+s21+$0x0] =	vst.idx.msk vm7, v35;
	vm7 =	vlt.u32 v16, $0x7A20  }
.Ltmp4:
0x22b: {  	[tilespmem:v32+s21+$0x0] =	vst.idx.msk vm8, v22;
	v22 =	vadd.s32 $0xC0, v8;
	(pc) =	sbr.rel @p0 .LBB2_11-.Ltmp4, $4  }
0x22c: {  	[tilespmem:v18+s21+$0x0] =	vst.idx.msk vm9, v22;
	v18 =	vadd.s32 $0xD0, v8  }
0x22d: {  	[tilespmem:v19+s21+$0x0] =	vst.idx.msk vm10, v18;
	v18 =	vadd.s32 $0xE0, v8  }
0x22e: {  	[tilespmem:v20+s21+$0x0] =	vst.idx.msk vm11, v18;
	v18 =	vadd.s32 $0xF0, v8  }
0x22f: {  	v8 =	vadd.s32 $0x190, v8;
	[tilespmem:v21+s21+$0x0] =	vst.idx.msk vm12, v18;
	v18 =	vadd.s32 $0x100, v6  }
0x230: {  	_ =	sdelay $0x4  }
0x231: {  	[tilespmem:v17+s21+$0x0] =	vst.idx.msk vm13, v18  }
0x232: {  	[tilespmem:v9+s21+$0x0] =	vst.idx.msk vm0, v7;
	v7 =	vadd.s32 $0x120, v6  }
0x233: {  	s31 =	sadd.s32 $0x1, s31;
	[tilespmem:v10+s21+$0x0] =	vst.idx.msk vm1, v7;
	v7 =	vadd.s32 $0x130, v6  }
0x234: {  	p0 =	sne.s32 s31, $0x32;
	[tilespmem:v11+s21+$0x0] =	vst.idx.msk vm2, v7;
	v7 =	vadd.s32 $0x140, v6  }
.Ltmp5:
0x235: {  	[tilespmem:v12+s21+$0x0] =	vst.idx.msk vm3, v7;
	v7 =	vadd.s32 $0x150, v6;
	(pc) =	sbr.rel @p0 .LBB2_8-.Ltmp5, $4  }
0x236: {  	[tilespmem:v13+s21+$0x0] =	vst.idx.msk vm4, v7;
	v7 =	vadd.s32 $0x160, v6  }
0x237: {  	[tilespmem:v14+s21+$0x0] =	vst.idx.msk vm5, v7;
	v7 =	vadd.s32 $0x170, v6  }
0x238: {  	v6 =	vadd.s32 $0x180, v6;
	[tilespmem:v15+s21+$0x0] =	vst.idx.msk vm6, v7  }
0x239: {  	[tilespmem:v16+s21+$0x0] =	vst.idx.msk vm7, v6  }
0x23a: {  	v7 =	vlaneseq.u32  }
0x23b: {  	v6 =	vor.u32 $0x10, v7  }
0x23c: {  	[tilespmem:$0x11290] =	vst v6;
	v6 =	vor.u32 $0x20, v7  }
0x23d: {  	[tilespmem:$0x112A0] =	vst v6;
	v6 =	vor.u32 $0x30, v7  }
0x23e: {  	[tilespmem:$0x112B0] =	vst v6;
	v6 =	vor.u32 $0x40, v7  }
0x23f: {  	[tilespmem:$0x112C0] =	vst v6;
	v6 =	vor.u32 $0x50, v7  }
0x240: {  	[tilespmem:$0x112D0] =	vst v6;
	v6 =	vor.u32 $0x60, v7  }
0x241: {  	[tilespmem:$0x112E0] =	vst v6;
	v6 =	vor.u32 $0x70, v7  }
0x242: {  	s11 =	simm.s32 $0x0;
	[tilespmem:$0x112F0] =	vst v6  }
0x243: {  	v6 =	vld [tilespmem:s11+$0x5B70]  }
0x244: {  	v8 =	vld [tilespmem:s11+$0x5B00]  }
0x245: {  	v9 =	vld [tilespmem:s11+$0x5B10]  }
0x246: {  	v10 =	vld [tilespmem:s11+$0x5B20]  }
0x247: {  	v11 =	vld [tilespmem:s11+$0x5B30]  }
0x248: {  	v13 =	vadd.s32 $0x70, v7;
	v12 =	vld [tilespmem:s11+$0x5B40];
	vm0 =	vlt.s32 v6, $0x0  }
0x249: {  	v14 =	vld [tilespmem:s11+$0x5B50];
	v6 =	vsel vm0, v13, v6  }
0x24a: {  	s0 =	simm.s32 $0x80;
	v16 =	vld [tilespmem:s11+$0x5B60];
	[tilespmem:s11+$0xD5F0] =	vst v6  }
0x24b: {  	v17 =	vadd.s32 $0x10, v7;
	vm0 =	vlt.s32 v8, $0x0;
	v6 =	vld [tilespmem:s0+$0x5B70]  }
0x24c: {  	v19 =	vadd.s32 $0x80, v7;
	v8 =	vsel vm0, v7, v8;
	vm0 =	vlt.s32 v9, $0x0;
	v13 =	vld [tilespmem:s0+$0x5B00]  }
0x24d: {  	v15 =	vld [tilespmem:s0+$0x5B10];
	[tilespmem:s11+$0xD580] =	vst v8;
	v8 =	vsel vm0, v17, v9;
	v17 =	vadd.s32 $0x20, v7;
	vm0 =	vlt.s32 v10, $0x0  }
0x24e: {  	v9 =	vld [tilespmem:s0+$0x5B20];
	[tilespmem:s11+$0xD590] =	vst v8;
	v8 =	vsel vm0, v17, v10;
	v10 =	vadd.s32 $0x30, v7;
	vm0 =	vlt.s32 v11, $0x0  }
0x24f: {  	v17 =	vld [tilespmem:s0+$0x5B30];
	[tilespmem:s11+$0xD5A0] =	vst v8;
	v8 =	vsel vm0, v10, v11;
	v10 =	vadd.s32 $0x40, v7;
	vm0 =	vlt.s32 v12, $0x0  }
0x250: {  	v18 =	vld [tilespmem:s0+$0x5B40];
	[tilespmem:s11+$0xD5B0] =	vst v8;
	v8 =	vsel vm0, v10, v12;
	v10 =	vadd.s32 $0x70, v19;
	vm0 =	vlt.s32 v6, $0x0  }
0x251: {  	v20 =	vld [tilespmem:s0+$0x5B50];
	[tilespmem:s11+$0xD5C0] =	vst v8;
	v8 =	vsel vm0, v10, v6;
	v10 =	vadd.s32 $0x50, v7;
	vm0 =	vlt.s32 v14, $0x0  }
0x252: {  	s5 =	simm.s32 $0x100;
	v22 =	vadd.s32 $0x50, v19;
	vm1 =	vlt.s32 v16, $0x0;
	v6 =	vld [tilespmem:s0+$0x5B60];
	[tilespmem:s0+$0xD5F0] =	vst v8;
	v8 =	vsel vm0, v10, v14  }
0x253: {  	v11 =	vadd.s32 $0x10, v19;
	v7 =	vadd.s32 $0x60, v7;
	vm0 =	vlt.s32 v13, $0x0;
	v21 =	vld [tilespmem:s5+$0x5B70];
	[tilespmem:s11+$0xD5D0] =	vst v8  }
0x254: {  	v14 =	vadd.s32 $0x30, v19;
	v8 =	vsel vm0, v19, v13;
	vm0 =	vlt.s32 v15, $0x0;
	v10 =	vld [tilespmem:s5+$0x5B00]  }
0x255: {  	v13 =	vadd.s32 $0x20, v19;
	v12 =	vld [tilespmem:s5+$0x5B10];
	[tilespmem:s0+$0xD580] =	vst v8;
	v8 =	vsel vm0, v11, v15;
	vm0 =	vlt.s32 v9, $0x0  }
0x256: {  	v16 =	vsel vm1, v7, v16;
	v7 =	vadd.s32 $0x80, v19;
	v11 =	vld [tilespmem:s5+$0x5B20];
	[tilespmem:s0+$0xD590] =	vst v8;
	v8 =	vsel vm0, v13, v9  }
0x257: {  	v9 =	vadd.s32 $0x40, v19;
	vm0 =	vlt.s32 v17, $0x0;
	v13 =	vld [tilespmem:s5+$0x5B30];
	[tilespmem:s0+$0xD5A0] =	vst v8;
	v8 =	vadd.s32 $0x60, v19  }
0x258: {  	v14 =	vsel vm0, v14, v17;
	vm0 =	vlt.s32 v18, $0x0;
	v19 =	vadd.s32 $0x10, v7  }
0x259: {  	v17 =	vadd.s32 $0x20, v7;
	v9 =	vsel vm0, v9, v18;
	vm0 =	vlt.s32 v20, $0x0  }
0x25a: {  	v15 =	vld [tilespmem:s5+$0x5B40];
	[tilespmem:s0+$0xD5B0] =	vst v14;
	v18 =	vsel vm0, v22, v20;
	v20 =	vadd.s32 $0x70, v7;
	vm2 =	vlt.s32 v21, $0x0  }
0x25b: {  	vm0 =	vlt.s32 v6, $0x0;
	v14 =	vld [tilespmem:s5+$0x5B50];
	[tilespmem:s0+$0xD5C0] =	vst v9;
	vm1 =	vlt.s32 v10, $0x0;
	v22 =	vsel vm2, v20, v21  }
0x25c: {  	s12 =	simm.s32 $0x180;
	s30 =	simm.s32 $0x800;
	v9 =	vld [tilespmem:s5+$0x5B60];
	vm2 =	vlt.s32 v12, $0x0;
	v21 =	vadd.s32 $0x30, v7;
	v20 =	vadd.s32 $0x40, v7;
	[tilespmem:s5+$0xD5F0] =	vst v22  }
.LBB2_14:
0x25d: {  	p0 =	sne.s32 s30, $0xF200;
	v22 =	vld [tilespmem:s12+$0x5B70];
	vm3 =	vlt.s32 v11, $0x0;
	v23 =	vadd.s32 $0x50, v7;
	v24 =	vadd.s32 $0x60, v7;
	[tilespmem:s0+$0xD5D0] =	vst v18  }
0x25e: {  	v18 =	vsel vm1, v7, v10;
	v19 =	vsel vm2, v19, v12;
	v10 =	vld [tilespmem:s12+$0x5B00];
	vm1 =	vlt.s32 v13, $0x0;
	[tilespmem:s11+$0xD5E0] =	vst v16;
	s11 =	smov.u32 s0;
	s0 =	smov.u32 s5;
	s5 =	smov.u32 s12  }
0x25f: {  	v17 =	vsel vm3, v17, v11;
	v12 =	vld [tilespmem:s5+$0x5B10];
	[tilespmem:s0+$0xD580] =	vst v18;
	v21 =	vsel vm1, v21, v13;
	vm1 =	vlt.s32 v15, $0x0  }
.Ltmp6:
0x260: {  	v16 =	vsel vm0, v8, v6;
	v8 =	vmovc v24;
	v11 =	vld [tilespmem:s5+$0x5B20];
	[tilespmem:s0+$0xD590] =	vst v19;
	v20 =	vsel vm1, v20, v15;
	vm1 =	vlt.s32 v14, $0x0;
	(pc) =	sbr.rel @p0 .LBB2_14-.Ltmp6, $4  }
0x261: {  	v7 =	vadd.s32 $0x80, v7;
	v13 =	vld [tilespmem:s5+$0x5B30];
	[tilespmem:s0+$0xD5A0] =	vst v17;
	v18 =	vsel vm1, v23, v14;
	vm0 =	vlt.s32 v9, $0x0;
	v6 =	vmovc v9  }
0x262: {  	v19 =	vadd.s32 $0x10, v7;
	v9 =	vadd.s32 $0x70, v7;
	v15 =	vld [tilespmem:s5+$0x5B40];
	vm2 =	vlt.s32 v22, $0x0;
	[tilespmem:s0+$0xD5B0] =	vst v21  }
0x263: {  	v17 =	vadd.s32 $0x20, v7;
	v14 =	vld [tilespmem:s5+$0x5B50];
	vm1 =	vlt.s32 v10, $0x0;
	v22 =	vsel vm2, v9, v22;
	[tilespmem:s0+$0xD5C0] =	vst v20  }
0x264: {  	s12 =	sshra.s32 s30, $0x2;
	s30 =	sadd.s32 $0x200, s30;
	v21 =	vadd.s32 $0x30, v7;
	v20 =	vadd.s32 $0x40, v7;
	v9 =	vld [tilespmem:s5+$0x5B60];
	vm2 =	vlt.s32 v12, $0x0;
	[tilespmem:s5+$0xD5F0] =	vst v22  }
0x265: {  	v22 =	vld [tilespmem:s12+$0x5B70];
	[tilespmem:s0+$0xD5D0] =	vst v18  }
0x266: {  	v10 =	vsel vm1, v7, v10;
	v18 =	vld [tilespmem:s12+$0x5B00];
	[tilespmem:s11+$0xD5E0] =	vst v16  }
0x267: {  	v47 =	vsel vm2, v19, v12;
	vm14 =	vlt.s32 v11, $0x0;
	v16 =	vld [tilespmem:s12+$0x5B10];
	[tilespmem:s5+$0xD580] =	vst v10  }
0x268: {  	v49 =	vsel vm14, v17, v11;
	vm15 =	vlt.s32 v13, $0x0;
	v48 =	vld [tilespmem:s12+$0x5B20];
	[tilespmem:s5+$0xD590] =	vst v47  }
0x269: {  	v54 =	vadd.s32 $0x80, v7;
	v51 =	vsel vm15, v21, v13;
	vm4 =	vlt.s32 v15, $0x0;
	v50 =	vld [tilespmem:s12+$0x5B30];
	[tilespmem:s5+$0xD5A0] =	vst v49  }
0x26a: {  	v56 =	vadd.s32 $0x70, v54;
	v53 =	vsel vm4, v20, v15;
	v52 =	vld [tilespmem:s12+$0x5B40];
	[tilespmem:s5+$0xD5B0] =	vst v51;
	vm5 =	vlt.s32 v22, $0x0  }
0x26b: {  	v57 =	vadd.s32 $0x50, v7;
	vm6 =	vlt.s32 v14, $0x0;
	v55 =	vld [tilespmem:s12+$0x5B50];
	[tilespmem:s5+$0xD5C0] =	vst v53;
	v19 =	vsel vm5, v56, v22  }
0x26c: {  	v10 =	vsel vm6, v57, v14;
	[tilespmem:s12+$0xD5F0] =	vst v19  }
0x26d: {  	v6 =	vsel vm0, v8, v6;
	vm7 =	vlt.s32 v18, $0x0;
	v58 =	vld [tilespmem:s12+$0x5B60];
	[tilespmem:s5+$0xD5D0] =	vst v10  }
0x26e: {  	v59 =	vadd.s32 $0x10, v54;
	vm8 =	vlt.s32 v16, $0x0;
	v60 =	vsel vm7, v54, v18;
	[tilespmem:s0+$0xD5E0] =	vst v6  }
0x26f: {  	vm9 =	vlt.s32 v48, $0x0;
	v8 =	vsel vm8, v59, v16;
	v6 =	vadd.s32 $0x20, v54;
	[tilespmem:s12+$0xD580] =	vst v60  }
0x270: {  	v61 =	vadd.s32 $0x30, v54;
	vm10 =	vlt.s32 v50, $0x0;
	v6 =	vsel vm9, v6, v48;
	[tilespmem:s12+$0xD590] =	vst v8  }
0x271: {  	v62 =	vadd.s32 $0x40, v54;
	v10 =	vsel vm10, v61, v50;
	vm11 =	vlt.s32 v52, $0x0;
	[tilespmem:s12+$0xD5A0] =	vst v6  }
0x272: {  	v6 =	vadd.s32 $0x50, v54;
	v8 =	vsel vm11, v62, v52;
	vm12 =	vlt.s32 v55, $0x0;
	[tilespmem:s12+$0xD5B0] =	vst v10  }
0x273: {  	v7 =	vadd.s32 $0x60, v7;
	vm13 =	vlt.s32 v9, $0x0;
	v6 =	vsel vm12, v6, v55;
	[tilespmem:s12+$0xD5C0] =	vst v8  }
0x274: {  	v63 =	vadd.s32 $0x60, v54;
	v7 =	vsel vm13, v7, v9;
	vm14 =	vlt.s32 v58, $0x0;
	[tilespmem:s12+$0xD5D0] =	vst v6  }
0x275: {  	v6 =	vsel vm14, v63, v58;
	[tilespmem:s5+$0xD5E0] =	vst v7  }
0x276: {  	[tilespmem:s12+$0xD5E0] =	vst v6  }
0x277: {  	v6 =	vld [tilespmem:$0x9800];
	_ =	sdelay $0x4  }
0x278: {  	v7 =	vadd.s32 $0x80, v54;
	vm15 =	vlt.s32 v6, $0x0  }
0x279: {  	s11 =	simm.s32 $0x11580;
	v6 =	vsel vm15, v7, v6  }
0x27a: {  	s0 =	simm.s32 $0x0;
	s5 =	simm.s32 $0x200;
	s12 =	simm.s32 $0xD580;
	[tilespmem:$0x11280] =	vst v6  }
.LBB2_16:
0x27b: {  	[tilespmem:s11], [sflag:$0x1] =	stream.indirect.gather [hbm4b:s6+s23], $0x1, s12, s23, $0xb8;
	[tilespmem:$0x1CE00] =	vst v63  }
0x27c: {  	s11 =	smov.u32 s5;
	p0 =	sne.s32 s5, $0xF400  }
.Ltmp7:
0x27d: {  	s5 =	sadd.s32 $0x200, s5;
	(pc) =	sbr.rel @p0 .LBB2_16-.Ltmp7, $3  }
0x27e: {  	_ =	sdelay $0x1  }
0x27f: {  	s12 =	sshra.s32 s11, $0x2  }
0x280: {  	s11 =	sadd.s32 $0x11580, s12;
	s12 =	sadd.s32 $0xD580, s12  }
0x281: {  	[tilespmem:s11], [sflag:$0x1] =	stream.indirect.gather [hbm4b:s6+s23], $0x1, s12, s23, $0xb8;
	[tilespmem:$0x1CE00] =	vst v63  }
.LBB2_18:
0x282: {  	p0 =	sne.s32 s0, $0xF400  }
.Ltmp8:
0x283: {  	_ = 	snop;
	(pc) =	sbr.rel @p0 .LBB2_18-.Ltmp8, $4  }
0x284: {  	_ = 	snop  }
0x285: {  	s5 =	sshra.s32 s0, $0x2  }
0x286: {  	s0 =	sadd.s32 $0x200, s0;
	s11 =	sadd.s32 $0x15300, s5;
	s5 =	sadd.s32 $0xD580, s5  }
0x287: {  	[tilespmem:s11], [sflag:$0x2] =	stream.indirect.gather [hbm4b:s7+s23], $0x1, s5, s23, $0xb8;
	[tilespmem:$0x1CE00] =	vst v63  }
0x288: {  	s0 =	simm.s32 $0x200;
	s5 =	simm.s32 $0x19080;
	s11 =	simm.s32 $0xD580  }
.LBB2_20:
0x289: {  	[tilespmem:s5], [sflag:$0x3] =	stream.indirect.gather [hbm4b:s2+s23], $0x1, s11, s23, $0xb8;
	[tilespmem:$0x1CE00] =	vst v63  }
0x28a: {  	s5 =	smov.u32 s0;
	p0 =	sne.s32 s0, $0xF400  }
.Ltmp9:
0x28b: {  	s0 =	sadd.s32 $0x200, s0;
	(pc) =	sbr.rel @p0 .LBB2_20-.Ltmp9, $3  }
0x28c: {  	_ =	sdelay $0x1  }
0x28d: {  	s11 =	sshra.s32 s5, $0x2  }
0x28e: {  	s5 =	sadd.s32 $0x19080, s11;
	s11 =	sadd.s32 $0xD580, s11  }
0x28f: {  	[tilespmem:s5], [sflag:$0x3] =	stream.indirect.gather [hbm4b:s2+s23], $0x1, s11, s23, $0xb8;
	[tilespmem:$0x1CE00] =	vst v63  }
0x290: {  	_ =	swait.ge [sflag:s20], $0x3D80  }
0x291: {  	[sflag:s20] =	ssyncset.done $0x0  }
0x292: {  	[sflag:s20] =	ssyncadd.s32 $0xFFFFC280  }
0x293: {  	_ =	swait.ge [sflag:s22], $0x3D80  }
0x294: {  	[sflag:s22] =	ssyncset.done $0x0  }
0x295: {  	[sflag:s22] =	ssyncadd.s32 $0xFFFFC280  }
0x296: {  	_ =	swait.ge [sflag:s24], $0x3D80  }
0x297: {  	[sflag:s24] =	ssyncset.done $0x0  }
0x298: {  	s0 =	simm.s32 $0x0;
	[sflag:s24] =	ssyncadd.s32 $0xFFFFC280  }
0x299: {  	v6 =	vld [tilespmem:s0+$0x5B00];
	_ =	sdelay $0x2  }
0x29a: {  	v7 =	vld [tilespmem:s0+$0x5B10];
	_ =	sdelay $0x1  }
0x29b: {  	vm0 =	vlt.s32 v6, $0x0  }
0x29c: {  	v9 =	vld [tilespmem:s0+$0x5B20];
	v6 =	vlaneseq.u32  }
0x29d: {  	v8 =	vld [tilespmem:s0+$0x5B70]  }
0x29e: {  	v10 =	vld [tilespmem:s0+$0x5B60];
	vm1 =	vlt.s32 v7, $0x0  }
0x29f: {  	v7 =	vld [tilespmem:s0+$0x5B30];
	v12 =	vadd.s32 $0x10, v6  }
0x2a0: {  	v11 =	vld [tilespmem:s0+$0x5B50]  }
0x2a1: {  	v13 =	vld [tilespmem:s0+$0x5B40];
	vm2 =	vlt.s32 v9, $0x0;
	[tilespmem:v6+s25+$0x0] =	vst.idx.msk vm0, v5  }
0x2a2: {  	v60 =	vadd.s32 $0x20, v6;
	[tilespmem:v6+s26+$0x0] =	vst.idx.msk vm0, v5  }
0x2a3: {  	[tilespmem:v6+s28+$0x0] =	vst.idx.msk vm0, v5  }
0x2a4: {  	vm0 =	vlt.s32 v7, $0x0;
	[tilespmem:v12+s25+$0x0] =	vst.idx.msk vm1, v5  }
0x2a5: {  	v7 =	vadd.s32 $0x30, v6;
	[tilespmem:v12+s26+$0x0] =	vst.idx.msk vm1, v5  }
0x2a6: {  	[tilespmem:v12+s28+$0x0] =	vst.idx.msk vm1, v5  }
0x2a7: {  	vm1 =	vlt.s32 v13, $0x0;
	[tilespmem:v60+s25+$0x0] =	vst.idx.msk vm2, v5  }
0x2a8: {  	v61 =	vadd.s32 $0x40, v6;
	[tilespmem:v60+s26+$0x0] =	vst.idx.msk vm2, v5  }
0x2a9: {  	[tilespmem:v60+s28+$0x0] =	vst.idx.msk vm2, v5  }
0x2aa: {  	vm2 =	vlt.s32 v11, $0x0;
	[tilespmem:v7+s25+$0x0] =	vst.idx.msk vm0, v5  }
0x2ab: {  	v62 =	vadd.s32 $0x50, v6;
	[tilespmem:v7+s26+$0x0] =	vst.idx.msk vm0, v5  }
0x2ac: {  	[tilespmem:v7+s28+$0x0] =	vst.idx.msk vm0, v5  }
0x2ad: {  	vm3 =	vlt.s32 v10, $0x0;
	[tilespmem:v61+s25+$0x0] =	vst.idx.msk vm1, v5  }
0x2ae: {  	v63 =	vadd.s32 $0x60, v6;
	[tilespmem:v61+s26+$0x0] =	vst.idx.msk vm1, v5  }
0x2af: {  	[tilespmem:v61+s28+$0x0] =	vst.idx.msk vm1, v5  }
0x2b0: {  	vm0 =	vlt.s32 v8, $0x0;
	[tilespmem:v62+s25+$0x0] =	vst.idx.msk vm2, v5  }
0x2b1: {  	v7 =	vadd.s32 $0x70, v6;
	[tilespmem:v62+s26+$0x0] =	vst.idx.msk vm2, v5  }
0x2b2: {  	[tilespmem:v62+s28+$0x0] =	vst.idx.msk vm2, v5  }
0x2b3: {  	[tilespmem:v63+s25+$0x0] =	vst.idx.msk vm3, v5  }
0x2b4: {  	[tilespmem:v63+s26+$0x0] =	vst.idx.msk vm3, v5  }
0x2b5: {  	[tilespmem:v63+s28+$0x0] =	vst.idx.msk vm3, v5  }
0x2b6: {  	[tilespmem:v7+s25+$0x0] =	vst.idx.msk vm0, v5  }
0x2b7: {  	s5 =	simm.s32 $0x200;
	s0 =	simm.s32 $0x400;
	[tilespmem:v7+s26+$0x0] =	vst.idx.msk vm0, v5  }
.LBB2_22:
0x2b8: {  	p0 =	sne.s32 s0, $0xF200  }
0x2b9: {  	s11 =	sshra.s32 s5, $0x2;
	[tilespmem:v7+s28+$0x0] =	vst.idx.msk vm0, v5;
	v6 =	vadd.s32 $0x80, v6;
	s5 =	smov.u32 s0;
	s0 =	sadd.s32 $0x200, s0  }
0x2ba: {  	v7 =	vld [tilespmem:s11+$0x5B00];
	_ =	sdelay $0x2  }
0x2bb: {  	v8 =	vld [tilespmem:s11+$0x5B10];
	_ =	sdelay $0x1  }
0x2bc: {  	v9 =	vld [tilespmem:s11+$0x5B70];
	vm0 =	vlt.s32 v7, $0x0  }
0x2bd: {  	v7 =	vld [tilespmem:s11+$0x5B20]  }
0x2be: {  	v10 =	vld [tilespmem:s11+$0x5B60]  }
0x2bf: {  	v11 =	vld [tilespmem:s11+$0x5B50];
	vm1 =	vlt.s32 v8, $0x0  }
0x2c0: {  	v12 =	vadd.s32 $0x10, v6;
	v8 =	vld [tilespmem:s11+$0x5B30]  }
0x2c1: {  	v13 =	vld [tilespmem:s11+$0x5B40]  }
0x2c2: {  	[tilespmem:v6+s25+$0x0] =	vst.idx.msk vm0, v5;
	vm2 =	vlt.s32 v7, $0x0  }
0x2c3: {  	v7 =	vadd.s32 $0x20, v6;
	[tilespmem:v6+s26+$0x0] =	vst.idx.msk vm0, v5  }
0x2c4: {  	[tilespmem:v6+s28+$0x0] =	vst.idx.msk vm0, v5  }
0x2c5: {  	[tilespmem:v12+s25+$0x0] =	vst.idx.msk vm1, v5;
	vm0 =	vlt.s32 v8, $0x0  }
0x2c6: {  	v8 =	vadd.s32 $0x30, v6;
	[tilespmem:v12+s26+$0x0] =	vst.idx.msk vm1, v5  }
0x2c7: {  	[tilespmem:v12+s28+$0x0] =	vst.idx.msk vm1, v5  }
0x2c8: {  	vm1 =	vlt.s32 v13, $0x0;
	[tilespmem:v7+s25+$0x0] =	vst.idx.msk vm2, v5  }
0x2c9: {  	v12 =	vadd.s32 $0x40, v6;
	[tilespmem:v7+s26+$0x0] =	vst.idx.msk vm2, v5  }
0x2ca: {  	[tilespmem:v7+s28+$0x0] =	vst.idx.msk vm2, v5  }
0x2cb: {  	vm2 =	vlt.s32 v11, $0x0;
	[tilespmem:v8+s25+$0x0] =	vst.idx.msk vm0, v5  }
0x2cc: {  	v11 =	vadd.s32 $0x50, v6;
	[tilespmem:v8+s26+$0x0] =	vst.idx.msk vm0, v5  }
0x2cd: {  	[tilespmem:v8+s28+$0x0] =	vst.idx.msk vm0, v5  }
0x2ce: {  	vm3 =	vlt.s32 v10, $0x0;
	[tilespmem:v12+s25+$0x0] =	vst.idx.msk vm1, v5  }
0x2cf: {  	v8 =	vadd.s32 $0x60, v6;
	[tilespmem:v12+s26+$0x0] =	vst.idx.msk vm1, v5  }
0x2d0: {  	[tilespmem:v12+s28+$0x0] =	vst.idx.msk vm1, v5  }
0x2d1: {  	vm0 =	vlt.s32 v9, $0x0;
	[tilespmem:v11+s25+$0x0] =	vst.idx.msk vm2, v5  }
0x2d2: {  	v7 =	vadd.s32 $0x70, v6;
	[tilespmem:v11+s26+$0x0] =	vst.idx.msk vm2, v5  }
0x2d3: {  	[tilespmem:v11+s28+$0x0] =	vst.idx.msk vm2, v5  }
.Ltmp10:
0x2d4: {  	[tilespmem:v8+s25+$0x0] =	vst.idx.msk vm3, v5;
	(pc) =	sbr.rel @p0 .LBB2_22-.Ltmp10, $4  }
0x2d5: {  	[tilespmem:v8+s26+$0x0] =	vst.idx.msk vm3, v5  }
0x2d6: {  	[tilespmem:v8+s28+$0x0] =	vst.idx.msk vm3, v5  }
0x2d7: {  	[tilespmem:v7+s25+$0x0] =	vst.idx.msk vm0, v5  }
0x2d8: {  	[tilespmem:v7+s26+$0x0] =	vst.idx.msk vm0, v5  }
0x2d9: {  	_ =	sdelay $0x4  }
0x2da: {  	s0 =	sshra.s32 s5, $0x2;
	[tilespmem:v7+s28+$0x0] =	vst.idx.msk vm0, v5  }
0x2db: {  	v7 =	vld [tilespmem:s0+$0x5B00];
	_ =	sdelay $0x2  }
0x2dc: {  	v8 =	vld [tilespmem:s0+$0x5B10];
	_ =	sdelay $0x1  }
0x2dd: {  	vm0 =	vlt.s32 v7, $0x0  }
0x2de: {  	v6 =	vadd.s32 $0x80, v6;
	v7 =	vld [tilespmem:s0+$0x5B20]  }
0x2df: {  	v9 =	vld [tilespmem:s0+$0x5B70]  }
0x2e0: {  	v10 =	vld [tilespmem:s0+$0x5B60];
	vm1 =	vlt.s32 v8, $0x0  }
0x2e1: {  	v12 =	vadd.s32 $0x10, v6;
	v8 =	vld [tilespmem:s0+$0x5B30]  }
0x2e2: {  	v11 =	vld [tilespmem:s0+$0x5B50]  }
0x2e3: {  	v13 =	vld [tilespmem:s0+$0x5B40];
	vm2 =	vlt.s32 v7, $0x0;
	[tilespmem:v6+s25+$0x0] =	vst.idx.msk vm0, v5  }
0x2e4: {  	v7 =	vadd.s32 $0x20, v6;
	[tilespmem:v6+s26+$0x0] =	vst.idx.msk vm0, v5  }
0x2e5: {  	[tilespmem:v6+s28+$0x0] =	vst.idx.msk vm0, v5  }
0x2e6: {  	vm0 =	vlt.s32 v8, $0x0;
	[tilespmem:v12+s25+$0x0] =	vst.idx.msk vm1, v5  }
0x2e7: {  	v8 =	vadd.s32 $0x30, v6;
	[tilespmem:v12+s26+$0x0] =	vst.idx.msk vm1, v5  }
0x2e8: {  	[tilespmem:v12+s28+$0x0] =	vst.idx.msk vm1, v5  }
0x2e9: {  	vm1 =	vlt.s32 v13, $0x0;
	[tilespmem:v7+s25+$0x0] =	vst.idx.msk vm2, v5  }
0x2ea: {  	v12 =	vadd.s32 $0x40, v6;
	[tilespmem:v7+s26+$0x0] =	vst.idx.msk vm2, v5  }
0x2eb: {  	[tilespmem:v7+s28+$0x0] =	vst.idx.msk vm2, v5  }
0x2ec: {  	vm2 =	vlt.s32 v11, $0x0;
	[tilespmem:v8+s25+$0x0] =	vst.idx.msk vm0, v5  }
0x2ed: {  	v7 =	vadd.s32 $0x50, v6;
	[tilespmem:v8+s26+$0x0] =	vst.idx.msk vm0, v5  }
0x2ee: {  	[tilespmem:v8+s28+$0x0] =	vst.idx.msk vm0, v5  }
0x2ef: {  	vm0 =	vlt.s32 v10, $0x0;
	[tilespmem:v12+s25+$0x0] =	vst.idx.msk vm1, v5  }
0x2f0: {  	v8 =	vadd.s32 $0x60, v6;
	[tilespmem:v12+s26+$0x0] =	vst.idx.msk vm1, v5  }
0x2f1: {  	[tilespmem:v12+s28+$0x0] =	vst.idx.msk vm1, v5  }
0x2f2: {  	vm1 =	vlt.s32 v9, $0x0;
	[tilespmem:v7+s25+$0x0] =	vst.idx.msk vm2, v5  }
0x2f3: {  	v9 =	vadd.s32 $0x70, v6;
	[tilespmem:v7+s26+$0x0] =	vst.idx.msk vm2, v5  }
0x2f4: {  	[tilespmem:v7+s28+$0x0] =	vst.idx.msk vm2, v5  }
0x2f5: {  	[tilespmem:v8+s25+$0x0] =	vst.idx.msk vm0, v5  }
0x2f6: {  	[tilespmem:v8+s26+$0x0] =	vst.idx.msk vm0, v5  }
0x2f7: {  	[tilespmem:v8+s28+$0x0] =	vst.idx.msk vm0, v5  }
0x2f8: {  	[tilespmem:v9+s25+$0x0] =	vst.idx.msk vm1, v5  }
0x2f9: {  	[tilespmem:v9+s26+$0x0] =	vst.idx.msk vm1, v5  }
0x2fa: {  	[tilespmem:v9+s28+$0x0] =	vst.idx.msk vm1, v5  }
0x2fb: {  	v7 =	vld [tilespmem:$0x9800];
	_ =	sdelay $0x4  }
0x2fc: {  	vm0 =	vlt.s32 v7, $0x0  }
0x2fd: {  	v6 =	vadd.s32 $0x80, v6;
	_ =	sdelay $0x4  }
0x2fe: {  	s12 =	simm.s32 $0x0;
	[tilespmem:v6+s25+$0x0] =	vst.idx.msk vm0, v5  }
0x2ff: {  	[hbm4b:s10+s12] =	stream.linear.scatter [tilespmem:s25], [sflag:$0x4], $0x3D10, $0x38;
	[tilespmem:$0x1CE00] =	vst v63  }
0x300: {  	_ =	swait.ge [sflag:s17], $0x3D10  }
0x301: {  	[sflag:s17] =	ssyncset.done $0x0  }
0x302: {  	[sflag:s17] =	ssyncadd.s32 $0xFFFFC2F0  }
0x303: {  	s13 =	rddreg [dreg:$0x5];
	[tilespmem:v6+s26+$0x0] =	vst.idx.msk vm0, v5  }
0x304: {  	[hbm4b:s13+s12] =	stream.linear.scatter [tilespmem:s26], [sflag:$0x4], $0x3D10, $0x38;
	[tilespmem:$0x1CE00] =	vst v63  }
0x305: {  	_ =	swait.ge [sflag:s17], $0x3D10  }
0x306: {  	[sflag:s17] =	ssyncset.done $0x0  }
0x307: {  	[sflag:s17] =	ssyncadd.s32 $0xFFFFC2F0  }
0x308: {  	s31 =	rddreg [dreg:$0x6];
	[tilespmem:v6+s28+$0x0] =	vst.idx.msk vm0, v5  }
0x309: {  	[hbm4b:s31+s12] =	stream.linear.scatter [tilespmem:s28], [sflag:$0x4], $0x3D10, $0x38;
	[tilespmem:$0x1CE00] =	vst v63  }
0x30a: {  	_ =	swait.ge [sflag:s17], $0x3D10  }
0x30b: {  	[sflag:s17] =	ssyncset.done $0x0  }
0x30c: {  	s11 =	simm.s32 $0x0;
	[sflag:s17] =	ssyncadd.s32 $0xFFFFC2F0  }
0x30d: {  	v6 =	vld [tilespmem:s11+$0x9880]  }
0x30e: {  	v7 =	vld [tilespmem:s11+$0x9810]  }
0x30f: {  	v8 =	vld [tilespmem:s11+$0x9820]  }
0x310: {  	v9 =	vld [tilespmem:s11+$0x9830]  }
0x311: {  	v13 =	vlaneseq.u32;
	v10 =	vld [tilespmem:s11+$0x9840]  }
0x312: {  	v12 =	vadd.s32 $0x70, v13;
	v11 =	vld [tilespmem:s11+$0x9850];
	vm0 =	vlt.s32 v6, $0x0  }
0x313: {  	v14 =	vld [tilespmem:s11+$0x9860];
	v6 =	vsel vm0, v12, v6  }
0x314: {  	s0 =	simm.s32 $0x80;
	v16 =	vld [tilespmem:s11+$0x9870];
	[tilespmem:s11+$0xD5F0] =	vst v6  }
0x315: {  	v17 =	vadd.s32 $0x10, v13;
	vm0 =	vlt.s32 v7, $0x0;
	v6 =	vld [tilespmem:s0+$0x9880]  }
0x316: {  	v19 =	vadd.s32 $0x80, v13;
	v7 =	vsel vm0, v13, v7;
	vm0 =	vlt.s32 v8, $0x0;
	v12 =	vld [tilespmem:s0+$0x9810]  }
0x317: {  	v15 =	vld [tilespmem:s0+$0x9820];
	[tilespmem:s11+$0xD580] =	vst v7;
	v7 =	vsel vm0, v17, v8;
	v17 =	vadd.s32 $0x20, v13;
	vm0 =	vlt.s32 v9, $0x0  }
0x318: {  	v8 =	vld [tilespmem:s0+$0x9830];
	[tilespmem:s11+$0xD590] =	vst v7;
	v7 =	vsel vm0, v17, v9;
	v17 =	vadd.s32 $0x30, v13;
	vm0 =	vlt.s32 v10, $0x0  }
0x319: {  	v9 =	vld [tilespmem:s0+$0x9840];
	[tilespmem:s11+$0xD5A0] =	vst v7;
	v7 =	vsel vm0, v17, v10;
	v10 =	vadd.s32 $0x40, v13;
	vm0 =	vlt.s32 v11, $0x0  }
0x31a: {  	v17 =	vld [tilespmem:s0+$0x9850];
	[tilespmem:s11+$0xD5B0] =	vst v7;
	v7 =	vsel vm0, v10, v11;
	v10 =	vadd.s32 $0x70, v19;
	vm0 =	vlt.s32 v6, $0x0  }
0x31b: {  	v18 =	vld [tilespmem:s0+$0x9860];
	[tilespmem:s11+$0xD5C0] =	vst v7;
	v7 =	vsel vm0, v10, v6;
	v10 =	vadd.s32 $0x50, v13;
	vm0 =	vlt.s32 v14, $0x0  }
0x31c: {  	s5 =	simm.s32 $0x100;
	v21 =	vadd.s32 $0x40, v19;
	v22 =	vadd.s32 $0x50, v19;
	v6 =	vld [tilespmem:s0+$0x9870];
	[tilespmem:s0+$0xD5F0] =	vst v7;
	v7 =	vsel vm0, v10, v14  }
0x31d: {  	vm1 =	vlt.s32 v16, $0x0;
	v11 =	vadd.s32 $0x10, v19;
	vm0 =	vlt.s32 v12, $0x0;
	v20 =	vld [tilespmem:s5+$0x9880];
	[tilespmem:s11+$0xD5D0] =	vst v7  }
0x31e: {  	v14 =	vadd.s32 $0x60, v13;
	v7 =	vsel vm0, v19, v12;
	vm0 =	vlt.s32 v15, $0x0;
	v10 =	vld [tilespmem:s5+$0x9810]  }
0x31f: {  	v13 =	vadd.s32 $0x20, v19;
	v12 =	vld [tilespmem:s5+$0x9820];
	[tilespmem:s0+$0xD580] =	vst v7;
	v7 =	vsel vm0, v11, v15;
	vm0 =	vlt.s32 v8, $0x0  }
0x320: {  	v11 =	vld [tilespmem:s5+$0x9830];
	[tilespmem:s0+$0xD590] =	vst v7;
	v7 =	vadd.s32 $0x30, v19;
	v8 =	vsel vm0, v13, v8;
	vm0 =	vlt.s32 v9, $0x0  }
0x321: {  	v16 =	vsel vm1, v14, v16;
	v7 =	vsel vm0, v7, v9;
	vm0 =	vlt.s32 v17, $0x0  }
0x322: {  	v13 =	vld [tilespmem:s5+$0x9840];
	[tilespmem:s0+$0xD5A0] =	vst v8;
	v8 =	vadd.s32 $0x60, v19;
	v9 =	vsel vm0, v21, v17;
	vm0 =	vlt.s32 v18, $0x0  }
0x323: {  	v15 =	vld [tilespmem:s5+$0x9850];
	[tilespmem:s0+$0xD5B0] =	vst v7;
	v7 =	vadd.s32 $0x80, v19;
	v18 =	vsel vm0, v22, v18;
	vm0 =	vlt.s32 v6, $0x0  }
0x324: {  	v19 =	vadd.s32 $0x10, v7;
	v21 =	vadd.s32 $0x70, v7;
	vm2 =	vlt.s32 v20, $0x0  }
0x325: {  	v14 =	vld [tilespmem:s5+$0x9860];
	[tilespmem:s0+$0xD5C0] =	vst v9;
	v17 =	vadd.s32 $0x20, v7;
	vm1 =	vlt.s32 v10, $0x0;
	v22 =	vsel vm2, v21, v20  }
0x326: {  	s30 =	simm.s32 $0x800;
	s12 =	simm.s32 $0x180;
	v9 =	vld [tilespmem:s5+$0x9870];
	vm2 =	vlt.s32 v12, $0x0;
	v21 =	vadd.s32 $0x30, v7;
	v20 =	vadd.s32 $0x40, v7;
	[tilespmem:s5+$0xD5F0] =	vst v22  }
.LBB2_24:
0x327: {  	p0 =	sne.s32 s30, $0xF200;
	v22 =	vld [tilespmem:s12+$0x9880];
	vm3 =	vlt.s32 v11, $0x0;
	v23 =	vadd.s32 $0x50, v7;
	v24 =	vadd.s32 $0x60, v7;
	[tilespmem:s0+$0xD5D0] =	vst v18  }
0x328: {  	v18 =	vsel vm1, v7, v10;
	v19 =	vsel vm2, v19, v12;
	v10 =	vld [tilespmem:s12+$0x9810];
	vm1 =	vlt.s32 v13, $0x0;
	[tilespmem:s11+$0xD5E0] =	vst v16;
	s11 =	smov.u32 s0;
	s0 =	smov.u32 s5;
	s5 =	smov.u32 s12  }
0x329: {  	v17 =	vsel vm3, v17, v11;
	v12 =	vld [tilespmem:s5+$0x9820];
	[tilespmem:s0+$0xD580] =	vst v18;
	v21 =	vsel vm1, v21, v13;
	vm1 =	vlt.s32 v15, $0x0  }
.Ltmp11:
0x32a: {  	v16 =	vsel vm0, v8, v6;
	v8 =	vmovc v24;
	v11 =	vld [tilespmem:s5+$0x9830];
	[tilespmem:s0+$0xD590] =	vst v19;
	v20 =	vsel vm1, v20, v15;
	vm1 =	vlt.s32 v14, $0x0;
	(pc) =	sbr.rel @p0 .LBB2_24-.Ltmp11, $4  }
0x32b: {  	v7 =	vadd.s32 $0x80, v7;
	v13 =	vld [tilespmem:s5+$0x9840];
	[tilespmem:s0+$0xD5A0] =	vst v17;
	v18 =	vsel vm1, v23, v14;
	vm0 =	vlt.s32 v9, $0x0;
	v6 =	vmovc v9  }
0x32c: {  	v19 =	vadd.s32 $0x10, v7;
	v9 =	vadd.s32 $0x70, v7;
	v15 =	vld [tilespmem:s5+$0x9850];
	vm2 =	vlt.s32 v22, $0x0;
	[tilespmem:s0+$0xD5B0] =	vst v21  }
0x32d: {  	v17 =	vadd.s32 $0x20, v7;
	v14 =	vld [tilespmem:s5+$0x9860];
	vm1 =	vlt.s32 v10, $0x0;
	v22 =	vsel vm2, v9, v22;
	[tilespmem:s0+$0xD5C0] =	vst v20  }
0x32e: {  	s12 =	sshra.s32 s30, $0x2;
	s30 =	sadd.s32 $0x200, s30;
	v21 =	vadd.s32 $0x30, v7;
	v20 =	vadd.s32 $0x40, v7;
	v9 =	vld [tilespmem:s5+$0x9870];
	vm2 =	vlt.s32 v12, $0x0;
	[tilespmem:s5+$0xD5F0] =	vst v22  }
0x32f: {  	v22 =	vld [tilespmem:s12+$0x9880];
	[tilespmem:s0+$0xD5D0] =	vst v18  }
0x330: {  	v10 =	vsel vm1, v7, v10;
	v18 =	vld [tilespmem:s12+$0x9810];
	[tilespmem:s11+$0xD5E0] =	vst v16  }
0x331: {  	v47 =	vsel vm2, v19, v12;
	vm14 =	vlt.s32 v11, $0x0;
	v16 =	vld [tilespmem:s12+$0x9820];
	[tilespmem:s5+$0xD580] =	vst v10  }
0x332: {  	v49 =	vsel vm14, v17, v11;
	vm15 =	vlt.s32 v13, $0x0;
	v48 =	vld [tilespmem:s12+$0x9830];
	[tilespmem:s5+$0xD590] =	vst v47  }
0x333: {  	v54 =	vadd.s32 $0x80, v7;
	v51 =	vsel vm15, v21, v13;
	vm4 =	vlt.s32 v15, $0x0;
	v50 =	vld [tilespmem:s12+$0x9840];
	[tilespmem:s5+$0xD5A0] =	vst v49  }
0x334: {  	v56 =	vadd.s32 $0x70, v54;
	v53 =	vsel vm4, v20, v15;
	v52 =	vld [tilespmem:s12+$0x9850];
	[tilespmem:s5+$0xD5B0] =	vst v51;
	vm5 =	vlt.s32 v22, $0x0  }
0x335: {  	v57 =	vadd.s32 $0x50, v7;
	vm6 =	vlt.s32 v14, $0x0;
	v55 =	vld [tilespmem:s12+$0x9860];
	[tilespmem:s5+$0xD5C0] =	vst v53;
	v19 =	vsel vm5, v56, v22  }
0x336: {  	v10 =	vsel vm6, v57, v14;
	[tilespmem:s12+$0xD5F0] =	vst v19  }
0x337: {  	v6 =	vsel vm0, v8, v6;
	vm7 =	vlt.s32 v18, $0x0;
	v58 =	vld [tilespmem:s12+$0x9870];
	[tilespmem:s5+$0xD5D0] =	vst v10  }
0x338: {  	v59 =	vadd.s32 $0x10, v54;
	vm8 =	vlt.s32 v16, $0x0;
	v60 =	vsel vm7, v54, v18;
	[tilespmem:s0+$0xD5E0] =	vst v6  }
0x339: {  	vm9 =	vlt.s32 v48, $0x0;
	v8 =	vsel vm8, v59, v16;
	v6 =	vadd.s32 $0x20, v54;
	[tilespmem:s12+$0xD580] =	vst v60  }
0x33a: {  	v61 =	vadd.s32 $0x30, v54;
	vm10 =	vlt.s32 v50, $0x0;
	v6 =	vsel vm9, v6, v48;
	[tilespmem:s12+$0xD590] =	vst v8  }
0x33b: {  	v62 =	vadd.s32 $0x40, v54;
	v10 =	vsel vm10, v61, v50;
	vm11 =	vlt.s32 v52, $0x0;
	[tilespmem:s12+$0xD5A0] =	vst v6  }
0x33c: {  	v6 =	vadd.s32 $0x50, v54;
	v8 =	vsel vm11, v62, v52;
	vm12 =	vlt.s32 v55, $0x0;
	[tilespmem:s12+$0xD5B0] =	vst v10  }
0x33d: {  	v7 =	vadd.s32 $0x60, v7;
	vm13 =	vlt.s32 v9, $0x0;
	v6 =	vsel vm12, v6, v55;
	[tilespmem:s12+$0xD5C0] =	vst v8  }
0x33e: {  	v63 =	vadd.s32 $0x60, v54;
	v7 =	vsel vm13, v7, v9;
	vm14 =	vlt.s32 v58, $0x0;
	[tilespmem:s12+$0xD5D0] =	vst v6  }
0x33f: {  	v6 =	vsel vm14, v63, v58;
	[tilespmem:s5+$0xD5E0] =	vst v7  }
0x340: {  	[tilespmem:s12+$0xD5E0] =	vst v6  }
0x341: {  	v6 =	vld [tilespmem:$0xD510];
	_ =	sdelay $0x4  }
0x342: {  	v7 =	vadd.s32 $0x80, v54;
	vm15 =	vlt.s32 v6, $0x0  }
0x343: {  	s11 =	simm.s32 $0x11580;
	v6 =	vsel vm15, v7, v6  }
0x344: {  	s0 =	simm.s32 $0x0;
	s5 =	simm.s32 $0x200;
	s12 =	simm.s32 $0xD580;
	[tilespmem:$0x11280] =	vst v6  }
.LBB2_26:
0x345: {  	[tilespmem:s11], [sflag:$0x1] =	stream.indirect.gather [hbm4b:s6+s23], $0x1, s12, s23, $0xb8;
	[tilespmem:$0x1CE00] =	vst v63  }
0x346: {  	s11 =	smov.u32 s5;
	p0 =	sne.s32 s5, $0xF400  }
.Ltmp12:
0x347: {  	s5 =	sadd.s32 $0x200, s5;
	(pc) =	sbr.rel @p0 .LBB2_26-.Ltmp12, $3  }
0x348: {  	_ =	sdelay $0x1  }
0x349: {  	s12 =	sshra.s32 s11, $0x2  }
0x34a: {  	s11 =	sadd.s32 $0x11580, s12;
	s12 =	sadd.s32 $0xD580, s12  }
0x34b: {  	[tilespmem:s11], [sflag:$0x1] =	stream.indirect.gather [hbm4b:s6+s23], $0x1, s12, s23, $0xb8;
	[tilespmem:$0x1CE00] =	vst v63  }
.LBB2_28:
0x34c: {  	p0 =	sne.s32 s0, $0xF400  }
.Ltmp13:
0x34d: {  	_ = 	snop;
	(pc) =	sbr.rel @p0 .LBB2_28-.Ltmp13, $4  }
0x34e: {  	_ = 	snop  }
0x34f: {  	s5 =	sshra.s32 s0, $0x2  }
0x350: {  	s0 =	sadd.s32 $0x200, s0;
	s11 =	sadd.s32 $0x15300, s5;
	s5 =	sadd.s32 $0xD580, s5  }
0x351: {  	[tilespmem:s11], [sflag:$0x2] =	stream.indirect.gather [hbm4b:s7+s23], $0x1, s5, s23, $0xb8;
	[tilespmem:$0x1CE00] =	vst v63  }
0x352: {  	s0 =	simm.s32 $0x200;
	s5 =	simm.s32 $0x19080;
	s11 =	simm.s32 $0xD580  }
.LBB2_30:
0x353: {  	[tilespmem:s5], [sflag:$0x3] =	stream.indirect.gather [hbm4b:s2+s23], $0x1, s11, s23, $0xb8;
	[tilespmem:$0x1CE00] =	vst v63  }
0x354: {  	s5 =	smov.u32 s0;
	p0 =	sne.s32 s0, $0xF400  }
.Ltmp14:
0x355: {  	s0 =	sadd.s32 $0x200, s0;
	(pc) =	sbr.rel @p0 .LBB2_30-.Ltmp14, $3  }
0x356: {  	_ =	sdelay $0x1  }
0x357: {  	s11 =	sshra.s32 s5, $0x2  }
0x358: {  	s5 =	sadd.s32 $0x19080, s11;
	s11 =	sadd.s32 $0xD580, s11  }
0x359: {  	[tilespmem:s5], [sflag:$0x3] =	stream.indirect.gather [hbm4b:s2+s23], $0x1, s11, s23, $0xb8;
	[tilespmem:$0x1CE00] =	vst v63  }
0x35a: {  	_ =	swait.ge [sflag:s20], $0x3D80  }
0x35b: {  	[sflag:s20] =	ssyncset.done $0x0  }
0x35c: {  	[sflag:s20] =	ssyncadd.s32 $0xFFFFC280  }
0x35d: {  	_ =	swait.ge [sflag:s22], $0x3D80  }
0x35e: {  	[sflag:s22] =	ssyncset.done $0x0  }
0x35f: {  	[sflag:s22] =	ssyncadd.s32 $0xFFFFC280  }
0x360: {  	_ =	swait.ge [sflag:s24], $0x3D80  }
0x361: {  	[sflag:s24] =	ssyncset.done $0x0  }
0x362: {  	s0 =	simm.s32 $0x0;
	[sflag:s24] =	ssyncadd.s32 $0xFFFFC280  }
0x363: {  	v6 =	vld [tilespmem:s0+$0x9810];
	_ =	sdelay $0x2  }
0x364: {  	v7 =	vld [tilespmem:s0+$0x9820];
	_ =	sdelay $0x1  }
0x365: {  	vm0 =	vlt.s32 v6, $0x0  }
0x366: {  	v9 =	vld [tilespmem:s0+$0x9830];
	v6 =	vlaneseq.u32  }
0x367: {  	v8 =	vld [tilespmem:s0+$0x9880]  }
0x368: {  	v10 =	vld [tilespmem:s0+$0x9870];
	vm1 =	vlt.s32 v7, $0x0  }
0x369: {  	v7 =	vld [tilespmem:s0+$0x9840];
	v12 =	vadd.s32 $0x10, v6  }
0x36a: {  	v11 =	vld [tilespmem:s0+$0x9860]  }
0x36b: {  	v13 =	vld [tilespmem:s0+$0x9850];
	vm2 =	vlt.s32 v9, $0x0;
	[tilespmem:v6+s25+$0x0] =	vst.idx.msk vm0, v5  }
0x36c: {  	v60 =	vadd.s32 $0x20, v6;
	[tilespmem:v6+s26+$0x0] =	vst.idx.msk vm0, v5  }
0x36d: {  	[tilespmem:v6+s28+$0x0] =	vst.idx.msk vm0, v5  }
0x36e: {  	vm0 =	vlt.s32 v7, $0x0;
	[tilespmem:v12+s25+$0x0] =	vst.idx.msk vm1, v5  }
0x36f: {  	v7 =	vadd.s32 $0x30, v6;
	[tilespmem:v12+s26+$0x0] =	vst.idx.msk vm1, v5  }
0x370: {  	[tilespmem:v12+s28+$0x0] =	vst.idx.msk vm1, v5  }
0x371: {  	vm1 =	vlt.s32 v13, $0x0;
	[tilespmem:v60+s25+$0x0] =	vst.idx.msk vm2, v5  }
0x372: {  	v61 =	vadd.s32 $0x40, v6;
	[tilespmem:v60+s26+$0x0] =	vst.idx.msk vm2, v5  }
0x373: {  	[tilespmem:v60+s28+$0x0] =	vst.idx.msk vm2, v5  }
0x374: {  	vm2 =	vlt.s32 v11, $0x0;
	[tilespmem:v7+s25+$0x0] =	vst.idx.msk vm0, v5  }
0x375: {  	v62 =	vadd.s32 $0x50, v6;
	[tilespmem:v7+s26+$0x0] =	vst.idx.msk vm0, v5  }
0x376: {  	[tilespmem:v7+s28+$0x0] =	vst.idx.msk vm0, v5  }
0x377: {  	vm3 =	vlt.s32 v10, $0x0;
	[tilespmem:v61+s25+$0x0] =	vst.idx.msk vm1, v5  }
0x378: {  	v63 =	vadd.s32 $0x60, v6;
	[tilespmem:v61+s26+$0x0] =	vst.idx.msk vm1, v5  }
0x379: {  	[tilespmem:v61+s28+$0x0] =	vst.idx.msk vm1, v5  }
0x37a: {  	vm0 =	vlt.s32 v8, $0x0;
	[tilespmem:v62+s25+$0x0] =	vst.idx.msk vm2, v5  }
0x37b: {  	v7 =	vadd.s32 $0x70, v6;
	[tilespmem:v62+s26+$0x0] =	vst.idx.msk vm2, v5  }
0x37c: {  	[tilespmem:v62+s28+$0x0] =	vst.idx.msk vm2, v5  }
0x37d: {  	[tilespmem:v63+s25+$0x0] =	vst.idx.msk vm3, v5  }
0x37e: {  	[tilespmem:v63+s26+$0x0] =	vst.idx.msk vm3, v5  }
0x37f: {  	[tilespmem:v63+s28+$0x0] =	vst.idx.msk vm3, v5  }
0x380: {  	[tilespmem:v7+s25+$0x0] =	vst.idx.msk vm0, v5  }
0x381: {  	s5 =	simm.s32 $0x200;
	s0 =	simm.s32 $0x400;
	[tilespmem:v7+s26+$0x0] =	vst.idx.msk vm0, v5  }
.LBB2_32:
0x382: {  	p0 =	sne.s32 s0, $0xF200  }
0x383: {  	s11 =	sshra.s32 s5, $0x2;
	[tilespmem:v7+s28+$0x0] =	vst.idx.msk vm0, v5;
	v6 =	vadd.s32 $0x80, v6;
	s5 =	smov.u32 s0;
	s0 =	sadd.s32 $0x200, s0  }
0x384: {  	v7 =	vld [tilespmem:s11+$0x9810];
	_ =	sdelay $0x2  }
0x385: {  	v8 =	vld [tilespmem:s11+$0x9820];
	_ =	sdelay $0x1  }
0x386: {  	v9 =	vld [tilespmem:s11+$0x9880];
	vm0 =	vlt.s32 v7, $0x0  }
0x387: {  	v7 =	vld [tilespmem:s11+$0x9830]  }
0x388: {  	v10 =	vld [tilespmem:s11+$0x9870]  }
0x389: {  	v11 =	vld [tilespmem:s11+$0x9860];
	vm1 =	vlt.s32 v8, $0x0  }
0x38a: {  	v12 =	vadd.s32 $0x10, v6;
	v8 =	vld [tilespmem:s11+$0x9840]  }
0x38b: {  	v13 =	vld [tilespmem:s11+$0x9850]  }
0x38c: {  	[tilespmem:v6+s25+$0x0] =	vst.idx.msk vm0, v5;
	vm2 =	vlt.s32 v7, $0x0  }
0x38d: {  	v7 =	vadd.s32 $0x20, v6;
	[tilespmem:v6+s26+$0x0] =	vst.idx.msk vm0, v5  }
0x38e: {  	[tilespmem:v6+s28+$0x0] =	vst.idx.msk vm0, v5  }
0x38f: {  	[tilespmem:v12+s25+$0x0] =	vst.idx.msk vm1, v5;
	vm0 =	vlt.s32 v8, $0x0  }
0x390: {  	v8 =	vadd.s32 $0x30, v6;
	[tilespmem:v12+s26+$0x0] =	vst.idx.msk vm1, v5  }
0x391: {  	[tilespmem:v12+s28+$0x0] =	vst.idx.msk vm1, v5  }
0x392: {  	vm1 =	vlt.s32 v13, $0x0;
	[tilespmem:v7+s25+$0x0] =	vst.idx.msk vm2, v5  }
0x393: {  	v12 =	vadd.s32 $0x40, v6;
	[tilespmem:v7+s26+$0x0] =	vst.idx.msk vm2, v5  }
0x394: {  	[tilespmem:v7+s28+$0x0] =	vst.idx.msk vm2, v5  }
0x395: {  	vm2 =	vlt.s32 v11, $0x0;
	[tilespmem:v8+s25+$0x0] =	vst.idx.msk vm0, v5  }
0x396: {  	v11 =	vadd.s32 $0x50, v6;
	[tilespmem:v8+s26+$0x0] =	vst.idx.msk vm0, v5  }
0x397: {  	[tilespmem:v8+s28+$0x0] =	vst.idx.msk vm0, v5  }
0x398: {  	vm3 =	vlt.s32 v10, $0x0;
	[tilespmem:v12+s25+$0x0] =	vst.idx.msk vm1, v5  }
0x399: {  	v8 =	vadd.s32 $0x60, v6;
	[tilespmem:v12+s26+$0x0] =	vst.idx.msk vm1, v5  }
0x39a: {  	[tilespmem:v12+s28+$0x0] =	vst.idx.msk vm1, v5  }
0x39b: {  	vm0 =	vlt.s32 v9, $0x0;
	[tilespmem:v11+s25+$0x0] =	vst.idx.msk vm2, v5  }
0x39c: {  	v7 =	vadd.s32 $0x70, v6;
	[tilespmem:v11+s26+$0x0] =	vst.idx.msk vm2, v5  }
0x39d: {  	[tilespmem:v11+s28+$0x0] =	vst.idx.msk vm2, v5  }
.Ltmp15:
0x39e: {  	[tilespmem:v8+s25+$0x0] =	vst.idx.msk vm3, v5;
	(pc) =	sbr.rel @p0 .LBB2_32-.Ltmp15, $4  }
0x39f: {  	[tilespmem:v8+s26+$0x0] =	vst.idx.msk vm3, v5  }
0x3a0: {  	[tilespmem:v8+s28+$0x0] =	vst.idx.msk vm3, v5  }
0x3a1: {  	[tilespmem:v7+s25+$0x0] =	vst.idx.msk vm0, v5  }
0x3a2: {  	[tilespmem:v7+s26+$0x0] =	vst.idx.msk vm0, v5  }
0x3a3: {  	_ =	sdelay $0x4  }
0x3a4: {  	s0 =	sshra.s32 s5, $0x2;
	[tilespmem:v7+s28+$0x0] =	vst.idx.msk vm0, v5  }
0x3a5: {  	v7 =	vld [tilespmem:s0+$0x9810];
	_ =	sdelay $0x2  }
0x3a6: {  	v8 =	vld [tilespmem:s0+$0x9820];
	_ =	sdelay $0x1  }
0x3a7: {  	vm9 =	vlt.s32 v7, $0x0  }
0x3a8: {  	v6 =	vadd.s32 $0x80, v6;
	v7 =	vld [tilespmem:s0+$0x9830]  }
0x3a9: {  	v9 =	vld [tilespmem:s0+$0x9880]  }
0x3aa: {  	v10 =	vld [tilespmem:s0+$0x9870];
	vm1 =	vlt.s32 v8, $0x0  }
0x3ab: {  	v59 =	vld [tilespmem:s0+$0x9840];
	v12 =	vadd.s32 $0x10, v6  }
0x3ac: {  	v11 =	vld [tilespmem:s0+$0x9860]  }
0x3ad: {  	v13 =	vld [tilespmem:s0+$0x9850];
	vm2 =	vlt.s32 v7, $0x0;
	[tilespmem:v6+s25+$0x0] =	vst.idx.msk vm9, v5  }
0x3ae: {  	v7 =	vadd.s32 $0x20, v6;
	[tilespmem:v6+s26+$0x0] =	vst.idx.msk vm9, v5  }
0x3af: {  	[tilespmem:v6+s28+$0x0] =	vst.idx.msk vm9, v5  }
0x3b0: {  	vm10 =	vlt.s32 v59, $0x0;
	[tilespmem:v12+s25+$0x0] =	vst.idx.msk vm1, v5  }
0x3b1: {  	v60 =	vadd.s32 $0x30, v6;
	[tilespmem:v12+s26+$0x0] =	vst.idx.msk vm1, v5  }
0x3b2: {  	[tilespmem:v12+s28+$0x0] =	vst.idx.msk vm1, v5  }
0x3b3: {  	vm11 =	vlt.s32 v13, $0x0;
	[tilespmem:v7+s25+$0x0] =	vst.idx.msk vm2, v5  }
0x3b4: {  	v61 =	vadd.s32 $0x40, v6;
	[tilespmem:v7+s26+$0x0] =	vst.idx.msk vm2, v5  }
0x3b5: {  	[tilespmem:v7+s28+$0x0] =	vst.idx.msk vm2, v5  }
0x3b6: {  	vm12 =	vlt.s32 v11, $0x0;
	[tilespmem:v60+s25+$0x0] =	vst.idx.msk vm10, v5  }
0x3b7: {  	v7 =	vadd.s32 $0x50, v6;
	[tilespmem:v60+s26+$0x0] =	vst.idx.msk vm10, v5  }
0x3b8: {  	[tilespmem:v60+s28+$0x0] =	vst.idx.msk vm10, v5  }
0x3b9: {  	vm13 =	vlt.s32 v10, $0x0;
	[tilespmem:v61+s25+$0x0] =	vst.idx.msk vm11, v5  }
0x3ba: {  	v62 =	vadd.s32 $0x60, v6;
	[tilespmem:v61+s26+$0x0] =	vst.idx.msk vm11, v5  }
0x3bb: {  	[tilespmem:v61+s28+$0x0] =	vst.idx.msk vm11, v5  }
0x3bc: {  	vm14 =	vlt.s32 v9, $0x0;
	[tilespmem:v7+s25+$0x0] =	vst.idx.msk vm12, v5  }
0x3bd: {  	v63 =	vadd.s32 $0x70, v6;
	[tilespmem:v7+s26+$0x0] =	vst.idx.msk vm12, v5  }
0x3be: {  	[tilespmem:v7+s28+$0x0] =	vst.idx.msk vm12, v5  }
0x3bf: {  	[tilespmem:v62+s25+$0x0] =	vst.idx.msk vm13, v5  }
0x3c0: {  	[tilespmem:v62+s26+$0x0] =	vst.idx.msk vm13, v5  }
0x3c1: {  	[tilespmem:v62+s28+$0x0] =	vst.idx.msk vm13, v5  }
0x3c2: {  	[tilespmem:v63+s25+$0x0] =	vst.idx.msk vm14, v5  }
0x3c3: {  	[tilespmem:v63+s26+$0x0] =	vst.idx.msk vm14, v5  }
0x3c4: {  	[tilespmem:v63+s28+$0x0] =	vst.idx.msk vm14, v5  }
0x3c5: {  	v7 =	vld [tilespmem:$0xD510];
	_ =	sdelay $0x4  }
0x3c6: {  	vm15 =	vlt.s32 v7, $0x0  }
0x3c7: {  	v6 =	vadd.s32 $0x80, v6;
	_ =	sdelay $0x4  }
0x3c8: {  	s31 =	rddreg [dreg:$0x7];
	[tilespmem:v6+s25+$0x0] =	vst.idx.msk vm15, v5  }
0x3c9: {  	[hbm4b:s31+s4] =	stream.linear.scatter [tilespmem:s25], [sflag:$0x4], $0x3D10, $0x38;
	[tilespmem:$0x1CE00] =	vst v63  }
0x3ca: {  	_ =	swait.ge [sflag:s17], $0x3D10  }
0x3cb: {  	[sflag:s17] =	ssyncset.done $0x0  }
0x3cc: {  	[sflag:s17] =	ssyncadd.s32 $0xFFFFC2F0  }
0x3cd: {  	[tilespmem:v6+s26+$0x0] =	vst.idx.msk vm15, v5  }
0x3ce: {  	[hbm4b:s14+s4] =	stream.linear.scatter [tilespmem:s26], [sflag:$0x4], $0x3D10, $0x38;
	[tilespmem:$0x1CE00] =	vst v63  }
0x3cf: {  	_ =	swait.ge [sflag:s17], $0x3D10  }
0x3d0: {  	s29 =	sadd.s32 $0x1, s29;
	[sflag:s17] =	ssyncset.done $0x0  }
0x3d1: {  	p0 =	sne.s32 s29, s16;
	[sflag:s17] =	ssyncadd.s32 $0xFFFFC2F0  }
.Ltmp16:
0x3d2: {  	[tilespmem:v6+s28+$0x0] =	vst.idx.msk vm15, v5;
	(pc) =	sbr.rel @p0 .LBB2_1-.Ltmp16, $4  }
0x3d3: {  	[hbm4b:s15+s4] =	stream.linear.scatter [tilespmem:s28], [sflag:$0x4], $0x3D10, $0x38;
	[tilespmem:$0x1CE00] =	vst v63  }
0x3d4: {  	_ =	swait.ge [sflag:s17], $0x3D10  }
0x3d5: {  	[sflag:s17] =	ssyncset.done $0x0  }
0x3d6: {  	[sflag:s17] =	ssyncadd.s32 $0xFFFFC2F0  }
0x3d7: {  	_ =	sfence.sel $0x180000  }
0x3d8: {  	[bflag:$0x0] =	sbarrier.arrive $0xFFFF  }
0x3d9: {  	_ =	strace $0x90000047  }
0x3da: {  	[bflag:$0x2] =	sbarrier.arrive $0xFFFF  }
0x3db: {  	p0 =	sne.s32 s3, $0x0;
	s0 =	rddreg [dreg:$0x3]  }
0x3dc: {  	s0 =	sadd.s32 @!p0 $0x100000, s0  }
0x3dd: {  	[sflag:s0] =	ssyncadd.tile.s32 @!p0 $0x1;
	_ =	shalt  }
.Lfunc_end2:
_tile_overlayer_lowered:
.L_overlay_start_2:
0x3de: {  	(tag) =	ssettag $0x2  }
0x3df: {  	s0 =	rddreg [dreg:$0x0];
	s2 =	stileid.u32  }
0x3e0: {  	s1 =	rddreg [dreg:$0x1];
	p0 =	sne.s32 s2, $0x0  }
0x3e1: {  	s3 =	rddreg [dreg:$0x2];
	[bflag:$0x3] =	sbarrier.arrive $0xFFFF;
	s2 =	simm.s32 @!p0 $0x1C04  }
0x3e2: {  	[timem:s3], [sflag:s2] =	dma.local @!p0 [hbm:s0], s1  }
0x3e3: {  	s0 =	simm.s32 @!p0 $0x4  }
0x3e4: {  	_ =	swait.ge @!p0 [sflag:s0], s1  }
0x3e5: {  	s1 =	ssub.s32 @!p0 $0x0, s1;
	[sflag:s0] =	ssyncset.done @!p0 $0x0  }
0x3e6: {  	[sflag:s0] =	ssyncadd.s32 @!p0 s1  }
0x3e7: {  	[bflag:$0x3] =	sbarrier.arrive $0xFFFF  }
0x3e8: {  	_ =	shalt  }

</sc_bundles>
